<compile_context>
chip_gen: v7x
topology: tpu7x:2x2x1
jax: 0.10.2.dev20260603
libtpu: 0.0.44.dev20260713+nightly
codegen_flags: <defaults>
</compile_context>

<pallas_src>
import functools

import jax
import jax.numpy as jnp
from jax import lax
from jax.experimental import pallas as pl
from jax.experimental.pallas import tpu as pltpu
from jax.experimental.pallas import tpu_sc as plsc

_DIM = 64
_LANES = 128
_N_WORKERS = 32
_C = 16384
_LOG2C = _C.bit_length() - 1


def _iota16():
    return lax.iota(jnp.int32, 16)


def _tc_transpose_kernel(x_ref, o_ref):
    x = x_ref[...]
    o_ref[...] = jnp.concatenate([x[:, :_C], x[:, _C:]], axis=0).T


def _gather_kernel(ids_hbm, pair_hbm, out_hbm, idx_v, idxp_v,
                   gbuf0, gbuf1, gbuf2, gbuf3, obuf0, obuf1, obuf2, obuf3,
                   gsem0, gsem1, gsem2, gsem3,
                   wsem0, wsem1, wsem2, wsem3, *, rows_per_w):
    wid = lax.axis_index("s") * 2 + lax.axis_index("c")
    gbufs = (gbuf0, gbuf1, gbuf2, gbuf3)
    obufs = (obuf0, obuf1, obuf2, obuf3)
    gsems = (gsem0, gsem1, gsem2, gsem3)
    wsems = (wsem0, wsem1, wsem2, wsem3)
    depth = 4
    iot = _iota16()
    bvecs = [iot + 16 * q for q in range(8)]

    pltpu.sync_copy(ids_hbm.at[:, pl.ds(wid * _LANES, _LANES)], idx_v)

    def idx_body(j, carry):
        for g in range(_LANES // 16):
            sl = pl.ds(g * 16, 16)
            v = idx_v[j, sl]
            idxp_v[j, sl] = lax.shift_left(
                lax.shift_right_logical(v, _LOG2C + 1), _LOG2C) | (v & (_C - 1))
        return carry
    lax.fori_loop(0, rows_per_w, idx_body, 0)

    def gather_start(s, u):
        pltpu.make_async_copy(pair_hbm.at[idxp_v.at[s]], gbufs[u],
                              gsems[u]).start()

    def gather_wait(u):
        pltpu.make_async_copy(pair_hbm.at[idxp_v.at[0]], gbufs[u],
                              gsems[u]).wait()

    def wb_start(s, u):
        pltpu.make_async_copy(
            obufs[u], out_hbm.at[s, :, pl.ds(wid * _LANES, _LANES)],
            wsems[u]).start()

    def wb_wait(u):
        pltpu.make_async_copy(
            obufs[u], out_hbm.at[0, :, pl.ds(wid * _LANES, _LANES)],
            wsems[u]).wait()

    def merge(s, u):
        g, o = gbufs[u], obufs[u]
        for q in range(8):
            hv = (lax.shift_right_logical(idx_v[s, pl.ds(16 * q, 16)], _LOG2C)
                  & 1) * _DIM

            @plsc.parallel_loop(0, _DIM, unroll=8)
            def _(dd):
                o[dd, pl.ds(16 * q, 16)] = plsc.load_gather(
                    g, [bvecs[q], hv + dd])

    for u in range(depth):
        gather_start(u, u)

    def block(it, carry):
        for u in range(depth):
            s = depth * it + u

            @pl.when(s < rows_per_w)
            def _():
                gather_wait(u)

                @pl.when(s >= depth)
                def _():
                    wb_wait(u)
                merge(s, u)
                wb_start(s, u)

                @pl.when(s + depth < rows_per_w)
                def _():
                    gather_start(s + depth, u)
        return carry

    lax.fori_loop(0, (rows_per_w + depth - 1) // depth, block, 0)
    for u in range(depth):
        wb_wait(u)


def kernel(input_ids, weight):
    b, s = input_ids.shape
    n, d = weight.shape
    mesh = plsc.VectorSubcoreMesh(core_axis_name="c", subcore_axis_name="s")
    cparams = pltpu.CompilerParams(use_tc_tiling_on_sc=True,
                                   needs_layout_passes=False)

    wt = weight.T
    ids_t = input_ids.T.astype(jnp.int32)

    n_blocks = (n + 2 * _C - 1) // (2 * _C)
    pair = pl.pallas_call(
        _tc_transpose_kernel,
        grid=(n_blocks,),
        in_specs=[pl.BlockSpec((d, 2 * _C), lambda i: (0, i))],
        out_specs=pl.BlockSpec((_C, 2 * d), lambda i: (i, 0)),
        out_shape=jax.ShapeDtypeStruct((n_blocks * _C, 2 * d), jnp.float32),
    )(wt)

    gather_run = functools.partial(
        pl.kernel,
        mesh=mesh,
        out_type=jax.ShapeDtypeStruct((s, d, b), jnp.float32),
        scratch_types=(
            [pltpu.VMEM((s, _LANES), jnp.int32)] * 2
            + [pltpu.VMEM((_LANES, 2 * d), jnp.float32)] * 4
            + [pltpu.VMEM((d, _LANES), jnp.float32)] * 4
            + [pltpu.SemaphoreType.DMA] * 8
        ),
        compiler_params=cparams,
    )(functools.partial(_gather_kernel, rows_per_w=s))

    out_t = gather_run(ids_t, pair)
    return out_t.transpose(2, 0, 1)

# --- scband reference (transcript-rebuilt; emitter-appended) ---
"""Pipeline reference for scband-df11-embedding-50422916055142 (READ-ONLY COPY).

The authoritative reference and input builder live on the scoring server;
editing this copy changes nothing except your own understanding.
"""

import jax, jax.numpy as jnp
import numpy as np

NUM_EMBEDDINGS = 1000000
EMBEDDING_DIM = 64

def setup_inputs(seed: int = 0) -> dict:
    key = jax.random.key(seed)
    k1, k2 = jax.random.split(key)
    input_ids = jax.random.randint(k1, (4096, 50), 0, NUM_EMBEDDINGS, dtype=jnp.int64 if jax.config.jax_enable_x64 else jnp.int32)
    # Decompressed weight table (DF11 decompression reconstructs the dense bf16/float table;
    # we model the post-decompression dense table directly).
    weight = jax.random.normal(k2, (NUM_EMBEDDINGS, EMBEDDING_DIM), dtype=jnp.float32) * 0.02
    return {"input_ids": input_ids, "weight": weight}

def reference(input_ids, weight):
    # F.embedding(input_ids, weight) with padding_idx=None -> plain row gather
    out = jnp.take(weight, input_ids, axis=0)
    return out

if __name__ == "__main__":
    import jax
    _d = setup_inputs()
    print(jax.jit(kernel)(*tuple(_d.values())))

</pallas_src>

<mosaic_0001>
#map = affine_map<(d0, d1) -> (0, 0)>
#map1 = affine_map<(d0, d1) -> (0, 0, 0)>
module attributes {stable_mosaic.version = 14 : i64} {
  func.func @_gather_kernel(%arg0: i32, %arg1: i32, %arg2: memref<50x4096xi32, #tpu.memory_space<hbm>>, %arg3: memref<507904x128xf32, #tpu.memory_space<hbm>>, %arg4: memref<50x64x4096xf32, #tpu.memory_space<hbm>>, %arg5: memref<50x128xi32, #tpu.memory_space<vmem>>, %arg6: memref<50x128xi32, #tpu.memory_space<vmem>>, %arg7: memref<128x128xf32, #tpu.memory_space<vmem>>, %arg8: memref<128x128xf32, #tpu.memory_space<vmem>>, %arg9: memref<128x128xf32, #tpu.memory_space<vmem>>, %arg10: memref<128x128xf32, #tpu.memory_space<vmem>>, %arg11: memref<64x128xf32, #tpu.memory_space<vmem>>, %arg12: memref<64x128xf32, #tpu.memory_space<vmem>>, %arg13: memref<64x128xf32, #tpu.memory_space<vmem>>, %arg14: memref<64x128xf32, #tpu.memory_space<vmem>>, %arg15: memref<!tpu.dma_semaphore, #tpu.memory_space<semaphore_mem>>, %arg16: memref<!tpu.dma_semaphore, #tpu.memory_space<semaphore_mem>>, %arg17: memref<!tpu.dma_semaphore, #tpu.memory_space<semaphore_mem>>, %arg18: memref<!tpu.dma_semaphore, #tpu.memory_space<semaphore_mem>>, %arg19: memref<!tpu.dma_semaphore, #tpu.memory_space<semaphore_mem>>, %arg20: memref<!tpu.dma_semaphore, #tpu.memory_space<semaphore_mem>>, %arg21: memref<!tpu.dma_semaphore, #tpu.memory_space<semaphore_mem>>, %arg22: memref<!tpu.dma_semaphore, #tpu.memory_space<semaphore_mem>>) attributes {dimension_semantics = [#tpu.dimension_semantics<core_parallel>, #tpu.dimension_semantics<subcore_parallel>], iteration_bounds = array<i64: 2, 16>, scalar_prefetch = 0 : i64, scratch_operands = 18 : i64, tpu.core_type = #tpu.core_type<sc_vector_subcore>, window_params = [{transform_indices = #map}, {transform_indices = #map}, {transform_indices = #map1}]} {
    %mul3A = arith.constant 2 : i32
    %mul3A_0 = arith.muli %arg1, %mul3A : i32
    %add3A = arith.addi %mul3A_0, %arg0 : i32
    %iota3A = tpu.iota {dimensions = array<i32: 0>} : vector<16xi32>
    %add3A_1 = arith.constant 0 : i32
    %add3A_2 = vector.broadcast %add3A_1 : i32 to vector<16xi32>
    %add3A_3 = arith.addi %iota3A, %add3A_2 : vector<16xi32>
    %add3A_4 = arith.constant 16 : i32
    %add3A_5 = vector.broadcast %add3A_4 : i32 to vector<16xi32>
    %add3A_6 = arith.addi %iota3A, %add3A_5 : vector<16xi32>
    %add3A_7 = arith.constant 32 : i32
    %add3A_8 = vector.broadcast %add3A_7 : i32 to vector<16xi32>
    %add3A_9 = arith.addi %iota3A, %add3A_8 : vector<16xi32>
    %add3A_10 = arith.constant 48 : i32
    %add3A_11 = vector.broadcast %add3A_10 : i32 to vector<16xi32>
    %add3A_12 = arith.addi %iota3A, %add3A_11 : vector<16xi32>
    %add3A_13 = arith.constant 64 : i32
    %add3A_14 = vector.broadcast %add3A_13 : i32 to vector<16xi32>
    %add3A_15 = arith.addi %iota3A, %add3A_14 : vector<16xi32>
    %add3A_16 = arith.constant 80 : i32
    %add3A_17 = vector.broadcast %add3A_16 : i32 to vector<16xi32>
    %add3A_18 = arith.addi %iota3A, %add3A_17 : vector<16xi32>
    %add3A_19 = arith.constant 96 : i32
    %add3A_20 = vector.broadcast %add3A_19 : i32 to vector<16xi32>
    %add3A_21 = arith.addi %iota3A, %add3A_20 : vector<16xi32>
    %add3A_22 = arith.constant 112 : i32
    %add3A_23 = vector.broadcast %add3A_22 : i32 to vector<16xi32>
    %add3A_24 = arith.addi %iota3A, %add3A_23 : vector<16xi32>
    %mul3A_25 = arith.constant 128 : i32
    %mul3A_26 = arith.muli %add3A, %mul3A_25 : i32
    "tpu.region"() ({
      %run_scoped3A = tpu.sem_alloc : memref<!tpu.dma_semaphore, #tpu.memory_space<semaphore_mem>>
      %dma_start3A_100 = arith.constant 0 : i32
      %dma_start3A_101 = tpu.memref_slice %arg2[%dma_start3A_100, %mul3A_26] : memref<50x4096xi32, #tpu.memory_space<hbm>> -> memref<50x128xi32, #tpu.memory_space<hbm>>
      %dma_start3A_102 = arith.constant 0 : i32
      %dma_start3A_103 = tpu.memref_slice %arg2[%dma_start3A_102, %mul3A_26] : memref<50x4096xi32, #tpu.memory_space<hbm>> -> memref<50x128xi32, #tpu.memory_space<hbm>>
      tpu.enqueue_dma source(%dma_start3A_103 : memref<50x128xi32, #tpu.memory_space<hbm>>) target(%arg5 : memref<50x128xi32, #tpu.memory_space<vmem>>) target_semaphore(%run_scoped3A : memref<!tpu.dma_semaphore, #tpu.memory_space<semaphore_mem>>)
      %dma_wait3A_104 = arith.constant 0 : i32
      %dma_wait3A_105 = tpu.memref_slice %arg2[%dma_wait3A_104, %mul3A_26] : memref<50x4096xi32, #tpu.memory_space<hbm>> -> memref<50x128xi32, #tpu.memory_space<hbm>>
      %dma_wait3A_106 = arith.constant 0 : i32
      %dma_wait3A_107 = tpu.memref_slice %arg2[%dma_wait3A_106, %mul3A_26] : memref<50x4096xi32, #tpu.memory_space<hbm>> -> memref<50x128xi32, #tpu.memory_space<hbm>>
      tpu.wait_dma2 semaphore(%run_scoped3A : memref<!tpu.dma_semaphore, #tpu.memory_space<semaphore_mem>>) src(%dma_wait3A_107 : memref<50x128xi32, #tpu.memory_space<hbm>>) dst(%arg5 : memref<50x128xi32, #tpu.memory_space<vmem>>)
      tpu.yield
    }) : () -> ()
    %scan3A = arith.constant 0 : i32
    %scan3A_27 = arith.constant 0 : i32
    %scan3A_28 = arith.constant 50 : i32
    %scan3A_29 = arith.addi %scan3A_27, %scan3A_28 : i32
    %scan3A_30 = arith.constant 1 : i32
    scf.for %scan3A_100 = %scan3A_27 to %scan3A_29 step %scan3A_30  : i32 {
      %get3A = arith.index_cast %scan3A_100 : i32 to index
      %get3A_101 = arith.constant 0 : index
      %get3A_102 = tpu.vector_load %arg5[%get3A, %get3A_101] {strides = array<i32>} : memref<50x128xi32, #tpu.memory_space<vmem>>, vector<16xi32>,
      %shift_right_logical3A = arith.constant 15 : i32
      %shift_right_logical3A_103 = vector.broadcast %shift_right_logical3A : i32 to vector<16xi32>
      %shift_right_logical3A_104 = arith.shrui %get3A_102, %shift_right_logical3A_103 : vector<16xi32>
      %shift_left3A = arith.constant 14 : i32
      %shift_left3A_105 = vector.broadcast %shift_left3A : i32 to vector<16xi32>
      %shift_left3A_106 = arith.shli %shift_right_logical3A_104, %shift_left3A_105 : vector<16xi32>
      %and3A = arith.constant 16383 : i32
      %and3A_107 = vector.broadcast %and3A : i32 to vector<16xi32>
      %and3A_108 = arith.andi %get3A_102, %and3A_107 : vector<16xi32>
      %or3A = arith.ori %shift_left3A_106, %and3A_108 : vector<16xi32>
      %swap3A = arith.index_cast %scan3A_100 : i32 to index
      %swap3A_109 = arith.constant 0 : index
      %swap3A_110 = tpu.vector_load %arg6[%swap3A, %swap3A_109] {strides = array<i32>} : memref<50x128xi32, #tpu.memory_space<vmem>>, vector<16xi32>,
      tpu.vector_store %arg6[%swap3A, %swap3A_109], %or3A {strides = array<i32>} : memref<50x128xi32, #tpu.memory_space<vmem>>, vector<16xi32>,
      %get3A_111 = arith.index_cast %scan3A_100 : i32 to index
      %get3A_112 = arith.constant 16 : index
      %get3A_113 = tpu.vector_load %arg5[%get3A_111, %get3A_112] {strides = array<i32>} : memref<50x128xi32, #tpu.memory_space<vmem>>, vector<16xi32>,
      %shift_right_logical3A_114 = arith.constant 15 : i32
      %shift_right_logical3A_115 = vector.broadcast %shift_right_logical3A_114 : i32 to vector<16xi32>
      %shift_right_logical3A_116 = arith.shrui %get3A_113, %shift_right_logical3A_115 : vector<16xi32>
      %shift_left3A_117 = arith.constant 14 : i32
      %shift_left3A_118 = vector.broadcast %shift_left3A_117 : i32 to vector<16xi32>
      %shift_left3A_119 = arith.shli %shift_right_logical3A_116, %shift_left3A_118 : vector<16xi32>
      %and3A_120 = arith.constant 16383 : i32
      %and3A_121 = vector.broadcast %and3A_120 : i32 to vector<16xi32>
      %and3A_122 = arith.andi %get3A_113, %and3A_121 : vector<16xi32>
      %or3A_123 = arith.ori %shift_left3A_119, %and3A_122 : vector<16xi32>
      %swap3A_124 = arith.index_cast %scan3A_100 : i32 to index
      %swap3A_125 = arith.constant 16 : index
      %swap3A_126 = tpu.vector_load %arg6[%swap3A_124, %swap3A_125] {strides = array<i32>} : memref<50x128xi32, #tpu.memory_space<vmem>>, vector<16xi32>,
      tpu.vector_store %arg6[%swap3A_124, %swap3A_125], %or3A_123 {strides = array<i32>} : memref<50x128xi32, #tpu.memory_space<vmem>>, vector<16xi32>,
      %get3A_127 = arith.index_cast %scan3A_100 : i32 to index
      %get3A_128 = arith.constant 32 : index
      %get3A_129 = tpu.vector_load %arg5[%get3A_127, %get3A_128] {strides = array<i32>} : memref<50x128xi32, #tpu.memory_space<vmem>>, vector<16xi32>,
      %shift_right_logical3A_130 = arith.constant 15 : i32
      %shift_right_logical3A_131 = vector.broadcast %shift_right_logical3A_130 : i32 to vector<16xi32>
      %shift_right_logical3A_132 = arith.shrui %get3A_129, %shift_right_logical3A_131 : vector<16xi32>
      %shift_left3A_133 = arith.constant 14 : i32
      %shift_left3A_134 = vector.broadcast %shift_left3A_133 : i32 to vector<16xi32>
      %shift_left3A_135 = arith.shli %shift_right_logical3A_132, %shift_left3A_134 : vector<16xi32>
      %and3A_136 = arith.constant 16383 : i32
      %and3A_137 = vector.broadcast %and3A_136 : i32 to vector<16xi32>
      %and3A_138 = arith.andi %get3A_129, %and3A_137 : vector<16xi32>
      %or3A_139 = arith.ori %shift_left3A_135, %and3A_138 : vector<16xi32>
      %swap3A_140 = arith.index_cast %scan3A_100 : i32 to index
      %swap3A_141 = arith.constant 32 : index
      %swap3A_142 = tpu.vector_load %arg6[%swap3A_140, %swap3A_141] {strides = array<i32>} : memref<50x128xi32, #tpu.memory_space<vmem>>, vector<16xi32>,
      tpu.vector_store %arg6[%swap3A_140, %swap3A_141], %or3A_139 {strides = array<i32>} : memref<50x128xi32, #tpu.memory_space<vmem>>, vector<16xi32>,
      %get3A_143 = arith.index_cast %scan3A_100 : i32 to index
      %get3A_144 = arith.constant 48 : index
      %get3A_145 = tpu.vector_load %arg5[%get3A_143, %get3A_144] {strides = array<i32>} : memref<50x128xi32, #tpu.memory_space<vmem>>, vector<16xi32>,
      %shift_right_logical3A_146 = arith.constant 15 : i32
      %shift_right_logical3A_147 = vector.broadcast %shift_right_logical3A_146 : i32 to vector<16xi32>
      %shift_right_logical3A_148 = arith.shrui %get3A_145, %shift_right_logical3A_147 : vector<16xi32>
      %shift_left3A_149 = arith.constant 14 : i32
      %shift_left3A_150 = vector.broadcast %shift_left3A_149 : i32 to vector<16xi32>
      %shift_left3A_151 = arith.shli %shift_right_logical3A_148, %shift_left3A_150 : vector<16xi32>
      %and3A_152 = arith.constant 16383 : i32
      %and3A_153 = vector.broadcast %and3A_152 : i32 to vector<16xi32>
      %and3A_154 = arith.andi %get3A_145, %and3A_153 : vector<16xi32>
      %or3A_155 = arith.ori %shift_left3A_151, %and3A_154 : vector<16xi32>
      %swap3A_156 = arith.index_cast %scan3A_100 : i32 to index
      %swap3A_157 = arith.constant 48 : index
      %swap3A_158 = tpu.vector_load %arg6[%swap3A_156, %swap3A_157] {strides = array<i32>} : memref<50x128xi32, #tpu.memory_space<vmem>>, vector<16xi32>,
      tpu.vector_store %arg6[%swap3A_156, %swap3A_157], %or3A_155 {strides = array<i32>} : memref<50x128xi32, #tpu.memory_space<vmem>>, vector<16xi32>,
      %get3A_159 = arith.index_cast %scan3A_100 : i32 to index
      %get3A_160 = arith.constant 64 : index
      %get3A_161 = tpu.vector_load %arg5[%get3A_159, %get3A_160] {strides = array<i32>} : memref<50x128xi32, #tpu.memory_space<vmem>>, vector<16xi32>,
      %shift_right_logical3A_162 = arith.constant 15 : i32
      %shift_right_logical3A_163 = vector.broadcast %shift_right_logical3A_162 : i32 to vector<16xi32>
      %shift_right_logical3A_164 = arith.shrui %get3A_161, %shift_right_logical3A_163 : vector<16xi32>
      %shift_left3A_165 = arith.constant 14 : i32
      %shift_left3A_166 = vector.broadcast %shift_left3A_165 : i32 to vector<16xi32>
      %shift_left3A_167 = arith.shli %shift_right_logical3A_164, %shift_left3A_166 : vector<16xi32>
      %and3A_168 = arith.constant 16383 : i32
      %and3A_169 = vector.broadcast %and3A_168 : i32 to vector<16xi32>
      %and3A_170 = arith.andi %get3A_161, %and3A_169 : vector<16xi32>
      %or3A_171 = arith.ori %shift_left3A_167, %and3A_170 : vector<16xi32>
      %swap3A_172 = arith.index_cast %scan3A_100 : i32 to index
      %swap3A_173 = arith.constant 64 : index
      %swap3A_174 = tpu.vector_load %arg6[%swap3A_172, %swap3A_173] {strides = array<i32>} : memref<50x128xi32, #tpu.memory_space<vmem>>, vector<16xi32>,
      tpu.vector_store %arg6[%swap3A_172, %swap3A_173], %or3A_171 {strides = array<i32>} : memref<50x128xi32, #tpu.memory_space<vmem>>, vector<16xi32>,
      %get3A_175 = arith.index_cast %scan3A_100 : i32 to index
      %get3A_176 = arith.constant 80 : index
      %get3A_177 = tpu.vector_load %arg5[%get3A_175, %get3A_176] {strides = array<i32>} : memref<50x128xi32, #tpu.memory_space<vmem>>, vector<16xi32>,
      %shift_right_logical3A_178 = arith.constant 15 : i32
      %shift_right_logical3A_179 = vector.broadcast %shift_right_logical3A_178 : i32 to vector<16xi32>
      %shift_right_logical3A_180 = arith.shrui %get3A_177, %shift_right_logical3A_179 : vector<16xi32>
      %shift_left3A_181 = arith.constant 14 : i32
      %shift_left3A_182 = vector.broadcast %shift_left3A_181 : i32 to vector<16xi32>
      %shift_left3A_183 = arith.shli %shift_right_logical3A_180, %shift_left3A_182 : vector<16xi32>
      %and3A_184 = arith.constant 16383 : i32
      %and3A_185 = vector.broadcast %and3A_184 : i32 to vector<16xi32>
      %and3A_186 = arith.andi %get3A_177, %and3A_185 : vector<16xi32>
      %or3A_187 = arith.ori %shift_left3A_183, %and3A_186 : vector<16xi32>
      %swap3A_188 = arith.index_cast %scan3A_100 : i32 to index
      %swap3A_189 = arith.constant 80 : index
      %swap3A_190 = tpu.vector_load %arg6[%swap3A_188, %swap3A_189] {strides = array<i32>} : memref<50x128xi32, #tpu.memory_space<vmem>>, vector<16xi32>,
      tpu.vector_store %arg6[%swap3A_188, %swap3A_189], %or3A_187 {strides = array<i32>} : memref<50x128xi32, #tpu.memory_space<vmem>>, vector<16xi32>,
      %get3A_191 = arith.index_cast %scan3A_100 : i32 to index
      %get3A_192 = arith.constant 96 : index
      %get3A_193 = tpu.vector_load %arg5[%get3A_191, %get3A_192] {strides = array<i32>} : memref<50x128xi32, #tpu.memory_space<vmem>>, vector<16xi32>,
      %shift_right_logical3A_194 = arith.constant 15 : i32
      %shift_right_logical3A_195 = vector.broadcast %shift_right_logical3A_194 : i32 to vector<16xi32>
      %shift_right_logical3A_196 = arith.shrui %get3A_193, %shift_right_logical3A_195 : vector<16xi32>
      %shift_left3A_197 = arith.constant 14 : i32
      %shift_left3A_198 = vector.broadcast %shift_left3A_197 : i32 to vector<16xi32>
      %shift_left3A_199 = arith.shli %shift_right_logical3A_196, %shift_left3A_198 : vector<16xi32>
      %and3A_200 = arith.constant 16383 : i32
      %and3A_201 = vector.broadcast %and3A_200 : i32 to vector<16xi32>
      %and3A_202 = arith.andi %get3A_193, %and3A_201 : vector<16xi32>
      %or3A_203 = arith.ori %shift_left3A_199, %and3A_202 : vector<16xi32>
      %swap3A_204 = arith.index_cast %scan3A_100 : i32 to index
      %swap3A_205 = arith.constant 96 : index
      %swap3A_206 = tpu.vector_load %arg6[%swap3A_204, %swap3A_205] {strides = array<i32>} : memref<50x128xi32, #tpu.memory_space<vmem>>, vector<16xi32>,
      tpu.vector_store %arg6[%swap3A_204, %swap3A_205], %or3A_203 {strides = array<i32>} : memref<50x128xi32, #tpu.memory_space<vmem>>, vector<16xi32>,
      %get3A_207 = arith.index_cast %scan3A_100 : i32 to index
      %get3A_208 = arith.constant 112 : index
      %get3A_209 = tpu.vector_load %arg5[%get3A_207, %get3A_208] {strides = array<i32>} : memref<50x128xi32, #tpu.memory_space<vmem>>, vector<16xi32>,
      %shift_right_logical3A_210 = arith.constant 15 : i32
      %shift_right_logical3A_211 = vector.broadcast %shift_right_logical3A_210 : i32 to vector<16xi32>
      %shift_right_logical3A_212 = arith.shrui %get3A_209, %shift_right_logical3A_211 : vector<16xi32>
      %shift_left3A_213 = arith.constant 14 : i32
      %shift_left3A_214 = vector.broadcast %shift_left3A_213 : i32 to vector<16xi32>
      %shift_left3A_215 = arith.shli %shift_right_logical3A_212, %shift_left3A_214 : vector<16xi32>
      %and3A_216 = arith.constant 16383 : i32
      %and3A_217 = vector.broadcast %and3A_216 : i32 to vector<16xi32>
      %and3A_218 = arith.andi %get3A_209, %and3A_217 : vector<16xi32>
      %or3A_219 = arith.ori %shift_left3A_215, %and3A_218 : vector<16xi32>
      %swap3A_220 = arith.index_cast %scan3A_100 : i32 to index
      %swap3A_221 = arith.constant 112 : index
      %swap3A_222 = tpu.vector_load %arg6[%swap3A_220, %swap3A_221] {strides = array<i32>} : memref<50x128xi32, #tpu.memory_space<vmem>>, vector<16xi32>,
      tpu.vector_store %arg6[%swap3A_220, %swap3A_221], %or3A_219 {strides = array<i32>} : memref<50x128xi32, #tpu.memory_space<vmem>>, vector<16xi32>,
    }
    %scan3A_31 = arith.constant 50 : i32
    %dma_start3A = arith.constant 0 : i32
    %dma_start3A_32 = arith.constant 0 : i32
    %dma_start3A_33 = tpu.memref_slice %arg6[%dma_start3A, %dma_start3A_32] : memref<50x128xi32, #tpu.memory_space<vmem>> -> memref<1x128xi32, #tpu.memory_space<vmem>>
    %dma_start3A_34 = tpu.memref_squeeze %dma_start3A_33 : memref<1x128xi32, #tpu.memory_space<vmem>> -> memref<128xi32, #tpu.memory_space<vmem>>
    %dma_start3A_35 = arith.constant 0 : i32
    %dma_start3A_36 = arith.constant 0 : i32
    %dma_start3A_37 = tpu.memref_slice %arg3[%dma_start3A_35, %dma_start3A_36] : memref<507904x128xf32, #tpu.memory_space<hbm>> -> memref<507904x128xf32, #tpu.memory_space<hbm>>
    tpu.enqueue_indirect_dma source(%dma_start3A_37 : memref<507904x128xf32, #tpu.memory_space<hbm>>) target(%arg7 : memref<128x128xf32, #tpu.memory_space<vmem>>) offsets(%dma_start3A_34 : memref<128xi32, #tpu.memory_space<vmem>>) semaphore(%arg15 : memref<!tpu.dma_semaphore, #tpu.memory_space<semaphore_mem>>)
    %dma_start3A_38 = arith.constant 1 : i32
    %dma_start3A_39 = arith.constant 0 : i32
    %dma_start3A_40 = tpu.memref_slice %arg6[%dma_start3A_38, %dma_start3A_39] : memref<50x128xi32, #tpu.memory_space<vmem>> -> memref<1x128xi32, #tpu.memory_space<vmem>>
    %dma_start3A_41 = tpu.memref_squeeze %dma_start3A_40 : memref<1x128xi32, #tpu.memory_space<vmem>> -> memref<128xi32, #tpu.memory_space<vmem>>
    %dma_start3A_42 = arith.constant 0 : i32
    %dma_start3A_43 = arith.constant 0 : i32
    %dma_start3A_44 = tpu.memref_slice %arg3[%dma_start3A_42, %dma_start3A_43] : memref<507904x128xf32, #tpu.memory_space<hbm>> -> memref<507904x128xf32, #tpu.memory_space<hbm>>
    tpu.enqueue_indirect_dma source(%dma_start3A_44 : memref<507904x128xf32, #tpu.memory_space<hbm>>) target(%arg8 : memref<128x128xf32, #tpu.memory_space<vmem>>) offsets(%dma_start3A_41 : memref<128xi32, #tpu.memory_space<vmem>>) semaphore(%arg16 : memref<!tpu.dma_semaphore, #tpu.memory_space<semaphore_mem>>)
    %dma_start3A_45 = arith.constant 2 : i32
    %dma_start3A_46 = arith.constant 0 : i32
    %dma_start3A_47 = tpu.memref_slice %arg6[%dma_start3A_45, %dma_start3A_46] : memref<50x128xi32, #tpu.memory_space<vmem>> -> memref<1x128xi32, #tpu.memory_space<vmem>>
    %dma_start3A_48 = tpu.memref_squeeze %dma_start3A_47 : memref<1x128xi32, #tpu.memory_space<vmem>> -> memref<128xi32, #tpu.memory_space<vmem>>
    %dma_start3A_49 = arith.constant 0 : i32
    %dma_start3A_50 = arith.constant 0 : i32
    %dma_start3A_51 = tpu.memref_slice %arg3[%dma_start3A_49, %dma_start3A_50] : memref<507904x128xf32, #tpu.memory_space<hbm>> -> memref<507904x128xf32, #tpu.memory_space<hbm>>
    tpu.enqueue_indirect_dma source(%dma_start3A_51 : memref<507904x128xf32, #tpu.memory_space<hbm>>) target(%arg9 : memref<128x128xf32, #tpu.memory_space<vmem>>) offsets(%dma_start3A_48 : memref<128xi32, #tpu.memory_space<vmem>>) semaphore(%arg17 : memref<!tpu.dma_semaphore, #tpu.memory_space<semaphore_mem>>)
    %dma_start3A_52 = arith.constant 3 : i32
    %dma_start3A_53 = arith.constant 0 : i32
    %dma_start3A_54 = tpu.memref_slice %arg6[%dma_start3A_52, %dma_start3A_53] : memref<50x128xi32, #tpu.memory_space<vmem>> -> memref<1x128xi32, #tpu.memory_space<vmem>>
    %dma_start3A_55 = tpu.memref_squeeze %dma_start3A_54 : memref<1x128xi32, #tpu.memory_space<vmem>> -> memref<128xi32, #tpu.memory_space<vmem>>
    %dma_start3A_56 = arith.constant 0 : i32
    %dma_start3A_57 = arith.constant 0 : i32
    %dma_start3A_58 = tpu.memref_slice %arg3[%dma_start3A_56, %dma_start3A_57] : memref<507904x128xf32, #tpu.memory_space<hbm>> -> memref<507904x128xf32, #tpu.memory_space<hbm>>
    tpu.enqueue_indirect_dma source(%dma_start3A_58 : memref<507904x128xf32, #tpu.memory_space<hbm>>) target(%arg10 : memref<128x128xf32, #tpu.memory_space<vmem>>) offsets(%dma_start3A_55 : memref<128xi32, #tpu.memory_space<vmem>>) semaphore(%arg18 : memref<!tpu.dma_semaphore, #tpu.memory_space<semaphore_mem>>)
    %scan3A_59 = arith.constant 0 : i32
    %scan3A_60 = arith.constant 0 : i32
    %scan3A_61 = arith.constant 13 : i32
    %scan3A_62 = arith.addi %scan3A_60, %scan3A_61 : i32
    %scan3A_63 = arith.constant 1 : i32
    scf.for %scan3A_100 = %scan3A_60 to %scan3A_62 step %scan3A_63  : i32 {
      %mul3A_101 = arith.constant 4 : i32
      %mul3A_102 = arith.muli %mul3A_101, %scan3A_100 : i32
      %add3A_103 = arith.constant 0 : i32
      %add3A_104 = arith.addi %mul3A_102, %add3A_103 : i32
      %lt3A = arith.constant 50 : i32
      %lt3A_105 = arith.cmpi slt, %add3A_104, %lt3A : i32
      %convert_element_type3A = arith.extui %lt3A_105 : i1 to i32
      %cond3A = arith.constant 0 : i32
      %cond3A_106 = arith.cmpi ne, %convert_element_type3A, %cond3A : i32
      scf.if %cond3A_106 {
        %dma_wait3A_134 = arith.constant 0 : i32
        %dma_wait3A_135 = arith.constant 0 : i32
        %dma_wait3A_136 = tpu.memref_slice %arg6[%dma_wait3A_134, %dma_wait3A_135] : memref<50x128xi32, #tpu.memory_space<vmem>> -> memref<1x128xi32, #tpu.memory_space<vmem>>
        %dma_wait3A_137 = tpu.memref_squeeze %dma_wait3A_136 : memref<1x128xi32, #tpu.memory_space<vmem>> -> memref<128xi32, #tpu.memory_space<vmem>>
        %dma_wait3A_138 = arith.constant 0 : i32
        %dma_wait3A_139 = arith.constant 0 : i32
        %dma_wait3A_140 = tpu.memref_slice %arg3[%dma_wait3A_138, %dma_wait3A_139] : memref<507904x128xf32, #tpu.memory_space<hbm>> -> memref<507904x128xf32, #tpu.memory_space<hbm>>
        tpu.wait_indirect_dma semaphore(%arg15 : memref<!tpu.dma_semaphore, #tpu.memory_space<semaphore_mem>>) src(%dma_wait3A_140 : memref<507904x128xf32, #tpu.memory_space<hbm>>) dst(%arg7 : memref<128x128xf32, #tpu.memory_space<vmem>>)
        %ge3A = arith.constant 4 : i32
        %ge3A_141 = arith.cmpi sge, %add3A_104, %ge3A : i32
        %convert_element_type3A_142 = arith.extui %ge3A_141 : i1 to i32
        %cond3A_143 = arith.constant 0 : i32
        %cond3A_144 = arith.cmpi ne, %convert_element_type3A_142, %cond3A_143 : i32
        scf.if %cond3A_144 {
          %mul3A_276 = arith.constant 128 : i32
          %mul3A_277 = arith.muli %add3A, %mul3A_276 : i32
          %dma_wait3A_278 = arith.constant 0 : i32
          %dma_wait3A_279 = arith.constant 0 : i32
          %dma_wait3A_280 = tpu.memref_slice %arg4[%dma_wait3A_278, %dma_wait3A_279, %mul3A_277] : memref<50x64x4096xf32, #tpu.memory_space<hbm>> -> memref<1x64x128xf32, #tpu.memory_space<hbm>>
          %dma_wait3A_281 = tpu.memref_squeeze %dma_wait3A_280 : memref<1x64x128xf32, #tpu.memory_space<hbm>> -> memref<64x128xf32, #tpu.memory_space<hbm>>
          %dma_wait3A_282 = arith.constant 0 : i32
          %dma_wait3A_283 = tpu.memref_slice %arg4[%dma_wait3A_278, %dma_wait3A_282, %mul3A_277] : memref<50x64x4096xf32, #tpu.memory_space<hbm>> -> memref<1x64x128xf32, #tpu.memory_space<hbm>>
          %dma_wait3A_284 = tpu.memref_squeeze %dma_wait3A_283 : memref<1x64x128xf32, #tpu.memory_space<hbm>> -> memref<64x128xf32, #tpu.memory_space<hbm>>
          tpu.wait_dma2 semaphore(%arg19 : memref<!tpu.dma_semaphore, #tpu.memory_space<semaphore_mem>>) src(%arg11 : memref<64x128xf32, #tpu.memory_space<vmem>>) dst(%dma_wait3A_284 : memref<64x128xf32, #tpu.memory_space<hbm>>)
        } else {
        }
        %get3A = arith.index_cast %add3A_104 : i32 to index
        %get3A_145 = arith.constant 0 : index
        %get3A_146 = tpu.vector_load %arg5[%get3A, %get3A_145] {strides = array<i32>} : memref<50x128xi32, #tpu.memory_space<vmem>>, vector<16xi32>,
        %shift_right_logical3A = arith.constant 14 : i32
        %shift_right_logical3A_147 = vector.broadcast %shift_right_logical3A : i32 to vector<16xi32>
        %shift_right_logical3A_148 = arith.shrui %get3A_146, %shift_right_logical3A_147 : vector<16xi32>
        %and3A = arith.constant 1 : i32
        %and3A_149 = vector.broadcast %and3A : i32 to vector<16xi32>
        %and3A_150 = arith.andi %shift_right_logical3A_148, %and3A_149 : vector<16xi32>
        %mul3A_151 = arith.constant 64 : i32
        %mul3A_152 = vector.broadcast %mul3A_151 : i32 to vector<16xi32>
        %mul3A_153 = arith.muli %and3A_150, %mul3A_152 : vector<16xi32>
        %parallel_loop3A = arith.constant 0 : i32
        %parallel_loop3A_154 = arith.constant 64 : i32
        %parallel_loop3A_155 = arith.constant 1 : i32
        scf.for %parallel_loop3A_276 = %parallel_loop3A to %parallel_loop3A_154 step %parallel_loop3A_155  : i32 {
          %parallel_loop3A_277 = vector.broadcast %parallel_loop3A_276 : i32 to vector<16xi32>
          %parallel_loop3A_278 = arith.addi %mul3A_153, %parallel_loop3A_277 : vector<16xi32>
          %parallel_loop3A_279 = tpu.vector_load_idx %arg7[%add3A_3, %parallel_loop3A_278] : memref<128x128xf32, #tpu.memory_space<vmem>>[vector<16xi32>, vector<16xi32>], vector<16xf32>,
          %parallel_loop3A_280 = arith.index_cast %parallel_loop3A_276 : i32 to index
          %parallel_loop3A_281 = arith.constant 0 : index
          %parallel_loop3A_282 = tpu.vector_load %arg11[%parallel_loop3A_280, %parallel_loop3A_281] {strides = array<i32>} : memref<64x128xf32, #tpu.memory_space<vmem>>, vector<16xf32>,
          tpu.vector_store %arg11[%parallel_loop3A_280, %parallel_loop3A_281], %parallel_loop3A_279 {strides = array<i32>} : memref<64x128xf32, #tpu.memory_space<vmem>>, vector<16xf32>,
        } {sc.loop_unroll_factor = 8 : i64, sc.parallel_access}
        %get3A_156 = arith.index_cast %add3A_104 : i32 to index
        %get3A_157 = arith.constant 16 : index
        %get3A_158 = tpu.vector_load %arg5[%get3A_156, %get3A_157] {strides = array<i32>} : memref<50x128xi32, #tpu.memory_space<vmem>>, vector<16xi32>,
        %shift_right_logical3A_159 = arith.constant 14 : i32
        %shift_right_logical3A_160 = vector.broadcast %shift_right_logical3A_159 : i32 to vector<16xi32>
        %shift_right_logical3A_161 = arith.shrui %get3A_158, %shift_right_logical3A_160 : vector<16xi32>
        %and3A_162 = arith.constant 1 : i32
        %and3A_163 = vector.broadcast %and3A_162 : i32 to vector<16xi32>
        %and3A_164 = arith.andi %shift_right_logical3A_161, %and3A_163 : vector<16xi32>
        %mul3A_165 = arith.constant 64 : i32
        %mul3A_166 = vector.broadcast %mul3A_165 : i32 to vector<16xi32>
        %mul3A_167 = arith.muli %and3A_164, %mul3A_166 : vector<16xi32>
        %parallel_loop3A_168 = arith.constant 0 : i32
        %parallel_loop3A_169 = arith.constant 64 : i32
        %parallel_loop3A_170 = arith.constant 1 : i32
        scf.for %parallel_loop3A_276 = %parallel_loop3A_168 to %parallel_loop3A_169 step %parallel_loop3A_170  : i32 {
          %parallel_loop3A_277 = vector.broadcast %parallel_loop3A_276 : i32 to vector<16xi32>
          %parallel_loop3A_278 = arith.addi %mul3A_167, %parallel_loop3A_277 : vector<16xi32>
          %parallel_loop3A_279 = tpu.vector_load_idx %arg7[%add3A_6, %parallel_loop3A_278] : memref<128x128xf32, #tpu.memory_space<vmem>>[vector<16xi32>, vector<16xi32>], vector<16xf32>,
          %parallel_loop3A_280 = arith.index_cast %parallel_loop3A_276 : i32 to index
          %parallel_loop3A_281 = arith.constant 16 : index
          %parallel_loop3A_282 = tpu.vector_load %arg11[%parallel_loop3A_280, %parallel_loop3A_281] {strides = array<i32>} : memref<64x128xf32, #tpu.memory_space<vmem>>, vector<16xf32>,
          tpu.vector_store %arg11[%parallel_loop3A_280, %parallel_loop3A_281], %parallel_loop3A_279 {strides = array<i32>} : memref<64x128xf32, #tpu.memory_space<vmem>>, vector<16xf32>,
        } {sc.loop_unroll_factor = 8 : i64, sc.parallel_access}
        %get3A_171 = arith.index_cast %add3A_104 : i32 to index
        %get3A_172 = arith.constant 32 : index
        %get3A_173 = tpu.vector_load %arg5[%get3A_171, %get3A_172] {strides = array<i32>} : memref<50x128xi32, #tpu.memory_space<vmem>>, vector<16xi32>,
        %shift_right_logical3A_174 = arith.constant 14 : i32
        %shift_right_logical3A_175 = vector.broadcast %shift_right_logical3A_174 : i32 to vector<16xi32>
        %shift_right_logical3A_176 = arith.shrui %get3A_173, %shift_right_logical3A_175 : vector<16xi32>
        %and3A_177 = arith.constant 1 : i32
        %and3A_178 = vector.broadcast %and3A_177 : i32 to vector<16xi32>
        %and3A_179 = arith.andi %shift_right_logical3A_176, %and3A_178 : vector<16xi32>
        %mul3A_180 = arith.constant 64 : i32
        %mul3A_181 = vector.broadcast %mul3A_180 : i32 to vector<16xi32>
        %mul3A_182 = arith.muli %and3A_179, %mul3A_181 : vector<16xi32>
        %parallel_loop3A_183 = arith.constant 0 : i32
        %parallel_loop3A_184 = arith.constant 64 : i32
        %parallel_loop3A_185 = arith.constant 1 : i32
        scf.for %parallel_loop3A_276 = %parallel_loop3A_183 to %parallel_loop3A_184 step %parallel_loop3A_185  : i32 {
          %parallel_loop3A_277 = vector.broadcast %parallel_loop3A_276 : i32 to vector<16xi32>
          %parallel_loop3A_278 = arith.addi %mul3A_182, %parallel_loop3A_277 : vector<16xi32>
          %parallel_loop3A_279 = tpu.vector_load_idx %arg7[%add3A_9, %parallel_loop3A_278] : memref<128x128xf32, #tpu.memory_space<vmem>>[vector<16xi32>, vector<16xi32>], vector<16xf32>,
          %parallel_loop3A_280 = arith.index_cast %parallel_loop3A_276 : i32 to index
          %parallel_loop3A_281 = arith.constant 32 : index
          %parallel_loop3A_282 = tpu.vector_load %arg11[%parallel_loop3A_280, %parallel_loop3A_281] {strides = array<i32>} : memref<64x128xf32, #tpu.memory_space<vmem>>, vector<16xf32>,
          tpu.vector_store %arg11[%parallel_loop3A_280, %parallel_loop3A_281], %parallel_loop3A_279 {strides = array<i32>} : memref<64x128xf32, #tpu.memory_space<vmem>>, vector<16xf32>,
        } {sc.loop_unroll_factor = 8 : i64, sc.parallel_access}
        %get3A_186 = arith.index_cast %add3A_104 : i32 to index
        %get3A_187 = arith.constant 48 : index
        %get3A_188 = tpu.vector_load %arg5[%get3A_186, %get3A_187] {strides = array<i32>} : memref<50x128xi32, #tpu.memory_space<vmem>>, vector<16xi32>,
        %shift_right_logical3A_189 = arith.constant 14 : i32
        %shift_right_logical3A_190 = vector.broadcast %shift_right_logical3A_189 : i32 to vector<16xi32>
        %shift_right_logical3A_191 = arith.shrui %get3A_188, %shift_right_logical3A_190 : vector<16xi32>
        %and3A_192 = arith.constant 1 : i32
        %and3A_193 = vector.broadcast %and3A_192 : i32 to vector<16xi32>
        %and3A_194 = arith.andi %shift_right_logical3A_191, %and3A_193 : vector<16xi32>
        %mul3A_195 = arith.constant 64 : i32
        %mul3A_196 = vector.broadcast %mul3A_195 : i32 to vector<16xi32>
        %mul3A_197 = arith.muli %and3A_194, %mul3A_196 : vector<16xi32>
        %parallel_loop3A_198 = arith.constant 0 : i32
        %parallel_loop3A_199 = arith.constant 64 : i32
        %parallel_loop3A_200 = arith.constant 1 : i32
        scf.for %parallel_loop3A_276 = %parallel_loop3A_198 to %parallel_loop3A_199 step %parallel_loop3A_200  : i32 {
          %parallel_loop3A_277 = vector.broadcast %parallel_loop3A_276 : i32 to vector<16xi32>
          %parallel_loop3A_278 = arith.addi %mul3A_197, %parallel_loop3A_277 : vector<16xi32>
          %parallel_loop3A_279 = tpu.vector_load_idx %arg7[%add3A_12, %parallel_loop3A_278] : memref<128x128xf32, #tpu.memory_space<vmem>>[vector<16xi32>, vector<16xi32>], vector<16xf32>,
          %parallel_loop3A_280 = arith.index_cast %parallel_loop3A_276 : i32 to index
          %parallel_loop3A_281 = arith.constant 48 : index
          %parallel_loop3A_282 = tpu.vector_load %arg11[%parallel_loop3A_280, %parallel_loop3A_281] {strides = array<i32>} : memref<64x128xf32, #tpu.memory_space<vmem>>, vector<16xf32>,
          tpu.vector_store %arg11[%parallel_loop3A_280, %parallel_loop3A_281], %parallel_loop3A_279 {strides = array<i32>} : memref<64x128xf32, #tpu.memory_space<vmem>>, vector<16xf32>,
        } {sc.loop_unroll_factor = 8 : i64, sc.parallel_access}
        %get3A_201 = arith.index_cast %add3A_104 : i32 to index
        %get3A_202 = arith.constant 64 : index
        %get3A_203 = tpu.vector_load %arg5[%get3A_201, %get3A_202] {strides = array<i32>} : memref<50x128xi32, #tpu.memory_space<vmem>>, vector<16xi32>,
        %shift_right_logical3A_204 = arith.constant 14 : i32
        %shift_right_logical3A_205 = vector.broadcast %shift_right_logical3A_204 : i32 to vector<16xi32>
        %shift_right_logical3A_206 = arith.shrui %get3A_203, %shift_right_logical3A_205 : vector<16xi32>
        %and3A_207 = arith.constant 1 : i32
        %and3A_208 = vector.broadcast %and3A_207 : i32 to vector<16xi32>
        %and3A_209 = arith.andi %shift_right_logical3A_206, %and3A_208 : vector<16xi32>
        %mul3A_210 = arith.constant 64 : i32
        %mul3A_211 = vector.broadcast %mul3A_210 : i32 to vector<16xi32>
        %mul3A_212 = arith.muli %and3A_209, %mul3A_211 : vector<16xi32>
        %parallel_loop3A_213 = arith.constant 0 : i32
        %parallel_loop3A_214 = arith.constant 64 : i32
        %parallel_loop3A_215 = arith.constant 1 : i32
        scf.for %parallel_loop3A_276 = %parallel_loop3A_213 to %parallel_loop3A_214 step %parallel_loop3A_215  : i32 {
          %parallel_loop3A_277 = vector.broadcast %parallel_loop3A_276 : i32 to vector<16xi32>
          %parallel_loop3A_278 = arith.addi %mul3A_212, %parallel_loop3A_277 : vector<16xi32>
          %parallel_loop3A_279 = tpu.vector_load_idx %arg7[%add3A_15, %parallel_loop3A_278] : memref<128x128xf32, #tpu.memory_space<vmem>>[vector<16xi32>, vector<16xi32>], vector<16xf32>,
          %parallel_loop3A_280 = arith.index_cast %parallel_loop3A_276 : i32 to index
          %parallel_loop3A_281 = arith.constant 64 : index
          %parallel_loop3A_282 = tpu.vector_load %arg11[%parallel_loop3A_280, %parallel_loop3A_281] {strides = array<i32>} : memref<64x128xf32, #tpu.memory_space<vmem>>, vector<16xf32>,
          tpu.vector_store %arg11[%parallel_loop3A_280, %parallel_loop3A_281], %parallel_loop3A_279 {strides = array<i32>} : memref<64x128xf32, #tpu.memory_space<vmem>>, vector<16xf32>,
        } {sc.loop_unroll_factor = 8 : i64, sc.parallel_access}
        %get3A_216 = arith.index_cast %add3A_104 : i32 to index
        %get3A_217 = arith.constant 80 : index
        %get3A_218 = tpu.vector_load %arg5[%get3A_216, %get3A_217] {strides = array<i32>} : memref<50x128xi32, #tpu.memory_space<vmem>>, vector<16xi32>,
        %shift_right_logical3A_219 = arith.constant 14 : i32
        %shift_right_logical3A_220 = vector.broadcast %shift_right_logical3A_219 : i32 to vector<16xi32>
        %shift_right_logical3A_221 = arith.shrui %get3A_218, %shift_right_logical3A_220 : vector<16xi32>
        %and3A_222 = arith.constant 1 : i32
        %and3A_223 = vector.broadcast %and3A_222 : i32 to vector<16xi32>
        %and3A_224 = arith.andi %shift_right_logical3A_221, %and3A_223 : vector<16xi32>
        %mul3A_225 = arith.constant 64 : i32
        %mul3A_226 = vector.broadcast %mul3A_225 : i32 to vector<16xi32>
        %mul3A_227 = arith.muli %and3A_224, %mul3A_226 : vector<16xi32>
        %parallel_loop3A_228 = arith.constant 0 : i32
        %parallel_loop3A_229 = arith.constant 64 : i32
        %parallel_loop3A_230 = arith.constant 1 : i32
        scf.for %parallel_loop3A_276 = %parallel_loop3A_228 to %parallel_loop3A_229 step %parallel_loop3A_230  : i32 {
          %parallel_loop3A_277 = vector.broadcast %parallel_loop3A_276 : i32 to vector<16xi32>
          %parallel_loop3A_278 = arith.addi %mul3A_227, %parallel_loop3A_277 : vector<16xi32>
          %parallel_loop3A_279 = tpu.vector_load_idx %arg7[%add3A_18, %parallel_loop3A_278] : memref<128x128xf32, #tpu.memory_space<vmem>>[vector<16xi32>, vector<16xi32>], vector<16xf32>,
          %parallel_loop3A_280 = arith.index_cast %parallel_loop3A_276 : i32 to index
          %parallel_loop3A_281 = arith.constant 80 : index
          %parallel_loop3A_282 = tpu.vector_load %arg11[%parallel_loop3A_280, %parallel_loop3A_281] {strides = array<i32>} : memref<64x128xf32, #tpu.memory_space<vmem>>, vector<16xf32>,
          tpu.vector_store %arg11[%parallel_loop3A_280, %parallel_loop3A_281], %parallel_loop3A_279 {strides = array<i32>} : memref<64x128xf32, #tpu.memory_space<vmem>>, vector<16xf32>,
        } {sc.loop_unroll_factor = 8 : i64, sc.parallel_access}
        %get3A_231 = arith.index_cast %add3A_104 : i32 to index
        %get3A_232 = arith.constant 96 : index
        %get3A_233 = tpu.vector_load %arg5[%get3A_231, %get3A_232] {strides = array<i32>} : memref<50x128xi32, #tpu.memory_space<vmem>>, vector<16xi32>,
        %shift_right_logical3A_234 = arith.constant 14 : i32
        %shift_right_logical3A_235 = vector.broadcast %shift_right_logical3A_234 : i32 to vector<16xi32>
        %shift_right_logical3A_236 = arith.shrui %get3A_233, %shift_right_logical3A_235 : vector<16xi32>
        %and3A_237 = arith.constant 1 : i32
        %and3A_238 = vector.broadcast %and3A_237 : i32 to vector<16xi32>
        %and3A_239 = arith.andi %shift_right_logical3A_236, %and3A_238 : vector<16xi32>
        %mul3A_240 = arith.constant 64 : i32
        %mul3A_241 = vector.broadcast %mul3A_240 : i32 to vector<16xi32>
        %mul3A_242 = arith.muli %and3A_239, %mul3A_241 : vector<16xi32>
        %parallel_loop3A_243 = arith.constant 0 : i32
        %parallel_loop3A_244 = arith.constant 64 : i32
        %parallel_loop3A_245 = arith.constant 1 : i32
        scf.for %parallel_loop3A_276 = %parallel_loop3A_243 to %parallel_loop3A_244 step %parallel_loop3A_245  : i32 {
          %parallel_loop3A_277 = vector.broadcast %parallel_loop3A_276 : i32 to vector<16xi32>
          %parallel_loop3A_278 = arith.addi %mul3A_242, %parallel_loop3A_277 : vector<16xi32>
          %parallel_loop3A_279 = tpu.vector_load_idx %arg7[%add3A_21, %parallel_loop3A_278] : memref<128x128xf32, #tpu.memory_space<vmem>>[vector<16xi32>, vector<16xi32>], vector<16xf32>,
          %parallel_loop3A_280 = arith.index_cast %parallel_loop3A_276 : i32 to index
          %parallel_loop3A_281 = arith.constant 96 : index
          %parallel_loop3A_282 = tpu.vector_load %arg11[%parallel_loop3A_280, %parallel_loop3A_281] {strides = array<i32>} : memref<64x128xf32, #tpu.memory_space<vmem>>, vector<16xf32>,
          tpu.vector_store %arg11[%parallel_loop3A_280, %parallel_loop3A_281], %parallel_loop3A_279 {strides = array<i32>} : memref<64x128xf32, #tpu.memory_space<vmem>>, vector<16xf32>,
        } {sc.loop_unroll_factor = 8 : i64, sc.parallel_access}
        %get3A_246 = arith.index_cast %add3A_104 : i32 to index
        %get3A_247 = arith.constant 112 : index
        %get3A_248 = tpu.vector_load %arg5[%get3A_246, %get3A_247] {strides = array<i32>} : memref<50x128xi32, #tpu.memory_space<vmem>>, vector<16xi32>,
        %shift_right_logical3A_249 = arith.constant 14 : i32
        %shift_right_logical3A_250 = vector.broadcast %shift_right_logical3A_249 : i32 to vector<16xi32>
        %shift_right_logical3A_251 = arith.shrui %get3A_248, %shift_right_logical3A_250 : vector<16xi32>
        %and3A_252 = arith.constant 1 : i32
        %and3A_253 = vector.broadcast %and3A_252 : i32 to vector<16xi32>
        %and3A_254 = arith.andi %shift_right_logical3A_251, %and3A_253 : vector<16xi32>
        %mul3A_255 = arith.constant 64 : i32
        %mul3A_256 = vector.broadcast %mul3A_255 : i32 to vector<16xi32>
        %mul3A_257 = arith.muli %and3A_254, %mul3A_256 : vector<16xi32>
        %parallel_loop3A_258 = arith.constant 0 : i32
        %parallel_loop3A_259 = arith.constant 64 : i32
        %parallel_loop3A_260 = arith.constant 1 : i32
        scf.for %parallel_loop3A_276 = %parallel_loop3A_258 to %parallel_loop3A_259 step %parallel_loop3A_260  : i32 {
          %parallel_loop3A_277 = vector.broadcast %parallel_loop3A_276 : i32 to vector<16xi32>
          %parallel_loop3A_278 = arith.addi %mul3A_257, %parallel_loop3A_277 : vector<16xi32>
          %parallel_loop3A_279 = tpu.vector_load_idx %arg7[%add3A_24, %parallel_loop3A_278] : memref<128x128xf32, #tpu.memory_space<vmem>>[vector<16xi32>, vector<16xi32>], vector<16xf32>,
          %parallel_loop3A_280 = arith.index_cast %parallel_loop3A_276 : i32 to index
          %parallel_loop3A_281 = arith.constant 112 : index
          %parallel_loop3A_282 = tpu.vector_load %arg11[%parallel_loop3A_280, %parallel_loop3A_281] {strides = array<i32>} : memref<64x128xf32, #tpu.memory_space<vmem>>, vector<16xf32>,
          tpu.vector_store %arg11[%parallel_loop3A_280, %parallel_loop3A_281], %parallel_loop3A_279 {strides = array<i32>} : memref<64x128xf32, #tpu.memory_space<vmem>>, vector<16xf32>,
        } {sc.loop_unroll_factor = 8 : i64, sc.parallel_access}
        %mul3A_261 = arith.constant 128 : i32
        %mul3A_262 = arith.muli %add3A, %mul3A_261 : i32
        %dma_start3A_263 = arith.constant 0 : i32
        %dma_start3A_264 = tpu.memref_slice %arg4[%add3A_104, %dma_start3A_263, %mul3A_262] : memref<50x64x4096xf32, #tpu.memory_space<hbm>> -> memref<1x64x128xf32, #tpu.memory_space<hbm>>
        %dma_start3A_265 = tpu.memref_squeeze %dma_start3A_264 : memref<1x64x128xf32, #tpu.memory_space<hbm>> -> memref<64x128xf32, #tpu.memory_space<hbm>>
        %dma_start3A_266 = arith.constant 0 : i32
        %dma_start3A_267 = tpu.memref_slice %arg4[%add3A_104, %dma_start3A_266, %mul3A_262] : memref<50x64x4096xf32, #tpu.memory_space<hbm>> -> memref<1x64x128xf32, #tpu.memory_space<hbm>>
        %dma_start3A_268 = tpu.memref_squeeze %dma_start3A_267 : memref<1x64x128xf32, #tpu.memory_space<hbm>> -> memref<64x128xf32, #tpu.memory_space<hbm>>
        tpu.enqueue_dma source(%arg11 : memref<64x128xf32, #tpu.memory_space<vmem>>) target(%dma_start3A_268 : memref<64x128xf32, #tpu.memory_space<hbm>>) target_semaphore(%arg19 : memref<!tpu.dma_semaphore, #tpu.memory_space<semaphore_mem>>)
        %add3A_269 = arith.constant 4 : i32
        %add3A_270 = arith.addi %add3A_104, %add3A_269 : i32
        %lt3A_271 = arith.constant 50 : i32
        %lt3A_272 = arith.cmpi slt, %add3A_270, %lt3A_271 : i32
        %convert_element_type3A_273 = arith.extui %lt3A_272 : i1 to i32
        %cond3A_274 = arith.constant 0 : i32
        %cond3A_275 = arith.cmpi ne, %convert_element_type3A_273, %cond3A_274 : i32
        scf.if %cond3A_275 {
          %add3A_276 = arith.constant 4 : i32
          %add3A_277 = arith.addi %add3A_104, %add3A_276 : i32
          %dma_start3A_278 = arith.constant 0 : i32
          %dma_start3A_279 = tpu.memref_slice %arg6[%add3A_277, %dma_start3A_278] : memref<50x128xi32, #tpu.memory_space<vmem>> -> memref<1x128xi32, #tpu.memory_space<vmem>>
          %dma_start3A_280 = tpu.memref_squeeze %dma_start3A_279 : memref<1x128xi32, #tpu.memory_space<vmem>> -> memref<128xi32, #tpu.memory_space<vmem>>
          %dma_start3A_281 = arith.constant 0 : i32
          %dma_start3A_282 = arith.constant 0 : i32
          %dma_start3A_283 = tpu.memref_slice %arg3[%dma_start3A_281, %dma_start3A_282] : memref<507904x128xf32, #tpu.memory_space<hbm>> -> memref<507904x128xf32, #tpu.memory_space<hbm>>
          tpu.enqueue_indirect_dma source(%dma_start3A_283 : memref<507904x128xf32, #tpu.memory_space<hbm>>) target(%arg7 : memref<128x128xf32, #tpu.memory_space<vmem>>) offsets(%dma_start3A_280 : memref<128xi32, #tpu.memory_space<vmem>>) semaphore(%arg15 : memref<!tpu.dma_semaphore, #tpu.memory_space<semaphore_mem>>)
        } else {
        }
      } else {
      }
      %mul3A_107 = arith.constant 4 : i32
      %mul3A_108 = arith.muli %mul3A_107, %scan3A_100 : i32
      %add3A_109 = arith.constant 1 : i32
      %add3A_110 = arith.addi %mul3A_108, %add3A_109 : i32
      %lt3A_111 = arith.constant 50 : i32
      %lt3A_112 = arith.cmpi slt, %add3A_110, %lt3A_111 : i32
      %convert_element_type3A_113 = arith.extui %lt3A_112 : i1 to i32
      %cond3A_114 = arith.constant 0 : i32
      %cond3A_115 = arith.cmpi ne, %convert_element_type3A_113, %cond3A_114 : i32
      scf.if %cond3A_115 {
        %dma_wait3A_134 = arith.constant 0 : i32
        %dma_wait3A_135 = arith.constant 0 : i32
        %dma_wait3A_136 = tpu.memref_slice %arg6[%dma_wait3A_134, %dma_wait3A_135] : memref<50x128xi32, #tpu.memory_space<vmem>> -> memref<1x128xi32, #tpu.memory_space<vmem>>
        %dma_wait3A_137 = tpu.memref_squeeze %dma_wait3A_136 : memref<1x128xi32, #tpu.memory_space<vmem>> -> memref<128xi32, #tpu.memory_space<vmem>>
        %dma_wait3A_138 = arith.constant 0 : i32
        %dma_wait3A_139 = arith.constant 0 : i32
        %dma_wait3A_140 = tpu.memref_slice %arg3[%dma_wait3A_138, %dma_wait3A_139] : memref<507904x128xf32, #tpu.memory_space<hbm>> -> memref<507904x128xf32, #tpu.memory_space<hbm>>
        tpu.wait_indirect_dma semaphore(%arg16 : memref<!tpu.dma_semaphore, #tpu.memory_space<semaphore_mem>>) src(%dma_wait3A_140 : memref<507904x128xf32, #tpu.memory_space<hbm>>) dst(%arg8 : memref<128x128xf32, #tpu.memory_space<vmem>>)
        %ge3A = arith.constant 4 : i32
        %ge3A_141 = arith.cmpi sge, %add3A_110, %ge3A : i32
        %convert_element_type3A_142 = arith.extui %ge3A_141 : i1 to i32
        %cond3A_143 = arith.constant 0 : i32
        %cond3A_144 = arith.cmpi ne, %convert_element_type3A_142, %cond3A_143 : i32
        scf.if %cond3A_144 {
          %mul3A_276 = arith.constant 128 : i32
          %mul3A_277 = arith.muli %add3A, %mul3A_276 : i32
          %dma_wait3A_278 = arith.constant 0 : i32
          %dma_wait3A_279 = arith.constant 0 : i32
          %dma_wait3A_280 = tpu.memref_slice %arg4[%dma_wait3A_278, %dma_wait3A_279, %mul3A_277] : memref<50x64x4096xf32, #tpu.memory_space<hbm>> -> memref<1x64x128xf32, #tpu.memory_space<hbm>>
          %dma_wait3A_281 = tpu.memref_squeeze %dma_wait3A_280 : memref<1x64x128xf32, #tpu.memory_space<hbm>> -> memref<64x128xf32, #tpu.memory_space<hbm>>
          %dma_wait3A_282 = arith.constant 0 : i32
          %dma_wait3A_283 = tpu.memref_slice %arg4[%dma_wait3A_278, %dma_wait3A_282, %mul3A_277] : memref<50x64x4096xf32, #tpu.memory_space<hbm>> -> memref<1x64x128xf32, #tpu.memory_space<hbm>>
          %dma_wait3A_284 = tpu.memref_squeeze %dma_wait3A_283 : memref<1x64x128xf32, #tpu.memory_space<hbm>> -> memref<64x128xf32, #tpu.memory_space<hbm>>
          tpu.wait_dma2 semaphore(%arg20 : memref<!tpu.dma_semaphore, #tpu.memory_space<semaphore_mem>>) src(%arg12 : memref<64x128xf32, #tpu.memory_space<vmem>>) dst(%dma_wait3A_284 : memref<64x128xf32, #tpu.memory_space<hbm>>)
        } else {
        }
        %get3A = arith.index_cast %add3A_110 : i32 to index
        %get3A_145 = arith.constant 0 : index
        %get3A_146 = tpu.vector_load %arg5[%get3A, %get3A_145] {strides = array<i32>} : memref<50x128xi32, #tpu.memory_space<vmem>>, vector<16xi32>,
        %shift_right_logical3A = arith.constant 14 : i32
        %shift_right_logical3A_147 = vector.broadcast %shift_right_logical3A : i32 to vector<16xi32>
        %shift_right_logical3A_148 = arith.shrui %get3A_146, %shift_right_logical3A_147 : vector<16xi32>
        %and3A = arith.constant 1 : i32
        %and3A_149 = vector.broadcast %and3A : i32 to vector<16xi32>
        %and3A_150 = arith.andi %shift_right_logical3A_148, %and3A_149 : vector<16xi32>
        %mul3A_151 = arith.constant 64 : i32
        %mul3A_152 = vector.broadcast %mul3A_151 : i32 to vector<16xi32>
        %mul3A_153 = arith.muli %and3A_150, %mul3A_152 : vector<16xi32>
        %parallel_loop3A = arith.constant 0 : i32
        %parallel_loop3A_154 = arith.constant 64 : i32
        %parallel_loop3A_155 = arith.constant 1 : i32
        scf.for %parallel_loop3A_276 = %parallel_loop3A to %parallel_loop3A_154 step %parallel_loop3A_155  : i32 {
          %parallel_loop3A_277 = vector.broadcast %parallel_loop3A_276 : i32 to vector<16xi32>
          %parallel_loop3A_278 = arith.addi %mul3A_153, %parallel_loop3A_277 : vector<16xi32>
          %parallel_loop3A_279 = tpu.vector_load_idx %arg8[%add3A_3, %parallel_loop3A_278] : memref<128x128xf32, #tpu.memory_space<vmem>>[vector<16xi32>, vector<16xi32>], vector<16xf32>,
          %parallel_loop3A_280 = arith.index_cast %parallel_loop3A_276 : i32 to index
          %parallel_loop3A_281 = arith.constant 0 : index
          %parallel_loop3A_282 = tpu.vector_load %arg12[%parallel_loop3A_280, %parallel_loop3A_281] {strides = array<i32>} : memref<64x128xf32, #tpu.memory_space<vmem>>, vector<16xf32>,
          tpu.vector_store %arg12[%parallel_loop3A_280, %parallel_loop3A_281], %parallel_loop3A_279 {strides = array<i32>} : memref<64x128xf32, #tpu.memory_space<vmem>>, vector<16xf32>,
        } {sc.loop_unroll_factor = 8 : i64, sc.parallel_access}
        %get3A_156 = arith.index_cast %add3A_110 : i32 to index
        %get3A_157 = arith.constant 16 : index
        %get3A_158 = tpu.vector_load %arg5[%get3A_156, %get3A_157] {strides = array<i32>} : memref<50x128xi32, #tpu.memory_space<vmem>>, vector<16xi32>,
        %shift_right_logical3A_159 = arith.constant 14 : i32
        %shift_right_logical3A_160 = vector.broadcast %shift_right_logical3A_159 : i32 to vector<16xi32>
        %shift_right_logical3A_161 = arith.shrui %get3A_158, %shift_right_logical3A_160 : vector<16xi32>
        %and3A_162 = arith.constant 1 : i32
        %and3A_163 = vector.broadcast %and3A_162 : i32 to vector<16xi32>
        %and3A_164 = arith.andi %shift_right_logical3A_161, %and3A_163 : vector<16xi32>
        %mul3A_165 = arith.constant 64 : i32
        %mul3A_166 = vector.broadcast %mul3A_165 : i32 to vector<16xi32>
        %mul3A_167 = arith.muli %and3A_164, %mul3A_166 : vector<16xi32>
        %parallel_loop3A_168 = arith.constant 0 : i32
        %parallel_loop3A_169 = arith.constant 64 : i32
        %parallel_loop3A_170 = arith.constant 1 : i32
        scf.for %parallel_loop3A_276 = %parallel_loop3A_168 to %parallel_loop3A_169 step %parallel_loop3A_170  : i32 {
          %parallel_loop3A_277 = vector.broadcast %parallel_loop3A_276 : i32 to vector<16xi32>
          %parallel_loop3A_278 = arith.addi %mul3A_167, %parallel_loop3A_277 : vector<16xi32>
          %parallel_loop3A_279 = tpu.vector_load_idx %arg8[%add3A_6, %parallel_loop3A_278] : memref<128x128xf32, #tpu.memory_space<vmem>>[vector<16xi32>, vector<16xi32>], vector<16xf32>,
          %parallel_loop3A_280 = arith.index_cast %parallel_loop3A_276 : i32 to index
          %parallel_loop3A_281 = arith.constant 16 : index
          %parallel_loop3A_282 = tpu.vector_load %arg12[%parallel_loop3A_280, %parallel_loop3A_281] {strides = array<i32>} : memref<64x128xf32, #tpu.memory_space<vmem>>, vector<16xf32>,
          tpu.vector_store %arg12[%parallel_loop3A_280, %parallel_loop3A_281], %parallel_loop3A_279 {strides = array<i32>} : memref<64x128xf32, #tpu.memory_space<vmem>>, vector<16xf32>,
        } {sc.loop_unroll_factor = 8 : i64, sc.parallel_access}
        %get3A_171 = arith.index_cast %add3A_110 : i32 to index
        %get3A_172 = arith.constant 32 : index
        %get3A_173 = tpu.vector_load %arg5[%get3A_171, %get3A_172] {strides = array<i32>} : memref<50x128xi32, #tpu.memory_space<vmem>>, vector<16xi32>,
        %shift_right_logical3A_174 = arith.constant 14 : i32
        %shift_right_logical3A_175 = vector.broadcast %shift_right_logical3A_174 : i32 to vector<16xi32>
        %shift_right_logical3A_176 = arith.shrui %get3A_173, %shift_right_logical3A_175 : vector<16xi32>
        %and3A_177 = arith.constant 1 : i32
        %and3A_178 = vector.broadcast %and3A_177 : i32 to vector<16xi32>
        %and3A_179 = arith.andi %shift_right_logical3A_176, %and3A_178 : vector<16xi32>
        %mul3A_180 = arith.constant 64 : i32
        %mul3A_181 = vector.broadcast %mul3A_180 : i32 to vector<16xi32>
        %mul3A_182 = arith.muli %and3A_179, %mul3A_181 : vector<16xi32>
        %parallel_loop3A_183 = arith.constant 0 : i32
        %parallel_loop3A_184 = arith.constant 64 : i32
        %parallel_loop3A_185 = arith.constant 1 : i32
        scf.for %parallel_loop3A_276 = %parallel_loop3A_183 to %parallel_loop3A_184 step %parallel_loop3A_185  : i32 {
          %parallel_loop3A_277 = vector.broadcast %parallel_loop3A_276 : i32 to vector<16xi32>
          %parallel_loop3A_278 = arith.addi %mul3A_182, %parallel_loop3A_277 : vector<16xi32>
          %parallel_loop3A_279 = tpu.vector_load_idx %arg8[%add3A_9, %parallel_loop3A_278] : memref<128x128xf32, #tpu.memory_space<vmem>>[vector<16xi32>, vector<16xi32>], vector<16xf32>,
          %parallel_loop3A_280 = arith.index_cast %parallel_loop3A_276 : i32 to index
          %parallel_loop3A_281 = arith.constant 32 : index
          %parallel_loop3A_282 = tpu.vector_load %arg12[%parallel_loop3A_280, %parallel_loop3A_281] {strides = array<i32>} : memref<64x128xf32, #tpu.memory_space<vmem>>, vector<16xf32>,
          tpu.vector_store %arg12[%parallel_loop3A_280, %parallel_loop3A_281], %parallel_loop3A_279 {strides = array<i32>} : memref<64x128xf32, #tpu.memory_space<vmem>>, vector<16xf32>,
        } {sc.loop_unroll_factor = 8 : i64, sc.parallel_access}
        %get3A_186 = arith.index_cast %add3A_110 : i32 to index
        %get3A_187 = arith.constant 48 : index
        %get3A_188 = tpu.vector_load %arg5[%get3A_186, %get3A_187] {strides = array<i32>} : memref<50x128xi32, #tpu.memory_space<vmem>>, vector<16xi32>,
        %shift_right_logical3A_189 = arith.constant 14 : i32
        %shift_right_logical3A_190 = vector.broadcast %shift_right_logical3A_189 : i32 to vector<16xi32>
        %shift_right_logical3A_191 = arith.shrui %get3A_188, %shift_right_logical3A_190 : vector<16xi32>
        %and3A_192 = arith.constant 1 : i32
        %and3A_193 = vector.broadcast %and3A_192 : i32 to vector<16xi32>
        %and3A_194 = arith.andi %shift_right_logical3A_191, %and3A_193 : vector<16xi32>
        %mul3A_195 = arith.constant 64 : i32
        %mul3A_196 = vector.broadcast %mul3A_195 : i32 to vector<16xi32>
        %mul3A_197 = arith.muli %and3A_194, %mul3A_196 : vector<16xi32>
        %parallel_loop3A_198 = arith.constant 0 : i32
        %parallel_loop3A_199 = arith.constant 64 : i32
        %parallel_loop3A_200 = arith.constant 1 : i32
        scf.for %parallel_loop3A_276 = %parallel_loop3A_198 to %parallel_loop3A_199 step %parallel_loop3A_200  : i32 {
          %parallel_loop3A_277 = vector.broadcast %parallel_loop3A_276 : i32 to vector<16xi32>
          %parallel_loop3A_278 = arith.addi %mul3A_197, %parallel_loop3A_277 : vector<16xi32>
          %parallel_loop3A_279 = tpu.vector_load_idx %arg8[%add3A_12, %parallel_loop3A_278] : memref<128x128xf32, #tpu.memory_space<vmem>>[vector<16xi32>, vector<16xi32>], vector<16xf32>,
          %parallel_loop3A_280 = arith.index_cast %parallel_loop3A_276 : i32 to index
          %parallel_loop3A_281 = arith.constant 48 : index
          %parallel_loop3A_282 = tpu.vector_load %arg12[%parallel_loop3A_280, %parallel_loop3A_281] {strides = array<i32>} : memref<64x128xf32, #tpu.memory_space<vmem>>, vector<16xf32>,
          tpu.vector_store %arg12[%parallel_loop3A_280, %parallel_loop3A_281], %parallel_loop3A_279 {strides = array<i32>} : memref<64x128xf32, #tpu.memory_space<vmem>>, vector<16xf32>,
        } {sc.loop_unroll_factor = 8 : i64, sc.parallel_access}
        %get3A_201 = arith.index_cast %add3A_110 : i32 to index
        %get3A_202 = arith.constant 64 : index
        %get3A_203 = tpu.vector_load %arg5[%get3A_201, %get3A_202] {strides = array<i32>} : memref<50x128xi32, #tpu.memory_space<vmem>>, vector<16xi32>,
        %shift_right_logical3A_204 = arith.constant 14 : i32
        %shift_right_logical3A_205 = vector.broadcast %shift_right_logical3A_204 : i32 to vector<16xi32>
        %shift_right_logical3A_206 = arith.shrui %get3A_203, %shift_right_logical3A_205 : vector<16xi32>
        %and3A_207 = arith.constant 1 : i32
        %and3A_208 = vector.broadcast %and3A_207 : i32 to vector<16xi32>
        %and3A_209 = arith.andi %shift_right_logical3A_206, %and3A_208 : vector<16xi32>
        %mul3A_210 = arith.constant 64 : i32
        %mul3A_211 = vector.broadcast %mul3A_210 : i32 to vector<16xi32>
        %mul3A_212 = arith.muli %and3A_209, %mul3A_211 : vector<16xi32>
        %parallel_loop3A_213 = arith.constant 0 : i32
        %parallel_loop3A_214 = arith.constant 64 : i32
        %parallel_loop3A_215 = arith.constant 1 : i32
        scf.for %parallel_loop3A_276 = %parallel_loop3A_213 to %parallel_loop3A_214 step %parallel_loop3A_215  : i32 {
          %parallel_loop3A_277 = vector.broadcast %parallel_loop3A_276 : i32 to vector<16xi32>
          %parallel_loop3A_278 = arith.addi %mul3A_212, %parallel_loop3A_277 : vector<16xi32>
          %parallel_loop3A_279 = tpu.vector_load_idx %arg8[%add3A_15, %parallel_loop3A_278] : memref<128x128xf32, #tpu.memory_space<vmem>>[vector<16xi32>, vector<16xi32>], vector<16xf32>,
          %parallel_loop3A_280 = arith.index_cast %parallel_loop3A_276 : i32 to index
          %parallel_loop3A_281 = arith.constant 64 : index
          %parallel_loop3A_282 = tpu.vector_load %arg12[%parallel_loop3A_280, %parallel_loop3A_281] {strides = array<i32>} : memref<64x128xf32, #tpu.memory_space<vmem>>, vector<16xf32>,
          tpu.vector_store %arg12[%parallel_loop3A_280, %parallel_loop3A_281], %parallel_loop3A_279 {strides = array<i32>} : memref<64x128xf32, #tpu.memory_space<vmem>>, vector<16xf32>,
        } {sc.loop_unroll_factor = 8 : i64, sc.parallel_access}
        %get3A_216 = arith.index_cast %add3A_110 : i32 to index
        %get3A_217 = arith.constant 80 : index
        %get3A_218 = tpu.vector_load %arg5[%get3A_216, %get3A_217] {strides = array<i32>} : memref<50x128xi32, #tpu.memory_space<vmem>>, vector<16xi32>,
        %shift_right_logical3A_219 = arith.constant 14 : i32
        %shift_right_logical3A_220 = vector.broadcast %shift_right_logical3A_219 : i32 to vector<16xi32>
        %shift_right_logical3A_221 = arith.shrui %get3A_218, %shift_right_logical3A_220 : vector<16xi32>
        %and3A_222 = arith.constant 1 : i32
        %and3A_223 = vector.broadcast %and3A_222 : i32 to vector<16xi32>
        %and3A_224 = arith.andi %shift_right_logical3A_221, %and3A_223 : vector<16xi32>
        %mul3A_225 = arith.constant 64 : i32
        %mul3A_226 = vector.broadcast %mul3A_225 : i32 to vector<16xi32>
        %mul3A_227 = arith.muli %and3A_224, %mul3A_226 : vector<16xi32>
        %parallel_loop3A_228 = arith.constant 0 : i32
        %parallel_loop3A_229 = arith.constant 64 : i32
        %parallel_loop3A_230 = arith.constant 1 : i32
        scf.for %parallel_loop3A_276 = %parallel_loop3A_228 to %parallel_loop3A_229 step %parallel_loop3A_230  : i32 {
          %parallel_loop3A_277 = vector.broadcast %parallel_loop3A_276 : i32 to vector<16xi32>
          %parallel_loop3A_278 = arith.addi %mul3A_227, %parallel_loop3A_277 : vector<16xi32>
          %parallel_loop3A_279 = tpu.vector_load_idx %arg8[%add3A_18, %parallel_loop3A_278] : memref<128x128xf32, #tpu.memory_space<vmem>>[vector<16xi32>, vector<16xi32>], vector<16xf32>,
          %parallel_loop3A_280 = arith.index_cast %parallel_loop3A_276 : i32 to index
          %parallel_loop3A_281 = arith.constant 80 : index
          %parallel_loop3A_282 = tpu.vector_load %arg12[%parallel_loop3A_280, %parallel_loop3A_281] {strides = array<i32>} : memref<64x128xf32, #tpu.memory_space<vmem>>, vector<16xf32>,
          tpu.vector_store %arg12[%parallel_loop3A_280, %parallel_loop3A_281], %parallel_loop3A_279 {strides = array<i32>} : memref<64x128xf32, #tpu.memory_space<vmem>>, vector<16xf32>,
        } {sc.loop_unroll_factor = 8 : i64, sc.parallel_access}
        %get3A_231 = arith.index_cast %add3A_110 : i32 to index
        %get3A_232 = arith.constant 96 : index
        %get3A_233 = tpu.vector_load %arg5[%get3A_231, %get3A_232] {strides = array<i32>} : memref<50x128xi32, #tpu.memory_space<vmem>>, vector<16xi32>,
        %shift_right_logical3A_234 = arith.constant 14 : i32
        %shift_right_logical3A_235 = vector.broadcast %shift_right_logical3A_234 : i32 to vector<16xi32>
        %shift_right_logical3A_236 = arith.shrui %get3A_233, %shift_right_logical3A_235 : vector<16xi32>
        %and3A_237 = arith.constant 1 : i32
        %and3A_238 = vector.broadcast %and3A_237 : i32 to vector<16xi32>
        %and3A_239 = arith.andi %shift_right_logical3A_236, %and3A_238 : vector<16xi32>
        %mul3A_240 = arith.constant 64 : i32
        %mul3A_241 = vector.broadcast %mul3A_240 : i32 to vector<16xi32>
        %mul3A_242 = arith.muli %and3A_239, %mul3A_241 : vector<16xi32>
        %parallel_loop3A_243 = arith.constant 0 : i32
        %parallel_loop3A_244 = arith.constant 64 : i32
        %parallel_loop3A_245 = arith.constant 1 : i32
        scf.for %parallel_loop3A_276 = %parallel_loop3A_243 to %parallel_loop3A_244 step %parallel_loop3A_245  : i32 {
          %parallel_loop3A_277 = vector.broadcast %parallel_loop3A_276 : i32 to vector<16xi32>
          %parallel_loop3A_278 = arith.addi %mul3A_242, %parallel_loop3A_277 : vector<16xi32>
          %parallel_loop3A_279 = tpu.vector_load_idx %arg8[%add3A_21, %parallel_loop3A_278] : memref<128x128xf32, #tpu.memory_space<vmem>>[vector<16xi32>, vector<16xi32>], vector<16xf32>,
          %parallel_loop3A_280 = arith.index_cast %parallel_loop3A_276 : i32 to index
          %parallel_loop3A_281 = arith.constant 96 : index
          %parallel_loop3A_282 = tpu.vector_load %arg12[%parallel_loop3A_280, %parallel_loop3A_281] {strides = array<i32>} : memref<64x128xf32, #tpu.memory_space<vmem>>, vector<16xf32>,
          tpu.vector_store %arg12[%parallel_loop3A_280, %parallel_loop3A_281], %parallel_loop3A_279 {strides = array<i32>} : memref<64x128xf32, #tpu.memory_space<vmem>>, vector<16xf32>,
        } {sc.loop_unroll_factor = 8 : i64, sc.parallel_access}
        %get3A_246 = arith.index_cast %add3A_110 : i32 to index
        %get3A_247 = arith.constant 112 : index
        %get3A_248 = tpu.vector_load %arg5[%get3A_246, %get3A_247] {strides = array<i32>} : memref<50x128xi32, #tpu.memory_space<vmem>>, vector<16xi32>,
        %shift_right_logical3A_249 = arith.constant 14 : i32
        %shift_right_logical3A_250 = vector.broadcast %shift_right_logical3A_249 : i32 to vector<16xi32>
        %shift_right_logical3A_251 = arith.shrui %get3A_248, %shift_right_logical3A_250 : vector<16xi32>
        %and3A_252 = arith.constant 1 : i32
        %and3A_253 = vector.broadcast %and3A_252 : i32 to vector<16xi32>
        %and3A_254 = arith.andi %shift_right_logical3A_251, %and3A_253 : vector<16xi32>
        %mul3A_255 = arith.constant 64 : i32
        %mul3A_256 = vector.broadcast %mul3A_255 : i32 to vector<16xi32>
        %mul3A_257 = arith.muli %and3A_254, %mul3A_256 : vector<16xi32>
        %parallel_loop3A_258 = arith.constant 0 : i32
        %parallel_loop3A_259 = arith.constant 64 : i32
        %parallel_loop3A_260 = arith.constant 1 : i32
        scf.for %parallel_loop3A_276 = %parallel_loop3A_258 to %parallel_loop3A_259 step %parallel_loop3A_260  : i32 {
          %parallel_loop3A_277 = vector.broadcast %parallel_loop3A_276 : i32 to vector<16xi32>
          %parallel_loop3A_278 = arith.addi %mul3A_257, %parallel_loop3A_277 : vector<16xi32>
          %parallel_loop3A_279 = tpu.vector_load_idx %arg8[%add3A_24, %parallel_loop3A_278] : memref<128x128xf32, #tpu.memory_space<vmem>>[vector<16xi32>, vector<16xi32>], vector<16xf32>,
          %parallel_loop3A_280 = arith.index_cast %parallel_loop3A_276 : i32 to index
          %parallel_loop3A_281 = arith.constant 112 : index
          %parallel_loop3A_282 = tpu.vector_load %arg12[%parallel_loop3A_280, %parallel_loop3A_281] {strides = array<i32>} : memref<64x128xf32, #tpu.memory_space<vmem>>, vector<16xf32>,
          tpu.vector_store %arg12[%parallel_loop3A_280, %parallel_loop3A_281], %parallel_loop3A_279 {strides = array<i32>} : memref<64x128xf32, #tpu.memory_space<vmem>>, vector<16xf32>,
        } {sc.loop_unroll_factor = 8 : i64, sc.parallel_access}
        %mul3A_261 = arith.constant 128 : i32
        %mul3A_262 = arith.muli %add3A, %mul3A_261 : i32
        %dma_start3A_263 = arith.constant 0 : i32
        %dma_start3A_264 = tpu.memref_slice %arg4[%add3A_110, %dma_start3A_263, %mul3A_262] : memref<50x64x4096xf32, #tpu.memory_space<hbm>> -> memref<1x64x128xf32, #tpu.memory_space<hbm>>
        %dma_start3A_265 = tpu.memref_squeeze %dma_start3A_264 : memref<1x64x128xf32, #tpu.memory_space<hbm>> -> memref<64x128xf32, #tpu.memory_space<hbm>>
        %dma_start3A_266 = arith.constant 0 : i32
        %dma_start3A_267 = tpu.memref_slice %arg4[%add3A_110, %dma_start3A_266, %mul3A_262] : memref<50x64x4096xf32, #tpu.memory_space<hbm>> -> memref<1x64x128xf32, #tpu.memory_space<hbm>>
        %dma_start3A_268 = tpu.memref_squeeze %dma_start3A_267 : memref<1x64x128xf32, #tpu.memory_space<hbm>> -> memref<64x128xf32, #tpu.memory_space<hbm>>
        tpu.enqueue_dma source(%arg12 : memref<64x128xf32, #tpu.memory_space<vmem>>) target(%dma_start3A_268 : memref<64x128xf32, #tpu.memory_space<hbm>>) target_semaphore(%arg20 : memref<!tpu.dma_semaphore, #tpu.memory_space<semaphore_mem>>)
        %add3A_269 = arith.constant 4 : i32
        %add3A_270 = arith.addi %add3A_110, %add3A_269 : i32
        %lt3A_271 = arith.constant 50 : i32
        %lt3A_272 = arith.cmpi slt, %add3A_270, %lt3A_271 : i32
        %convert_element_type3A_273 = arith.extui %lt3A_272 : i1 to i32
        %cond3A_274 = arith.constant 0 : i32
        %cond3A_275 = arith.cmpi ne, %convert_element_type3A_273, %cond3A_274 : i32
        scf.if %cond3A_275 {
          %add3A_276 = arith.constant 4 : i32
          %add3A_277 = arith.addi %add3A_110, %add3A_276 : i32
          %dma_start3A_278 = arith.constant 0 : i32
          %dma_start3A_279 = tpu.memref_slice %arg6[%add3A_277, %dma_start3A_278] : memref<50x128xi32, #tpu.memory_space<vmem>> -> memref<1x128xi32, #tpu.memory_space<vmem>>
          %dma_start3A_280 = tpu.memref_squeeze %dma_start3A_279 : memref<1x128xi32, #tpu.memory_space<vmem>> -> memref<128xi32, #tpu.memory_space<vmem>>
          %dma_start3A_281 = arith.constant 0 : i32
          %dma_start3A_282 = arith.constant 0 : i32
          %dma_start3A_283 = tpu.memref_slice %arg3[%dma_start3A_281, %dma_start3A_282] : memref<507904x128xf32, #tpu.memory_space<hbm>> -> memref<507904x128xf32, #tpu.memory_space<hbm>>
          tpu.enqueue_indirect_dma source(%dma_start3A_283 : memref<507904x128xf32, #tpu.memory_space<hbm>>) target(%arg8 : memref<128x128xf32, #tpu.memory_space<vmem>>) offsets(%dma_start3A_280 : memref<128xi32, #tpu.memory_space<vmem>>) semaphore(%arg16 : memref<!tpu.dma_semaphore, #tpu.memory_space<semaphore_mem>>)
        } else {
        }
      } else {
      }
      %mul3A_116 = arith.constant 4 : i32
      %mul3A_117 = arith.muli %mul3A_116, %scan3A_100 : i32
      %add3A_118 = arith.constant 2 : i32
      %add3A_119 = arith.addi %mul3A_117, %add3A_118 : i32
      %lt3A_120 = arith.constant 50 : i32
      %lt3A_121 = arith.cmpi slt, %add3A_119, %lt3A_120 : i32
      %convert_element_type3A_122 = arith.extui %lt3A_121 : i1 to i32
      %cond3A_123 = arith.constant 0 : i32
      %cond3A_124 = arith.cmpi ne, %convert_element_type3A_122, %cond3A_123 : i32
      scf.if %cond3A_124 {
        %dma_wait3A_134 = arith.constant 0 : i32
        %dma_wait3A_135 = arith.constant 0 : i32
        %dma_wait3A_136 = tpu.memref_slice %arg6[%dma_wait3A_134, %dma_wait3A_135] : memref<50x128xi32, #tpu.memory_space<vmem>> -> memref<1x128xi32, #tpu.memory_space<vmem>>
        %dma_wait3A_137 = tpu.memref_squeeze %dma_wait3A_136 : memref<1x128xi32, #tpu.memory_space<vmem>> -> memref<128xi32, #tpu.memory_space<vmem>>
        %dma_wait3A_138 = arith.constant 0 : i32
        %dma_wait3A_139 = arith.constant 0 : i32
        %dma_wait3A_140 = tpu.memref_slice %arg3[%dma_wait3A_138, %dma_wait3A_139] : memref<507904x128xf32, #tpu.memory_space<hbm>> -> memref<507904x128xf32, #tpu.memory_space<hbm>>
        tpu.wait_indirect_dma semaphore(%arg17 : memref<!tpu.dma_semaphore, #tpu.memory_space<semaphore_mem>>) src(%dma_wait3A_140 : memref<507904x128xf32, #tpu.memory_space<hbm>>) dst(%arg9 : memref<128x128xf32, #tpu.memory_space<vmem>>)
        %ge3A = arith.constant 4 : i32
        %ge3A_141 = arith.cmpi sge, %add3A_119, %ge3A : i32
        %convert_element_type3A_142 = arith.extui %ge3A_141 : i1 to i32
        %cond3A_143 = arith.constant 0 : i32
        %cond3A_144 = arith.cmpi ne, %convert_element_type3A_142, %cond3A_143 : i32
        scf.if %cond3A_144 {
          %mul3A_276 = arith.constant 128 : i32
          %mul3A_277 = arith.muli %add3A, %mul3A_276 : i32
          %dma_wait3A_278 = arith.constant 0 : i32
          %dma_wait3A_279 = arith.constant 0 : i32
          %dma_wait3A_280 = tpu.memref_slice %arg4[%dma_wait3A_278, %dma_wait3A_279, %mul3A_277] : memref<50x64x4096xf32, #tpu.memory_space<hbm>> -> memref<1x64x128xf32, #tpu.memory_space<hbm>>
          %dma_wait3A_281 = tpu.memref_squeeze %dma_wait3A_280 : memref<1x64x128xf32, #tpu.memory_space<hbm>> -> memref<64x128xf32, #tpu.memory_space<hbm>>
          %dma_wait3A_282 = arith.constant 0 : i32
          %dma_wait3A_283 = tpu.memref_slice %arg4[%dma_wait3A_278, %dma_wait3A_282, %mul3A_277] : memref<50x64x4096xf32, #tpu.memory_space<hbm>> -> memref<1x64x128xf32, #tpu.memory_space<hbm>>
          %dma_wait3A_284 = tpu.memref_squeeze %dma_wait3A_283 : memref<1x64x128xf32, #tpu.memory_space<hbm>> -> memref<64x128xf32, #tpu.memory_space<hbm>>
          tpu.wait_dma2 semaphore(%arg21 : memref<!tpu.dma_semaphore, #tpu.memory_space<semaphore_mem>>) src(%arg13 : memref<64x128xf32, #tpu.memory_space<vmem>>) dst(%dma_wait3A_284 : memref<64x128xf32, #tpu.memory_space<hbm>>)
        } else {
        }
        %get3A = arith.index_cast %add3A_119 : i32 to index
        %get3A_145 = arith.constant 0 : index
        %get3A_146 = tpu.vector_load %arg5[%get3A, %get3A_145] {strides = array<i32>} : memref<50x128xi32, #tpu.memory_space<vmem>>, vector<16xi32>,
        %shift_right_logical3A = arith.constant 14 : i32
        %shift_right_logical3A_147 = vector.broadcast %shift_right_logical3A : i32 to vector<16xi32>
        %shift_right_logical3A_148 = arith.shrui %get3A_146, %shift_right_logical3A_147 : vector<16xi32>
        %and3A = arith.constant 1 : i32
        %and3A_149 = vector.broadcast %and3A : i32 to vector<16xi32>
        %and3A_150 = arith.andi %shift_right_logical3A_148, %and3A_149 : vector<16xi32>
        %mul3A_151 = arith.constant 64 : i32
        %mul3A_152 = vector.broadcast %mul3A_151 : i32 to vector<16xi32>
        %mul3A_153 = arith.muli %and3A_150, %mul3A_152 : vector<16xi32>
        %parallel_loop3A = arith.constant 0 : i32
        %parallel_loop3A_154 = arith.constant 64 : i32
        %parallel_loop3A_155 = arith.constant 1 : i32
        scf.for %parallel_loop3A_276 = %parallel_loop3A to %parallel_loop3A_154 step %parallel_loop3A_155  : i32 {
          %parallel_loop3A_277 = vector.broadcast %parallel_loop3A_276 : i32 to vector<16xi32>
          %parallel_loop3A_278 = arith.addi %mul3A_153, %parallel_loop3A_277 : vector<16xi32>
          %parallel_loop3A_279 = tpu.vector_load_idx %arg9[%add3A_3, %parallel_loop3A_278] : memref<128x128xf32, #tpu.memory_space<vmem>>[vector<16xi32>, vector<16xi32>], vector<16xf32>,
          %parallel_loop3A_280 = arith.index_cast %parallel_loop3A_276 : i32 to index
          %parallel_loop3A_281 = arith.constant 0 : index
          %parallel_loop3A_282 = tpu.vector_load %arg13[%parallel_loop3A_280, %parallel_loop3A_281] {strides = array<i32>} : memref<64x128xf32, #tpu.memory_space<vmem>>, vector<16xf32>,
          tpu.vector_store %arg13[%parallel_loop3A_280, %parallel_loop3A_281], %parallel_loop3A_279 {strides = array<i32>} : memref<64x128xf32, #tpu.memory_space<vmem>>, vector<16xf32>,
        } {sc.loop_unroll_factor = 8 : i64, sc.parallel_access}
        %get3A_156 = arith.index_cast %add3A_119 : i32 to index
        %get3A_157 = arith.constant 16 : index
        %get3A_158 = tpu.vector_load %arg5[%get3A_156, %get3A_157] {strides = array<i32>} : memref<50x128xi32, #tpu.memory_space<vmem>>, vector<16xi32>,
        %shift_right_logical3A_159 = arith.constant 14 : i32
        %shift_right_logical3A_160 = vector.broadcast %shift_right_logical3A_159 : i32 to vector<16xi32>
        %shift_right_logical3A_161 = arith.shrui %get3A_158, %shift_right_logical3A_160 : vector<16xi32>
        %and3A_162 = arith.constant 1 : i32
        %and3A_163 = vector.broadcast %and3A_162 : i32 to vector<16xi32>
        %and3A_164 = arith.andi %shift_right_logical3A_161, %and3A_163 : vector<16xi32>
        %mul3A_165 = arith.constant 64 : i32
        %mul3A_166 = vector.broadcast %mul3A_165 : i32 to vector<16xi32>
        %mul3A_167 = arith.muli %and3A_164, %mul3A_166 : vector<16xi32>
        %parallel_loop3A_168 = arith.constant 0 : i32
        %parallel_loop3A_169 = arith.constant 64 : i32
        %parallel_loop3A_170 = arith.constant 1 : i32
        scf.for %parallel_loop3A_276 = %parallel_loop3A_168 to %parallel_loop3A_169 step %parallel_loop3A_170  : i32 {
          %parallel_loop3A_277 = vector.broadcast %parallel_loop3A_276 : i32 to vector<16xi32>
          %parallel_loop3A_278 = arith.addi %mul3A_167, %parallel_loop3A_277 : vector<16xi32>
          %parallel_loop3A_279 = tpu.vector_load_idx %arg9[%add3A_6, %parallel_loop3A_278] : memref<128x128xf32, #tpu.memory_space<vmem>>[vector<16xi32>, vector<16xi32>], vector<16xf32>,
          %parallel_loop3A_280 = arith.index_cast %parallel_loop3A_276 : i32 to index
          %parallel_loop3A_281 = arith.constant 16 : index
          %parallel_loop3A_282 = tpu.vector_load %arg13[%parallel_loop3A_280, %parallel_loop3A_281] {strides = array<i32>} : memref<64x128xf32, #tpu.memory_space<vmem>>, vector<16xf32>,
          tpu.vector_store %arg13[%parallel_loop3A_280, %parallel_loop3A_281], %parallel_loop3A_279 {strides = array<i32>} : memref<64x128xf32, #tpu.memory_space<vmem>>, vector<16xf32>,
        } {sc.loop_unroll_factor = 8 : i64, sc.parallel_access}
        %get3A_171 = arith.index_cast %add3A_119 : i32 to index
        %get3A_172 = arith.constant 32 : index
        %get3A_173 = tpu.vector_load %arg5[%get3A_171, %get3A_172] {strides = array<i32>} : memref<50x128xi32, #tpu.memory_space<vmem>>, vector<16xi32>,
        %shift_right_logical3A_174 = arith.constant 14 : i32
        %shift_right_logical3A_175 = vector.broadcast %shift_right_logical3A_174 : i32 to vector<16xi32>
        %shift_right_logical3A_176 = arith.shrui %get3A_173, %shift_right_logical3A_175 : vector<16xi32>
        %and3A_177 = arith.constant 1 : i32
        %and3A_178 = vector.broadcast %and3A_177 : i32 to vector<16xi32>
        %and3A_179 = arith.andi %shift_right_logical3A_176, %and3A_178 : vector<16xi32>
        %mul3A_180 = arith.constant 64 : i32
        %mul3A_181 = vector.broadcast %mul3A_180 : i32 to vector<16xi32>
        %mul3A_182 = arith.muli %and3A_179, %mul3A_181 : vector<16xi32>
        %parallel_loop3A_183 = arith.constant 0 : i32
        %parallel_loop3A_184 = arith.constant 64 : i32
        %parallel_loop3A_185 = arith.constant 1 : i32
        scf.for %parallel_loop3A_276 = %parallel_loop3A_183 to %parallel_loop3A_184 step %parallel_loop3A_185  : i32 {
          %parallel_loop3A_277 = vector.broadcast %parallel_loop3A_276 : i32 to vector<16xi32>
          %parallel_loop3A_278 = arith.addi %mul3A_182, %parallel_loop3A_277 : vector<16xi32>
          %parallel_loop3A_279 = tpu.vector_load_idx %arg9[%add3A_9, %parallel_loop3A_278] : memref<128x128xf32, #tpu.memory_space<vmem>>[vector<16xi32>, vector<16xi32>], vector<16xf32>,
          %parallel_loop3A_280 = arith.index_cast %parallel_loop3A_276 : i32 to index
          %parallel_loop3A_281 = arith.constant 32 : index
          %parallel_loop3A_282 = tpu.vector_load %arg13[%parallel_loop3A_280, %parallel_loop3A_281] {strides = array<i32>} : memref<64x128xf32, #tpu.memory_space<vmem>>, vector<16xf32>,
          tpu.vector_store %arg13[%parallel_loop3A_280, %parallel_loop3A_281], %parallel_loop3A_279 {strides = array<i32>} : memref<64x128xf32, #tpu.memory_space<vmem>>, vector<16xf32>,
        } {sc.loop_unroll_factor = 8 : i64, sc.parallel_access}
        %get3A_186 = arith.index_cast %add3A_119 : i32 to index
        %get3A_187 = arith.constant 48 : index
        %get3A_188 = tpu.vector_load %arg5[%get3A_186, %get3A_187] {strides = array<i32>} : memref<50x128xi32, #tpu.memory_space<vmem>>, vector<16xi32>,
        %shift_right_logical3A_189 = arith.constant 14 : i32
        %shift_right_logical3A_190 = vector.broadcast %shift_right_logical3A_189 : i32 to vector<16xi32>
        %shift_right_logical3A_191 = arith.shrui %get3A_188, %shift_right_logical3A_190 : vector<16xi32>
        %and3A_192 = arith.constant 1 : i32
        %and3A_193 = vector.broadcast %and3A_192 : i32 to vector<16xi32>
        %and3A_194 = arith.andi %shift_right_logical3A_191, %and3A_193 : vector<16xi32>
        %mul3A_195 = arith.constant 64 : i32
        %mul3A_196 = vector.broadcast %mul3A_195 : i32 to vector<16xi32>
        %mul3A_197 = arith.muli %and3A_194, %mul3A_196 : vector<16xi32>
        %parallel_loop3A_198 = arith.constant 0 : i32
        %parallel_loop3A_199 = arith.constant 64 : i32
        %parallel_loop3A_200 = arith.constant 1 : i32
        scf.for %parallel_loop3A_276 = %parallel_loop3A_198 to %parallel_loop3A_199 step %parallel_loop3A_200  : i32 {
          %parallel_loop3A_277 = vector.broadcast %parallel_loop3A_276 : i32 to vector<16xi32>
          %parallel_loop3A_278 = arith.addi %mul3A_197, %parallel_loop3A_277 : vector<16xi32>
          %parallel_loop3A_279 = tpu.vector_load_idx %arg9[%add3A_12, %parallel_loop3A_278] : memref<128x128xf32, #tpu.memory_space<vmem>>[vector<16xi32>, vector<16xi32>], vector<16xf32>,
          %parallel_loop3A_280 = arith.index_cast %parallel_loop3A_276 : i32 to index
          %parallel_loop3A_281 = arith.constant 48 : index
          %parallel_loop3A_282 = tpu.vector_load %arg13[%parallel_loop3A_280, %parallel_loop3A_281] {strides = array<i32>} : memref<64x128xf32, #tpu.memory_space<vmem>>, vector<16xf32>,
          tpu.vector_store %arg13[%parallel_loop3A_280, %parallel_loop3A_281], %parallel_loop3A_279 {strides = array<i32>} : memref<64x128xf32, #tpu.memory_space<vmem>>, vector<16xf32>,
        } {sc.loop_unroll_factor = 8 : i64, sc.parallel_access}
        %get3A_201 = arith.index_cast %add3A_119 : i32 to index
        %get3A_202 = arith.constant 64 : index
        %get3A_203 = tpu.vector_load %arg5[%get3A_201, %get3A_202] {strides = array<i32>} : memref<50x128xi32, #tpu.memory_space<vmem>>, vector<16xi32>,
        %shift_right_logical3A_204 = arith.constant 14 : i32
        %shift_right_logical3A_205 = vector.broadcast %shift_right_logical3A_204 : i32 to vector<16xi32>
        %shift_right_logical3A_206 = arith.shrui %get3A_203, %shift_right_logical3A_205 : vector<16xi32>
        %and3A_207 = arith.constant 1 : i32
        %and3A_208 = vector.broadcast %and3A_207 : i32 to vector<16xi32>
        %and3A_209 = arith.andi %shift_right_logical3A_206, %and3A_208 : vector<16xi32>
        %mul3A_210 = arith.constant 64 : i32
        %mul3A_211 = vector.broadcast %mul3A_210 : i32 to vector<16xi32>
        %mul3A_212 = arith.muli %and3A_209, %mul3A_211 : vector<16xi32>
        %parallel_loop3A_213 = arith.constant 0 : i32
        %parallel_loop3A_214 = arith.constant 64 : i32
        %parallel_loop3A_215 = arith.constant 1 : i32
        scf.for %parallel_loop3A_276 = %parallel_loop3A_213 to %parallel_loop3A_214 step %parallel_loop3A_215  : i32 {
          %parallel_loop3A_277 = vector.broadcast %parallel_loop3A_276 : i32 to vector<16xi32>
          %parallel_loop3A_278 = arith.addi %mul3A_212, %parallel_loop3A_277 : vector<16xi32>
          %parallel_loop3A_279 = tpu.vector_load_idx %arg9[%add3A_15, %parallel_loop3A_278] : memref<128x128xf32, #tpu.memory_space<vmem>>[vector<16xi32>, vector<16xi32>], vector<16xf32>,
          %parallel_loop3A_280 = arith.index_cast %parallel_loop3A_276 : i32 to index
          %parallel_loop3A_281 = arith.constant 64 : index
          %parallel_loop3A_282 = tpu.vector_load %arg13[%parallel_loop3A_280, %parallel_loop3A_281] {strides = array<i32>} : memref<64x128xf32, #tpu.memory_space<vmem>>, vector<16xf32>,
          tpu.vector_store %arg13[%parallel_loop3A_280, %parallel_loop3A_281], %parallel_loop3A_279 {strides = array<i32>} : memref<64x128xf32, #tpu.memory_space<vmem>>, vector<16xf32>,
        } {sc.loop_unroll_factor = 8 : i64, sc.parallel_access}
        %get3A_216 = arith.index_cast %add3A_119 : i32 to index
        %get3A_217 = arith.constant 80 : index
        %get3A_218 = tpu.vector_load %arg5[%get3A_216, %get3A_217] {strides = array<i32>} : memref<50x128xi32, #tpu.memory_space<vmem>>, vector<16xi32>,
        %shift_right_logical3A_219 = arith.constant 14 : i32
        %shift_right_logical3A_220 = vector.broadcast %shift_right_logical3A_219 : i32 to vector<16xi32>
        %shift_right_logical3A_221 = arith.shrui %get3A_218, %shift_right_logical3A_220 : vector<16xi32>
        %and3A_222 = arith.constant 1 : i32
        %and3A_223 = vector.broadcast %and3A_222 : i32 to vector<16xi32>
        %and3A_224 = arith.andi %shift_right_logical3A_221, %and3A_223 : vector<16xi32>
        %mul3A_225 = arith.constant 64 : i32
        %mul3A_226 = vector.broadcast %mul3A_225 : i32 to vector<16xi32>
        %mul3A_227 = arith.muli %and3A_224, %mul3A_226 : vector<16xi32>
        %parallel_loop3A_228 = arith.constant 0 : i32
        %parallel_loop3A_229 = arith.constant 64 : i32
        %parallel_loop3A_230 = arith.constant 1 : i32
        scf.for %parallel_loop3A_276 = %parallel_loop3A_228 to %parallel_loop3A_229 step %parallel_loop3A_230  : i32 {
          %parallel_loop3A_277 = vector.broadcast %parallel_loop3A_276 : i32 to vector<16xi32>
          %parallel_loop3A_278 = arith.addi %mul3A_227, %parallel_loop3A_277 : vector<16xi32>
          %parallel_loop3A_279 = tpu.vector_load_idx %arg9[%add3A_18, %parallel_loop3A_278] : memref<128x128xf32, #tpu.memory_space<vmem>>[vector<16xi32>, vector<16xi32>], vector<16xf32>,
          %parallel_loop3A_280 = arith.index_cast %parallel_loop3A_276 : i32 to index
          %parallel_loop3A_281 = arith.constant 80 : index
          %parallel_loop3A_282 = tpu.vector_load %arg13[%parallel_loop3A_280, %parallel_loop3A_281] {strides = array<i32>} : memref<64x128xf32, #tpu.memory_space<vmem>>, vector<16xf32>,
          tpu.vector_store %arg13[%parallel_loop3A_280, %parallel_loop3A_281], %parallel_loop3A_279 {strides = array<i32>} : memref<64x128xf32, #tpu.memory_space<vmem>>, vector<16xf32>,
        } {sc.loop_unroll_factor = 8 : i64, sc.parallel_access}
        %get3A_231 = arith.index_cast %add3A_119 : i32 to index
        %get3A_232 = arith.constant 96 : index
        %get3A_233 = tpu.vector_load %arg5[%get3A_231, %get3A_232] {strides = array<i32>} : memref<50x128xi32, #tpu.memory_space<vmem>>, vector<16xi32>,
        %shift_right_logical3A_234 = arith.constant 14 : i32
        %shift_right_logical3A_235 = vector.broadcast %shift_right_logical3A_234 : i32 to vector<16xi32>
        %shift_right_logical3A_236 = arith.shrui %get3A_233, %shift_right_logical3A_235 : vector<16xi32>
        %and3A_237 = arith.constant 1 : i32
        %and3A_238 = vector.broadcast %and3A_237 : i32 to vector<16xi32>
        %and3A_239 = arith.andi %shift_right_logical3A_236, %and3A_238 : vector<16xi32>
        %mul3A_240 = arith.constant 64 : i32
        %mul3A_241 = vector.broadcast %mul3A_240 : i32 to vector<16xi32>
        %mul3A_242 = arith.muli %and3A_239, %mul3A_241 : vector<16xi32>
        %parallel_loop3A_243 = arith.constant 0 : i32
        %parallel_loop3A_244 = arith.constant 64 : i32
        %parallel_loop3A_245 = arith.constant 1 : i32
        scf.for %parallel_loop3A_276 = %parallel_loop3A_243 to %parallel_loop3A_244 step %parallel_loop3A_245  : i32 {
          %parallel_loop3A_277 = vector.broadcast %parallel_loop3A_276 : i32 to vector<16xi32>
          %parallel_loop3A_278 = arith.addi %mul3A_242, %parallel_loop3A_277 : vector<16xi32>
          %parallel_loop3A_279 = tpu.vector_load_idx %arg9[%add3A_21, %parallel_loop3A_278] : memref<128x128xf32, #tpu.memory_space<vmem>>[vector<16xi32>, vector<16xi32>], vector<16xf32>,
          %parallel_loop3A_280 = arith.index_cast %parallel_loop3A_276 : i32 to index
          %parallel_loop3A_281 = arith.constant 96 : index
          %parallel_loop3A_282 = tpu.vector_load %arg13[%parallel_loop3A_280, %parallel_loop3A_281] {strides = array<i32>} : memref<64x128xf32, #tpu.memory_space<vmem>>, vector<16xf32>,
          tpu.vector_store %arg13[%parallel_loop3A_280, %parallel_loop3A_281], %parallel_loop3A_279 {strides = array<i32>} : memref<64x128xf32, #tpu.memory_space<vmem>>, vector<16xf32>,
        } {sc.loop_unroll_factor = 8 : i64, sc.parallel_access}
        %get3A_246 = arith.index_cast %add3A_119 : i32 to index
        %get3A_247 = arith.constant 112 : index
        %get3A_248 = tpu.vector_load %arg5[%get3A_246, %get3A_247] {strides = array<i32>} : memref<50x128xi32, #tpu.memory_space<vmem>>, vector<16xi32>,
        %shift_right_logical3A_249 = arith.constant 14 : i32
        %shift_right_logical3A_250 = vector.broadcast %shift_right_logical3A_249 : i32 to vector<16xi32>
        %shift_right_logical3A_251 = arith.shrui %get3A_248, %shift_right_logical3A_250 : vector<16xi32>
        %and3A_252 = arith.constant 1 : i32
        %and3A_253 = vector.broadcast %and3A_252 : i32 to vector<16xi32>
        %and3A_254 = arith.andi %shift_right_logical3A_251, %and3A_253 : vector<16xi32>
        %mul3A_255 = arith.constant 64 : i32
        %mul3A_256 = vector.broadcast %mul3A_255 : i32 to vector<16xi32>
        %mul3A_257 = arith.muli %and3A_254, %mul3A_256 : vector<16xi32>
        %parallel_loop3A_258 = arith.constant 0 : i32
        %parallel_loop3A_259 = arith.constant 64 : i32
        %parallel_loop3A_260 = arith.constant 1 : i32
        scf.for %parallel_loop3A_276 = %parallel_loop3A_258 to %parallel_loop3A_259 step %parallel_loop3A_260  : i32 {
          %parallel_loop3A_277 = vector.broadcast %parallel_loop3A_276 : i32 to vector<16xi32>
          %parallel_loop3A_278 = arith.addi %mul3A_257, %parallel_loop3A_277 : vector<16xi32>
          %parallel_loop3A_279 = tpu.vector_load_idx %arg9[%add3A_24, %parallel_loop3A_278] : memref<128x128xf32, #tpu.memory_space<vmem>>[vector<16xi32>, vector<16xi32>], vector<16xf32>,
          %parallel_loop3A_280 = arith.index_cast %parallel_loop3A_276 : i32 to index
          %parallel_loop3A_281 = arith.constant 112 : index
          %parallel_loop3A_282 = tpu.vector_load %arg13[%parallel_loop3A_280, %parallel_loop3A_281] {strides = array<i32>} : memref<64x128xf32, #tpu.memory_space<vmem>>, vector<16xf32>,
          tpu.vector_store %arg13[%parallel_loop3A_280, %parallel_loop3A_281], %parallel_loop3A_279 {strides = array<i32>} : memref<64x128xf32, #tpu.memory_space<vmem>>, vector<16xf32>,
        } {sc.loop_unroll_factor = 8 : i64, sc.parallel_access}
        %mul3A_261 = arith.constant 128 : i32
        %mul3A_262 = arith.muli %add3A, %mul3A_261 : i32
        %dma_start3A_263 = arith.constant 0 : i32
        %dma_start3A_264 = tpu.memref_slice %arg4[%add3A_119, %dma_start3A_263, %mul3A_262] : memref<50x64x4096xf32, #tpu.memory_space<hbm>> -> memref<1x64x128xf32, #tpu.memory_space<hbm>>
        %dma_start3A_265 = tpu.memref_squeeze %dma_start3A_264 : memref<1x64x128xf32, #tpu.memory_space<hbm>> -> memref<64x128xf32, #tpu.memory_space<hbm>>
        %dma_start3A_266 = arith.constant 0 : i32
        %dma_start3A_267 = tpu.memref_slice %arg4[%add3A_119, %dma_start3A_266, %mul3A_262] : memref<50x64x4096xf32, #tpu.memory_space<hbm>> -> memref<1x64x128xf32, #tpu.memory_space<hbm>>
        %dma_start3A_268 = tpu.memref_squeeze %dma_start3A_267 : memref<1x64x128xf32, #tpu.memory_space<hbm>> -> memref<64x128xf32, #tpu.memory_space<hbm>>
        tpu.enqueue_dma source(%arg13 : memref<64x128xf32, #tpu.memory_space<vmem>>) target(%dma_start3A_268 : memref<64x128xf32, #tpu.memory_space<hbm>>) target_semaphore(%arg21 : memref<!tpu.dma_semaphore, #tpu.memory_space<semaphore_mem>>)
        %add3A_269 = arith.constant 4 : i32
        %add3A_270 = arith.addi %add3A_119, %add3A_269 : i32
        %lt3A_271 = arith.constant 50 : i32
        %lt3A_272 = arith.cmpi slt, %add3A_270, %lt3A_271 : i32
        %convert_element_type3A_273 = arith.extui %lt3A_272 : i1 to i32
        %cond3A_274 = arith.constant 0 : i32
        %cond3A_275 = arith.cmpi ne, %convert_element_type3A_273, %cond3A_274 : i32
        scf.if %cond3A_275 {
          %add3A_276 = arith.constant 4 : i32
          %add3A_277 = arith.addi %add3A_119, %add3A_276 : i32
          %dma_start3A_278 = arith.constant 0 : i32
          %dma_start3A_279 = tpu.memref_slice %arg6[%add3A_277, %dma_start3A_278] : memref<50x128xi32, #tpu.memory_space<vmem>> -> memref<1x128xi32, #tpu.memory_space<vmem>>
          %dma_start3A_280 = tpu.memref_squeeze %dma_start3A_279 : memref<1x128xi32, #tpu.memory_space<vmem>> -> memref<128xi32, #tpu.memory_space<vmem>>
          %dma_start3A_281 = arith.constant 0 : i32
          %dma_start3A_282 = arith.constant 0 : i32
          %dma_start3A_283 = tpu.memref_slice %arg3[%dma_start3A_281, %dma_start3A_282] : memref<507904x128xf32, #tpu.memory_space<hbm>> -> memref<507904x128xf32, #tpu.memory_space<hbm>>
          tpu.enqueue_indirect_dma source(%dma_start3A_283 : memref<507904x128xf32, #tpu.memory_space<hbm>>) target(%arg9 : memref<128x128xf32, #tpu.memory_space<vmem>>) offsets(%dma_start3A_280 : memref<128xi32, #tpu.memory_space<vmem>>) semaphore(%arg17 : memref<!tpu.dma_semaphore, #tpu.memory_space<semaphore_mem>>)
        } else {
        }
      } else {
      }
      %mul3A_125 = arith.constant 4 : i32
      %mul3A_126 = arith.muli %mul3A_125, %scan3A_100 : i32
      %add3A_127 = arith.constant 3 : i32
      %add3A_128 = arith.addi %mul3A_126, %add3A_127 : i32
      %lt3A_129 = arith.constant 50 : i32
      %lt3A_130 = arith.cmpi slt, %add3A_128, %lt3A_129 : i32
      %convert_element_type3A_131 = arith.extui %lt3A_130 : i1 to i32
      %cond3A_132 = arith.constant 0 : i32
      %cond3A_133 = arith.cmpi ne, %convert_element_type3A_131, %cond3A_132 : i32
      scf.if %cond3A_133 {
        %dma_wait3A_134 = arith.constant 0 : i32
        %dma_wait3A_135 = arith.constant 0 : i32
        %dma_wait3A_136 = tpu.memref_slice %arg6[%dma_wait3A_134, %dma_wait3A_135] : memref<50x128xi32, #tpu.memory_space<vmem>> -> memref<1x128xi32, #tpu.memory_space<vmem>>
        %dma_wait3A_137 = tpu.memref_squeeze %dma_wait3A_136 : memref<1x128xi32, #tpu.memory_space<vmem>> -> memref<128xi32, #tpu.memory_space<vmem>>
        %dma_wait3A_138 = arith.constant 0 : i32
        %dma_wait3A_139 = arith.constant 0 : i32
        %dma_wait3A_140 = tpu.memref_slice %arg3[%dma_wait3A_138, %dma_wait3A_139] : memref<507904x128xf32, #tpu.memory_space<hbm>> -> memref<507904x128xf32, #tpu.memory_space<hbm>>
        tpu.wait_indirect_dma semaphore(%arg18 : memref<!tpu.dma_semaphore, #tpu.memory_space<semaphore_mem>>) src(%dma_wait3A_140 : memref<507904x128xf32, #tpu.memory_space<hbm>>) dst(%arg10 : memref<128x128xf32, #tpu.memory_space<vmem>>)
        %ge3A = arith.constant 4 : i32
        %ge3A_141 = arith.cmpi sge, %add3A_128, %ge3A : i32
        %convert_element_type3A_142 = arith.extui %ge3A_141 : i1 to i32
        %cond3A_143 = arith.constant 0 : i32
        %cond3A_144 = arith.cmpi ne, %convert_element_type3A_142, %cond3A_143 : i32
        scf.if %cond3A_144 {
          %mul3A_276 = arith.constant 128 : i32
          %mul3A_277 = arith.muli %add3A, %mul3A_276 : i32
          %dma_wait3A_278 = arith.constant 0 : i32
          %dma_wait3A_279 = arith.constant 0 : i32
          %dma_wait3A_280 = tpu.memref_slice %arg4[%dma_wait3A_278, %dma_wait3A_279, %mul3A_277] : memref<50x64x4096xf32, #tpu.memory_space<hbm>> -> memref<1x64x128xf32, #tpu.memory_space<hbm>>
          %dma_wait3A_281 = tpu.memref_squeeze %dma_wait3A_280 : memref<1x64x128xf32, #tpu.memory_space<hbm>> -> memref<64x128xf32, #tpu.memory_space<hbm>>
          %dma_wait3A_282 = arith.constant 0 : i32
          %dma_wait3A_283 = tpu.memref_slice %arg4[%dma_wait3A_278, %dma_wait3A_282, %mul3A_277] : memref<50x64x4096xf32, #tpu.memory_space<hbm>> -> memref<1x64x128xf32, #tpu.memory_space<hbm>>
          %dma_wait3A_284 = tpu.memref_squeeze %dma_wait3A_283 : memref<1x64x128xf32, #tpu.memory_space<hbm>> -> memref<64x128xf32, #tpu.memory_space<hbm>>
          tpu.wait_dma2 semaphore(%arg22 : memref<!tpu.dma_semaphore, #tpu.memory_space<semaphore_mem>>) src(%arg14 : memref<64x128xf32, #tpu.memory_space<vmem>>) dst(%dma_wait3A_284 : memref<64x128xf32, #tpu.memory_space<hbm>>)
        } else {
        }
        %get3A = arith.index_cast %add3A_128 : i32 to index
        %get3A_145 = arith.constant 0 : index
        %get3A_146 = tpu.vector_load %arg5[%get3A, %get3A_145] {strides = array<i32>} : memref<50x128xi32, #tpu.memory_space<vmem>>, vector<16xi32>,
        %shift_right_logical3A = arith.constant 14 : i32
        %shift_right_logical3A_147 = vector.broadcast %shift_right_logical3A : i32 to vector<16xi32>
        %shift_right_logical3A_148 = arith.shrui %get3A_146, %shift_right_logical3A_147 : vector<16xi32>
        %and3A = arith.constant 1 : i32
        %and3A_149 = vector.broadcast %and3A : i32 to vector<16xi32>
        %and3A_150 = arith.andi %shift_right_logical3A_148, %and3A_149 : vector<16xi32>
        %mul3A_151 = arith.constant 64 : i32
        %mul3A_152 = vector.broadcast %mul3A_151 : i32 to vector<16xi32>
        %mul3A_153 = arith.muli %and3A_150, %mul3A_152 : vector<16xi32>
        %parallel_loop3A = arith.constant 0 : i32
        %parallel_loop3A_154 = arith.constant 64 : i32
        %parallel_loop3A_155 = arith.constant 1 : i32
        scf.for %parallel_loop3A_276 = %parallel_loop3A to %parallel_loop3A_154 step %parallel_loop3A_155  : i32 {
          %parallel_loop3A_277 = vector.broadcast %parallel_loop3A_276 : i32 to vector<16xi32>
          %parallel_loop3A_278 = arith.addi %mul3A_153, %parallel_loop3A_277 : vector<16xi32>
          %parallel_loop3A_279 = tpu.vector_load_idx %arg10[%add3A_3, %parallel_loop3A_278] : memref<128x128xf32, #tpu.memory_space<vmem>>[vector<16xi32>, vector<16xi32>], vector<16xf32>,
          %parallel_loop3A_280 = arith.index_cast %parallel_loop3A_276 : i32 to index
          %parallel_loop3A_281 = arith.constant 0 : index
          %parallel_loop3A_282 = tpu.vector_load %arg14[%parallel_loop3A_280, %parallel_loop3A_281] {strides = array<i32>} : memref<64x128xf32, #tpu.memory_space<vmem>>, vector<16xf32>,
          tpu.vector_store %arg14[%parallel_loop3A_280, %parallel_loop3A_281], %parallel_loop3A_279 {strides = array<i32>} : memref<64x128xf32, #tpu.memory_space<vmem>>, vector<16xf32>,
        } {sc.loop_unroll_factor = 8 : i64, sc.parallel_access}
        %get3A_156 = arith.index_cast %add3A_128 : i32 to index
        %get3A_157 = arith.constant 16 : index
        %get3A_158 = tpu.vector_load %arg5[%get3A_156, %get3A_157] {strides = array<i32>} : memref<50x128xi32, #tpu.memory_space<vmem>>, vector<16xi32>,
        %shift_right_logical3A_159 = arith.constant 14 : i32
        %shift_right_logical3A_160 = vector.broadcast %shift_right_logical3A_159 : i32 to vector<16xi32>
        %shift_right_logical3A_161 = arith.shrui %get3A_158, %shift_right_logical3A_160 : vector<16xi32>
        %and3A_162 = arith.constant 1 : i32
        %and3A_163 = vector.broadcast %and3A_162 : i32 to vector<16xi32>
        %and3A_164 = arith.andi %shift_right_logical3A_161, %and3A_163 : vector<16xi32>
        %mul3A_165 = arith.constant 64 : i32
        %mul3A_166 = vector.broadcast %mul3A_165 : i32 to vector<16xi32>
        %mul3A_167 = arith.muli %and3A_164, %mul3A_166 : vector<16xi32>
        %parallel_loop3A_168 = arith.constant 0 : i32
        %parallel_loop3A_169 = arith.constant 64 : i32
        %parallel_loop3A_170 = arith.constant 1 : i32
        scf.for %parallel_loop3A_276 = %parallel_loop3A_168 to %parallel_loop3A_169 step %parallel_loop3A_170  : i32 {
          %parallel_loop3A_277 = vector.broadcast %parallel_loop3A_276 : i32 to vector<16xi32>
          %parallel_loop3A_278 = arith.addi %mul3A_167, %parallel_loop3A_277 : vector<16xi32>
          %parallel_loop3A_279 = tpu.vector_load_idx %arg10[%add3A_6, %parallel_loop3A_278] : memref<128x128xf32, #tpu.memory_space<vmem>>[vector<16xi32>, vector<16xi32>], vector<16xf32>,
          %parallel_loop3A_280 = arith.index_cast %parallel_loop3A_276 : i32 to index
          %parallel_loop3A_281 = arith.constant 16 : index
          %parallel_loop3A_282 = tpu.vector_load %arg14[%parallel_loop3A_280, %parallel_loop3A_281] {strides = array<i32>} : memref<64x128xf32, #tpu.memory_space<vmem>>, vector<16xf32>,
          tpu.vector_store %arg14[%parallel_loop3A_280, %parallel_loop3A_281], %parallel_loop3A_279 {strides = array<i32>} : memref<64x128xf32, #tpu.memory_space<vmem>>, vector<16xf32>,
        } {sc.loop_unroll_factor = 8 : i64, sc.parallel_access}
        %get3A_171 = arith.index_cast %add3A_128 : i32 to index
        %get3A_172 = arith.constant 32 : index
        %get3A_173 = tpu.vector_load %arg5[%get3A_171, %get3A_172] {strides = array<i32>} : memref<50x128xi32, #tpu.memory_space<vmem>>, vector<16xi32>,
        %shift_right_logical3A_174 = arith.constant 14 : i32
        %shift_right_logical3A_175 = vector.broadcast %shift_right_logical3A_174 : i32 to vector<16xi32>
        %shift_right_logical3A_176 = arith.shrui %get3A_173, %shift_right_logical3A_175 : vector<16xi32>
        %and3A_177 = arith.constant 1 : i32
        %and3A_178 = vector.broadcast %and3A_177 : i32 to vector<16xi32>
        %and3A_179 = arith.andi %shift_right_logical3A_176, %and3A_178 : vector<16xi32>
        %mul3A_180 = arith.constant 64 : i32
        %mul3A_181 = vector.broadcast %mul3A_180 : i32 to vector<16xi32>
        %mul3A_182 = arith.muli %and3A_179, %mul3A_181 : vector<16xi32>
        %parallel_loop3A_183 = arith.constant 0 : i32
        %parallel_loop3A_184 = arith.constant 64 : i32
        %parallel_loop3A_185 = arith.constant 1 : i32
        scf.for %parallel_loop3A_276 = %parallel_loop3A_183 to %parallel_loop3A_184 step %parallel_loop3A_185  : i32 {
          %parallel_loop3A_277 = vector.broadcast %parallel_loop3A_276 : i32 to vector<16xi32>
          %parallel_loop3A_278 = arith.addi %mul3A_182, %parallel_loop3A_277 : vector<16xi32>
          %parallel_loop3A_279 = tpu.vector_load_idx %arg10[%add3A_9, %parallel_loop3A_278] : memref<128x128xf32, #tpu.memory_space<vmem>>[vector<16xi32>, vector<16xi32>], vector<16xf32>,
          %parallel_loop3A_280 = arith.index_cast %parallel_loop3A_276 : i32 to index
          %parallel_loop3A_281 = arith.constant 32 : index
          %parallel_loop3A_282 = tpu.vector_load %arg14[%parallel_loop3A_280, %parallel_loop3A_281] {strides = array<i32>} : memref<64x128xf32, #tpu.memory_space<vmem>>, vector<16xf32>,
          tpu.vector_store %arg14[%parallel_loop3A_280, %parallel_loop3A_281], %parallel_loop3A_279 {strides = array<i32>} : memref<64x128xf32, #tpu.memory_space<vmem>>, vector<16xf32>,
        } {sc.loop_unroll_factor = 8 : i64, sc.parallel_access}
        %get3A_186 = arith.index_cast %add3A_128 : i32 to index
        %get3A_187 = arith.constant 48 : index
        %get3A_188 = tpu.vector_load %arg5[%get3A_186, %get3A_187] {strides = array<i32>} : memref<50x128xi32, #tpu.memory_space<vmem>>, vector<16xi32>,
        %shift_right_logical3A_189 = arith.constant 14 : i32
        %shift_right_logical3A_190 = vector.broadcast %shift_right_logical3A_189 : i32 to vector<16xi32>
        %shift_right_logical3A_191 = arith.shrui %get3A_188, %shift_right_logical3A_190 : vector<16xi32>
        %and3A_192 = arith.constant 1 : i32
        %and3A_193 = vector.broadcast %and3A_192 : i32 to vector<16xi32>
        %and3A_194 = arith.andi %shift_right_logical3A_191, %and3A_193 : vector<16xi32>
        %mul3A_195 = arith.constant 64 : i32
        %mul3A_196 = vector.broadcast %mul3A_195 : i32 to vector<16xi32>
        %mul3A_197 = arith.muli %and3A_194, %mul3A_196 : vector<16xi32>
        %parallel_loop3A_198 = arith.constant 0 : i32
        %parallel_loop3A_199 = arith.constant 64 : i32
        %parallel_loop3A_200 = arith.constant 1 : i32
        scf.for %parallel_loop3A_276 = %parallel_loop3A_198 to %parallel_loop3A_199 step %parallel_loop3A_200  : i32 {
          %parallel_loop3A_277 = vector.broadcast %parallel_loop3A_276 : i32 to vector<16xi32>
          %parallel_loop3A_278 = arith.addi %mul3A_197, %parallel_loop3A_277 : vector<16xi32>
          %parallel_loop3A_279 = tpu.vector_load_idx %arg10[%add3A_12, %parallel_loop3A_278] : memref<128x128xf32, #tpu.memory_space<vmem>>[vector<16xi32>, vector<16xi32>], vector<16xf32>,
          %parallel_loop3A_280 = arith.index_cast %parallel_loop3A_276 : i32 to index
          %parallel_loop3A_281 = arith.constant 48 : index
          %parallel_loop3A_282 = tpu.vector_load %arg14[%parallel_loop3A_280, %parallel_loop3A_281] {strides = array<i32>} : memref<64x128xf32, #tpu.memory_space<vmem>>, vector<16xf32>,
          tpu.vector_store %arg14[%parallel_loop3A_280, %parallel_loop3A_281], %parallel_loop3A_279 {strides = array<i32>} : memref<64x128xf32, #tpu.memory_space<vmem>>, vector<16xf32>,
        } {sc.loop_unroll_factor = 8 : i64, sc.parallel_access}
        %get3A_201 = arith.index_cast %add3A_128 : i32 to index
        %get3A_202 = arith.constant 64 : index
        %get3A_203 = tpu.vector_load %arg5[%get3A_201, %get3A_202] {strides = array<i32>} : memref<50x128xi32, #tpu.memory_space<vmem>>, vector<16xi32>,
        %shift_right_logical3A_204 = arith.constant 14 : i32
        %shift_right_logical3A_205 = vector.broadcast %shift_right_logical3A_204 : i32 to vector<16xi32>
        %shift_right_logical3A_206 = arith.shrui %get3A_203, %shift_right_logical3A_205 : vector<16xi32>
        %and3A_207 = arith.constant 1 : i32
        %and3A_208 = vector.broadcast %and3A_207 : i32 to vector<16xi32>
        %and3A_209 = arith.andi %shift_right_logical3A_206, %and3A_208 : vector<16xi32>
        %mul3A_210 = arith.constant 64 : i32
        %mul3A_211 = vector.broadcast %mul3A_210 : i32 to vector<16xi32>
        %mul3A_212 = arith.muli %and3A_209, %mul3A_211 : vector<16xi32>
        %parallel_loop3A_213 = arith.constant 0 : i32
        %parallel_loop3A_214 = arith.constant 64 : i32
        %parallel_loop3A_215 = arith.constant 1 : i32
        scf.for %parallel_loop3A_276 = %parallel_loop3A_213 to %parallel_loop3A_214 step %parallel_loop3A_215  : i32 {
          %parallel_loop3A_277 = vector.broadcast %parallel_loop3A_276 : i32 to vector<16xi32>
          %parallel_loop3A_278 = arith.addi %mul3A_212, %parallel_loop3A_277 : vector<16xi32>
          %parallel_loop3A_279 = tpu.vector_load_idx %arg10[%add3A_15, %parallel_loop3A_278] : memref<128x128xf32, #tpu.memory_space<vmem>>[vector<16xi32>, vector<16xi32>], vector<16xf32>,
          %parallel_loop3A_280 = arith.index_cast %parallel_loop3A_276 : i32 to index
          %parallel_loop3A_281 = arith.constant 64 : index
          %parallel_loop3A_282 = tpu.vector_load %arg14[%parallel_loop3A_280, %parallel_loop3A_281] {strides = array<i32>} : memref<64x128xf32, #tpu.memory_space<vmem>>, vector<16xf32>,
          tpu.vector_store %arg14[%parallel_loop3A_280, %parallel_loop3A_281], %parallel_loop3A_279 {strides = array<i32>} : memref<64x128xf32, #tpu.memory_space<vmem>>, vector<16xf32>,
        } {sc.loop_unroll_factor = 8 : i64, sc.parallel_access}
        %get3A_216 = arith.index_cast %add3A_128 : i32 to index
        %get3A_217 = arith.constant 80 : index
        %get3A_218 = tpu.vector_load %arg5[%get3A_216, %get3A_217] {strides = array<i32>} : memref<50x128xi32, #tpu.memory_space<vmem>>, vector<16xi32>,
        %shift_right_logical3A_219 = arith.constant 14 : i32
        %shift_right_logical3A_220 = vector.broadcast %shift_right_logical3A_219 : i32 to vector<16xi32>
        %shift_right_logical3A_221 = arith.shrui %get3A_218, %shift_right_logical3A_220 : vector<16xi32>
        %and3A_222 = arith.constant 1 : i32
        %and3A_223 = vector.broadcast %and3A_222 : i32 to vector<16xi32>
        %and3A_224 = arith.andi %shift_right_logical3A_221, %and3A_223 : vector<16xi32>
        %mul3A_225 = arith.constant 64 : i32
        %mul3A_226 = vector.broadcast %mul3A_225 : i32 to vector<16xi32>
        %mul3A_227 = arith.muli %and3A_224, %mul3A_226 : vector<16xi32>
        %parallel_loop3A_228 = arith.constant 0 : i32
        %parallel_loop3A_229 = arith.constant 64 : i32
        %parallel_loop3A_230 = arith.constant 1 : i32
        scf.for %parallel_loop3A_276 = %parallel_loop3A_228 to %parallel_loop3A_229 step %parallel_loop3A_230  : i32 {
          %parallel_loop3A_277 = vector.broadcast %parallel_loop3A_276 : i32 to vector<16xi32>
          %parallel_loop3A_278 = arith.addi %mul3A_227, %parallel_loop3A_277 : vector<16xi32>
          %parallel_loop3A_279 = tpu.vector_load_idx %arg10[%add3A_18, %parallel_loop3A_278] : memref<128x128xf32, #tpu.memory_space<vmem>>[vector<16xi32>, vector<16xi32>], vector<16xf32>,
          %parallel_loop3A_280 = arith.index_cast %parallel_loop3A_276 : i32 to index
          %parallel_loop3A_281 = arith.constant 80 : index
          %parallel_loop3A_282 = tpu.vector_load %arg14[%parallel_loop3A_280, %parallel_loop3A_281] {strides = array<i32>} : memref<64x128xf32, #tpu.memory_space<vmem>>, vector<16xf32>,
          tpu.vector_store %arg14[%parallel_loop3A_280, %parallel_loop3A_281], %parallel_loop3A_279 {strides = array<i32>} : memref<64x128xf32, #tpu.memory_space<vmem>>, vector<16xf32>,
        } {sc.loop_unroll_factor = 8 : i64, sc.parallel_access}
        %get3A_231 = arith.index_cast %add3A_128 : i32 to index
        %get3A_232 = arith.constant 96 : index
        %get3A_233 = tpu.vector_load %arg5[%get3A_231, %get3A_232] {strides = array<i32>} : memref<50x128xi32, #tpu.memory_space<vmem>>, vector<16xi32>,
        %shift_right_logical3A_234 = arith.constant 14 : i32
        %shift_right_logical3A_235 = vector.broadcast %shift_right_logical3A_234 : i32 to vector<16xi32>
        %shift_right_logical3A_236 = arith.shrui %get3A_233, %shift_right_logical3A_235 : vector<16xi32>
        %and3A_237 = arith.constant 1 : i32
        %and3A_238 = vector.broadcast %and3A_237 : i32 to vector<16xi32>
        %and3A_239 = arith.andi %shift_right_logical3A_236, %and3A_238 : vector<16xi32>
        %mul3A_240 = arith.constant 64 : i32
        %mul3A_241 = vector.broadcast %mul3A_240 : i32 to vector<16xi32>
        %mul3A_242 = arith.muli %and3A_239, %mul3A_241 : vector<16xi32>
        %parallel_loop3A_243 = arith.constant 0 : i32
        %parallel_loop3A_244 = arith.constant 64 : i32
        %parallel_loop3A_245 = arith.constant 1 : i32
        scf.for %parallel_loop3A_276 = %parallel_loop3A_243 to %parallel_loop3A_244 step %parallel_loop3A_245  : i32 {
          %parallel_loop3A_277 = vector.broadcast %parallel_loop3A_276 : i32 to vector<16xi32>
          %parallel_loop3A_278 = arith.addi %mul3A_242, %parallel_loop3A_277 : vector<16xi32>
          %parallel_loop3A_279 = tpu.vector_load_idx %arg10[%add3A_21, %parallel_loop3A_278] : memref<128x128xf32, #tpu.memory_space<vmem>>[vector<16xi32>, vector<16xi32>], vector<16xf32>,
          %parallel_loop3A_280 = arith.index_cast %parallel_loop3A_276 : i32 to index
          %parallel_loop3A_281 = arith.constant 96 : index
          %parallel_loop3A_282 = tpu.vector_load %arg14[%parallel_loop3A_280, %parallel_loop3A_281] {strides = array<i32>} : memref<64x128xf32, #tpu.memory_space<vmem>>, vector<16xf32>,
          tpu.vector_store %arg14[%parallel_loop3A_280, %parallel_loop3A_281], %parallel_loop3A_279 {strides = array<i32>} : memref<64x128xf32, #tpu.memory_space<vmem>>, vector<16xf32>,
        } {sc.loop_unroll_factor = 8 : i64, sc.parallel_access}
        %get3A_246 = arith.index_cast %add3A_128 : i32 to index
        %get3A_247 = arith.constant 112 : index
        %get3A_248 = tpu.vector_load %arg5[%get3A_246, %get3A_247] {strides = array<i32>} : memref<50x128xi32, #tpu.memory_space<vmem>>, vector<16xi32>,
        %shift_right_logical3A_249 = arith.constant 14 : i32
        %shift_right_logical3A_250 = vector.broadcast %shift_right_logical3A_249 : i32 to vector<16xi32>
        %shift_right_logical3A_251 = arith.shrui %get3A_248, %shift_right_logical3A_250 : vector<16xi32>
        %and3A_252 = arith.constant 1 : i32
        %and3A_253 = vector.broadcast %and3A_252 : i32 to vector<16xi32>
        %and3A_254 = arith.andi %shift_right_logical3A_251, %and3A_253 : vector<16xi32>
        %mul3A_255 = arith.constant 64 : i32
        %mul3A_256 = vector.broadcast %mul3A_255 : i32 to vector<16xi32>
        %mul3A_257 = arith.muli %and3A_254, %mul3A_256 : vector<16xi32>
        %parallel_loop3A_258 = arith.constant 0 : i32
        %parallel_loop3A_259 = arith.constant 64 : i32
        %parallel_loop3A_260 = arith.constant 1 : i32
        scf.for %parallel_loop3A_276 = %parallel_loop3A_258 to %parallel_loop3A_259 step %parallel_loop3A_260  : i32 {
          %parallel_loop3A_277 = vector.broadcast %parallel_loop3A_276 : i32 to vector<16xi32>
          %parallel_loop3A_278 = arith.addi %mul3A_257, %parallel_loop3A_277 : vector<16xi32>
          %parallel_loop3A_279 = tpu.vector_load_idx %arg10[%add3A_24, %parallel_loop3A_278] : memref<128x128xf32, #tpu.memory_space<vmem>>[vector<16xi32>, vector<16xi32>], vector<16xf32>,
          %parallel_loop3A_280 = arith.index_cast %parallel_loop3A_276 : i32 to index
          %parallel_loop3A_281 = arith.constant 112 : index
          %parallel_loop3A_282 = tpu.vector_load %arg14[%parallel_loop3A_280, %parallel_loop3A_281] {strides = array<i32>} : memref<64x128xf32, #tpu.memory_space<vmem>>, vector<16xf32>,
          tpu.vector_store %arg14[%parallel_loop3A_280, %parallel_loop3A_281], %parallel_loop3A_279 {strides = array<i32>} : memref<64x128xf32, #tpu.memory_space<vmem>>, vector<16xf32>,
        } {sc.loop_unroll_factor = 8 : i64, sc.parallel_access}
        %mul3A_261 = arith.constant 128 : i32
        %mul3A_262 = arith.muli %add3A, %mul3A_261 : i32
        %dma_start3A_263 = arith.constant 0 : i32
        %dma_start3A_264 = tpu.memref_slice %arg4[%add3A_128, %dma_start3A_263, %mul3A_262] : memref<50x64x4096xf32, #tpu.memory_space<hbm>> -> memref<1x64x128xf32, #tpu.memory_space<hbm>>
        %dma_start3A_265 = tpu.memref_squeeze %dma_start3A_264 : memref<1x64x128xf32, #tpu.memory_space<hbm>> -> memref<64x128xf32, #tpu.memory_space<hbm>>
        %dma_start3A_266 = arith.constant 0 : i32
        %dma_start3A_267 = tpu.memref_slice %arg4[%add3A_128, %dma_start3A_266, %mul3A_262] : memref<50x64x4096xf32, #tpu.memory_space<hbm>> -> memref<1x64x128xf32, #tpu.memory_space<hbm>>
        %dma_start3A_268 = tpu.memref_squeeze %dma_start3A_267 : memref<1x64x128xf32, #tpu.memory_space<hbm>> -> memref<64x128xf32, #tpu.memory_space<hbm>>
        tpu.enqueue_dma source(%arg14 : memref<64x128xf32, #tpu.memory_space<vmem>>) target(%dma_start3A_268 : memref<64x128xf32, #tpu.memory_space<hbm>>) target_semaphore(%arg22 : memref<!tpu.dma_semaphore, #tpu.memory_space<semaphore_mem>>)
        %add3A_269 = arith.constant 4 : i32
        %add3A_270 = arith.addi %add3A_128, %add3A_269 : i32
        %lt3A_271 = arith.constant 50 : i32
        %lt3A_272 = arith.cmpi slt, %add3A_270, %lt3A_271 : i32
        %convert_element_type3A_273 = arith.extui %lt3A_272 : i1 to i32
        %cond3A_274 = arith.constant 0 : i32
        %cond3A_275 = arith.cmpi ne, %convert_element_type3A_273, %cond3A_274 : i32
        scf.if %cond3A_275 {
          %add3A_276 = arith.constant 4 : i32
          %add3A_277 = arith.addi %add3A_128, %add3A_276 : i32
          %dma_start3A_278 = arith.constant 0 : i32
          %dma_start3A_279 = tpu.memref_slice %arg6[%add3A_277, %dma_start3A_278] : memref<50x128xi32, #tpu.memory_space<vmem>> -> memref<1x128xi32, #tpu.memory_space<vmem>>
          %dma_start3A_280 = tpu.memref_squeeze %dma_start3A_279 : memref<1x128xi32, #tpu.memory_space<vmem>> -> memref<128xi32, #tpu.memory_space<vmem>>
          %dma_start3A_281 = arith.constant 0 : i32
          %dma_start3A_282 = arith.constant 0 : i32
          %dma_start3A_283 = tpu.memref_slice %arg3[%dma_start3A_281, %dma_start3A_282] : memref<507904x128xf32, #tpu.memory_space<hbm>> -> memref<507904x128xf32, #tpu.memory_space<hbm>>
          tpu.enqueue_indirect_dma source(%dma_start3A_283 : memref<507904x128xf32, #tpu.memory_space<hbm>>) target(%arg10 : memref<128x128xf32, #tpu.memory_space<vmem>>) offsets(%dma_start3A_280 : memref<128xi32, #tpu.memory_space<vmem>>) semaphore(%arg18 : memref<!tpu.dma_semaphore, #tpu.memory_space<semaphore_mem>>)
        } else {
        }
      } else {
      }
    }
    %scan3A_64 = arith.constant 13 : i32
    %mul3A_65 = arith.constant 128 : i32
    %mul3A_66 = arith.muli %add3A, %mul3A_65 : i32
    %dma_wait3A = arith.constant 0 : i32
    %dma_wait3A_67 = arith.constant 0 : i32
    %dma_wait3A_68 = tpu.memref_slice %arg4[%dma_wait3A, %dma_wait3A_67, %mul3A_66] : memref<50x64x4096xf32, #tpu.memory_space<hbm>> -> memref<1x64x128xf32, #tpu.memory_space<hbm>>
    %dma_wait3A_69 = tpu.memref_squeeze %dma_wait3A_68 : memref<1x64x128xf32, #tpu.memory_space<hbm>> -> memref<64x128xf32, #tpu.memory_space<hbm>>
    %dma_wait3A_70 = arith.constant 0 : i32
    %dma_wait3A_71 = tpu.memref_slice %arg4[%dma_wait3A, %dma_wait3A_70, %mul3A_66] : memref<50x64x4096xf32, #tpu.memory_space<hbm>> -> memref<1x64x128xf32, #tpu.memory_space<hbm>>
    %dma_wait3A_72 = tpu.memref_squeeze %dma_wait3A_71 : memref<1x64x128xf32, #tpu.memory_space<hbm>> -> memref<64x128xf32, #tpu.memory_space<hbm>>
    tpu.wait_dma2 semaphore(%arg19 : memref<!tpu.dma_semaphore, #tpu.memory_space<semaphore_mem>>) src(%arg11 : memref<64x128xf32, #tpu.memory_space<vmem>>) dst(%dma_wait3A_72 : memref<64x128xf32, #tpu.memory_space<hbm>>)
    %mul3A_73 = arith.constant 128 : i32
    %mul3A_74 = arith.muli %add3A, %mul3A_73 : i32
    %dma_wait3A_75 = arith.constant 0 : i32
    %dma_wait3A_76 = arith.constant 0 : i32
    %dma_wait3A_77 = tpu.memref_slice %arg4[%dma_wait3A_75, %dma_wait3A_76, %mul3A_74] : memref<50x64x4096xf32, #tpu.memory_space<hbm>> -> memref<1x64x128xf32, #tpu.memory_space<hbm>>
    %dma_wait3A_78 = tpu.memref_squeeze %dma_wait3A_77 : memref<1x64x128xf32, #tpu.memory_space<hbm>> -> memref<64x128xf32, #tpu.memory_space<hbm>>
    %dma_wait3A_79 = arith.constant 0 : i32
    %dma_wait3A_80 = tpu.memref_slice %arg4[%dma_wait3A_75, %dma_wait3A_79, %mul3A_74] : memref<50x64x4096xf32, #tpu.memory_space<hbm>> -> memref<1x64x128xf32, #tpu.memory_space<hbm>>
    %dma_wait3A_81 = tpu.memref_squeeze %dma_wait3A_80 : memref<1x64x128xf32, #tpu.memory_space<hbm>> -> memref<64x128xf32, #tpu.memory_space<hbm>>
    tpu.wait_dma2 semaphore(%arg20 : memref<!tpu.dma_semaphore, #tpu.memory_space<semaphore_mem>>) src(%arg12 : memref<64x128xf32, #tpu.memory_space<vmem>>) dst(%dma_wait3A_81 : memref<64x128xf32, #tpu.memory_space<hbm>>)
    %mul3A_82 = arith.constant 128 : i32
    %mul3A_83 = arith.muli %add3A, %mul3A_82 : i32
    %dma_wait3A_84 = arith.constant 0 : i32
    %dma_wait3A_85 = arith.constant 0 : i32
    %dma_wait3A_86 = tpu.memref_slice %arg4[%dma_wait3A_84, %dma_wait3A_85, %mul3A_83] : memref<50x64x4096xf32, #tpu.memory_space<hbm>> -> memref<1x64x128xf32, #tpu.memory_space<hbm>>
    %dma_wait3A_87 = tpu.memref_squeeze %dma_wait3A_86 : memref<1x64x128xf32, #tpu.memory_space<hbm>> -> memref<64x128xf32, #tpu.memory_space<hbm>>
    %dma_wait3A_88 = arith.constant 0 : i32
    %dma_wait3A_89 = tpu.memref_slice %arg4[%dma_wait3A_84, %dma_wait3A_88, %mul3A_83] : memref<50x64x4096xf32, #tpu.memory_space<hbm>> -> memref<1x64x128xf32, #tpu.memory_space<hbm>>
    %dma_wait3A_90 = tpu.memref_squeeze %dma_wait3A_89 : memref<1x64x128xf32, #tpu.memory_space<hbm>> -> memref<64x128xf32, #tpu.memory_space<hbm>>
    tpu.wait_dma2 semaphore(%arg21 : memref<!tpu.dma_semaphore, #tpu.memory_space<semaphore_mem>>) src(%arg13 : memref<64x128xf32, #tpu.memory_space<vmem>>) dst(%dma_wait3A_90 : memref<64x128xf32, #tpu.memory_space<hbm>>)
    %mul3A_91 = arith.constant 128 : i32
    %mul3A_92 = arith.muli %add3A, %mul3A_91 : i32
    %dma_wait3A_93 = arith.constant 0 : i32
    %dma_wait3A_94 = arith.constant 0 : i32
    %dma_wait3A_95 = tpu.memref_slice %arg4[%dma_wait3A_93, %dma_wait3A_94, %mul3A_92] : memref<50x64x4096xf32, #tpu.memory_space<hbm>> -> memref<1x64x128xf32, #tpu.memory_space<hbm>>
    %dma_wait3A_96 = tpu.memref_squeeze %dma_wait3A_95 : memref<1x64x128xf32, #tpu.memory_space<hbm>> -> memref<64x128xf32, #tpu.memory_space<hbm>>
    %dma_wait3A_97 = arith.constant 0 : i32
    %dma_wait3A_98 = tpu.memref_slice %arg4[%dma_wait3A_93, %dma_wait3A_97, %mul3A_92] : memref<50x64x4096xf32, #tpu.memory_space<hbm>> -> memref<1x64x128xf32, #tpu.memory_space<hbm>>
    %dma_wait3A_99 = tpu.memref_squeeze %dma_wait3A_98 : memref<1x64x128xf32, #tpu.memory_space<hbm>> -> memref<64x128xf32, #tpu.memory_space<hbm>>
    tpu.wait_dma2 semaphore(%arg22 : memref<!tpu.dma_semaphore, #tpu.memory_space<semaphore_mem>>) src(%arg14 : memref<64x128xf32, #tpu.memory_space<vmem>>) dst(%dma_wait3A_99 : memref<64x128xf32, #tpu.memory_space<hbm>>)
    return
  }
}

module attributes {stable_mosaic.version = 14 : i64} {
  func.func @_tc_transpose_kernel(%arg0: i32, %arg1: memref<64x32768xf32, #tpu.memory_space<vmem>>, %arg2: memref<16384x128xf32, #tpu.memory_space<vmem>>) attributes {dimension_semantics = [#tpu.dimension_semantics<arbitrary>], iteration_bounds = array<i64: 31>, scalar_prefetch = 0 : i64, scratch_operands = 0 : i64, tpu.core_type = #tpu.core_type<tc>, window_params = [{transform_indices = @transform_0, window_bounds = array<i64: 64, 32768>}, {transform_indices = @transform_1, window_bounds = array<i64: 16384, 128>}]} {
    %get3A = arith.constant 0 : index
    %get3A_0 = arith.constant 0 : index
    %get3A_1 = vector.load %arg1[%get3A, %get3A_0] : memref<64x32768xf32, #tpu.memory_space<vmem>>, vector<64x32768xf32>
    %slice3A = vector.extract_strided_slice %get3A_1 {offsets = [0, 0], sizes = [64, 16384], strides = [1, 1]} : vector<64x32768xf32> to vector<64x16384xf32>
    %slice3A_2 = vector.extract_strided_slice %get3A_1 {offsets = [0, 16384], sizes = [64, 16384], strides = [1, 1]} : vector<64x32768xf32> to vector<64x16384xf32>
    %concatenate3A = tpu.concatenate %slice3A, %slice3A_2 in 0 : vector<64x16384xf32>, vector<64x16384xf32> -> vector<128x16384xf32>
    %transpose3A = tpu.transpose %concatenate3A, [1, 0] : vector<128x16384xf32> -> vector<16384x128xf32>
    %swap3A = arith.constant 0 : index
    %swap3A_3 = arith.constant 0 : index
    %swap3A_4 = vector.load %arg2[%swap3A, %swap3A_3] : memref<16384x128xf32, #tpu.memory_space<vmem>>, vector<16384x128xf32>
    tpu.vector_store %arg2[%swap3A, %swap3A_3], %transpose3A {strides = array<i32>} : memref<16384x128xf32, #tpu.memory_space<vmem>>, vector<16384x128xf32>,
    return
  }
  func.func @transform_0(%arg0: i32) -> (i32, i32) {
    %c0_i32 = arith.constant 0 : i32
    %c0_i32_0 = arith.constant 0 : i32
    return %c0_i32, %arg0 : i32, i32
  }
  func.func @transform_1(%arg0: i32) -> (i32, i32) {
    %c0_i32 = arith.constant 0 : i32
    %c0_i32_0 = arith.constant 0 : i32
    return %arg0, %c0_i32 : i32, i32
  }
}

</mosaic_0001>

<sc_bundles>
// kernel: kernel.4.cloned.1.call-start
scs
__scs_entry_jumppad:
0x0: {  	(pc) =	sbr.rel $0x88, $3  }
0x1: {  	(tag) =	ssettag $0x0;
	lr =	simm.s32 $0x1  }
0x2: {  	[smem:$0x3F9F] =	sst lr;
	_ =	strace $0xD0000000  }
0x3: {  	_ = 	snop  }
0x4: {  	_ = 	snop  }
0x5: {  	_ = 	snop  }
0x6: {  	_ = 	snop  }
0x7: {  	_ = 	snop  }
__scs_overlays_trampoline_lowered:
0x8: {  	[smem:$0x3FAE] =	sst s0  }
0x9: {  	[smem:$0x3FAF] =	sst s1  }
0xa: {  	[smem:$0x3FB0] =	sst s2  }
0xb: {  	[smem:$0x3FB1] =	sst s3  }
0xc: {  	[smem:$0x3FB2] =	sst s4  }
0xd: {  	[smem:$0x3FB3] =	sst s5  }
0xe: {  	[smem:$0x3FB4] =	sst s6  }
0xf: {  	[smem:$0x3FB5] =	sst s7  }
0x10: {  	[smem:$0x3FB6] =	sst s8  }
0x11: {  	[smem:$0x3FB7] =	sst s9;
	s0 =	simm.s32 @!p0 $0x0  }
0x12: {  	s1 =	sld [smem:$0x3F9D];
	s0 =	simm.s32 @p0 $0x1  }
0x13: {  	[smem:$0x3FB8] =	sst s0;
	s0 =	simm.s32 @!p1 $0x0  }
0x14: {  	s2 =	sld [smem:$0x3F9C];
	s0 =	simm.s32 @p1 $0x1  }
0x15: {  	[smem:$0x3FB9] =	sst s0;
	s0 =	simm.s32 @!p2 $0x0  }
0x16: {  	s3 =	sld [smem:$0x3FDB];
	s0 =	simm.s32 @p2 $0x1  }
0x17: {  	s4 =	simm.s32 $0x1BF5;
	[smem:$0x3FBB] =	sst s0  }
0x18: {  	s0 =	sld [smem:$0x3F9E];
	_ =	swait.ge [sflag:s4], $0x0  }
0x19: {  	s7 =	sld [smem:$0x3F9F]  }
0x1a: {  	s8 =	sadd.s32 $0xFFFFE003, lr  }
0x1b: {  	s9 =	sadd.s32 $0xFFFFFEF7, lr;
	s5 =	simm.s32 $0xFFFFFFFF;
	p2 =	slt.u32 s8, $0xFFFFF086  }
0x1c: {  	p1 =	slt.u32 s9, $0xF7A;
	s5 =	simm.s32 @!p2 $0x0  }
0x1d: {  	s5 =	simm.s32 @p1 $0x1;
	p0 =	seq.s32 s7, s2  }
0x1e: {  	s7 =	smul.u32 @!p0 $0xF7A, s2;
	p2 =	seq.s32 @!p0 s5, $0x0  }
0x1f: {  	s9 =	smul.u32 $0xF7A, s1;
	s8 =	simm.s32 @!p0 $0x1BF5;
	p2 =	por !p2, p0  }
0x20: {  	[sflag:s8] =	ssyncset.s32 @!p0 $0xFFFFF086;
	s6 =	sadd.s32 @!p0 s3, s7;
	s7 =	simm.s32 @!p0 $0x108  }
0x21: {  	s3 =	sadd.s32 s3, s9;
	s6 =	sadd.s32 @!p0 $0x88, s6;
	s7 =	simm.s32 @p2 $0x1082  }
0x22: {  	[simem:s7], [sflag:s8] =	dma.local @!p0 [hbm:s6], $0xF7A  }
0x23: {  	s9 =	sor.u32 $0xD0000000, s2;
	s6 =	simm.s32 $0x108;
	_ =	swait.ge @!p0 [sflag:s8], $0x0  }
0x24: {  	s3 =	sadd.s32 $0x88, s3;
	s6 =	simm.s32 @!p1 $0x1082;
	[sflag:s4] =	ssyncset.s32 $0xFFFFF086  }
0x25: {  	[simem:s6], [sflag:s4] =	dma.local [hbm:s3], $0xF7A  }
0x26: {  	[smem:$0x3F9F] =	sst s1;
	(tag) =	ssettag s2;
	_ =	strace s9  }
0x27: {  	s1 =	sld [smem:$0x3FAF]  }
0x28: {  	s2 =	sld [smem:$0x3FB0]  }
0x29: {  	s4 =	sld [smem:$0x3FB2]  }
0x2a: {  	p0 =	seq.s32 s5, $0x0;
	s5 =	sld [smem:$0x3FB3]  }
0x2b: {  	s6 =	sld [smem:$0x3FB4]  }
0x2c: {  	s7 =	sld [smem:$0x3FB5]  }
0x2d: {  	s3 =	simm.s32 $0x108;
	s8 =	sld [smem:$0x3FB6]  }
0x2e: {  	s3 =	simm.s32 @!p0 $0x1082;
	s9 =	sld [smem:$0x3FB7]  }
0x2f: {  	lr =	sadd.s32 s0, s3;
	s0 =	sld [smem:$0x3FAE]  }
0x30: {  	s3 =	sld [smem:$0x3FB1]  }
0x31: {  	[smem:$0x3FBA] =	sst s10  }
0x32: {  	s10 =	sld [smem:$0x3FB8];
	_ =	sdelay $0x3  }
0x33: {  	p0 =	seq.s32 s10, $0x1;
	s10 =	sld [smem:$0x3FBA];
	_ =	sdelay $0x3  }
0x34: {  	[smem:$0x3FBA] =	sst s10  }
0x35: {  	s10 =	sld [smem:$0x3FB9];
	_ =	sdelay $0x3  }
0x36: {  	p1 =	seq.s32 s10, $0x1;
	s10 =	sld [smem:$0x3FBA];
	_ =	sdelay $0x3  }
0x37: {  	[smem:$0x3FBA] =	sst s10  }
0x38: {  	s10 =	sld [smem:$0x3FBB]  }
0x39: {  	_ = 	snop;
	(pc) =	sbr.ind lr, $3  }
0x3a: {  	_ = 	snop  }
0x3b: {  	_ = 	snop  }
0x3c: {  	p2 =	seq.s32 s10, $0x1;
	s10 =	sld [smem:$0x3FBA]  }
0x3d: {  	_ =	shalt  }
0x3e: {  	_ =	shalt  }
0x3f: {  	_ =	shalt  }
0x40: {  	_ =	shalt  }
0x41: {  	_ =	shalt  }
0x42: {  	_ =	shalt  }
0x43: {  	_ =	shalt  }
0x44: {  	_ =	shalt  }
0x45: {  	_ =	shalt  }
0x46: {  	_ =	shalt  }
0x47: {  	_ =	shalt  }
0x48: {  	_ =	shalt  }
0x49: {  	_ =	shalt  }
0x4a: {  	_ =	shalt  }
0x4b: {  	_ =	shalt  }
0x4c: {  	_ =	shalt  }
0x4d: {  	_ =	shalt  }
0x4e: {  	_ =	shalt  }
0x4f: {  	_ =	shalt  }
0x50: {  	_ =	shalt  }
0x51: {  	_ =	shalt  }
0x52: {  	_ =	shalt  }
0x53: {  	_ =	shalt  }
0x54: {  	_ =	shalt  }
0x55: {  	_ =	shalt  }
0x56: {  	_ =	shalt  }
0x57: {  	_ =	shalt  }
0x58: {  	_ =	shalt  }
0x59: {  	_ =	shalt  }
0x5a: {  	_ =	shalt  }
0x5b: {  	_ =	shalt  }
0x5c: {  	_ =	shalt  }
0x5d: {  	_ =	shalt  }
0x5e: {  	_ =	shalt  }
0x5f: {  	_ =	shalt  }
0x60: {  	_ =	shalt  }
0x61: {  	_ =	shalt  }
0x62: {  	_ =	shalt  }
0x63: {  	_ =	shalt  }
0x64: {  	_ =	shalt  }
0x65: {  	_ =	shalt  }
0x66: {  	_ =	shalt  }
0x67: {  	_ =	shalt  }
0x68: {  	_ =	shalt  }
0x69: {  	_ =	shalt  }
0x6a: {  	_ =	shalt  }
0x6b: {  	_ =	shalt  }
0x6c: {  	_ =	shalt  }
0x6d: {  	_ =	shalt  }
0x6e: {  	_ =	shalt  }
0x6f: {  	_ =	shalt  }
0x70: {  	_ =	shalt  }
0x71: {  	_ =	shalt  }
0x72: {  	_ =	shalt  }
0x73: {  	_ =	shalt  }
0x74: {  	_ =	shalt  }
0x75: {  	_ =	shalt  }
0x76: {  	_ =	shalt  }
0x77: {  	_ =	shalt  }
0x78: {  	_ =	shalt  }
0x79: {  	_ =	shalt  }
0x7a: {  	_ =	shalt  }
0x7b: {  	_ =	shalt  }
0x7c: {  	_ =	shalt  }
0x7d: {  	_ =	shalt  }
0x7e: {  	_ =	shalt  }
0x7f: {  	_ =	shalt  }
0x80: {  	_ =	shalt  }
0x81: {  	_ =	shalt  }
0x82: {  	_ =	shalt  }
0x83: {  	_ =	shalt  }
0x84: {  	_ =	shalt  }
0x85: {  	_ =	shalt  }
0x86: {  	_ =	shalt  }
0x87: {  	_ =	shalt  }
.Lfunc_end0:
.L_simem_size_0:
called_computation_lowered:
.L_overlay_start_0:
0x88: {  	s2 =	sld [smem:$0x3FD9]  }
0x89: {  	s3 =	sld [smem:$0x3FFE];
	_ =	sdelay $0x1  }
0x8a: {  	s1 =	srdreg.scid  }
0x8b: {  	s0 =	sand.u32 $0x1, s1  }
0x8c: {  	s17 =	sshll.u32 s0, $0xA;
	s2 =	sadd.s32 s3, s2  }
0x8d: {  	s2 =	sadd.s32 s2, s17  }
0x8e: {  	[smem:$0x3FC6] =	sst s2  }
0x8f: {  	_ = 	snop  }
0x90: {  	s2 =	sld [smem:$0x3FC9]  }
0x91: {  	s18 =	sld [smem:$0x3FD0];
	(tm) =	ssettm $0x1  }
0x92: {  	s4 =	sld [smem:$0x3FFB];
	_ =	sdelay $0x3  }
0x93: {  	_ =	strace s4  }
0x94: {  	s4 =	sld [smem:$0x3FFC];
	_ =	sdelay $0x3  }
0x95: {  	_ =	strace s4  }
0x96: {  	s4 =	sld [smem:$0x3FFD];
	_ =	sdelay $0x3  }
0x97: {  	_ =	strace s4  }
0x98: {  	_ =	strace $0x8FFFFFFF  }
0x99: {  	s19 =	sld [smem:$0x3FDB];
	_ =	sdelay $0x1  }
0x9a: {  	s5 =	simm.s32 $_scs_section_size  }
0x9b: {  	s6 =	simm.s32 $_size__tile_overlayer_lowered;
	s7 =	simm.s32 $_tile_overlayer_lowered  }
0x9c: {  	s22 =	simm.s32 $0x1BFF;
	s21 =	sshll.u32 s7, $0x1;
	s4 =	sadd.s32 s5, s19  }
0x9d: {  	s8 =	simm.s32 $0x0;
	s20 =	sshll.u32 s6, $0x1;
	s6 =	sadd.s32 s21, s4  }
0x9e: {  	[timem:s8], [sflag:s22] =	dma.local [hbm:s6], s20  }
0x9f: {  	_ =	swait.ge [sflag:s22], s20  }
0xa0: {  	s5 =	ssub.s32 $0x0, s20;
	[sflag:s22] =	ssyncset.done $0x0  }
0xa1: {  	[sflag:s22] =	ssyncadd.s32 s5;
	_ =	sdelay $0x1  }
0xa2: {  	s23 =	simm.s32 $0x1B8B  }
0xa3: {  	_ =	swait.ge [sflag:s23], $0x1  }
0xa4: {  	[sflag:s23] =	ssyncset.done $0x0  }
0xa5: {  	s25 =	simm.s32 $0x1B8E;
	s24 =	sld [smem:$0x3FFE];
	[sflag:s23] =	ssyncadd.s32 $0xFFFFFFFF  }
0xa6: {  	s26 =	simm.s32 $execute0_lowered;
	[smem:$0x3FD2] =	sst s25  }
0xa7: {  	s6 =	sshll.u32 s26, $0x1;
	_ =	strace $0x80000046;
	[dreg:$0x1] =	wrdreg $0xFFFFFFFF  }
0xa8: {  	s28 =	simm.s32 $_size_execute0_lowered;
	s4 =	sadd.s32 s4, s6;
	[dreg:$0x0] =	wrdreg $0x0  }
0xa9: {  	s6 =	sshll.u32 s28, $0x1;
	[dreg:$0x2] =	wrdreg s4  }
0xaa: {  	[dreg:$0x3] =	wrdreg s6  }
0xab: {  	[dreg:$0x4] =	wrdreg $0xC0  }
0xac: {  	_ =	task [dreg:s8], $0x5FFFF  }
0xad: {  	[dreg:$0x1] =	wrdreg $0xFFFFFFFF  }
0xae: {  	[dreg:$0x0] =	wrdreg $0x60  }
0xaf: {  	[dreg:$0x2] =	wrdreg s2  }
0xb0: {  	[dreg:$0x3] =	wrdreg s24  }
0xb1: {  	[dreg:$0x4] =	wrdreg s18  }
0xb2: {  	[dreg:$0x5] =	wrdreg $0x9  }
0xb3: {  	_ =	task.clear_ibuf [dreg:s8], $0x6FFFF;
	_ =	strace $0x90000046  }
0xb4: {  	s29 =	simm.s32 $0x9;
	_ =	strace $0x80000048  }
0xb5: {  	_ =	swait.ge [sflag:s29], $0x1  }
0xb6: {  	[sflag:s29] =	ssyncadd.s32 $0xFFFFFFFF  }
0xb7: {  	_ =	strace $0x90000048  }
0xb8: {  	_ =	sfence  }
0xb9: {  	s30 =	sld [smem:$0x0];
	_ =	sdelay $0x2  }
0xba: {  	s31 =	sshll.u32 s1, $0xD;
	s1 =	sshrl.u32 s1, $0x2  }
0xbb: {  	s3 =	sand.u32 $0x4000, s31;
	s1 =	sadd.s32 s1, s30  }
0xbc: {  	s0 =	sor.u32 s3, s0;
	s1 =	sshll.u32 s1, $0x11  }
0xbd: {  	s0 =	sor.u32 s1, s0  }
0xbe: {  	s0 =	sadd.s32 $0x8F2B, s0  }
0xbf: {  	[sflag:s0] =	ssyncadd.remote.s32 $0x1  }
0xc0: {  	_ =	sfence.sel $0xFFFF  }
0xc1: {  	[dreg:$0x0] =	wrdreg $0xFFFFFFFF;
	(pc) =	sbr.abs _section_cstart, $3  }
0xc2: {  	[dreg:$0x1] =	wrdreg $0xFFFFFFFF  }
0xc3: {  	_ =	task.clear_ibuf [dreg:s8], $0x2FFFF;
	_ =	strace $0x9FFFFFFF  }
0xc4: {  	(tm) =	ssettm $0x7FFFFFFF  }
0xc5: {  	_ =	shalt  }
tec
execute0_lowered:
.L_overlay_start_1:
0x0: {  	(tag) =	ssettag $0x1  }
0x1: {  	s0 =	rddreg [dreg:$0x0]  }
0x2: {  	s1 =	srdreg.scid;
	s3 =	rddreg [dreg:$0x1]  }
0x3: {  	s4 =	stileid.u32;
	s2 =	rddreg [dreg:$0x2];
	s6 =	simm.s32 $0x0  }
0x4: {  	s9 =	simm.s32 $0x400;
	s10 =	simm.s32 $0x8000;
	s13 =	simm.s32 $0x80  }
0x5: {  	s15 =	simm.s32 $0x3800;
	s17 =	simm.s32 $0x7800;
	s19 =	simm.s32 $0xB800  }
0x6: {  	s21 =	simm.s32 $0xF800;
	s22 =	simm.s32 $0x1;
	s23 =	simm.s32 $0x13800  }
0x7: {  	s24 =	simm.s32 $0x2;
	s25 =	simm.s32 $0x15800;
	s30 =	simm.s32 $0x8  }
0x8: {  	s31 =	simm.s32 $0x3;
	s11 =	simm.s32 $0x19800;
	s1 =	sand.u32 $0x1, s1  }
0x9: {  	s14 =	simm.s32 $0x0;
	s4 =	sshll.u32 s4, $0xB;
	s5 =	sshll.u32 s1, $0xA  }
0xa: {  	v0 =	vlaneseq.u32;
	s16 =	simm.s32 $0x0;
	s1 =	ssub.s32 $0x2, s1;
	s4 =	sor.u32 s5, s4  }
.Ltmp0:
0xb: {  	v0 =	vmul.u32 $0x80, v0;
	s7 =	sshrl.u32 s1, $0x1;
	s5 =	sshrl.u32 s4, $0x3;
	(pc) =	sbr.rel .LBB2_1-.Ltmp0, $4  }
0xc: {  	[smem:$0x7FF] =	sst s6;
	s28 =	ssub.s32 s1, s7;
	s5 =	sadd.s32 s0, s5  }
0xd: {  	_ =	strace $0x80000047;
	v1 =	vor.u32 $0x800, v0;
	s0 =	smax.u32 s28, $0x1;
	[dreg:$0x4] =	wrdreg s5  }
0xe: {  	s6 =	sadd.s32 $0x400, s3;
	v2 =	vor.u32 $0x1000, v0;
	v3 =	vor.u32 $0x1800, v0;
	v4 =	vor.u32 $0x2000, v0;
	s29 =	sadd.s32 $0x6000, s5;
	[dreg:$0x6] =	wrdreg s0  }
0xf: {  	v5 =	vor.u32 $0x2800, v0;
	v6 =	vor.u32 $0x3000, v0;
	v7 =	vor.u32 $0x3800, v0;
	s1 =	simm.s32 $0x17800;
	s0 =	simm.s32 $0x4;
	[dreg:$0x5] =	wrdreg s29  }
.LBB2_74:
0x10: {  	s3 =	simm.s32 $0x5  }
0x11: {  	_ =	swait.ge [sflag:s3], $0x2000  }
0x12: {  	[sflag:s3] =	ssyncset.done $0x0  }
0x13: {  	s26 =	simm.s32 $0x6;
	[sflag:s3] =	ssyncadd.s32 $0xFFFFE000  }
0x14: {  	_ =	swait.ge [sflag:s26], $0x2000  }
0x15: {  	[sflag:s26] =	ssyncset.done $0x0  }
0x16: {  	s28 =	simm.s32 $0x7;
	[sflag:s26] =	ssyncadd.s32 $0xFFFFE000  }
0x17: {  	_ =	swait.ge [sflag:s28], $0x2000  }
0x18: {  	[sflag:s28] =	ssyncset.done $0x0  }
0x19: {  	[sflag:s28] =	ssyncadd.s32 $0xFFFFE000  }
0x1a: {  	_ =	swait.ge [sflag:s30], $0x2000  }
0x1b: {  	s14 =	sadd.s32 $0x1, s14;
	s29 =	rddreg [dreg:$0x6]  }
0x1c: {  	p0 =	sne.s32 s14, s29  }
.Ltmp1:
0x1d: {  	_ = 	snop;
	(pc) =	sbr.rel @!p0 .LBB2_75-.Ltmp1, $3  }
0x1e: {  	_ =	sdelay $0x1  }
0x1f: {  	[sflag:s30] =	ssyncset.done $0x0  }
0x20: {  	[sflag:s30] =	ssyncadd.s32 $0xFFFFE000  }
.LBB2_1:
0x21: {  	s3 =	simm.s32 $0x0;
	s5 =	rddreg [dreg:$0x4]  }
0x22: {  	[tilespmem:s3], [sflag:$0x9] =	stream.strided.gather [hbm4b:s5+s9], $0x1800, s10, s9, $0x38;
	[tilespmem:$0x1B800] =	vst v63  }
0x23: {  	s28 =	rddreg [dreg:$0x5];
	s7 =	simm.s32 $0x1800;
	s29 =	simm.s32 $0x9  }
0x24: {  	[tilespmem:s7], [sflag:$0x9] =	stream.linear.gather [hbm4b:s28+s3], $0x100, $0x38;
	[tilespmem:$0x1B800] =	vst v63  }
0x25: {  	_ =	swait.ge [sflag:s29], $0x1900  }
0x26: {  	[sflag:s29] =	ssyncset.done $0x0  }
0x27: {  	s7 =	simm.s32 $0x0;
	[sflag:s29] =	ssyncadd.s32 $0xFFFFE700  }
0x28: {  	v8 =	vld [tilespmem:s7+$0x70]  }
0x29: {  	v11 =	vld [tilespmem:s7+$0x20]  }
0x2a: {  	v12 =	vld [tilespmem:s7+$0x30]  }
0x2b: {  	v13 =	vld [tilespmem:s7+$0x40]  }
0x2c: {  	v15 =	vld [tilespmem:s7+$0x50]  }
0x2d: {  	v16 =	vld [tilespmem:s7+$0x60];
	_ =	sdelay $0x1  }
0x2e: {  	v10 =	vld [tilespmem:s7+$0x10];
	v14 =	vshrl.u32 v8, $0x1;
	v8 =	vand.u32 $0x3FFF, v8;
	v19 =	vshrl.u32 v11, $0x1  }
0x2f: {  	v9 =	vld [tilespmem:s7+$0x0];
	v20 =	vshrl.u32 v12, $0x1;
	v11 =	vand.u32 $0x3FFF, v11;
	v23 =	vshrl.u32 v13, $0x1  }
0x30: {  	v12 =	vand.u32 $0x3FFF, v12;
	v24 =	vshrl.u32 v15, $0x1;
	v14 =	vand.u32 $0x7FFFC000, v14  }
0x31: {  	v13 =	vand.u32 $0x3FFF, v13;
	v25 =	vshrl.u32 v16, $0x1;
	v8 =	vor.u32 v8, v14  }
0x32: {  	s3 =	simm.s32 $0x80;
	v16 =	vand.u32 $0x3FFF, v16;
	v19 =	vand.u32 $0x7FFFC000, v19;
	v20 =	vand.u32 $0x7FFFC000, v20;
	[tilespmem:s7+$0x1C70] =	vst v8  }
0x33: {  	v23 =	vand.u32 $0x7FFFC000, v23;
	v24 =	vand.u32 $0x7FFFC000, v24;
	v14 =	vshrl.u32 v10, $0x1;
	v17 =	vld [tilespmem:s3+$0x70]  }
0x34: {  	v10 =	vand.u32 $0x3FFF, v10;
	v11 =	vor.u32 v11, v19;
	v8 =	vshrl.u32 v9, $0x1;
	v18 =	vld [tilespmem:s3+$0x0]  }
0x35: {  	v19 =	vor.u32 v12, v20;
	v9 =	vand.u32 $0x3FFF, v9;
	v8 =	vand.u32 $0x7FFFC000, v8;
	v22 =	vld [tilespmem:s3+$0x20]  }
0x36: {  	v20 =	vor.u32 v13, v23;
	v14 =	vand.u32 $0x7FFFC000, v14;
	v21 =	vld [tilespmem:s3+$0x10];
	v9 =	vor.u32 v9, v8  }
0x37: {  	v10 =	vor.u32 v10, v14;
	v14 =	vand.u32 $0x3FFF, v15;
	v15 =	vand.u32 $0x7FFFC000, v25;
	v8 =	vld [tilespmem:s3+$0x30];
	[tilespmem:s7+$0x1C00] =	vst v9  }
0x38: {  	v23 =	vor.u32 v14, v24;
	v13 =	vor.u32 v16, v15;
	v9 =	vld [tilespmem:s3+$0x40];
	[tilespmem:s7+$0x1C10] =	vst v10;
	v12 =	vshrl.u32 v17, $0x1  }
0x39: {  	v10 =	vld [tilespmem:s3+$0x50];
	[tilespmem:s7+$0x1C20] =	vst v11;
	v14 =	vshrl.u32 v18, $0x1;
	v16 =	vand.u32 $0x3FFF, v17;
	v15 =	vand.u32 $0x7FFFC000, v12  }
0x3a: {  	v11 =	vld [tilespmem:s3+$0x60];
	[tilespmem:s7+$0x1C30] =	vst v19;
	v17 =	vshrl.u32 v22, $0x1;
	v19 =	vand.u32 $0x3FFF, v22;
	v15 =	vor.u32 v16, v15  }
0x3b: {  	v12 =	vand.u32 $0x7FFFC000, v14;
	v14 =	vshrl.u32 v21, $0x1;
	v16 =	vand.u32 $0x3FFF, v18;
	[tilespmem:s3+$0x1C70] =	vst v15  }
0x3c: {  	v14 =	vand.u32 $0x7FFFC000, v14;
	v15 =	vand.u32 $0x7FFFC000, v17;
	v17 =	vshrl.u32 v8, $0x1;
	[tilespmem:s7+$0x1C40] =	vst v20  }
0x3d: {  	s8 =	simm.s32 $0x100;
	s5 =	simm.s32 $0x600;
	v18 =	vand.u32 $0x3FFF, v21;
	v17 =	vand.u32 $0x7FFFC000, v17;
	v20 =	vshrl.u32 v9, $0x1;
	[tilespmem:s7+$0x1C50] =	vst v23  }
.LBB2_2:
0x3e: {  	p0 =	sne.s32 s5, $0x6200;
	v21 =	vld [tilespmem:s8+$0x70];
	v22 =	vand.u32 $0x3FFF, v8;
	v20 =	vand.u32 $0x7FFFC000, v20;
	v8 =	vshrl.u32 v10, $0x1;
	[tilespmem:s7+$0x1C60] =	vst v13;
	s7 =	smov.u32 s3;
	s3 =	smov.u32 s8  }
0x3f: {  	v9 =	vand.u32 $0x3FFF, v9;
	v23 =	vld [tilespmem:s3+$0x0];
	v13 =	vand.u32 $0x7FFFC000, v8;
	v8 =	vshrl.u32 v11, $0x1  }
0x40: {  	v10 =	vand.u32 $0x3FFF, v10;
	v11 =	vand.u32 $0x3FFF, v11;
	v24 =	vld [tilespmem:s3+$0x10];
	v25 =	vand.u32 $0x7FFFC000, v8  }
0x41: {  	v12 =	vor.u32 v16, v12;
	v14 =	vor.u32 v18, v14;
	v15 =	vor.u32 v19, v15;
	v26 =	vld [tilespmem:s3+$0x20]  }
0x42: {  	v16 =	vor.u32 v22, v17;
	v17 =	vor.u32 v9, v20;
	v22 =	vor.u32 v10, v13;
	v8 =	vld [tilespmem:s3+$0x30];
	[tilespmem:s7+$0x1C00] =	vst v12  }
0x43: {  	v13 =	vor.u32 v11, v25;
	v9 =	vld [tilespmem:s3+$0x40];
	v12 =	vshrl.u32 v21, $0x1;
	[tilespmem:s7+$0x1C10] =	vst v14  }
.Ltmp2:
0x44: {  	v18 =	vand.u32 $0x3FFF, v21;
	v11 =	vshrl.u32 v23, $0x1;
	v10 =	vld [tilespmem:s3+$0x50];
	v14 =	vand.u32 $0x7FFFC000, v12;
	[tilespmem:s7+$0x1C20] =	vst v15;
	(pc) =	sbr.rel @p0 .LBB2_2-.Ltmp2, $4  }
0x45: {  	v12 =	vand.u32 $0x7FFFC000, v11;
	v15 =	vshrl.u32 v24, $0x1;
	v11 =	vld [tilespmem:s3+$0x60];
	v18 =	vor.u32 v18, v14;
	[tilespmem:s7+$0x1C30] =	vst v16  }
0x46: {  	v16 =	vand.u32 $0x3FFF, v23;
	v14 =	vand.u32 $0x7FFFC000, v15;
	v15 =	vshrl.u32 v26, $0x1;
	[tilespmem:s3+$0x1C70] =	vst v18  }
0x47: {  	v18 =	vand.u32 $0x3FFF, v24;
	v15 =	vand.u32 $0x7FFFC000, v15;
	v20 =	vshrl.u32 v8, $0x1;
	[tilespmem:s7+$0x1C40] =	vst v17  }
0x48: {  	s8 =	sshra.s32 s5, $0x2;
	s5 =	sadd.s32 $0x200, s5;
	v19 =	vand.u32 $0x3FFF, v26;
	v17 =	vand.u32 $0x7FFFC000, v20;
	v20 =	vshrl.u32 v9, $0x1;
	[tilespmem:s7+$0x1C50] =	vst v22  }
0x49: {  	v21 =	vld [tilespmem:s8+$0x70];
	[tilespmem:s7+$0x1C60] =	vst v13  }
0x4a: {  	v12 =	vor.u32 v16, v12;
	v8 =	vand.u32 $0x3FFF, v8;
	v13 =	vld [tilespmem:s8+$0x0]  }
0x4b: {  	v36 =	vand.u32 $0x7FFFC000, v20;
	v37 =	vshrl.u32 v10, $0x1;
	v14 =	vor.u32 v18, v14;
	v22 =	vld [tilespmem:s8+$0x10]  }
0x4c: {  	v9 =	vand.u32 $0x3FFF, v9;
	v39 =	vand.u32 $0x3FFF, v10;
	v15 =	vor.u32 v19, v15;
	v23 =	vld [tilespmem:s8+$0x20]  }
0x4d: {  	v35 =	vld [tilespmem:s8+$0x30];
	[tilespmem:s3+$0x1C00] =	vst v12;
	v20 =	vand.u32 $0x7FFFC000, v37;
	v24 =	vshrl.u32 v11, $0x1;
	v42 =	vand.u32 $0x3FFF, v11  }
0x4e: {  	v8 =	vor.u32 v8, v17;
	v9 =	vor.u32 v9, v36;
	v38 =	vld [tilespmem:s8+$0x40];
	[tilespmem:s3+$0x1C10] =	vst v14;
	v43 =	vshrl.u32 v21, $0x1  }
0x4f: {  	v40 =	vand.u32 $0x7FFFC000, v24;
	v41 =	vld [tilespmem:s8+$0x50];
	[tilespmem:s3+$0x1C20] =	vst v15;
	v45 =	vand.u32 $0x3FFF, v21;
	v44 =	vand.u32 $0x7FFFC000, v43  }
0x50: {  	v10 =	vor.u32 v39, v20;
	v46 =	vld [tilespmem:s8+$0x60];
	[tilespmem:s3+$0x1C30] =	vst v8;
	v8 =	vor.u32 v42, v40;
	v12 =	vor.u32 v45, v44  }
0x51: {  	v47 =	vshrl.u32 v13, $0x1;
	v49 =	vshrl.u32 v22, $0x1;
	v50 =	vand.u32 $0x3FFF, v13;
	[tilespmem:s8+$0x1C70] =	vst v12  }
0x52: {  	v52 =	vshrl.u32 v23, $0x1;
	v53 =	vand.u32 $0x3FFF, v22;
	v54 =	vshrl.u32 v35, $0x1;
	[tilespmem:s3+$0x1C40] =	vst v9  }
0x53: {  	v55 =	vand.u32 $0x3FFF, v23;
	v57 =	vand.u32 $0x3FFF, v35;
	v48 =	vand.u32 $0x7FFFC000, v47;
	[tilespmem:s3+$0x1C50] =	vst v10  }
0x54: {  	v51 =	vand.u32 $0x7FFFC000, v49;
	v14 =	vand.u32 $0x7FFFC000, v52;
	[tilespmem:s3+$0x1C60] =	vst v8;
	v8 =	vor.u32 v50, v48  }
0x55: {  	v15 =	vand.u32 $0x7FFFC000, v54;
	v56 =	vshrl.u32 v38, $0x1;
	v9 =	vor.u32 v53, v51;
	[tilespmem:s8+$0x1C00] =	vst v8  }
0x56: {  	v59 =	vand.u32 $0x3FFF, v38;
	v58 =	vshrl.u32 v41, $0x1;
	v10 =	vor.u32 v55, v14;
	[tilespmem:s8+$0x1C10] =	vst v9  }
0x57: {  	v12 =	vor.u32 v57, v15;
	v61 =	vand.u32 $0x3FFF, v41;
	v11 =	vand.u32 $0x7FFFC000, v58;
	[tilespmem:s8+$0x1C20] =	vst v10  }
0x58: {  	v60 =	vshrl.u32 v46, $0x1;
	v8 =	vand.u32 $0x7FFFC000, v56;
	[tilespmem:s8+$0x1C30] =	vst v12;
	v11 =	vor.u32 v61, v11  }
0x59: {  	v63 =	vand.u32 $0x3FFF, v46;
	v62 =	vand.u32 $0x7FFFC000, v60;
	v8 =	vor.u32 v59, v8;
	[tilespmem:s8+$0x1C50] =	vst v11  }
0x5a: {  	[tilespmem:s8+$0x1C40] =	vst v8;
	v8 =	vor.u32 v63, v62  }
0x5b: {  	s20 =	simm.s32 $0x1C00;
	[tilespmem:s8+$0x1C60] =	vst v8  }
0x5c: {  	[tilespmem:s15], [sflag:$0x1] =	stream.indirect.gather [hbm4b:s6+s13], $0x80, s20, s13, $0xb8;
	[tilespmem:$0x1B800] =	vst v63  }
0x5d: {  	s26 =	simm.s32 $0x1C80  }
0x5e: {  	[tilespmem:s17], [sflag:$0x2] =	stream.indirect.gather [hbm4b:s6+s13], $0x80, s26, s13, $0xb8;
	[tilespmem:$0x1B800] =	vst v63  }
.Ltmp3:
0x5f: {  	_ = 	snop;
	(pc) =	sbr.rel .LBB2_4-.Ltmp3, $4  }
0x60: {  	s28 =	simm.s32 $0x1D00  }
0x61: {  	[tilespmem:s19], [sflag:$0x3] =	stream.indirect.gather [hbm4b:s6+s13], $0x80, s28, s13, $0xb8;
	[tilespmem:$0x1B800] =	vst v63  }
0x62: {  	s29 =	simm.s32 $0x1D80;
	s18 =	simm.s32 $0x0  }
0x63: {  	[tilespmem:s21], [sflag:$0x4] =	stream.indirect.gather [hbm4b:s6+s13], $0x80, s29, s13, $0xb8;
	[tilespmem:$0x1B800] =	vst v63  }
.LBB2_73:
0x64: {  	s18 =	sadd.s32 $0x1, s18  }
0x65: {  	p0 =	sne.s32 s18, $0xD  }
.Ltmp4:
0x66: {  	_ = 	snop;
	(pc) =	sbr.rel @!p0 .LBB2_74-.Ltmp4, $1  }
0x67: {  	_ =	sdelay $0x3  }
.LBB2_4:
0x68: {  	_ =	swait.ge [sflag:s22], $0x4000  }
0x69: {  	p0 =	seq.s32 s18, $0x0;
	[sflag:s22] =	ssyncset.done $0x0  }
0x6a: {  	s3 =	simm.s32 @!p0 $0x5;
	[sflag:s22] =	ssyncadd.s32 $0xFFFFC000  }
0x6b: {  	_ =	swait.ge @!p0 [sflag:s3], $0x2000  }
0x6c: {  	s7 =	sshll.u32 s18, $0xB;
	[sflag:s3] =	ssyncset.done @!p0 $0x0  }
0x6d: {  	s20 =	sshrl.u32 s7, $0x2;
	[sflag:s3] =	ssyncadd.s32 @!p0 $0xFFFFE000  }
0x6e: {  	v8 =	vld [tilespmem:s20+$0x0];
	_ =	sdelay $0x4  }
0x6f: {  	v8 =	vshrl.u32 v8, $0x8  }
0x70: {  	v8 =	vand.u32 $0x40, v8  }
0x71: {  	s28 =	simm.s32 $0x7;
	v8 =	vor.u32 v0, v8  }
0x72: {  	s5 =	simm.s32 $0x1;
	v9 =	vor.u32 s28, v8  }
0x73: {  	s29 =	simm.s32 $0x2;
	v10 =	vor.u32 s5, v8  }
0x74: {  	s8 =	simm.s32 $0x4;
	v11 =	vor.u32 s29, v8  }
0x75: {  	s12 =	simm.s32 $0x5;
	v13 =	vor.u32 s8, v8  }
0x76: {  	s5 =	simm.s32 $0x3;
	v14 =	vor.u32 s12, v8  }
0x77: {  	v12 =	vor.u32 s5, v8;
	s5 =	simm.s32 $0xA;
	v9 =	vld.idx.msk [tilespmem:v9+s15+$0x0], $0xffff  }
0x78: {  	s26 =	simm.s32 $0x6;
	v23 =	vor.u32 s5, v8;
	v15 =	vld.idx.msk [tilespmem:v10+s15+$0x0], $0xffff  }
0x79: {  	v10 =	vor.u32 s26, v8;
	v11 =	vld.idx.msk [tilespmem:v11+s15+$0x0], $0xffff  }
0x7a: {  	s28 =	simm.s32 $0xF;
	v16 =	vor.u32 s16, v8;
	v22 =	vld.idx.msk [tilespmem:v13+s15+$0x0], $0xffff  }
0x7b: {  	s29 =	simm.s32 $0x9;
	v18 =	vor.u32 s28, v8;
	v13 =	vld.idx.msk [tilespmem:v14+s15+$0x0], $0xffff  }
0x7c: {  	s8 =	simm.s32 $0x13A00;
	s12 =	simm.s32 $0xB;
	v21 =	vor.u32 s29, v8;
	v20 =	vld.idx.msk [tilespmem:v12+s15+$0x0], $0xffff  }
0x7d: {  	v17 =	vor.u32 s12, v8;
	s26 =	simm.s32 $0xC;
	v14 =	vld.idx.msk [tilespmem:v23+s15+$0x0], $0xffff;
	[tilespmem:s8+$0x180] =	vst v9  }
0x7e: {  	s12 =	simm.s32 $0xD;
	v19 =	vor.u32 s26, v8;
	v12 =	vld.idx.msk [tilespmem:v10+s15+$0x0], $0xffff;
	[tilespmem:s8+$0xFFFFFE80] =	vst v15  }
0x7f: {  	s29 =	simm.s32 $0xE;
	v10 =	vld.idx.msk [tilespmem:v16+s15+$0x0], $0xffff;
	[tilespmem:s8+$0xFFFFFF00] =	vst v11;
	v16 =	vor.u32 s12, v8  }
0x80: {  	s3 =	sshll.u32 s18, $0x2;
	s28 =	simm.s32 $0x8;
	v9 =	vld.idx.msk [tilespmem:v18+s15+$0x0], $0xffff;
	v18 =	vor.u32 s29, v8;
	[tilespmem:s8+$0x0] =	vst v22  }
0x81: {  	s5 =	simm.s32 $0x10;
	s26 =	simm.s32 $0x17;
	v11 =	vld.idx.msk [tilespmem:v21+s15+$0x0], $0xffff;
	s12 =	simm.s32 $0x18;
	v15 =	vor.u32 s28, v8;
	[tilespmem:s8+$0xFFFFFF80] =	vst v20  }
.LBB2_5:
0x82: {  	p1 =	slt.u32 s12, $0x38;
	s28 =	sadd.s32 $0x1, s5;
	v20 =	vor.u32 s26, v8;
	v21 =	vld.idx.msk [tilespmem:v17+s15+$0x0], $0xffff;
	[tilespmem:s8+$0x80] =	vst v13  }
0x83: {  	s26 =	sadd.s32 $0x2, s5;
	v22 =	vor.u32 s28, v8;
	v23 =	vld.idx.msk [tilespmem:v19+s15+$0x0], $0xffff;
	[tilespmem:s8+$0x100] =	vst v12  }
0x84: {  	v24 =	vor.u32 s26, v8;
	s26 =	sadd.s32 $0x3, s5;
	v13 =	vld.idx.msk [tilespmem:v16+s15+$0x0], $0xffff;
	[tilespmem:s8+$0xFFFFFE00] =	vst v10;
	s8 =	sadd.s32 $0x400, s8  }
.Ltmp5:
0x85: {  	v17 =	vor.u32 s26, v8;
	s26 =	sadd.s32 $0x4, s5;
	v12 =	vld.idx.msk [tilespmem:v18+s15+$0x0], $0xffff;
	[tilespmem:s8+$0x180] =	vst v9;
	(pc) =	sbr.rel @p1 .LBB2_5-.Ltmp5, $4  }
0x86: {  	v19 =	vor.u32 s26, v8;
	s26 =	sadd.s32 $0x5, s5;
	v10 =	vld.idx.msk [tilespmem:v15+s15+$0x0], $0xffff;
	[tilespmem:s8+$0xFFFFFE80] =	vst v11  }
0x87: {  	v16 =	vor.u32 s26, v8;
	s26 =	sadd.s32 $0x6, s5;
	v9 =	vld.idx.msk [tilespmem:v20+s15+$0x0], $0xffff;
	[tilespmem:s8+$0xFFFFFF00] =	vst v14  }
0x88: {  	v18 =	vor.u32 s26, v8;
	v11 =	vld.idx.msk [tilespmem:v22+s15+$0x0], $0xffff;
	[tilespmem:s8+$0xFFFFFF80] =	vst v21  }
0x89: {  	v15 =	vor.u32 s5, v8;
	s5 =	smov.u32 s12;
	s26 =	sadd.s32 $0x7, s12;
	s12 =	sadd.s32 $0x8, s12;
	v14 =	vld.idx.msk [tilespmem:v24+s15+$0x0], $0xffff;
	[tilespmem:s8+$0x0] =	vst v23  }
0x8a: {  	_ =	sdelay $0x2  }
0x8b: {  	[tilespmem:s8+$0x80] =	vst v13  }
0x8c: {  	s12 =	sadd.s32 $0x1, s5;
	v13 =	vor.u32 s26, v8;
	v17 =	vld.idx.msk [tilespmem:v17+s15+$0x0], $0xffff;
	[tilespmem:s8+$0x100] =	vst v12  }
0x8d: {  	s28 =	sadd.s32 $0x2, s5;
	v19 =	vld.idx.msk [tilespmem:v19+s15+$0x0], $0xffff;
	v12 =	vor.u32 s12, v8;
	[tilespmem:s8+$0xFFFFFE00] =	vst v10;
	s8 =	sadd.s32 $0x400, s8  }
0x8e: {  	s29 =	sadd.s32 $0x3, s5;
	v16 =	vld.idx.msk [tilespmem:v16+s15+$0x0], $0xffff;
	v10 =	vor.u32 s28, v8;
	[tilespmem:s8+$0x180] =	vst v9  }
0x8f: {  	s26 =	sadd.s32 $0x4, s5;
	v18 =	vld.idx.msk [tilespmem:v18+s15+$0x0], $0xffff;
	v9 =	vor.u32 s29, v8;
	[tilespmem:s8+$0xFFFFFE80] =	vst v11  }
0x90: {  	v15 =	vld.idx.msk [tilespmem:v15+s15+$0x0], $0xffff;
	s28 =	sadd.s32 $0x5, s5;
	v11 =	vor.u32 s26, v8;
	[tilespmem:s8+$0xFFFFFF00] =	vst v14  }
0x91: {  	s29 =	sadd.s32 $0x6, s5;
	v14 =	vor.u32 s28, v8;
	v13 =	vld.idx.msk [tilespmem:v13+s15+$0x0], $0xffff;
	[tilespmem:s8+$0xFFFFFF80] =	vst v17  }
0x92: {  	v17 =	vor.u32 s29, v8;
	[tilespmem:s8+$0x0] =	vst v19;
	v12 =	vld.idx.msk [tilespmem:v12+s15+$0x0], $0xffff  }
0x93: {  	v8 =	vor.u32 s5, v8;
	[tilespmem:s8+$0x80] =	vst v16;
	v10 =	vld.idx.msk [tilespmem:v10+s15+$0x0], $0xffff  }
0x94: {  	[tilespmem:s8+$0x100] =	vst v18;
	v9 =	vld.idx.msk [tilespmem:v9+s15+$0x0], $0xffff  }
0x95: {  	s12 =	sadd.s32 $0x400, s8;
	[tilespmem:s8+$0xFFFFFE00] =	vst v15;
	v11 =	vld.idx.msk [tilespmem:v11+s15+$0x0], $0xffff  }
0x96: {  	v14 =	vld.idx.msk [tilespmem:v14+s15+$0x0], $0xffff;
	[tilespmem:s12+$0x180] =	vst v13  }
0x97: {  	v13 =	vld.idx.msk [tilespmem:v17+s15+$0x0], $0xffff;
	[tilespmem:s12+$0xFFFFFE80] =	vst v12  }
0x98: {  	v8 =	vld.idx.msk [tilespmem:v8+s15+$0x0], $0xffff;
	[tilespmem:s12+$0xFFFFFF00] =	vst v10  }
0x99: {  	[tilespmem:s12+$0xFFFFFF80] =	vst v9  }
0x9a: {  	[tilespmem:s12+$0x0] =	vst v11  }
0x9b: {  	[tilespmem:s12+$0x80] =	vst v14  }
0x9c: {  	[tilespmem:s12+$0x100] =	vst v13  }
0x9d: {  	[tilespmem:s12+$0xFFFFFE00] =	vst v8  }
0x9e: {  	v8 =	vld [tilespmem:s20+$0x10];
	_ =	sdelay $0x4  }
0x9f: {  	v8 =	vshrl.u32 v8, $0x8  }
0xa0: {  	v8 =	vand.u32 $0x40, v8  }
0xa1: {  	s26 =	simm.s32 $0x7;
	v8 =	vor.u32 v1, v8  }
0xa2: {  	s28 =	simm.s32 $0x1;
	v9 =	vor.u32 s26, v8  }
0xa3: {  	s29 =	simm.s32 $0x2;
	v10 =	vor.u32 s28, v8  }
0xa4: {  	s8 =	simm.s32 $0x3;
	v11 =	vor.u32 s29, v8  }
0xa5: {  	s12 =	simm.s32 $0x4;
	v12 =	vor.u32 s8, v8  }
0xa6: {  	v13 =	vor.u32 s12, v8;
	s26 =	simm.s32 $0x5  }
0xa7: {  	s28 =	simm.s32 $0x6;
	v14 =	vor.u32 s26, v8;
	v9 =	vld.idx.msk [tilespmem:v9+s15+$0x0], $0xffff  }
0xa8: {  	s12 =	simm.s32 $0xF;
	v15 =	vor.u32 s28, v8;
	v10 =	vld.idx.msk [tilespmem:v10+s15+$0x0], $0xffff  }
0xa9: {  	s29 =	simm.s32 $0x0;
	v19 =	vor.u32 s12, v8;
	v17 =	vld.idx.msk [tilespmem:v11+s15+$0x0], $0xffff  }
0xaa: {  	v16 =	vor.u32 s29, v8;
	s28 =	simm.s32 $0xA;
	v20 =	vld.idx.msk [tilespmem:v12+s15+$0x0], $0xffff  }
0xab: {  	s26 =	simm.s32 $0x9;
	v23 =	vor.u32 s28, v8;
	v22 =	vld.idx.msk [tilespmem:v13+s15+$0x0], $0xffff  }
0xac: {  	s8 =	simm.s32 $0x13A10;
	s29 =	simm.s32 $0xB;
	v21 =	vor.u32 s26, v8;
	v13 =	vld.idx.msk [tilespmem:v14+s15+$0x0], $0xffff  }
0xad: {  	s12 =	simm.s32 $0xC;
	v18 =	vor.u32 s29, v8;
	v12 =	vld.idx.msk [tilespmem:v15+s15+$0x0], $0xffff;
	[tilespmem:s8+$0x180] =	vst v9  }
0xae: {  	s26 =	simm.s32 $0xD;
	[tilespmem:s8+$0xFFFFFE80] =	vst v10;
	v9 =	vld.idx.msk [tilespmem:v19+s15+$0x0], $0xffff;
	v19 =	vor.u32 s12, v8  }
0xaf: {  	s29 =	simm.s32 $0xE;
	v11 =	vld.idx.msk [tilespmem:v16+s15+$0x0], $0xffff;
	v16 =	vor.u32 s26, v8;
	[tilespmem:s8+$0xFFFFFF00] =	vst v17  }
0xb0: {  	s28 =	simm.s32 $0x8;
	v14 =	vld.idx.msk [tilespmem:v23+s15+$0x0], $0xffff;
	[tilespmem:s8+$0xFFFFFF80] =	vst v20;
	v17 =	vor.u32 s29, v8  }
0xb1: {  	s5 =	simm.s32 $0x10;
	s26 =	simm.s32 $0x17;
	v15 =	vor.u32 s28, v8;
	v10 =	vld.idx.msk [tilespmem:v21+s15+$0x0], $0xffff;
	s12 =	simm.s32 $0x18;
	[tilespmem:s8+$0x0] =	vst v22  }
.LBB2_7:
0xb2: {  	p1 =	slt.u32 s12, $0x38;
	s28 =	sadd.s32 $0x1, s5;
	v20 =	vor.u32 s26, v8;
	v21 =	vld.idx.msk [tilespmem:v18+s15+$0x0], $0xffff;
	[tilespmem:s8+$0x80] =	vst v13  }
0xb3: {  	s26 =	sadd.s32 $0x2, s5;
	v22 =	vor.u32 s28, v8;
	v23 =	vld.idx.msk [tilespmem:v19+s15+$0x0], $0xffff;
	[tilespmem:s8+$0x100] =	vst v12  }
0xb4: {  	v24 =	vor.u32 s26, v8;
	s26 =	sadd.s32 $0x3, s5;
	v13 =	vld.idx.msk [tilespmem:v16+s15+$0x0], $0xffff;
	[tilespmem:s8+$0xFFFFFE00] =	vst v11;
	s8 =	sadd.s32 $0x400, s8  }
.Ltmp6:
0xb5: {  	v18 =	vor.u32 s26, v8;
	s26 =	sadd.s32 $0x4, s5;
	v12 =	vld.idx.msk [tilespmem:v17+s15+$0x0], $0xffff;
	[tilespmem:s8+$0x180] =	vst v9;
	(pc) =	sbr.rel @p1 .LBB2_7-.Ltmp6, $4  }
0xb6: {  	v19 =	vor.u32 s26, v8;
	s26 =	sadd.s32 $0x5, s5;
	v11 =	vld.idx.msk [tilespmem:v15+s15+$0x0], $0xffff;
	[tilespmem:s8+$0xFFFFFE80] =	vst v10  }
0xb7: {  	v16 =	vor.u32 s26, v8;
	s26 =	sadd.s32 $0x6, s5;
	v9 =	vld.idx.msk [tilespmem:v20+s15+$0x0], $0xffff;
	[tilespmem:s8+$0xFFFFFF00] =	vst v14  }
0xb8: {  	v17 =	vor.u32 s26, v8;
	v10 =	vld.idx.msk [tilespmem:v22+s15+$0x0], $0xffff;
	[tilespmem:s8+$0xFFFFFF80] =	vst v21  }
0xb9: {  	v15 =	vor.u32 s5, v8;
	s5 =	smov.u32 s12;
	s26 =	sadd.s32 $0x7, s12;
	s12 =	sadd.s32 $0x8, s12;
	v14 =	vld.idx.msk [tilespmem:v24+s15+$0x0], $0xffff;
	[tilespmem:s8+$0x0] =	vst v23  }
0xba: {  	_ =	sdelay $0x2  }
0xbb: {  	[tilespmem:s8+$0x80] =	vst v13  }
0xbc: {  	s12 =	sadd.s32 $0x1, s5;
	v13 =	vor.u32 s26, v8;
	v18 =	vld.idx.msk [tilespmem:v18+s15+$0x0], $0xffff;
	[tilespmem:s8+$0x100] =	vst v12  }
0xbd: {  	s28 =	sadd.s32 $0x2, s5;
	v19 =	vld.idx.msk [tilespmem:v19+s15+$0x0], $0xffff;
	v12 =	vor.u32 s12, v8;
	[tilespmem:s8+$0xFFFFFE00] =	vst v11;
	s8 =	sadd.s32 $0x400, s8  }
0xbe: {  	s29 =	sadd.s32 $0x3, s5;
	v16 =	vld.idx.msk [tilespmem:v16+s15+$0x0], $0xffff;
	v11 =	vor.u32 s28, v8;
	[tilespmem:s8+$0x180] =	vst v9  }
0xbf: {  	s26 =	sadd.s32 $0x4, s5;
	v17 =	vld.idx.msk [tilespmem:v17+s15+$0x0], $0xffff;
	v9 =	vor.u32 s29, v8;
	[tilespmem:s8+$0xFFFFFE80] =	vst v10  }
0xc0: {  	v15 =	vld.idx.msk [tilespmem:v15+s15+$0x0], $0xffff;
	s28 =	sadd.s32 $0x5, s5;
	v10 =	vor.u32 s26, v8;
	[tilespmem:s8+$0xFFFFFF00] =	vst v14  }
0xc1: {  	s29 =	sadd.s32 $0x6, s5;
	v14 =	vor.u32 s28, v8;
	v13 =	vld.idx.msk [tilespmem:v13+s15+$0x0], $0xffff;
	[tilespmem:s8+$0xFFFFFF80] =	vst v18  }
0xc2: {  	v18 =	vor.u32 s29, v8;
	[tilespmem:s8+$0x0] =	vst v19;
	v12 =	vld.idx.msk [tilespmem:v12+s15+$0x0], $0xffff  }
0xc3: {  	v8 =	vor.u32 s5, v8;
	[tilespmem:s8+$0x80] =	vst v16;
	v11 =	vld.idx.msk [tilespmem:v11+s15+$0x0], $0xffff  }
0xc4: {  	[tilespmem:s8+$0x100] =	vst v17;
	v9 =	vld.idx.msk [tilespmem:v9+s15+$0x0], $0xffff  }
0xc5: {  	s12 =	sadd.s32 $0x400, s8;
	[tilespmem:s8+$0xFFFFFE00] =	vst v15;
	v10 =	vld.idx.msk [tilespmem:v10+s15+$0x0], $0xffff  }
0xc6: {  	v14 =	vld.idx.msk [tilespmem:v14+s15+$0x0], $0xffff;
	[tilespmem:s12+$0x180] =	vst v13  }
0xc7: {  	v13 =	vld.idx.msk [tilespmem:v18+s15+$0x0], $0xffff;
	[tilespmem:s12+$0xFFFFFE80] =	vst v12  }
0xc8: {  	v8 =	vld.idx.msk [tilespmem:v8+s15+$0x0], $0xffff;
	[tilespmem:s12+$0xFFFFFF00] =	vst v11  }
0xc9: {  	[tilespmem:s12+$0xFFFFFF80] =	vst v9  }
0xca: {  	[tilespmem:s12+$0x0] =	vst v10  }
0xcb: {  	[tilespmem:s12+$0x80] =	vst v14  }
0xcc: {  	[tilespmem:s12+$0x100] =	vst v13  }
0xcd: {  	[tilespmem:s12+$0xFFFFFE00] =	vst v8  }
0xce: {  	v8 =	vld [tilespmem:s20+$0x20];
	_ =	sdelay $0x4  }
0xcf: {  	v8 =	vshrl.u32 v8, $0x8  }
0xd0: {  	v8 =	vand.u32 $0x40, v8  }
0xd1: {  	s26 =	simm.s32 $0x7;
	v8 =	vor.u32 v2, v8  }
0xd2: {  	s28 =	simm.s32 $0x1;
	v9 =	vor.u32 s26, v8  }
0xd3: {  	s29 =	simm.s32 $0x2;
	v10 =	vor.u32 s28, v8  }
0xd4: {  	s8 =	simm.s32 $0x3;
	v11 =	vor.u32 s29, v8  }
0xd5: {  	s12 =	simm.s32 $0x4;
	v12 =	vor.u32 s8, v8  }
0xd6: {  	v13 =	vor.u32 s12, v8;
	s26 =	simm.s32 $0x5  }
0xd7: {  	s28 =	simm.s32 $0x6;
	v14 =	vor.u32 s26, v8;
	v9 =	vld.idx.msk [tilespmem:v9+s15+$0x0], $0xffff  }
0xd8: {  	s12 =	simm.s32 $0xF;
	v15 =	vor.u32 s28, v8;
	v10 =	vld.idx.msk [tilespmem:v10+s15+$0x0], $0xffff  }
0xd9: {  	s29 =	simm.s32 $0x0;
	v19 =	vor.u32 s12, v8;
	v17 =	vld.idx.msk [tilespmem:v11+s15+$0x0], $0xffff  }
0xda: {  	v16 =	vor.u32 s29, v8;
	s28 =	simm.s32 $0xA;
	v20 =	vld.idx.msk [tilespmem:v12+s15+$0x0], $0xffff  }
0xdb: {  	s26 =	simm.s32 $0x9;
	v23 =	vor.u32 s28, v8;
	v22 =	vld.idx.msk [tilespmem:v13+s15+$0x0], $0xffff  }
0xdc: {  	s8 =	simm.s32 $0x13A20;
	s29 =	simm.s32 $0xB;
	v21 =	vor.u32 s26, v8;
	v13 =	vld.idx.msk [tilespmem:v14+s15+$0x0], $0xffff  }
0xdd: {  	s12 =	simm.s32 $0xC;
	v18 =	vor.u32 s29, v8;
	v12 =	vld.idx.msk [tilespmem:v15+s15+$0x0], $0xffff;
	[tilespmem:s8+$0x180] =	vst v9  }
0xde: {  	s26 =	simm.s32 $0xD;
	[tilespmem:s8+$0xFFFFFE80] =	vst v10;
	v9 =	vld.idx.msk [tilespmem:v19+s15+$0x0], $0xffff;
	v19 =	vor.u32 s12, v8  }
0xdf: {  	s29 =	simm.s32 $0xE;
	v11 =	vld.idx.msk [tilespmem:v16+s15+$0x0], $0xffff;
	v16 =	vor.u32 s26, v8;
	[tilespmem:s8+$0xFFFFFF00] =	vst v17  }
0xe0: {  	s28 =	simm.s32 $0x8;
	v14 =	vld.idx.msk [tilespmem:v23+s15+$0x0], $0xffff;
	[tilespmem:s8+$0xFFFFFF80] =	vst v20;
	v17 =	vor.u32 s29, v8  }
0xe1: {  	s5 =	simm.s32 $0x10;
	s26 =	simm.s32 $0x17;
	v15 =	vor.u32 s28, v8;
	v10 =	vld.idx.msk [tilespmem:v21+s15+$0x0], $0xffff;
	s12 =	simm.s32 $0x18;
	[tilespmem:s8+$0x0] =	vst v22  }
.LBB2_9:
0xe2: {  	p1 =	slt.u32 s12, $0x38;
	s28 =	sadd.s32 $0x1, s5;
	v20 =	vor.u32 s26, v8;
	v21 =	vld.idx.msk [tilespmem:v18+s15+$0x0], $0xffff;
	[tilespmem:s8+$0x80] =	vst v13  }
0xe3: {  	s26 =	sadd.s32 $0x2, s5;
	v22 =	vor.u32 s28, v8;
	v23 =	vld.idx.msk [tilespmem:v19+s15+$0x0], $0xffff;
	[tilespmem:s8+$0x100] =	vst v12  }
0xe4: {  	v24 =	vor.u32 s26, v8;
	s26 =	sadd.s32 $0x3, s5;
	v13 =	vld.idx.msk [tilespmem:v16+s15+$0x0], $0xffff;
	[tilespmem:s8+$0xFFFFFE00] =	vst v11;
	s8 =	sadd.s32 $0x400, s8  }
.Ltmp7:
0xe5: {  	v18 =	vor.u32 s26, v8;
	s26 =	sadd.s32 $0x4, s5;
	v12 =	vld.idx.msk [tilespmem:v17+s15+$0x0], $0xffff;
	[tilespmem:s8+$0x180] =	vst v9;
	(pc) =	sbr.rel @p1 .LBB2_9-.Ltmp7, $4  }
0xe6: {  	v19 =	vor.u32 s26, v8;
	s26 =	sadd.s32 $0x5, s5;
	v11 =	vld.idx.msk [tilespmem:v15+s15+$0x0], $0xffff;
	[tilespmem:s8+$0xFFFFFE80] =	vst v10  }
0xe7: {  	v16 =	vor.u32 s26, v8;
	s26 =	sadd.s32 $0x6, s5;
	v9 =	vld.idx.msk [tilespmem:v20+s15+$0x0], $0xffff;
	[tilespmem:s8+$0xFFFFFF00] =	vst v14  }
0xe8: {  	v17 =	vor.u32 s26, v8;
	v10 =	vld.idx.msk [tilespmem:v22+s15+$0x0], $0xffff;
	[tilespmem:s8+$0xFFFFFF80] =	vst v21  }
0xe9: {  	v15 =	vor.u32 s5, v8;
	s5 =	smov.u32 s12;
	s26 =	sadd.s32 $0x7, s12;
	s12 =	sadd.s32 $0x8, s12;
	v14 =	vld.idx.msk [tilespmem:v24+s15+$0x0], $0xffff;
	[tilespmem:s8+$0x0] =	vst v23  }
0xea: {  	_ =	sdelay $0x2  }
0xeb: {  	[tilespmem:s8+$0x80] =	vst v13  }
0xec: {  	s12 =	sadd.s32 $0x1, s5;
	v13 =	vor.u32 s26, v8;
	v18 =	vld.idx.msk [tilespmem:v18+s15+$0x0], $0xffff;
	[tilespmem:s8+$0x100] =	vst v12  }
0xed: {  	s28 =	sadd.s32 $0x2, s5;
	v19 =	vld.idx.msk [tilespmem:v19+s15+$0x0], $0xffff;
	v12 =	vor.u32 s12, v8;
	[tilespmem:s8+$0xFFFFFE00] =	vst v11;
	s8 =	sadd.s32 $0x400, s8  }
0xee: {  	s29 =	sadd.s32 $0x3, s5;
	v16 =	vld.idx.msk [tilespmem:v16+s15+$0x0], $0xffff;
	v11 =	vor.u32 s28, v8;
	[tilespmem:s8+$0x180] =	vst v9  }
0xef: {  	s26 =	sadd.s32 $0x4, s5;
	v17 =	vld.idx.msk [tilespmem:v17+s15+$0x0], $0xffff;
	v9 =	vor.u32 s29, v8;
	[tilespmem:s8+$0xFFFFFE80] =	vst v10  }
0xf0: {  	v15 =	vld.idx.msk [tilespmem:v15+s15+$0x0], $0xffff;
	s28 =	sadd.s32 $0x5, s5;
	v10 =	vor.u32 s26, v8;
	[tilespmem:s8+$0xFFFFFF00] =	vst v14  }
0xf1: {  	s29 =	sadd.s32 $0x6, s5;
	v14 =	vor.u32 s28, v8;
	v13 =	vld.idx.msk [tilespmem:v13+s15+$0x0], $0xffff;
	[tilespmem:s8+$0xFFFFFF80] =	vst v18  }
0xf2: {  	v18 =	vor.u32 s29, v8;
	[tilespmem:s8+$0x0] =	vst v19;
	v12 =	vld.idx.msk [tilespmem:v12+s15+$0x0], $0xffff  }
0xf3: {  	v8 =	vor.u32 s5, v8;
	[tilespmem:s8+$0x80] =	vst v16;
	v11 =	vld.idx.msk [tilespmem:v11+s15+$0x0], $0xffff  }
0xf4: {  	[tilespmem:s8+$0x100] =	vst v17;
	v9 =	vld.idx.msk [tilespmem:v9+s15+$0x0], $0xffff  }
0xf5: {  	s12 =	sadd.s32 $0x400, s8;
	[tilespmem:s8+$0xFFFFFE00] =	vst v15;
	v10 =	vld.idx.msk [tilespmem:v10+s15+$0x0], $0xffff  }
0xf6: {  	v14 =	vld.idx.msk [tilespmem:v14+s15+$0x0], $0xffff;
	[tilespmem:s12+$0x180] =	vst v13  }
0xf7: {  	v13 =	vld.idx.msk [tilespmem:v18+s15+$0x0], $0xffff;
	[tilespmem:s12+$0xFFFFFE80] =	vst v12  }
0xf8: {  	v8 =	vld.idx.msk [tilespmem:v8+s15+$0x0], $0xffff;
	[tilespmem:s12+$0xFFFFFF00] =	vst v11  }
0xf9: {  	[tilespmem:s12+$0xFFFFFF80] =	vst v9  }
0xfa: {  	[tilespmem:s12+$0x0] =	vst v10  }
0xfb: {  	[tilespmem:s12+$0x80] =	vst v14  }
0xfc: {  	[tilespmem:s12+$0x100] =	vst v13  }
0xfd: {  	[tilespmem:s12+$0xFFFFFE00] =	vst v8  }
0xfe: {  	v8 =	vld [tilespmem:s20+$0x30];
	_ =	sdelay $0x4  }
0xff: {  	v8 =	vshrl.u32 v8, $0x8  }
0x100: {  	v8 =	vand.u32 $0x40, v8  }
0x101: {  	s26 =	simm.s32 $0x7;
	v8 =	vor.u32 v3, v8  }
0x102: {  	s28 =	simm.s32 $0x1;
	v9 =	vor.u32 s26, v8  }
0x103: {  	s29 =	simm.s32 $0x2;
	v10 =	vor.u32 s28, v8  }
0x104: {  	s8 =	simm.s32 $0x3;
	v11 =	vor.u32 s29, v8  }
0x105: {  	s12 =	simm.s32 $0x4;
	v12 =	vor.u32 s8, v8  }
0x106: {  	v13 =	vor.u32 s12, v8;
	s26 =	simm.s32 $0x5  }
0x107: {  	s28 =	simm.s32 $0x6;
	v14 =	vor.u32 s26, v8;
	v9 =	vld.idx.msk [tilespmem:v9+s15+$0x0], $0xffff  }
0x108: {  	s12 =	simm.s32 $0xF;
	v15 =	vor.u32 s28, v8;
	v10 =	vld.idx.msk [tilespmem:v10+s15+$0x0], $0xffff  }
0x109: {  	s29 =	simm.s32 $0x0;
	v19 =	vor.u32 s12, v8;
	v17 =	vld.idx.msk [tilespmem:v11+s15+$0x0], $0xffff  }
0x10a: {  	v16 =	vor.u32 s29, v8;
	s28 =	simm.s32 $0xA;
	v20 =	vld.idx.msk [tilespmem:v12+s15+$0x0], $0xffff  }
0x10b: {  	s26 =	simm.s32 $0x9;
	v23 =	vor.u32 s28, v8;
	v22 =	vld.idx.msk [tilespmem:v13+s15+$0x0], $0xffff  }
0x10c: {  	s8 =	simm.s32 $0x13A30;
	s29 =	simm.s32 $0xB;
	v21 =	vor.u32 s26, v8;
	v13 =	vld.idx.msk [tilespmem:v14+s15+$0x0], $0xffff  }
0x10d: {  	s12 =	simm.s32 $0xC;
	v18 =	vor.u32 s29, v8;
	v12 =	vld.idx.msk [tilespmem:v15+s15+$0x0], $0xffff;
	[tilespmem:s8+$0x180] =	vst v9  }
0x10e: {  	s26 =	simm.s32 $0xD;
	[tilespmem:s8+$0xFFFFFE80] =	vst v10;
	v9 =	vld.idx.msk [tilespmem:v19+s15+$0x0], $0xffff;
	v19 =	vor.u32 s12, v8  }
0x10f: {  	s29 =	simm.s32 $0xE;
	v11 =	vld.idx.msk [tilespmem:v16+s15+$0x0], $0xffff;
	v16 =	vor.u32 s26, v8;
	[tilespmem:s8+$0xFFFFFF00] =	vst v17  }
0x110: {  	s28 =	simm.s32 $0x8;
	v14 =	vld.idx.msk [tilespmem:v23+s15+$0x0], $0xffff;
	[tilespmem:s8+$0xFFFFFF80] =	vst v20;
	v17 =	vor.u32 s29, v8  }
0x111: {  	s5 =	simm.s32 $0x10;
	s26 =	simm.s32 $0x17;
	v15 =	vor.u32 s28, v8;
	v10 =	vld.idx.msk [tilespmem:v21+s15+$0x0], $0xffff;
	s12 =	simm.s32 $0x18;
	[tilespmem:s8+$0x0] =	vst v22  }
.LBB2_11:
0x112: {  	p1 =	slt.u32 s12, $0x38;
	s28 =	sadd.s32 $0x1, s5;
	v20 =	vor.u32 s26, v8;
	v21 =	vld.idx.msk [tilespmem:v18+s15+$0x0], $0xffff;
	[tilespmem:s8+$0x80] =	vst v13  }
0x113: {  	s26 =	sadd.s32 $0x2, s5;
	v22 =	vor.u32 s28, v8;
	v23 =	vld.idx.msk [tilespmem:v19+s15+$0x0], $0xffff;
	[tilespmem:s8+$0x100] =	vst v12  }
0x114: {  	v24 =	vor.u32 s26, v8;
	s26 =	sadd.s32 $0x3, s5;
	v13 =	vld.idx.msk [tilespmem:v16+s15+$0x0], $0xffff;
	[tilespmem:s8+$0xFFFFFE00] =	vst v11;
	s8 =	sadd.s32 $0x400, s8  }
.Ltmp8:
0x115: {  	v18 =	vor.u32 s26, v8;
	s26 =	sadd.s32 $0x4, s5;
	v12 =	vld.idx.msk [tilespmem:v17+s15+$0x0], $0xffff;
	[tilespmem:s8+$0x180] =	vst v9;
	(pc) =	sbr.rel @p1 .LBB2_11-.Ltmp8, $4  }
0x116: {  	v19 =	vor.u32 s26, v8;
	s26 =	sadd.s32 $0x5, s5;
	v11 =	vld.idx.msk [tilespmem:v15+s15+$0x0], $0xffff;
	[tilespmem:s8+$0xFFFFFE80] =	vst v10  }
0x117: {  	v16 =	vor.u32 s26, v8;
	s26 =	sadd.s32 $0x6, s5;
	v9 =	vld.idx.msk [tilespmem:v20+s15+$0x0], $0xffff;
	[tilespmem:s8+$0xFFFFFF00] =	vst v14  }
0x118: {  	v17 =	vor.u32 s26, v8;
	v10 =	vld.idx.msk [tilespmem:v22+s15+$0x0], $0xffff;
	[tilespmem:s8+$0xFFFFFF80] =	vst v21  }
0x119: {  	v15 =	vor.u32 s5, v8;
	s5 =	smov.u32 s12;
	s26 =	sadd.s32 $0x7, s12;
	s12 =	sadd.s32 $0x8, s12;
	v14 =	vld.idx.msk [tilespmem:v24+s15+$0x0], $0xffff;
	[tilespmem:s8+$0x0] =	vst v23  }
0x11a: {  	_ =	sdelay $0x2  }
0x11b: {  	[tilespmem:s8+$0x80] =	vst v13  }
0x11c: {  	s12 =	sadd.s32 $0x1, s5;
	v13 =	vor.u32 s26, v8;
	v18 =	vld.idx.msk [tilespmem:v18+s15+$0x0], $0xffff;
	[tilespmem:s8+$0x100] =	vst v12  }
0x11d: {  	s28 =	sadd.s32 $0x2, s5;
	v19 =	vld.idx.msk [tilespmem:v19+s15+$0x0], $0xffff;
	v12 =	vor.u32 s12, v8;
	[tilespmem:s8+$0xFFFFFE00] =	vst v11;
	s8 =	sadd.s32 $0x400, s8  }
0x11e: {  	s29 =	sadd.s32 $0x3, s5;
	v16 =	vld.idx.msk [tilespmem:v16+s15+$0x0], $0xffff;
	v11 =	vor.u32 s28, v8;
	[tilespmem:s8+$0x180] =	vst v9  }
0x11f: {  	s26 =	sadd.s32 $0x4, s5;
	v17 =	vld.idx.msk [tilespmem:v17+s15+$0x0], $0xffff;
	v9 =	vor.u32 s29, v8;
	[tilespmem:s8+$0xFFFFFE80] =	vst v10  }
0x120: {  	v15 =	vld.idx.msk [tilespmem:v15+s15+$0x0], $0xffff;
	s28 =	sadd.s32 $0x5, s5;
	v10 =	vor.u32 s26, v8;
	[tilespmem:s8+$0xFFFFFF00] =	vst v14  }
0x121: {  	s29 =	sadd.s32 $0x6, s5;
	v14 =	vor.u32 s28, v8;
	v13 =	vld.idx.msk [tilespmem:v13+s15+$0x0], $0xffff;
	[tilespmem:s8+$0xFFFFFF80] =	vst v18  }
0x122: {  	v18 =	vor.u32 s29, v8;
	[tilespmem:s8+$0x0] =	vst v19;
	v12 =	vld.idx.msk [tilespmem:v12+s15+$0x0], $0xffff  }
0x123: {  	v8 =	vor.u32 s5, v8;
	[tilespmem:s8+$0x80] =	vst v16;
	v11 =	vld.idx.msk [tilespmem:v11+s15+$0x0], $0xffff  }
0x124: {  	[tilespmem:s8+$0x100] =	vst v17;
	v9 =	vld.idx.msk [tilespmem:v9+s15+$0x0], $0xffff  }
0x125: {  	s12 =	sadd.s32 $0x400, s8;
	[tilespmem:s8+$0xFFFFFE00] =	vst v15;
	v10 =	vld.idx.msk [tilespmem:v10+s15+$0x0], $0xffff  }
0x126: {  	v14 =	vld.idx.msk [tilespmem:v14+s15+$0x0], $0xffff;
	[tilespmem:s12+$0x180] =	vst v13  }
0x127: {  	v13 =	vld.idx.msk [tilespmem:v18+s15+$0x0], $0xffff;
	[tilespmem:s12+$0xFFFFFE80] =	vst v12  }
0x128: {  	v8 =	vld.idx.msk [tilespmem:v8+s15+$0x0], $0xffff;
	[tilespmem:s12+$0xFFFFFF00] =	vst v11  }
0x129: {  	[tilespmem:s12+$0xFFFFFF80] =	vst v9  }
0x12a: {  	[tilespmem:s12+$0x0] =	vst v10  }
0x12b: {  	[tilespmem:s12+$0x80] =	vst v14  }
0x12c: {  	[tilespmem:s12+$0x100] =	vst v13  }
0x12d: {  	[tilespmem:s12+$0xFFFFFE00] =	vst v8  }
0x12e: {  	v8 =	vld [tilespmem:s20+$0x40];
	_ =	sdelay $0x4  }
0x12f: {  	v8 =	vshrl.u32 v8, $0x8  }
0x130: {  	v8 =	vand.u32 $0x40, v8  }
0x131: {  	s26 =	simm.s32 $0x7;
	v8 =	vor.u32 v4, v8  }
0x132: {  	s28 =	simm.s32 $0x1;
	v9 =	vor.u32 s26, v8  }
0x133: {  	s29 =	simm.s32 $0x2;
	v10 =	vor.u32 s28, v8  }
0x134: {  	s8 =	simm.s32 $0x3;
	v11 =	vor.u32 s29, v8  }
0x135: {  	s12 =	simm.s32 $0x4;
	v12 =	vor.u32 s8, v8  }
0x136: {  	v13 =	vor.u32 s12, v8;
	s26 =	simm.s32 $0x5  }
0x137: {  	s28 =	simm.s32 $0x6;
	v14 =	vor.u32 s26, v8;
	v9 =	vld.idx.msk [tilespmem:v9+s15+$0x0], $0xffff  }
0x138: {  	s12 =	simm.s32 $0xF;
	v15 =	vor.u32 s28, v8;
	v10 =	vld.idx.msk [tilespmem:v10+s15+$0x0], $0xffff  }
0x139: {  	s29 =	simm.s32 $0x0;
	v19 =	vor.u32 s12, v8;
	v17 =	vld.idx.msk [tilespmem:v11+s15+$0x0], $0xffff  }
0x13a: {  	v16 =	vor.u32 s29, v8;
	s28 =	simm.s32 $0xA;
	v20 =	vld.idx.msk [tilespmem:v12+s15+$0x0], $0xffff  }
0x13b: {  	s26 =	simm.s32 $0x9;
	v23 =	vor.u32 s28, v8;
	v22 =	vld.idx.msk [tilespmem:v13+s15+$0x0], $0xffff  }
0x13c: {  	s8 =	simm.s32 $0x13A40;
	s29 =	simm.s32 $0xB;
	v21 =	vor.u32 s26, v8;
	v13 =	vld.idx.msk [tilespmem:v14+s15+$0x0], $0xffff  }
0x13d: {  	s12 =	simm.s32 $0xC;
	v18 =	vor.u32 s29, v8;
	v12 =	vld.idx.msk [tilespmem:v15+s15+$0x0], $0xffff;
	[tilespmem:s8+$0x180] =	vst v9  }
0x13e: {  	s26 =	simm.s32 $0xD;
	[tilespmem:s8+$0xFFFFFE80] =	vst v10;
	v9 =	vld.idx.msk [tilespmem:v19+s15+$0x0], $0xffff;
	v19 =	vor.u32 s12, v8  }
0x13f: {  	s29 =	simm.s32 $0xE;
	v11 =	vld.idx.msk [tilespmem:v16+s15+$0x0], $0xffff;
	v16 =	vor.u32 s26, v8;
	[tilespmem:s8+$0xFFFFFF00] =	vst v17  }
0x140: {  	s28 =	simm.s32 $0x8;
	v14 =	vld.idx.msk [tilespmem:v23+s15+$0x0], $0xffff;
	[tilespmem:s8+$0xFFFFFF80] =	vst v20;
	v17 =	vor.u32 s29, v8  }
0x141: {  	s5 =	simm.s32 $0x10;
	s26 =	simm.s32 $0x17;
	v15 =	vor.u32 s28, v8;
	v10 =	vld.idx.msk [tilespmem:v21+s15+$0x0], $0xffff;
	s12 =	simm.s32 $0x18;
	[tilespmem:s8+$0x0] =	vst v22  }
.LBB2_13:
0x142: {  	p1 =	slt.u32 s12, $0x38;
	s28 =	sadd.s32 $0x1, s5;
	v20 =	vor.u32 s26, v8;
	v21 =	vld.idx.msk [tilespmem:v18+s15+$0x0], $0xffff;
	[tilespmem:s8+$0x80] =	vst v13  }
0x143: {  	s26 =	sadd.s32 $0x2, s5;
	v22 =	vor.u32 s28, v8;
	v23 =	vld.idx.msk [tilespmem:v19+s15+$0x0], $0xffff;
	[tilespmem:s8+$0x100] =	vst v12  }
0x144: {  	v24 =	vor.u32 s26, v8;
	s26 =	sadd.s32 $0x3, s5;
	v13 =	vld.idx.msk [tilespmem:v16+s15+$0x0], $0xffff;
	[tilespmem:s8+$0xFFFFFE00] =	vst v11;
	s8 =	sadd.s32 $0x400, s8  }
.Ltmp9:
0x145: {  	v18 =	vor.u32 s26, v8;
	s26 =	sadd.s32 $0x4, s5;
	v12 =	vld.idx.msk [tilespmem:v17+s15+$0x0], $0xffff;
	[tilespmem:s8+$0x180] =	vst v9;
	(pc) =	sbr.rel @p1 .LBB2_13-.Ltmp9, $4  }
0x146: {  	v19 =	vor.u32 s26, v8;
	s26 =	sadd.s32 $0x5, s5;
	v11 =	vld.idx.msk [tilespmem:v15+s15+$0x0], $0xffff;
	[tilespmem:s8+$0xFFFFFE80] =	vst v10  }
0x147: {  	v16 =	vor.u32 s26, v8;
	s26 =	sadd.s32 $0x6, s5;
	v9 =	vld.idx.msk [tilespmem:v20+s15+$0x0], $0xffff;
	[tilespmem:s8+$0xFFFFFF00] =	vst v14  }
0x148: {  	v17 =	vor.u32 s26, v8;
	v10 =	vld.idx.msk [tilespmem:v22+s15+$0x0], $0xffff;
	[tilespmem:s8+$0xFFFFFF80] =	vst v21  }
0x149: {  	v15 =	vor.u32 s5, v8;
	s5 =	smov.u32 s12;
	s26 =	sadd.s32 $0x7, s12;
	s12 =	sadd.s32 $0x8, s12;
	v14 =	vld.idx.msk [tilespmem:v24+s15+$0x0], $0xffff;
	[tilespmem:s8+$0x0] =	vst v23  }
0x14a: {  	_ =	sdelay $0x2  }
0x14b: {  	[tilespmem:s8+$0x80] =	vst v13  }
0x14c: {  	s12 =	sadd.s32 $0x1, s5;
	v13 =	vor.u32 s26, v8;
	v18 =	vld.idx.msk [tilespmem:v18+s15+$0x0], $0xffff;
	[tilespmem:s8+$0x100] =	vst v12  }
0x14d: {  	s28 =	sadd.s32 $0x2, s5;
	v19 =	vld.idx.msk [tilespmem:v19+s15+$0x0], $0xffff;
	v12 =	vor.u32 s12, v8;
	[tilespmem:s8+$0xFFFFFE00] =	vst v11;
	s8 =	sadd.s32 $0x400, s8  }
0x14e: {  	s29 =	sadd.s32 $0x3, s5;
	v16 =	vld.idx.msk [tilespmem:v16+s15+$0x0], $0xffff;
	v11 =	vor.u32 s28, v8;
	[tilespmem:s8+$0x180] =	vst v9  }
0x14f: {  	s26 =	sadd.s32 $0x4, s5;
	v17 =	vld.idx.msk [tilespmem:v17+s15+$0x0], $0xffff;
	v9 =	vor.u32 s29, v8;
	[tilespmem:s8+$0xFFFFFE80] =	vst v10  }
0x150: {  	v15 =	vld.idx.msk [tilespmem:v15+s15+$0x0], $0xffff;
	s28 =	sadd.s32 $0x5, s5;
	v10 =	vor.u32 s26, v8;
	[tilespmem:s8+$0xFFFFFF00] =	vst v14  }
0x151: {  	s29 =	sadd.s32 $0x6, s5;
	v14 =	vor.u32 s28, v8;
	v13 =	vld.idx.msk [tilespmem:v13+s15+$0x0], $0xffff;
	[tilespmem:s8+$0xFFFFFF80] =	vst v18  }
0x152: {  	v18 =	vor.u32 s29, v8;
	[tilespmem:s8+$0x0] =	vst v19;
	v12 =	vld.idx.msk [tilespmem:v12+s15+$0x0], $0xffff  }
0x153: {  	v8 =	vor.u32 s5, v8;
	[tilespmem:s8+$0x80] =	vst v16;
	v11 =	vld.idx.msk [tilespmem:v11+s15+$0x0], $0xffff  }
0x154: {  	[tilespmem:s8+$0x100] =	vst v17;
	v9 =	vld.idx.msk [tilespmem:v9+s15+$0x0], $0xffff  }
0x155: {  	s12 =	sadd.s32 $0x400, s8;
	[tilespmem:s8+$0xFFFFFE00] =	vst v15;
	v10 =	vld.idx.msk [tilespmem:v10+s15+$0x0], $0xffff  }
0x156: {  	v14 =	vld.idx.msk [tilespmem:v14+s15+$0x0], $0xffff;
	[tilespmem:s12+$0x180] =	vst v13  }
0x157: {  	v13 =	vld.idx.msk [tilespmem:v18+s15+$0x0], $0xffff;
	[tilespmem:s12+$0xFFFFFE80] =	vst v12  }
0x158: {  	v8 =	vld.idx.msk [tilespmem:v8+s15+$0x0], $0xffff;
	[tilespmem:s12+$0xFFFFFF00] =	vst v11  }
0x159: {  	[tilespmem:s12+$0xFFFFFF80] =	vst v9  }
0x15a: {  	[tilespmem:s12+$0x0] =	vst v10  }
0x15b: {  	[tilespmem:s12+$0x80] =	vst v14  }
0x15c: {  	[tilespmem:s12+$0x100] =	vst v13  }
0x15d: {  	[tilespmem:s12+$0xFFFFFE00] =	vst v8  }
0x15e: {  	v8 =	vld [tilespmem:s20+$0x50];
	_ =	sdelay $0x4  }
0x15f: {  	v8 =	vshrl.u32 v8, $0x8  }
0x160: {  	v8 =	vand.u32 $0x40, v8  }
0x161: {  	s26 =	simm.s32 $0x7;
	v8 =	vor.u32 v5, v8  }
0x162: {  	s28 =	simm.s32 $0x1;
	v9 =	vor.u32 s26, v8  }
0x163: {  	s29 =	simm.s32 $0x2;
	v10 =	vor.u32 s28, v8  }
0x164: {  	s8 =	simm.s32 $0x3;
	v11 =	vor.u32 s29, v8  }
0x165: {  	s12 =	simm.s32 $0x4;
	v12 =	vor.u32 s8, v8  }
0x166: {  	v13 =	vor.u32 s12, v8;
	s26 =	simm.s32 $0x5  }
0x167: {  	s28 =	simm.s32 $0x6;
	v14 =	vor.u32 s26, v8;
	v9 =	vld.idx.msk [tilespmem:v9+s15+$0x0], $0xffff  }
0x168: {  	s12 =	simm.s32 $0xF;
	v15 =	vor.u32 s28, v8;
	v10 =	vld.idx.msk [tilespmem:v10+s15+$0x0], $0xffff  }
0x169: {  	s29 =	simm.s32 $0x0;
	v19 =	vor.u32 s12, v8;
	v17 =	vld.idx.msk [tilespmem:v11+s15+$0x0], $0xffff  }
0x16a: {  	v16 =	vor.u32 s29, v8;
	s28 =	simm.s32 $0xA;
	v20 =	vld.idx.msk [tilespmem:v12+s15+$0x0], $0xffff  }
0x16b: {  	s26 =	simm.s32 $0x9;
	v23 =	vor.u32 s28, v8;
	v22 =	vld.idx.msk [tilespmem:v13+s15+$0x0], $0xffff  }
0x16c: {  	s8 =	simm.s32 $0x13A50;
	s29 =	simm.s32 $0xB;
	v21 =	vor.u32 s26, v8;
	v13 =	vld.idx.msk [tilespmem:v14+s15+$0x0], $0xffff  }
0x16d: {  	s12 =	simm.s32 $0xC;
	v18 =	vor.u32 s29, v8;
	v12 =	vld.idx.msk [tilespmem:v15+s15+$0x0], $0xffff;
	[tilespmem:s8+$0x180] =	vst v9  }
0x16e: {  	s26 =	simm.s32 $0xD;
	[tilespmem:s8+$0xFFFFFE80] =	vst v10;
	v9 =	vld.idx.msk [tilespmem:v19+s15+$0x0], $0xffff;
	v19 =	vor.u32 s12, v8  }
0x16f: {  	s29 =	simm.s32 $0xE;
	v11 =	vld.idx.msk [tilespmem:v16+s15+$0x0], $0xffff;
	v16 =	vor.u32 s26, v8;
	[tilespmem:s8+$0xFFFFFF00] =	vst v17  }
0x170: {  	s28 =	simm.s32 $0x8;
	v14 =	vld.idx.msk [tilespmem:v23+s15+$0x0], $0xffff;
	[tilespmem:s8+$0xFFFFFF80] =	vst v20;
	v17 =	vor.u32 s29, v8  }
0x171: {  	s5 =	simm.s32 $0x10;
	s26 =	simm.s32 $0x17;
	v15 =	vor.u32 s28, v8;
	v10 =	vld.idx.msk [tilespmem:v21+s15+$0x0], $0xffff;
	s12 =	simm.s32 $0x18;
	[tilespmem:s8+$0x0] =	vst v22  }
.LBB2_15:
0x172: {  	p1 =	slt.u32 s12, $0x38;
	s28 =	sadd.s32 $0x1, s5;
	v20 =	vor.u32 s26, v8;
	v21 =	vld.idx.msk [tilespmem:v18+s15+$0x0], $0xffff;
	[tilespmem:s8+$0x80] =	vst v13  }
0x173: {  	s26 =	sadd.s32 $0x2, s5;
	v22 =	vor.u32 s28, v8;
	v23 =	vld.idx.msk [tilespmem:v19+s15+$0x0], $0xffff;
	[tilespmem:s8+$0x100] =	vst v12  }
0x174: {  	v24 =	vor.u32 s26, v8;
	s26 =	sadd.s32 $0x3, s5;
	v13 =	vld.idx.msk [tilespmem:v16+s15+$0x0], $0xffff;
	[tilespmem:s8+$0xFFFFFE00] =	vst v11;
	s8 =	sadd.s32 $0x400, s8  }
.Ltmp10:
0x175: {  	v18 =	vor.u32 s26, v8;
	s26 =	sadd.s32 $0x4, s5;
	v12 =	vld.idx.msk [tilespmem:v17+s15+$0x0], $0xffff;
	[tilespmem:s8+$0x180] =	vst v9;
	(pc) =	sbr.rel @p1 .LBB2_15-.Ltmp10, $4  }
0x176: {  	v19 =	vor.u32 s26, v8;
	s26 =	sadd.s32 $0x5, s5;
	v11 =	vld.idx.msk [tilespmem:v15+s15+$0x0], $0xffff;
	[tilespmem:s8+$0xFFFFFE80] =	vst v10  }
0x177: {  	v16 =	vor.u32 s26, v8;
	s26 =	sadd.s32 $0x6, s5;
	v9 =	vld.idx.msk [tilespmem:v20+s15+$0x0], $0xffff;
	[tilespmem:s8+$0xFFFFFF00] =	vst v14  }
0x178: {  	v17 =	vor.u32 s26, v8;
	v10 =	vld.idx.msk [tilespmem:v22+s15+$0x0], $0xffff;
	[tilespmem:s8+$0xFFFFFF80] =	vst v21  }
0x179: {  	v15 =	vor.u32 s5, v8;
	s5 =	smov.u32 s12;
	s26 =	sadd.s32 $0x7, s12;
	s12 =	sadd.s32 $0x8, s12;
	v14 =	vld.idx.msk [tilespmem:v24+s15+$0x0], $0xffff;
	[tilespmem:s8+$0x0] =	vst v23  }
0x17a: {  	_ =	sdelay $0x2  }
0x17b: {  	[tilespmem:s8+$0x80] =	vst v13  }
0x17c: {  	s12 =	sadd.s32 $0x1, s5;
	v13 =	vor.u32 s26, v8;
	v18 =	vld.idx.msk [tilespmem:v18+s15+$0x0], $0xffff;
	[tilespmem:s8+$0x100] =	vst v12  }
0x17d: {  	s28 =	sadd.s32 $0x2, s5;
	v19 =	vld.idx.msk [tilespmem:v19+s15+$0x0], $0xffff;
	v12 =	vor.u32 s12, v8;
	[tilespmem:s8+$0xFFFFFE00] =	vst v11;
	s8 =	sadd.s32 $0x400, s8  }
0x17e: {  	s29 =	sadd.s32 $0x3, s5;
	v16 =	vld.idx.msk [tilespmem:v16+s15+$0x0], $0xffff;
	v11 =	vor.u32 s28, v8;
	[tilespmem:s8+$0x180] =	vst v9  }
0x17f: {  	s26 =	sadd.s32 $0x4, s5;
	v17 =	vld.idx.msk [tilespmem:v17+s15+$0x0], $0xffff;
	v9 =	vor.u32 s29, v8;
	[tilespmem:s8+$0xFFFFFE80] =	vst v10  }
0x180: {  	v15 =	vld.idx.msk [tilespmem:v15+s15+$0x0], $0xffff;
	s28 =	sadd.s32 $0x5, s5;
	v10 =	vor.u32 s26, v8;
	[tilespmem:s8+$0xFFFFFF00] =	vst v14  }
0x181: {  	s29 =	sadd.s32 $0x6, s5;
	v14 =	vor.u32 s28, v8;
	v13 =	vld.idx.msk [tilespmem:v13+s15+$0x0], $0xffff;
	[tilespmem:s8+$0xFFFFFF80] =	vst v18  }
0x182: {  	v18 =	vor.u32 s29, v8;
	[tilespmem:s8+$0x0] =	vst v19;
	v12 =	vld.idx.msk [tilespmem:v12+s15+$0x0], $0xffff  }
0x183: {  	v8 =	vor.u32 s5, v8;
	[tilespmem:s8+$0x80] =	vst v16;
	v11 =	vld.idx.msk [tilespmem:v11+s15+$0x0], $0xffff  }
0x184: {  	[tilespmem:s8+$0x100] =	vst v17;
	v9 =	vld.idx.msk [tilespmem:v9+s15+$0x0], $0xffff  }
0x185: {  	s12 =	sadd.s32 $0x400, s8;
	[tilespmem:s8+$0xFFFFFE00] =	vst v15;
	v10 =	vld.idx.msk [tilespmem:v10+s15+$0x0], $0xffff  }
0x186: {  	v14 =	vld.idx.msk [tilespmem:v14+s15+$0x0], $0xffff;
	[tilespmem:s12+$0x180] =	vst v13  }
0x187: {  	v13 =	vld.idx.msk [tilespmem:v18+s15+$0x0], $0xffff;
	[tilespmem:s12+$0xFFFFFE80] =	vst v12  }
0x188: {  	v8 =	vld.idx.msk [tilespmem:v8+s15+$0x0], $0xffff;
	[tilespmem:s12+$0xFFFFFF00] =	vst v11  }
0x189: {  	[tilespmem:s12+$0xFFFFFF80] =	vst v9  }
0x18a: {  	[tilespmem:s12+$0x0] =	vst v10  }
0x18b: {  	[tilespmem:s12+$0x80] =	vst v14  }
0x18c: {  	[tilespmem:s12+$0x100] =	vst v13  }
0x18d: {  	[tilespmem:s12+$0xFFFFFE00] =	vst v8  }
0x18e: {  	v8 =	vld [tilespmem:s20+$0x60];
	_ =	sdelay $0x4  }
0x18f: {  	v8 =	vshrl.u32 v8, $0x8  }
0x190: {  	v8 =	vand.u32 $0x40, v8  }
0x191: {  	s26 =	simm.s32 $0x7;
	v8 =	vor.u32 v6, v8  }
0x192: {  	s28 =	simm.s32 $0x1;
	v9 =	vor.u32 s26, v8  }
0x193: {  	s29 =	simm.s32 $0x2;
	v10 =	vor.u32 s28, v8  }
0x194: {  	s8 =	simm.s32 $0x3;
	v11 =	vor.u32 s29, v8  }
0x195: {  	s12 =	simm.s32 $0x4;
	v12 =	vor.u32 s8, v8  }
0x196: {  	v13 =	vor.u32 s12, v8;
	s26 =	simm.s32 $0x5  }
0x197: {  	s28 =	simm.s32 $0x6;
	v14 =	vor.u32 s26, v8;
	v9 =	vld.idx.msk [tilespmem:v9+s15+$0x0], $0xffff  }
0x198: {  	s12 =	simm.s32 $0xF;
	v15 =	vor.u32 s28, v8;
	v10 =	vld.idx.msk [tilespmem:v10+s15+$0x0], $0xffff  }
0x199: {  	s29 =	simm.s32 $0x0;
	v19 =	vor.u32 s12, v8;
	v17 =	vld.idx.msk [tilespmem:v11+s15+$0x0], $0xffff  }
0x19a: {  	v16 =	vor.u32 s29, v8;
	s28 =	simm.s32 $0xA;
	v20 =	vld.idx.msk [tilespmem:v12+s15+$0x0], $0xffff  }
0x19b: {  	s26 =	simm.s32 $0x9;
	v23 =	vor.u32 s28, v8;
	v22 =	vld.idx.msk [tilespmem:v13+s15+$0x0], $0xffff  }
0x19c: {  	s8 =	simm.s32 $0x13A60;
	s29 =	simm.s32 $0xB;
	v21 =	vor.u32 s26, v8;
	v13 =	vld.idx.msk [tilespmem:v14+s15+$0x0], $0xffff  }
0x19d: {  	s12 =	simm.s32 $0xC;
	v18 =	vor.u32 s29, v8;
	v12 =	vld.idx.msk [tilespmem:v15+s15+$0x0], $0xffff;
	[tilespmem:s8+$0x180] =	vst v9  }
0x19e: {  	s26 =	simm.s32 $0xD;
	[tilespmem:s8+$0xFFFFFE80] =	vst v10;
	v9 =	vld.idx.msk [tilespmem:v19+s15+$0x0], $0xffff;
	v19 =	vor.u32 s12, v8  }
0x19f: {  	s29 =	simm.s32 $0xE;
	v11 =	vld.idx.msk [tilespmem:v16+s15+$0x0], $0xffff;
	v16 =	vor.u32 s26, v8;
	[tilespmem:s8+$0xFFFFFF00] =	vst v17  }
0x1a0: {  	s28 =	simm.s32 $0x8;
	v14 =	vld.idx.msk [tilespmem:v23+s15+$0x0], $0xffff;
	[tilespmem:s8+$0xFFFFFF80] =	vst v20;
	v17 =	vor.u32 s29, v8  }
0x1a1: {  	s5 =	simm.s32 $0x10;
	s26 =	simm.s32 $0x17;
	v15 =	vor.u32 s28, v8;
	v10 =	vld.idx.msk [tilespmem:v21+s15+$0x0], $0xffff;
	s12 =	simm.s32 $0x18;
	[tilespmem:s8+$0x0] =	vst v22  }
.LBB2_17:
0x1a2: {  	p1 =	slt.u32 s12, $0x38;
	s28 =	sadd.s32 $0x1, s5;
	v20 =	vor.u32 s26, v8;
	v21 =	vld.idx.msk [tilespmem:v18+s15+$0x0], $0xffff;
	[tilespmem:s8+$0x80] =	vst v13  }
0x1a3: {  	s26 =	sadd.s32 $0x2, s5;
	v22 =	vor.u32 s28, v8;
	v23 =	vld.idx.msk [tilespmem:v19+s15+$0x0], $0xffff;
	[tilespmem:s8+$0x100] =	vst v12  }
0x1a4: {  	v24 =	vor.u32 s26, v8;
	s26 =	sadd.s32 $0x3, s5;
	v13 =	vld.idx.msk [tilespmem:v16+s15+$0x0], $0xffff;
	[tilespmem:s8+$0xFFFFFE00] =	vst v11;
	s8 =	sadd.s32 $0x400, s8  }
.Ltmp11:
0x1a5: {  	v18 =	vor.u32 s26, v8;
	s26 =	sadd.s32 $0x4, s5;
	v12 =	vld.idx.msk [tilespmem:v17+s15+$0x0], $0xffff;
	[tilespmem:s8+$0x180] =	vst v9;
	(pc) =	sbr.rel @p1 .LBB2_17-.Ltmp11, $4  }
0x1a6: {  	v19 =	vor.u32 s26, v8;
	s26 =	sadd.s32 $0x5, s5;
	v11 =	vld.idx.msk [tilespmem:v15+s15+$0x0], $0xffff;
	[tilespmem:s8+$0xFFFFFE80] =	vst v10  }
0x1a7: {  	v16 =	vor.u32 s26, v8;
	s26 =	sadd.s32 $0x6, s5;
	v9 =	vld.idx.msk [tilespmem:v20+s15+$0x0], $0xffff;
	[tilespmem:s8+$0xFFFFFF00] =	vst v14  }
0x1a8: {  	v17 =	vor.u32 s26, v8;
	v10 =	vld.idx.msk [tilespmem:v22+s15+$0x0], $0xffff;
	[tilespmem:s8+$0xFFFFFF80] =	vst v21  }
0x1a9: {  	v15 =	vor.u32 s5, v8;
	s5 =	smov.u32 s12;
	s26 =	sadd.s32 $0x7, s12;
	s12 =	sadd.s32 $0x8, s12;
	v14 =	vld.idx.msk [tilespmem:v24+s15+$0x0], $0xffff;
	[tilespmem:s8+$0x0] =	vst v23  }
0x1aa: {  	_ =	sdelay $0x2  }
0x1ab: {  	[tilespmem:s8+$0x80] =	vst v13  }
0x1ac: {  	s12 =	sadd.s32 $0x1, s5;
	v13 =	vor.u32 s26, v8;
	v18 =	vld.idx.msk [tilespmem:v18+s15+$0x0], $0xffff;
	[tilespmem:s8+$0x100] =	vst v12  }
0x1ad: {  	s28 =	sadd.s32 $0x2, s5;
	v19 =	vld.idx.msk [tilespmem:v19+s15+$0x0], $0xffff;
	v12 =	vor.u32 s12, v8;
	[tilespmem:s8+$0xFFFFFE00] =	vst v11;
	s8 =	sadd.s32 $0x400, s8  }
0x1ae: {  	s29 =	sadd.s32 $0x3, s5;
	v16 =	vld.idx.msk [tilespmem:v16+s15+$0x0], $0xffff;
	v11 =	vor.u32 s28, v8;
	[tilespmem:s8+$0x180] =	vst v9  }
0x1af: {  	s26 =	sadd.s32 $0x4, s5;
	v17 =	vld.idx.msk [tilespmem:v17+s15+$0x0], $0xffff;
	v9 =	vor.u32 s29, v8;
	[tilespmem:s8+$0xFFFFFE80] =	vst v10  }
0x1b0: {  	v15 =	vld.idx.msk [tilespmem:v15+s15+$0x0], $0xffff;
	s28 =	sadd.s32 $0x5, s5;
	v10 =	vor.u32 s26, v8;
	[tilespmem:s8+$0xFFFFFF00] =	vst v14  }
0x1b1: {  	s29 =	sadd.s32 $0x6, s5;
	v14 =	vor.u32 s28, v8;
	v13 =	vld.idx.msk [tilespmem:v13+s15+$0x0], $0xffff;
	[tilespmem:s8+$0xFFFFFF80] =	vst v18  }
0x1b2: {  	v18 =	vor.u32 s29, v8;
	[tilespmem:s8+$0x0] =	vst v19;
	v12 =	vld.idx.msk [tilespmem:v12+s15+$0x0], $0xffff  }
0x1b3: {  	v8 =	vor.u32 s5, v8;
	[tilespmem:s8+$0x80] =	vst v16;
	v11 =	vld.idx.msk [tilespmem:v11+s15+$0x0], $0xffff  }
0x1b4: {  	[tilespmem:s8+$0x100] =	vst v17;
	v9 =	vld.idx.msk [tilespmem:v9+s15+$0x0], $0xffff  }
0x1b5: {  	s12 =	sadd.s32 $0x400, s8;
	[tilespmem:s8+$0xFFFFFE00] =	vst v15;
	v10 =	vld.idx.msk [tilespmem:v10+s15+$0x0], $0xffff  }
0x1b6: {  	v14 =	vld.idx.msk [tilespmem:v14+s15+$0x0], $0xffff;
	[tilespmem:s12+$0x180] =	vst v13  }
0x1b7: {  	v13 =	vld.idx.msk [tilespmem:v18+s15+$0x0], $0xffff;
	[tilespmem:s12+$0xFFFFFE80] =	vst v12  }
0x1b8: {  	v8 =	vld.idx.msk [tilespmem:v8+s15+$0x0], $0xffff;
	[tilespmem:s12+$0xFFFFFF00] =	vst v11  }
0x1b9: {  	[tilespmem:s12+$0xFFFFFF80] =	vst v9  }
0x1ba: {  	[tilespmem:s12+$0x0] =	vst v10  }
0x1bb: {  	[tilespmem:s12+$0x80] =	vst v14  }
0x1bc: {  	[tilespmem:s12+$0x100] =	vst v13  }
0x1bd: {  	[tilespmem:s12+$0xFFFFFE00] =	vst v8  }
0x1be: {  	v8 =	vld [tilespmem:s20+$0x70];
	_ =	sdelay $0x4  }
0x1bf: {  	v8 =	vshrl.u32 v8, $0x8  }
0x1c0: {  	v8 =	vand.u32 $0x40, v8  }
0x1c1: {  	s26 =	simm.s32 $0x7;
	v8 =	vor.u32 v7, v8  }
0x1c2: {  	s28 =	simm.s32 $0x1;
	v9 =	vor.u32 s26, v8  }
0x1c3: {  	s29 =	simm.s32 $0x2;
	v10 =	vor.u32 s28, v8  }
0x1c4: {  	s8 =	simm.s32 $0x3;
	v11 =	vor.u32 s29, v8  }
0x1c5: {  	s12 =	simm.s32 $0x4;
	v12 =	vor.u32 s8, v8  }
0x1c6: {  	v13 =	vor.u32 s12, v8;
	s26 =	simm.s32 $0x5  }
0x1c7: {  	s28 =	simm.s32 $0x6;
	v14 =	vor.u32 s26, v8;
	v9 =	vld.idx.msk [tilespmem:v9+s15+$0x0], $0xffff  }
0x1c8: {  	s12 =	simm.s32 $0xF;
	v15 =	vor.u32 s28, v8;
	v10 =	vld.idx.msk [tilespmem:v10+s15+$0x0], $0xffff  }
0x1c9: {  	s29 =	simm.s32 $0x0;
	v19 =	vor.u32 s12, v8;
	v17 =	vld.idx.msk [tilespmem:v11+s15+$0x0], $0xffff  }
0x1ca: {  	v16 =	vor.u32 s29, v8;
	s28 =	simm.s32 $0xA;
	v20 =	vld.idx.msk [tilespmem:v12+s15+$0x0], $0xffff  }
0x1cb: {  	s26 =	simm.s32 $0x9;
	v23 =	vor.u32 s28, v8;
	v22 =	vld.idx.msk [tilespmem:v13+s15+$0x0], $0xffff  }
0x1cc: {  	s8 =	simm.s32 $0x13A70;
	s29 =	simm.s32 $0xB;
	v21 =	vor.u32 s26, v8;
	v13 =	vld.idx.msk [tilespmem:v14+s15+$0x0], $0xffff  }
0x1cd: {  	s12 =	simm.s32 $0xC;
	v18 =	vor.u32 s29, v8;
	v12 =	vld.idx.msk [tilespmem:v15+s15+$0x0], $0xffff;
	[tilespmem:s8+$0x180] =	vst v9  }
0x1ce: {  	s26 =	simm.s32 $0xD;
	[tilespmem:s8+$0xFFFFFE80] =	vst v10;
	v9 =	vld.idx.msk [tilespmem:v19+s15+$0x0], $0xffff;
	v19 =	vor.u32 s12, v8  }
0x1cf: {  	s29 =	simm.s32 $0xE;
	v11 =	vld.idx.msk [tilespmem:v16+s15+$0x0], $0xffff;
	v16 =	vor.u32 s26, v8;
	[tilespmem:s8+$0xFFFFFF00] =	vst v17  }
0x1d0: {  	s28 =	simm.s32 $0x8;
	v14 =	vld.idx.msk [tilespmem:v23+s15+$0x0], $0xffff;
	[tilespmem:s8+$0xFFFFFF80] =	vst v20;
	v17 =	vor.u32 s29, v8  }
0x1d1: {  	s5 =	simm.s32 $0x10;
	s26 =	simm.s32 $0x17;
	v15 =	vor.u32 s28, v8;
	v10 =	vld.idx.msk [tilespmem:v21+s15+$0x0], $0xffff;
	s12 =	simm.s32 $0x18;
	[tilespmem:s8+$0x0] =	vst v22  }
.LBB2_19:
0x1d2: {  	p1 =	slt.u32 s12, $0x38;
	s28 =	sadd.s32 $0x1, s5;
	v20 =	vor.u32 s26, v8;
	v21 =	vld.idx.msk [tilespmem:v18+s15+$0x0], $0xffff;
	[tilespmem:s8+$0x80] =	vst v13  }
0x1d3: {  	s26 =	sadd.s32 $0x2, s5;
	v22 =	vor.u32 s28, v8;
	v23 =	vld.idx.msk [tilespmem:v19+s15+$0x0], $0xffff;
	[tilespmem:s8+$0x100] =	vst v12  }
0x1d4: {  	v24 =	vor.u32 s26, v8;
	s26 =	sadd.s32 $0x3, s5;
	v13 =	vld.idx.msk [tilespmem:v16+s15+$0x0], $0xffff;
	[tilespmem:s8+$0xFFFFFE00] =	vst v11;
	s8 =	sadd.s32 $0x400, s8  }
.Ltmp12:
0x1d5: {  	v18 =	vor.u32 s26, v8;
	s26 =	sadd.s32 $0x4, s5;
	v12 =	vld.idx.msk [tilespmem:v17+s15+$0x0], $0xffff;
	[tilespmem:s8+$0x180] =	vst v9;
	(pc) =	sbr.rel @p1 .LBB2_19-.Ltmp12, $4  }
0x1d6: {  	v19 =	vor.u32 s26, v8;
	s26 =	sadd.s32 $0x5, s5;
	v11 =	vld.idx.msk [tilespmem:v15+s15+$0x0], $0xffff;
	[tilespmem:s8+$0xFFFFFE80] =	vst v10  }
0x1d7: {  	v16 =	vor.u32 s26, v8;
	s26 =	sadd.s32 $0x6, s5;
	v9 =	vld.idx.msk [tilespmem:v20+s15+$0x0], $0xffff;
	[tilespmem:s8+$0xFFFFFF00] =	vst v14  }
0x1d8: {  	v17 =	vor.u32 s26, v8;
	v10 =	vld.idx.msk [tilespmem:v22+s15+$0x0], $0xffff;
	[tilespmem:s8+$0xFFFFFF80] =	vst v21  }
0x1d9: {  	v15 =	vor.u32 s5, v8;
	s5 =	smov.u32 s12;
	s26 =	sadd.s32 $0x7, s12;
	s12 =	sadd.s32 $0x8, s12;
	v14 =	vld.idx.msk [tilespmem:v24+s15+$0x0], $0xffff;
	[tilespmem:s8+$0x0] =	vst v23  }
0x1da: {  	_ =	sdelay $0x2  }
0x1db: {  	[tilespmem:s8+$0x80] =	vst v13  }
0x1dc: {  	s12 =	sadd.s32 $0x1, s5;
	v13 =	vor.u32 s26, v8;
	v18 =	vld.idx.msk [tilespmem:v18+s15+$0x0], $0xffff;
	[tilespmem:s8+$0x100] =	vst v12  }
0x1dd: {  	s29 =	sadd.s32 $0x2, s5;
	v19 =	vld.idx.msk [tilespmem:v19+s15+$0x0], $0xffff;
	v12 =	vor.u32 s12, v8;
	[tilespmem:s8+$0xFFFFFE00] =	vst v11;
	s8 =	sadd.s32 $0x400, s8  }
0x1de: {  	s26 =	sadd.s32 $0x3, s5;
	v16 =	vld.idx.msk [tilespmem:v16+s15+$0x0], $0xffff;
	v11 =	vor.u32 s29, v8;
	[tilespmem:s8+$0x180] =	vst v9  }
0x1df: {  	v17 =	vld.idx.msk [tilespmem:v17+s15+$0x0], $0xffff;
	s29 =	sadd.s32 $0x4, s5;
	v9 =	vor.u32 s26, v8;
	[tilespmem:s8+$0xFFFFFE80] =	vst v10  }
0x1e0: {  	v15 =	vld.idx.msk [tilespmem:v15+s15+$0x0], $0xffff;
	s26 =	sadd.s32 $0x5, s5;
	v10 =	vor.u32 s29, v8;
	[tilespmem:s8+$0xFFFFFF00] =	vst v14  }
0x1e1: {  	s29 =	sadd.s32 $0x6, s5;
	v14 =	vor.u32 s26, v8;
	v13 =	vld.idx.msk [tilespmem:v13+s15+$0x0], $0xffff;
	[tilespmem:s8+$0xFFFFFF80] =	vst v18  }
0x1e2: {  	v18 =	vor.u32 s29, v8;
	[tilespmem:s8+$0x0] =	vst v19;
	v12 =	vld.idx.msk [tilespmem:v12+s15+$0x0], $0xffff  }
0x1e3: {  	v8 =	vor.u32 s5, v8;
	[tilespmem:s8+$0x80] =	vst v16;
	v11 =	vld.idx.msk [tilespmem:v11+s15+$0x0], $0xffff  }
0x1e4: {  	[tilespmem:s8+$0x100] =	vst v17;
	v9 =	vld.idx.msk [tilespmem:v9+s15+$0x0], $0xffff  }
0x1e5: {  	s26 =	sadd.s32 $0x400, s8;
	[tilespmem:s8+$0xFFFFFE00] =	vst v15;
	v10 =	vld.idx.msk [tilespmem:v10+s15+$0x0], $0xffff  }
0x1e6: {  	v14 =	vld.idx.msk [tilespmem:v14+s15+$0x0], $0xffff;
	[tilespmem:s26+$0x180] =	vst v13  }
0x1e7: {  	v13 =	vld.idx.msk [tilespmem:v18+s15+$0x0], $0xffff;
	[tilespmem:s26+$0xFFFFFE80] =	vst v12  }
0x1e8: {  	v8 =	vld.idx.msk [tilespmem:v8+s15+$0x0], $0xffff;
	[tilespmem:s26+$0xFFFFFF00] =	vst v11  }
0x1e9: {  	[tilespmem:s26+$0xFFFFFF80] =	vst v9  }
0x1ea: {  	s29 =	sshll.u32 s18, $0x14;
	[tilespmem:s26+$0x0] =	vst v10  }
0x1eb: {  	s8 =	sor.u32 s4, s29;
	[tilespmem:s26+$0x80] =	vst v14  }
0x1ec: {  	p1 =	seq.s32 s18, $0xC;
	s8 =	sshrl.u32 s8, $0x3;
	[tilespmem:s26+$0x100] =	vst v13  }
0x1ed: {  	s5 =	sshrl.u32 @!p1 s7, $0x2;
	s8 =	sadd.s32 s2, s8;
	[tilespmem:s26+$0xFFFFFE00] =	vst v8  }
0x1ee: {  	[hbm4b:s8+s9] =	stream.strided.scatter [tilespmem:s23], [sflag:$0x5], $0x2000, s10, s9, $0x38;
	[tilespmem:$0x1B800] =	vst v63  }
0x1ef: {  	s7 =	simm.s32 @!p1 $0x80;
	s5 =	sadd.s32 @!p1 $0x1E00, s5;
	s8 =	simm.s32 @!p1 $0x3800  }
0x1f0: {  	[tilespmem:s8], [sflag:$0x1] =	stream.indirect.gather @!p1 [hbm4b:s6+s7], $0x80, s5, s7, $0xb8;
	[tilespmem:$0x1B800] =	vst v63  }
0x1f1: {  	_ =	swait.ge [sflag:s24], $0x4000  }
0x1f2: {  	[sflag:s24] =	ssyncset.done $0x0  }
0x1f3: {  	s5 =	simm.s32 @!p0 $0x6;
	[sflag:s24] =	ssyncadd.s32 $0xFFFFC000  }
0x1f4: {  	s7 =	sor.u32 $0x1, s3;
	_ =	swait.ge @!p0 [sflag:s5], $0x2000  }
0x1f5: {  	s12 =	sshll.u32 s7, $0x7;
	[sflag:s5] =	ssyncset.done @!p0 $0x0  }
0x1f6: {  	s8 =	sand.u32 $0x3FFFFF80, s12;
	[sflag:s5] =	ssyncadd.s32 @!p0 $0xFFFFE000  }
0x1f7: {  	v8 =	vld [tilespmem:s8+$0x0];
	_ =	sdelay $0x4  }
0x1f8: {  	v8 =	vshrl.u32 v8, $0x8  }
0x1f9: {  	v8 =	vand.u32 $0x40, v8  }
0x1fa: {  	s26 =	simm.s32 $0x7;
	v8 =	vor.u32 v0, v8  }
0x1fb: {  	s29 =	simm.s32 $0x1;
	v9 =	vor.u32 s26, v8  }
0x1fc: {  	s12 =	simm.s32 $0x2;
	v10 =	vor.u32 s29, v8  }
0x1fd: {  	v11 =	vor.u32 s12, v8;
	s26 =	simm.s32 $0x3  }
0x1fe: {  	s29 =	simm.s32 $0x4;
	v12 =	vor.u32 s26, v8  }
0x1ff: {  	s12 =	simm.s32 $0x5;
	v13 =	vor.u32 s29, v8  }
0x200: {  	v14 =	vor.u32 s12, v8;
	s26 =	simm.s32 $0x6;
	v9 =	vld.idx.msk [tilespmem:v9+s17+$0x0], $0xffff  }
0x201: {  	v15 =	vor.u32 s26, v8;
	s26 =	simm.s32 $0xF;
	v10 =	vld.idx.msk [tilespmem:v10+s17+$0x0], $0xffff  }
0x202: {  	s29 =	simm.s32 $0x0;
	v19 =	vor.u32 s26, v8;
	v17 =	vld.idx.msk [tilespmem:v11+s17+$0x0], $0xffff  }
0x203: {  	v16 =	vor.u32 s29, v8;
	s26 =	simm.s32 $0xA;
	v20 =	vld.idx.msk [tilespmem:v12+s17+$0x0], $0xffff  }
0x204: {  	s29 =	simm.s32 $0x9;
	v23 =	vor.u32 s26, v8;
	v22 =	vld.idx.msk [tilespmem:v13+s17+$0x0], $0xffff  }
0x205: {  	s5 =	simm.s32 $0x15A00;
	v21 =	vor.u32 s29, v8;
	s29 =	simm.s32 $0xB;
	v13 =	vld.idx.msk [tilespmem:v14+s17+$0x0], $0xffff  }
0x206: {  	s12 =	simm.s32 $0xC;
	v18 =	vor.u32 s29, v8;
	v12 =	vld.idx.msk [tilespmem:v15+s17+$0x0], $0xffff;
	[tilespmem:s5+$0x180] =	vst v9  }
0x207: {  	s26 =	simm.s32 $0xD;
	[tilespmem:s5+$0xFFFFFE80] =	vst v10;
	v9 =	vld.idx.msk [tilespmem:v19+s17+$0x0], $0xffff;
	v19 =	vor.u32 s12, v8  }
0x208: {  	v11 =	vld.idx.msk [tilespmem:v16+s17+$0x0], $0xffff;
	v16 =	vor.u32 s26, v8;
	s26 =	simm.s32 $0xE;
	[tilespmem:s5+$0xFFFFFF00] =	vst v17  }
0x209: {  	s29 =	simm.s32 $0x8;
	v14 =	vld.idx.msk [tilespmem:v23+s17+$0x0], $0xffff;
	v17 =	vor.u32 s26, v8;
	[tilespmem:s5+$0xFFFFFF80] =	vst v20  }
0x20a: {  	s28 =	simm.s32 $0x17;
	v15 =	vor.u32 s29, v8;
	v10 =	vld.idx.msk [tilespmem:v21+s17+$0x0], $0xffff;
	s12 =	simm.s32 $0x10;
	s26 =	simm.s32 $0x18;
	[tilespmem:s5+$0x0] =	vst v22  }
.LBB2_21:
0x20b: {  	p2 =	slt.u32 s26, $0x38;
	s29 =	sadd.s32 $0x1, s12;
	v20 =	vor.u32 s28, v8;
	v21 =	vld.idx.msk [tilespmem:v18+s17+$0x0], $0xffff;
	[tilespmem:s5+$0x80] =	vst v13  }
0x20c: {  	s28 =	sadd.s32 $0x2, s12;
	v22 =	vor.u32 s29, v8;
	v23 =	vld.idx.msk [tilespmem:v19+s17+$0x0], $0xffff;
	[tilespmem:s5+$0x100] =	vst v12  }
0x20d: {  	v24 =	vor.u32 s28, v8;
	s28 =	sadd.s32 $0x3, s12;
	v13 =	vld.idx.msk [tilespmem:v16+s17+$0x0], $0xffff;
	[tilespmem:s5+$0xFFFFFE00] =	vst v11;
	s5 =	sadd.s32 $0x400, s5  }
.Ltmp13:
0x20e: {  	v18 =	vor.u32 s28, v8;
	s28 =	sadd.s32 $0x4, s12;
	v12 =	vld.idx.msk [tilespmem:v17+s17+$0x0], $0xffff;
	[tilespmem:s5+$0x180] =	vst v9;
	(pc) =	sbr.rel @p2 .LBB2_21-.Ltmp13, $4  }
0x20f: {  	v19 =	vor.u32 s28, v8;
	s28 =	sadd.s32 $0x5, s12;
	v11 =	vld.idx.msk [tilespmem:v15+s17+$0x0], $0xffff;
	[tilespmem:s5+$0xFFFFFE80] =	vst v10  }
0x210: {  	v16 =	vor.u32 s28, v8;
	s28 =	sadd.s32 $0x6, s12;
	v9 =	vld.idx.msk [tilespmem:v20+s17+$0x0], $0xffff;
	[tilespmem:s5+$0xFFFFFF00] =	vst v14  }
0x211: {  	v17 =	vor.u32 s28, v8;
	v10 =	vld.idx.msk [tilespmem:v22+s17+$0x0], $0xffff;
	[tilespmem:s5+$0xFFFFFF80] =	vst v21  }
0x212: {  	v15 =	vor.u32 s12, v8;
	s12 =	smov.u32 s26;
	s28 =	sadd.s32 $0x7, s26;
	s26 =	sadd.s32 $0x8, s26;
	v14 =	vld.idx.msk [tilespmem:v24+s17+$0x0], $0xffff;
	[tilespmem:s5+$0x0] =	vst v23  }
0x213: {  	_ =	sdelay $0x2  }
0x214: {  	[tilespmem:s5+$0x80] =	vst v13  }
0x215: {  	s26 =	sadd.s32 $0x1, s12;
	v13 =	vor.u32 s28, v8;
	v18 =	vld.idx.msk [tilespmem:v18+s17+$0x0], $0xffff;
	[tilespmem:s5+$0x100] =	vst v12  }
0x216: {  	s29 =	sadd.s32 $0x2, s12;
	v19 =	vld.idx.msk [tilespmem:v19+s17+$0x0], $0xffff;
	v12 =	vor.u32 s26, v8;
	[tilespmem:s5+$0xFFFFFE00] =	vst v11;
	s5 =	sadd.s32 $0x400, s5  }
0x217: {  	v16 =	vld.idx.msk [tilespmem:v16+s17+$0x0], $0xffff;
	v11 =	vor.u32 s29, v8;
	s29 =	sadd.s32 $0x3, s12;
	[tilespmem:s5+$0x180] =	vst v9  }
0x218: {  	v17 =	vld.idx.msk [tilespmem:v17+s17+$0x0], $0xffff;
	v9 =	vor.u32 s29, v8;
	s29 =	sadd.s32 $0x4, s12;
	[tilespmem:s5+$0xFFFFFE80] =	vst v10  }
0x219: {  	v15 =	vld.idx.msk [tilespmem:v15+s17+$0x0], $0xffff;
	v10 =	vor.u32 s29, v8;
	s29 =	sadd.s32 $0x5, s12;
	[tilespmem:s5+$0xFFFFFF00] =	vst v14  }
0x21a: {  	v14 =	vor.u32 s29, v8;
	s29 =	sadd.s32 $0x6, s12;
	v13 =	vld.idx.msk [tilespmem:v13+s17+$0x0], $0xffff;
	[tilespmem:s5+$0xFFFFFF80] =	vst v18  }
0x21b: {  	v18 =	vor.u32 s29, v8;
	[tilespmem:s5+$0x0] =	vst v19;
	v12 =	vld.idx.msk [tilespmem:v12+s17+$0x0], $0xffff  }
0x21c: {  	v8 =	vor.u32 s12, v8;
	[tilespmem:s5+$0x80] =	vst v16;
	v11 =	vld.idx.msk [tilespmem:v11+s17+$0x0], $0xffff  }
0x21d: {  	[tilespmem:s5+$0x100] =	vst v17;
	v9 =	vld.idx.msk [tilespmem:v9+s17+$0x0], $0xffff  }
0x21e: {  	[tilespmem:s5+$0xFFFFFE00] =	vst v15;
	s5 =	sadd.s32 $0x400, s5;
	v10 =	vld.idx.msk [tilespmem:v10+s17+$0x0], $0xffff  }
0x21f: {  	v14 =	vld.idx.msk [tilespmem:v14+s17+$0x0], $0xffff;
	[tilespmem:s5+$0x180] =	vst v13  }
0x220: {  	v13 =	vld.idx.msk [tilespmem:v18+s17+$0x0], $0xffff;
	[tilespmem:s5+$0xFFFFFE80] =	vst v12  }
0x221: {  	v8 =	vld.idx.msk [tilespmem:v8+s17+$0x0], $0xffff;
	[tilespmem:s5+$0xFFFFFF00] =	vst v11  }
0x222: {  	[tilespmem:s5+$0xFFFFFF80] =	vst v9  }
0x223: {  	[tilespmem:s5+$0x0] =	vst v10  }
0x224: {  	[tilespmem:s5+$0x80] =	vst v14  }
0x225: {  	[tilespmem:s5+$0x100] =	vst v13  }
0x226: {  	[tilespmem:s5+$0xFFFFFE00] =	vst v8  }
0x227: {  	v8 =	vld [tilespmem:s8+$0x10];
	_ =	sdelay $0x4  }
0x228: {  	v8 =	vshrl.u32 v8, $0x8  }
0x229: {  	v8 =	vand.u32 $0x40, v8  }
0x22a: {  	s26 =	simm.s32 $0x7;
	v8 =	vor.u32 v1, v8  }
0x22b: {  	s29 =	simm.s32 $0x1;
	v9 =	vor.u32 s26, v8  }
0x22c: {  	s12 =	simm.s32 $0x2;
	v10 =	vor.u32 s29, v8  }
0x22d: {  	v11 =	vor.u32 s12, v8;
	s26 =	simm.s32 $0x3  }
0x22e: {  	s29 =	simm.s32 $0x4;
	v12 =	vor.u32 s26, v8  }
0x22f: {  	s12 =	simm.s32 $0x5;
	v13 =	vor.u32 s29, v8  }
0x230: {  	v14 =	vor.u32 s12, v8;
	s26 =	simm.s32 $0x6;
	v9 =	vld.idx.msk [tilespmem:v9+s17+$0x0], $0xffff  }
0x231: {  	v15 =	vor.u32 s26, v8;
	s26 =	simm.s32 $0xF;
	v10 =	vld.idx.msk [tilespmem:v10+s17+$0x0], $0xffff  }
0x232: {  	s29 =	simm.s32 $0x0;
	v19 =	vor.u32 s26, v8;
	v17 =	vld.idx.msk [tilespmem:v11+s17+$0x0], $0xffff  }
0x233: {  	v16 =	vor.u32 s29, v8;
	s26 =	simm.s32 $0xA;
	v20 =	vld.idx.msk [tilespmem:v12+s17+$0x0], $0xffff  }
0x234: {  	s29 =	simm.s32 $0x9;
	v23 =	vor.u32 s26, v8;
	v22 =	vld.idx.msk [tilespmem:v13+s17+$0x0], $0xffff  }
0x235: {  	s5 =	simm.s32 $0x15A10;
	v21 =	vor.u32 s29, v8;
	s29 =	simm.s32 $0xB;
	v13 =	vld.idx.msk [tilespmem:v14+s17+$0x0], $0xffff  }
0x236: {  	s12 =	simm.s32 $0xC;
	v18 =	vor.u32 s29, v8;
	v12 =	vld.idx.msk [tilespmem:v15+s17+$0x0], $0xffff;
	[tilespmem:s5+$0x180] =	vst v9  }
0x237: {  	s26 =	simm.s32 $0xD;
	[tilespmem:s5+$0xFFFFFE80] =	vst v10;
	v9 =	vld.idx.msk [tilespmem:v19+s17+$0x0], $0xffff;
	v19 =	vor.u32 s12, v8  }
0x238: {  	v11 =	vld.idx.msk [tilespmem:v16+s17+$0x0], $0xffff;
	v16 =	vor.u32 s26, v8;
	s26 =	simm.s32 $0xE;
	[tilespmem:s5+$0xFFFFFF00] =	vst v17  }
0x239: {  	s29 =	simm.s32 $0x8;
	v14 =	vld.idx.msk [tilespmem:v23+s17+$0x0], $0xffff;
	v17 =	vor.u32 s26, v8;
	[tilespmem:s5+$0xFFFFFF80] =	vst v20  }
0x23a: {  	s28 =	simm.s32 $0x17;
	v15 =	vor.u32 s29, v8;
	v10 =	vld.idx.msk [tilespmem:v21+s17+$0x0], $0xffff;
	s12 =	simm.s32 $0x10;
	s26 =	simm.s32 $0x18;
	[tilespmem:s5+$0x0] =	vst v22  }
.LBB2_23:
0x23b: {  	p2 =	slt.u32 s26, $0x38;
	s29 =	sadd.s32 $0x1, s12;
	v20 =	vor.u32 s28, v8;
	v21 =	vld.idx.msk [tilespmem:v18+s17+$0x0], $0xffff;
	[tilespmem:s5+$0x80] =	vst v13  }
0x23c: {  	s28 =	sadd.s32 $0x2, s12;
	v22 =	vor.u32 s29, v8;
	v23 =	vld.idx.msk [tilespmem:v19+s17+$0x0], $0xffff;
	[tilespmem:s5+$0x100] =	vst v12  }
0x23d: {  	v24 =	vor.u32 s28, v8;
	s28 =	sadd.s32 $0x3, s12;
	v13 =	vld.idx.msk [tilespmem:v16+s17+$0x0], $0xffff;
	[tilespmem:s5+$0xFFFFFE00] =	vst v11;
	s5 =	sadd.s32 $0x400, s5  }
.Ltmp14:
0x23e: {  	v18 =	vor.u32 s28, v8;
	s28 =	sadd.s32 $0x4, s12;
	v12 =	vld.idx.msk [tilespmem:v17+s17+$0x0], $0xffff;
	[tilespmem:s5+$0x180] =	vst v9;
	(pc) =	sbr.rel @p2 .LBB2_23-.Ltmp14, $4  }
0x23f: {  	v19 =	vor.u32 s28, v8;
	s28 =	sadd.s32 $0x5, s12;
	v11 =	vld.idx.msk [tilespmem:v15+s17+$0x0], $0xffff;
	[tilespmem:s5+$0xFFFFFE80] =	vst v10  }
0x240: {  	v16 =	vor.u32 s28, v8;
	s28 =	sadd.s32 $0x6, s12;
	v9 =	vld.idx.msk [tilespmem:v20+s17+$0x0], $0xffff;
	[tilespmem:s5+$0xFFFFFF00] =	vst v14  }
0x241: {  	v17 =	vor.u32 s28, v8;
	v10 =	vld.idx.msk [tilespmem:v22+s17+$0x0], $0xffff;
	[tilespmem:s5+$0xFFFFFF80] =	vst v21  }
0x242: {  	v15 =	vor.u32 s12, v8;
	s12 =	smov.u32 s26;
	s28 =	sadd.s32 $0x7, s26;
	s26 =	sadd.s32 $0x8, s26;
	v14 =	vld.idx.msk [tilespmem:v24+s17+$0x0], $0xffff;
	[tilespmem:s5+$0x0] =	vst v23  }
0x243: {  	_ =	sdelay $0x2  }
0x244: {  	[tilespmem:s5+$0x80] =	vst v13  }
0x245: {  	s26 =	sadd.s32 $0x1, s12;
	v13 =	vor.u32 s28, v8;
	v18 =	vld.idx.msk [tilespmem:v18+s17+$0x0], $0xffff;
	[tilespmem:s5+$0x100] =	vst v12  }
0x246: {  	s29 =	sadd.s32 $0x2, s12;
	v19 =	vld.idx.msk [tilespmem:v19+s17+$0x0], $0xffff;
	v12 =	vor.u32 s26, v8;
	[tilespmem:s5+$0xFFFFFE00] =	vst v11;
	s5 =	sadd.s32 $0x400, s5  }
0x247: {  	v16 =	vld.idx.msk [tilespmem:v16+s17+$0x0], $0xffff;
	v11 =	vor.u32 s29, v8;
	s29 =	sadd.s32 $0x3, s12;
	[tilespmem:s5+$0x180] =	vst v9  }
0x248: {  	v17 =	vld.idx.msk [tilespmem:v17+s17+$0x0], $0xffff;
	v9 =	vor.u32 s29, v8;
	s29 =	sadd.s32 $0x4, s12;
	[tilespmem:s5+$0xFFFFFE80] =	vst v10  }
0x249: {  	v15 =	vld.idx.msk [tilespmem:v15+s17+$0x0], $0xffff;
	v10 =	vor.u32 s29, v8;
	s29 =	sadd.s32 $0x5, s12;
	[tilespmem:s5+$0xFFFFFF00] =	vst v14  }
0x24a: {  	v14 =	vor.u32 s29, v8;
	s29 =	sadd.s32 $0x6, s12;
	v13 =	vld.idx.msk [tilespmem:v13+s17+$0x0], $0xffff;
	[tilespmem:s5+$0xFFFFFF80] =	vst v18  }
0x24b: {  	v18 =	vor.u32 s29, v8;
	[tilespmem:s5+$0x0] =	vst v19;
	v12 =	vld.idx.msk [tilespmem:v12+s17+$0x0], $0xffff  }
0x24c: {  	v8 =	vor.u32 s12, v8;
	[tilespmem:s5+$0x80] =	vst v16;
	v11 =	vld.idx.msk [tilespmem:v11+s17+$0x0], $0xffff  }
0x24d: {  	[tilespmem:s5+$0x100] =	vst v17;
	v9 =	vld.idx.msk [tilespmem:v9+s17+$0x0], $0xffff  }
0x24e: {  	[tilespmem:s5+$0xFFFFFE00] =	vst v15;
	s5 =	sadd.s32 $0x400, s5;
	v10 =	vld.idx.msk [tilespmem:v10+s17+$0x0], $0xffff  }
0x24f: {  	v14 =	vld.idx.msk [tilespmem:v14+s17+$0x0], $0xffff;
	[tilespmem:s5+$0x180] =	vst v13  }
0x250: {  	v13 =	vld.idx.msk [tilespmem:v18+s17+$0x0], $0xffff;
	[tilespmem:s5+$0xFFFFFE80] =	vst v12  }
0x251: {  	v8 =	vld.idx.msk [tilespmem:v8+s17+$0x0], $0xffff;
	[tilespmem:s5+$0xFFFFFF00] =	vst v11  }
0x252: {  	[tilespmem:s5+$0xFFFFFF80] =	vst v9  }
0x253: {  	[tilespmem:s5+$0x0] =	vst v10  }
0x254: {  	[tilespmem:s5+$0x80] =	vst v14  }
0x255: {  	[tilespmem:s5+$0x100] =	vst v13  }
0x256: {  	[tilespmem:s5+$0xFFFFFE00] =	vst v8  }
0x257: {  	v8 =	vld [tilespmem:s8+$0x20];
	_ =	sdelay $0x4  }
0x258: {  	v8 =	vshrl.u32 v8, $0x8  }
0x259: {  	v8 =	vand.u32 $0x40, v8  }
0x25a: {  	s26 =	simm.s32 $0x7;
	v8 =	vor.u32 v2, v8  }
0x25b: {  	s29 =	simm.s32 $0x1;
	v9 =	vor.u32 s26, v8  }
0x25c: {  	s12 =	simm.s32 $0x2;
	v10 =	vor.u32 s29, v8  }
0x25d: {  	v11 =	vor.u32 s12, v8;
	s26 =	simm.s32 $0x3  }
0x25e: {  	s29 =	simm.s32 $0x4;
	v12 =	vor.u32 s26, v8  }
0x25f: {  	s12 =	simm.s32 $0x5;
	v13 =	vor.u32 s29, v8  }
0x260: {  	v14 =	vor.u32 s12, v8;
	s26 =	simm.s32 $0x6;
	v9 =	vld.idx.msk [tilespmem:v9+s17+$0x0], $0xffff  }
0x261: {  	v15 =	vor.u32 s26, v8;
	s26 =	simm.s32 $0xF;
	v10 =	vld.idx.msk [tilespmem:v10+s17+$0x0], $0xffff  }
0x262: {  	s29 =	simm.s32 $0x0;
	v19 =	vor.u32 s26, v8;
	v17 =	vld.idx.msk [tilespmem:v11+s17+$0x0], $0xffff  }
0x263: {  	v16 =	vor.u32 s29, v8;
	s26 =	simm.s32 $0xA;
	v20 =	vld.idx.msk [tilespmem:v12+s17+$0x0], $0xffff  }
0x264: {  	s29 =	simm.s32 $0x9;
	v23 =	vor.u32 s26, v8;
	v22 =	vld.idx.msk [tilespmem:v13+s17+$0x0], $0xffff  }
0x265: {  	s5 =	simm.s32 $0x15A20;
	v21 =	vor.u32 s29, v8;
	s29 =	simm.s32 $0xB;
	v13 =	vld.idx.msk [tilespmem:v14+s17+$0x0], $0xffff  }
0x266: {  	s12 =	simm.s32 $0xC;
	v18 =	vor.u32 s29, v8;
	v12 =	vld.idx.msk [tilespmem:v15+s17+$0x0], $0xffff;
	[tilespmem:s5+$0x180] =	vst v9  }
0x267: {  	s26 =	simm.s32 $0xD;
	[tilespmem:s5+$0xFFFFFE80] =	vst v10;
	v9 =	vld.idx.msk [tilespmem:v19+s17+$0x0], $0xffff;
	v19 =	vor.u32 s12, v8  }
0x268: {  	v11 =	vld.idx.msk [tilespmem:v16+s17+$0x0], $0xffff;
	v16 =	vor.u32 s26, v8;
	s26 =	simm.s32 $0xE;
	[tilespmem:s5+$0xFFFFFF00] =	vst v17  }
0x269: {  	s29 =	simm.s32 $0x8;
	v14 =	vld.idx.msk [tilespmem:v23+s17+$0x0], $0xffff;
	v17 =	vor.u32 s26, v8;
	[tilespmem:s5+$0xFFFFFF80] =	vst v20  }
0x26a: {  	s28 =	simm.s32 $0x17;
	v15 =	vor.u32 s29, v8;
	v10 =	vld.idx.msk [tilespmem:v21+s17+$0x0], $0xffff;
	s12 =	simm.s32 $0x10;
	s26 =	simm.s32 $0x18;
	[tilespmem:s5+$0x0] =	vst v22  }
.LBB2_25:
0x26b: {  	p2 =	slt.u32 s26, $0x38;
	s29 =	sadd.s32 $0x1, s12;
	v20 =	vor.u32 s28, v8;
	v21 =	vld.idx.msk [tilespmem:v18+s17+$0x0], $0xffff;
	[tilespmem:s5+$0x80] =	vst v13  }
0x26c: {  	s28 =	sadd.s32 $0x2, s12;
	v22 =	vor.u32 s29, v8;
	v23 =	vld.idx.msk [tilespmem:v19+s17+$0x0], $0xffff;
	[tilespmem:s5+$0x100] =	vst v12  }
0x26d: {  	v24 =	vor.u32 s28, v8;
	s28 =	sadd.s32 $0x3, s12;
	v13 =	vld.idx.msk [tilespmem:v16+s17+$0x0], $0xffff;
	[tilespmem:s5+$0xFFFFFE00] =	vst v11;
	s5 =	sadd.s32 $0x400, s5  }
.Ltmp15:
0x26e: {  	v18 =	vor.u32 s28, v8;
	s28 =	sadd.s32 $0x4, s12;
	v12 =	vld.idx.msk [tilespmem:v17+s17+$0x0], $0xffff;
	[tilespmem:s5+$0x180] =	vst v9;
	(pc) =	sbr.rel @p2 .LBB2_25-.Ltmp15, $4  }
0x26f: {  	v19 =	vor.u32 s28, v8;
	s28 =	sadd.s32 $0x5, s12;
	v11 =	vld.idx.msk [tilespmem:v15+s17+$0x0], $0xffff;
	[tilespmem:s5+$0xFFFFFE80] =	vst v10  }
0x270: {  	v16 =	vor.u32 s28, v8;
	s28 =	sadd.s32 $0x6, s12;
	v9 =	vld.idx.msk [tilespmem:v20+s17+$0x0], $0xffff;
	[tilespmem:s5+$0xFFFFFF00] =	vst v14  }
0x271: {  	v17 =	vor.u32 s28, v8;
	v10 =	vld.idx.msk [tilespmem:v22+s17+$0x0], $0xffff;
	[tilespmem:s5+$0xFFFFFF80] =	vst v21  }
0x272: {  	v15 =	vor.u32 s12, v8;
	s12 =	smov.u32 s26;
	s28 =	sadd.s32 $0x7, s26;
	s26 =	sadd.s32 $0x8, s26;
	v14 =	vld.idx.msk [tilespmem:v24+s17+$0x0], $0xffff;
	[tilespmem:s5+$0x0] =	vst v23  }
0x273: {  	_ =	sdelay $0x2  }
0x274: {  	[tilespmem:s5+$0x80] =	vst v13  }
0x275: {  	s26 =	sadd.s32 $0x1, s12;
	v13 =	vor.u32 s28, v8;
	v18 =	vld.idx.msk [tilespmem:v18+s17+$0x0], $0xffff;
	[tilespmem:s5+$0x100] =	vst v12  }
0x276: {  	s29 =	sadd.s32 $0x2, s12;
	v19 =	vld.idx.msk [tilespmem:v19+s17+$0x0], $0xffff;
	v12 =	vor.u32 s26, v8;
	[tilespmem:s5+$0xFFFFFE00] =	vst v11;
	s5 =	sadd.s32 $0x400, s5  }
0x277: {  	v16 =	vld.idx.msk [tilespmem:v16+s17+$0x0], $0xffff;
	v11 =	vor.u32 s29, v8;
	s29 =	sadd.s32 $0x3, s12;
	[tilespmem:s5+$0x180] =	vst v9  }
0x278: {  	v17 =	vld.idx.msk [tilespmem:v17+s17+$0x0], $0xffff;
	v9 =	vor.u32 s29, v8;
	s29 =	sadd.s32 $0x4, s12;
	[tilespmem:s5+$0xFFFFFE80] =	vst v10  }
0x279: {  	v15 =	vld.idx.msk [tilespmem:v15+s17+$0x0], $0xffff;
	v10 =	vor.u32 s29, v8;
	s29 =	sadd.s32 $0x5, s12;
	[tilespmem:s5+$0xFFFFFF00] =	vst v14  }
0x27a: {  	v14 =	vor.u32 s29, v8;
	s29 =	sadd.s32 $0x6, s12;
	v13 =	vld.idx.msk [tilespmem:v13+s17+$0x0], $0xffff;
	[tilespmem:s5+$0xFFFFFF80] =	vst v18  }
0x27b: {  	v18 =	vor.u32 s29, v8;
	[tilespmem:s5+$0x0] =	vst v19;
	v12 =	vld.idx.msk [tilespmem:v12+s17+$0x0], $0xffff  }
0x27c: {  	v8 =	vor.u32 s12, v8;
	[tilespmem:s5+$0x80] =	vst v16;
	v11 =	vld.idx.msk [tilespmem:v11+s17+$0x0], $0xffff  }
0x27d: {  	[tilespmem:s5+$0x100] =	vst v17;
	v9 =	vld.idx.msk [tilespmem:v9+s17+$0x0], $0xffff  }
0x27e: {  	[tilespmem:s5+$0xFFFFFE00] =	vst v15;
	s5 =	sadd.s32 $0x400, s5;
	v10 =	vld.idx.msk [tilespmem:v10+s17+$0x0], $0xffff  }
0x27f: {  	v14 =	vld.idx.msk [tilespmem:v14+s17+$0x0], $0xffff;
	[tilespmem:s5+$0x180] =	vst v13  }
0x280: {  	v13 =	vld.idx.msk [tilespmem:v18+s17+$0x0], $0xffff;
	[tilespmem:s5+$0xFFFFFE80] =	vst v12  }
0x281: {  	v8 =	vld.idx.msk [tilespmem:v8+s17+$0x0], $0xffff;
	[tilespmem:s5+$0xFFFFFF00] =	vst v11  }
0x282: {  	[tilespmem:s5+$0xFFFFFF80] =	vst v9  }
0x283: {  	[tilespmem:s5+$0x0] =	vst v10  }
0x284: {  	[tilespmem:s5+$0x80] =	vst v14  }
0x285: {  	[tilespmem:s5+$0x100] =	vst v13  }
0x286: {  	[tilespmem:s5+$0xFFFFFE00] =	vst v8  }
0x287: {  	v8 =	vld [tilespmem:s8+$0x30];
	_ =	sdelay $0x4  }
0x288: {  	v8 =	vshrl.u32 v8, $0x8  }
0x289: {  	v8 =	vand.u32 $0x40, v8  }
0x28a: {  	s26 =	simm.s32 $0x7;
	v8 =	vor.u32 v3, v8  }
0x28b: {  	s29 =	simm.s32 $0x1;
	v9 =	vor.u32 s26, v8  }
0x28c: {  	s12 =	simm.s32 $0x2;
	v10 =	vor.u32 s29, v8  }
0x28d: {  	v11 =	vor.u32 s12, v8;
	s26 =	simm.s32 $0x3  }
0x28e: {  	s29 =	simm.s32 $0x4;
	v12 =	vor.u32 s26, v8  }
0x28f: {  	s12 =	simm.s32 $0x5;
	v13 =	vor.u32 s29, v8  }
0x290: {  	v14 =	vor.u32 s12, v8;
	s26 =	simm.s32 $0x6;
	v9 =	vld.idx.msk [tilespmem:v9+s17+$0x0], $0xffff  }
0x291: {  	v15 =	vor.u32 s26, v8;
	s26 =	simm.s32 $0xF;
	v10 =	vld.idx.msk [tilespmem:v10+s17+$0x0], $0xffff  }
0x292: {  	s29 =	simm.s32 $0x0;
	v19 =	vor.u32 s26, v8;
	v17 =	vld.idx.msk [tilespmem:v11+s17+$0x0], $0xffff  }
0x293: {  	v16 =	vor.u32 s29, v8;
	s26 =	simm.s32 $0xA;
	v20 =	vld.idx.msk [tilespmem:v12+s17+$0x0], $0xffff  }
0x294: {  	s29 =	simm.s32 $0x9;
	v23 =	vor.u32 s26, v8;
	v22 =	vld.idx.msk [tilespmem:v13+s17+$0x0], $0xffff  }
0x295: {  	s5 =	simm.s32 $0x15A30;
	v21 =	vor.u32 s29, v8;
	s29 =	simm.s32 $0xB;
	v13 =	vld.idx.msk [tilespmem:v14+s17+$0x0], $0xffff  }
0x296: {  	s12 =	simm.s32 $0xC;
	v18 =	vor.u32 s29, v8;
	v12 =	vld.idx.msk [tilespmem:v15+s17+$0x0], $0xffff;
	[tilespmem:s5+$0x180] =	vst v9  }
0x297: {  	s26 =	simm.s32 $0xD;
	[tilespmem:s5+$0xFFFFFE80] =	vst v10;
	v9 =	vld.idx.msk [tilespmem:v19+s17+$0x0], $0xffff;
	v19 =	vor.u32 s12, v8  }
0x298: {  	v11 =	vld.idx.msk [tilespmem:v16+s17+$0x0], $0xffff;
	v16 =	vor.u32 s26, v8;
	s26 =	simm.s32 $0xE;
	[tilespmem:s5+$0xFFFFFF00] =	vst v17  }
0x299: {  	s29 =	simm.s32 $0x8;
	v14 =	vld.idx.msk [tilespmem:v23+s17+$0x0], $0xffff;
	v17 =	vor.u32 s26, v8;
	[tilespmem:s5+$0xFFFFFF80] =	vst v20  }
0x29a: {  	s28 =	simm.s32 $0x17;
	v15 =	vor.u32 s29, v8;
	v10 =	vld.idx.msk [tilespmem:v21+s17+$0x0], $0xffff;
	s12 =	simm.s32 $0x10;
	s26 =	simm.s32 $0x18;
	[tilespmem:s5+$0x0] =	vst v22  }
.LBB2_27:
0x29b: {  	p2 =	slt.u32 s26, $0x38;
	s29 =	sadd.s32 $0x1, s12;
	v20 =	vor.u32 s28, v8;
	v21 =	vld.idx.msk [tilespmem:v18+s17+$0x0], $0xffff;
	[tilespmem:s5+$0x80] =	vst v13  }
0x29c: {  	s28 =	sadd.s32 $0x2, s12;
	v22 =	vor.u32 s29, v8;
	v23 =	vld.idx.msk [tilespmem:v19+s17+$0x0], $0xffff;
	[tilespmem:s5+$0x100] =	vst v12  }
0x29d: {  	v24 =	vor.u32 s28, v8;
	s28 =	sadd.s32 $0x3, s12;
	v13 =	vld.idx.msk [tilespmem:v16+s17+$0x0], $0xffff;
	[tilespmem:s5+$0xFFFFFE00] =	vst v11;
	s5 =	sadd.s32 $0x400, s5  }
.Ltmp16:
0x29e: {  	v18 =	vor.u32 s28, v8;
	s28 =	sadd.s32 $0x4, s12;
	v12 =	vld.idx.msk [tilespmem:v17+s17+$0x0], $0xffff;
	[tilespmem:s5+$0x180] =	vst v9;
	(pc) =	sbr.rel @p2 .LBB2_27-.Ltmp16, $4  }
0x29f: {  	v19 =	vor.u32 s28, v8;
	s28 =	sadd.s32 $0x5, s12;
	v11 =	vld.idx.msk [tilespmem:v15+s17+$0x0], $0xffff;
	[tilespmem:s5+$0xFFFFFE80] =	vst v10  }
0x2a0: {  	v16 =	vor.u32 s28, v8;
	s28 =	sadd.s32 $0x6, s12;
	v9 =	vld.idx.msk [tilespmem:v20+s17+$0x0], $0xffff;
	[tilespmem:s5+$0xFFFFFF00] =	vst v14  }
0x2a1: {  	v17 =	vor.u32 s28, v8;
	v10 =	vld.idx.msk [tilespmem:v22+s17+$0x0], $0xffff;
	[tilespmem:s5+$0xFFFFFF80] =	vst v21  }
0x2a2: {  	v15 =	vor.u32 s12, v8;
	s12 =	smov.u32 s26;
	s28 =	sadd.s32 $0x7, s26;
	s26 =	sadd.s32 $0x8, s26;
	v14 =	vld.idx.msk [tilespmem:v24+s17+$0x0], $0xffff;
	[tilespmem:s5+$0x0] =	vst v23  }
0x2a3: {  	_ =	sdelay $0x2  }
0x2a4: {  	[tilespmem:s5+$0x80] =	vst v13  }
0x2a5: {  	s26 =	sadd.s32 $0x1, s12;
	v13 =	vor.u32 s28, v8;
	v18 =	vld.idx.msk [tilespmem:v18+s17+$0x0], $0xffff;
	[tilespmem:s5+$0x100] =	vst v12  }
0x2a6: {  	s29 =	sadd.s32 $0x2, s12;
	v19 =	vld.idx.msk [tilespmem:v19+s17+$0x0], $0xffff;
	v12 =	vor.u32 s26, v8;
	[tilespmem:s5+$0xFFFFFE00] =	vst v11;
	s5 =	sadd.s32 $0x400, s5  }
0x2a7: {  	v16 =	vld.idx.msk [tilespmem:v16+s17+$0x0], $0xffff;
	v11 =	vor.u32 s29, v8;
	s29 =	sadd.s32 $0x3, s12;
	[tilespmem:s5+$0x180] =	vst v9  }
0x2a8: {  	v17 =	vld.idx.msk [tilespmem:v17+s17+$0x0], $0xffff;
	v9 =	vor.u32 s29, v8;
	s29 =	sadd.s32 $0x4, s12;
	[tilespmem:s5+$0xFFFFFE80] =	vst v10  }
0x2a9: {  	v15 =	vld.idx.msk [tilespmem:v15+s17+$0x0], $0xffff;
	v10 =	vor.u32 s29, v8;
	s29 =	sadd.s32 $0x5, s12;
	[tilespmem:s5+$0xFFFFFF00] =	vst v14  }
0x2aa: {  	v14 =	vor.u32 s29, v8;
	s29 =	sadd.s32 $0x6, s12;
	v13 =	vld.idx.msk [tilespmem:v13+s17+$0x0], $0xffff;
	[tilespmem:s5+$0xFFFFFF80] =	vst v18  }
0x2ab: {  	v18 =	vor.u32 s29, v8;
	[tilespmem:s5+$0x0] =	vst v19;
	v12 =	vld.idx.msk [tilespmem:v12+s17+$0x0], $0xffff  }
0x2ac: {  	v8 =	vor.u32 s12, v8;
	[tilespmem:s5+$0x80] =	vst v16;
	v11 =	vld.idx.msk [tilespmem:v11+s17+$0x0], $0xffff  }
0x2ad: {  	[tilespmem:s5+$0x100] =	vst v17;
	v9 =	vld.idx.msk [tilespmem:v9+s17+$0x0], $0xffff  }
0x2ae: {  	[tilespmem:s5+$0xFFFFFE00] =	vst v15;
	s5 =	sadd.s32 $0x400, s5;
	v10 =	vld.idx.msk [tilespmem:v10+s17+$0x0], $0xffff  }
0x2af: {  	v14 =	vld.idx.msk [tilespmem:v14+s17+$0x0], $0xffff;
	[tilespmem:s5+$0x180] =	vst v13  }
0x2b0: {  	v13 =	vld.idx.msk [tilespmem:v18+s17+$0x0], $0xffff;
	[tilespmem:s5+$0xFFFFFE80] =	vst v12  }
0x2b1: {  	v8 =	vld.idx.msk [tilespmem:v8+s17+$0x0], $0xffff;
	[tilespmem:s5+$0xFFFFFF00] =	vst v11  }
0x2b2: {  	[tilespmem:s5+$0xFFFFFF80] =	vst v9  }
0x2b3: {  	[tilespmem:s5+$0x0] =	vst v10  }
0x2b4: {  	[tilespmem:s5+$0x80] =	vst v14  }
0x2b5: {  	[tilespmem:s5+$0x100] =	vst v13  }
0x2b6: {  	[tilespmem:s5+$0xFFFFFE00] =	vst v8  }
0x2b7: {  	v8 =	vld [tilespmem:s8+$0x40];
	_ =	sdelay $0x4  }
0x2b8: {  	v8 =	vshrl.u32 v8, $0x8  }
0x2b9: {  	v8 =	vand.u32 $0x40, v8  }
0x2ba: {  	s26 =	simm.s32 $0x7;
	v8 =	vor.u32 v4, v8  }
0x2bb: {  	s29 =	simm.s32 $0x1;
	v9 =	vor.u32 s26, v8  }
0x2bc: {  	s12 =	simm.s32 $0x2;
	v10 =	vor.u32 s29, v8  }
0x2bd: {  	v11 =	vor.u32 s12, v8;
	s26 =	simm.s32 $0x3  }
0x2be: {  	s29 =	simm.s32 $0x4;
	v12 =	vor.u32 s26, v8  }
0x2bf: {  	s12 =	simm.s32 $0x5;
	v13 =	vor.u32 s29, v8  }
0x2c0: {  	v14 =	vor.u32 s12, v8;
	s26 =	simm.s32 $0x6;
	v9 =	vld.idx.msk [tilespmem:v9+s17+$0x0], $0xffff  }
0x2c1: {  	v15 =	vor.u32 s26, v8;
	s26 =	simm.s32 $0xF;
	v10 =	vld.idx.msk [tilespmem:v10+s17+$0x0], $0xffff  }
0x2c2: {  	s29 =	simm.s32 $0x0;
	v19 =	vor.u32 s26, v8;
	v17 =	vld.idx.msk [tilespmem:v11+s17+$0x0], $0xffff  }
0x2c3: {  	v16 =	vor.u32 s29, v8;
	s26 =	simm.s32 $0xA;
	v20 =	vld.idx.msk [tilespmem:v12+s17+$0x0], $0xffff  }
0x2c4: {  	s29 =	simm.s32 $0x9;
	v23 =	vor.u32 s26, v8;
	v22 =	vld.idx.msk [tilespmem:v13+s17+$0x0], $0xffff  }
0x2c5: {  	s5 =	simm.s32 $0x15A40;
	v21 =	vor.u32 s29, v8;
	s29 =	simm.s32 $0xB;
	v13 =	vld.idx.msk [tilespmem:v14+s17+$0x0], $0xffff  }
0x2c6: {  	s12 =	simm.s32 $0xC;
	v18 =	vor.u32 s29, v8;
	v12 =	vld.idx.msk [tilespmem:v15+s17+$0x0], $0xffff;
	[tilespmem:s5+$0x180] =	vst v9  }
0x2c7: {  	s26 =	simm.s32 $0xD;
	[tilespmem:s5+$0xFFFFFE80] =	vst v10;
	v9 =	vld.idx.msk [tilespmem:v19+s17+$0x0], $0xffff;
	v19 =	vor.u32 s12, v8  }
0x2c8: {  	v11 =	vld.idx.msk [tilespmem:v16+s17+$0x0], $0xffff;
	v16 =	vor.u32 s26, v8;
	s26 =	simm.s32 $0xE;
	[tilespmem:s5+$0xFFFFFF00] =	vst v17  }
0x2c9: {  	s29 =	simm.s32 $0x8;
	v14 =	vld.idx.msk [tilespmem:v23+s17+$0x0], $0xffff;
	v17 =	vor.u32 s26, v8;
	[tilespmem:s5+$0xFFFFFF80] =	vst v20  }
0x2ca: {  	s28 =	simm.s32 $0x17;
	v15 =	vor.u32 s29, v8;
	v10 =	vld.idx.msk [tilespmem:v21+s17+$0x0], $0xffff;
	s12 =	simm.s32 $0x10;
	s26 =	simm.s32 $0x18;
	[tilespmem:s5+$0x0] =	vst v22  }
.LBB2_29:
0x2cb: {  	p2 =	slt.u32 s26, $0x38;
	s29 =	sadd.s32 $0x1, s12;
	v20 =	vor.u32 s28, v8;
	v21 =	vld.idx.msk [tilespmem:v18+s17+$0x0], $0xffff;
	[tilespmem:s5+$0x80] =	vst v13  }
0x2cc: {  	s28 =	sadd.s32 $0x2, s12;
	v22 =	vor.u32 s29, v8;
	v23 =	vld.idx.msk [tilespmem:v19+s17+$0x0], $0xffff;
	[tilespmem:s5+$0x100] =	vst v12  }
0x2cd: {  	v24 =	vor.u32 s28, v8;
	s28 =	sadd.s32 $0x3, s12;
	v13 =	vld.idx.msk [tilespmem:v16+s17+$0x0], $0xffff;
	[tilespmem:s5+$0xFFFFFE00] =	vst v11;
	s5 =	sadd.s32 $0x400, s5  }
.Ltmp17:
0x2ce: {  	v18 =	vor.u32 s28, v8;
	s28 =	sadd.s32 $0x4, s12;
	v12 =	vld.idx.msk [tilespmem:v17+s17+$0x0], $0xffff;
	[tilespmem:s5+$0x180] =	vst v9;
	(pc) =	sbr.rel @p2 .LBB2_29-.Ltmp17, $4  }
0x2cf: {  	v19 =	vor.u32 s28, v8;
	s28 =	sadd.s32 $0x5, s12;
	v11 =	vld.idx.msk [tilespmem:v15+s17+$0x0], $0xffff;
	[tilespmem:s5+$0xFFFFFE80] =	vst v10  }
0x2d0: {  	v16 =	vor.u32 s28, v8;
	s28 =	sadd.s32 $0x6, s12;
	v9 =	vld.idx.msk [tilespmem:v20+s17+$0x0], $0xffff;
	[tilespmem:s5+$0xFFFFFF00] =	vst v14  }
0x2d1: {  	v17 =	vor.u32 s28, v8;
	v10 =	vld.idx.msk [tilespmem:v22+s17+$0x0], $0xffff;
	[tilespmem:s5+$0xFFFFFF80] =	vst v21  }
0x2d2: {  	v15 =	vor.u32 s12, v8;
	s12 =	smov.u32 s26;
	s28 =	sadd.s32 $0x7, s26;
	s26 =	sadd.s32 $0x8, s26;
	v14 =	vld.idx.msk [tilespmem:v24+s17+$0x0], $0xffff;
	[tilespmem:s5+$0x0] =	vst v23  }
0x2d3: {  	_ =	sdelay $0x2  }
0x2d4: {  	[tilespmem:s5+$0x80] =	vst v13  }
0x2d5: {  	s26 =	sadd.s32 $0x1, s12;
	v13 =	vor.u32 s28, v8;
	v18 =	vld.idx.msk [tilespmem:v18+s17+$0x0], $0xffff;
	[tilespmem:s5+$0x100] =	vst v12  }
0x2d6: {  	s29 =	sadd.s32 $0x2, s12;
	v19 =	vld.idx.msk [tilespmem:v19+s17+$0x0], $0xffff;
	v12 =	vor.u32 s26, v8;
	[tilespmem:s5+$0xFFFFFE00] =	vst v11;
	s5 =	sadd.s32 $0x400, s5  }
0x2d7: {  	v16 =	vld.idx.msk [tilespmem:v16+s17+$0x0], $0xffff;
	v11 =	vor.u32 s29, v8;
	s29 =	sadd.s32 $0x3, s12;
	[tilespmem:s5+$0x180] =	vst v9  }
0x2d8: {  	v17 =	vld.idx.msk [tilespmem:v17+s17+$0x0], $0xffff;
	v9 =	vor.u32 s29, v8;
	s29 =	sadd.s32 $0x4, s12;
	[tilespmem:s5+$0xFFFFFE80] =	vst v10  }
0x2d9: {  	v15 =	vld.idx.msk [tilespmem:v15+s17+$0x0], $0xffff;
	v10 =	vor.u32 s29, v8;
	s29 =	sadd.s32 $0x5, s12;
	[tilespmem:s5+$0xFFFFFF00] =	vst v14  }
0x2da: {  	v14 =	vor.u32 s29, v8;
	s29 =	sadd.s32 $0x6, s12;
	v13 =	vld.idx.msk [tilespmem:v13+s17+$0x0], $0xffff;
	[tilespmem:s5+$0xFFFFFF80] =	vst v18  }
0x2db: {  	v18 =	vor.u32 s29, v8;
	[tilespmem:s5+$0x0] =	vst v19;
	v12 =	vld.idx.msk [tilespmem:v12+s17+$0x0], $0xffff  }
0x2dc: {  	v8 =	vor.u32 s12, v8;
	[tilespmem:s5+$0x80] =	vst v16;
	v11 =	vld.idx.msk [tilespmem:v11+s17+$0x0], $0xffff  }
0x2dd: {  	[tilespmem:s5+$0x100] =	vst v17;
	v9 =	vld.idx.msk [tilespmem:v9+s17+$0x0], $0xffff  }
0x2de: {  	[tilespmem:s5+$0xFFFFFE00] =	vst v15;
	s5 =	sadd.s32 $0x400, s5;
	v10 =	vld.idx.msk [tilespmem:v10+s17+$0x0], $0xffff  }
0x2df: {  	v14 =	vld.idx.msk [tilespmem:v14+s17+$0x0], $0xffff;
	[tilespmem:s5+$0x180] =	vst v13  }
0x2e0: {  	v13 =	vld.idx.msk [tilespmem:v18+s17+$0x0], $0xffff;
	[tilespmem:s5+$0xFFFFFE80] =	vst v12  }
0x2e1: {  	v8 =	vld.idx.msk [tilespmem:v8+s17+$0x0], $0xffff;
	[tilespmem:s5+$0xFFFFFF00] =	vst v11  }
0x2e2: {  	[tilespmem:s5+$0xFFFFFF80] =	vst v9  }
0x2e3: {  	[tilespmem:s5+$0x0] =	vst v10  }
0x2e4: {  	[tilespmem:s5+$0x80] =	vst v14  }
0x2e5: {  	[tilespmem:s5+$0x100] =	vst v13  }
0x2e6: {  	[tilespmem:s5+$0xFFFFFE00] =	vst v8  }
0x2e7: {  	v8 =	vld [tilespmem:s8+$0x50];
	_ =	sdelay $0x4  }
0x2e8: {  	v8 =	vshrl.u32 v8, $0x8  }
0x2e9: {  	v8 =	vand.u32 $0x40, v8  }
0x2ea: {  	s26 =	simm.s32 $0x7;
	v8 =	vor.u32 v5, v8  }
0x2eb: {  	s29 =	simm.s32 $0x1;
	v9 =	vor.u32 s26, v8  }
0x2ec: {  	s12 =	simm.s32 $0x2;
	v10 =	vor.u32 s29, v8  }
0x2ed: {  	v11 =	vor.u32 s12, v8;
	s26 =	simm.s32 $0x3  }
0x2ee: {  	s29 =	simm.s32 $0x4;
	v12 =	vor.u32 s26, v8  }
0x2ef: {  	s12 =	simm.s32 $0x5;
	v13 =	vor.u32 s29, v8  }
0x2f0: {  	v14 =	vor.u32 s12, v8;
	s26 =	simm.s32 $0x6;
	v9 =	vld.idx.msk [tilespmem:v9+s17+$0x0], $0xffff  }
0x2f1: {  	v15 =	vor.u32 s26, v8;
	s26 =	simm.s32 $0xF;
	v10 =	vld.idx.msk [tilespmem:v10+s17+$0x0], $0xffff  }
0x2f2: {  	s29 =	simm.s32 $0x0;
	v19 =	vor.u32 s26, v8;
	v17 =	vld.idx.msk [tilespmem:v11+s17+$0x0], $0xffff  }
0x2f3: {  	v16 =	vor.u32 s29, v8;
	s26 =	simm.s32 $0xA;
	v20 =	vld.idx.msk [tilespmem:v12+s17+$0x0], $0xffff  }
0x2f4: {  	s29 =	simm.s32 $0x9;
	v23 =	vor.u32 s26, v8;
	v22 =	vld.idx.msk [tilespmem:v13+s17+$0x0], $0xffff  }
0x2f5: {  	s5 =	simm.s32 $0x15A50;
	v21 =	vor.u32 s29, v8;
	s29 =	simm.s32 $0xB;
	v13 =	vld.idx.msk [tilespmem:v14+s17+$0x0], $0xffff  }
0x2f6: {  	s12 =	simm.s32 $0xC;
	v18 =	vor.u32 s29, v8;
	v12 =	vld.idx.msk [tilespmem:v15+s17+$0x0], $0xffff;
	[tilespmem:s5+$0x180] =	vst v9  }
0x2f7: {  	s26 =	simm.s32 $0xD;
	[tilespmem:s5+$0xFFFFFE80] =	vst v10;
	v9 =	vld.idx.msk [tilespmem:v19+s17+$0x0], $0xffff;
	v19 =	vor.u32 s12, v8  }
0x2f8: {  	v11 =	vld.idx.msk [tilespmem:v16+s17+$0x0], $0xffff;
	v16 =	vor.u32 s26, v8;
	s26 =	simm.s32 $0xE;
	[tilespmem:s5+$0xFFFFFF00] =	vst v17  }
0x2f9: {  	s29 =	simm.s32 $0x8;
	v14 =	vld.idx.msk [tilespmem:v23+s17+$0x0], $0xffff;
	v17 =	vor.u32 s26, v8;
	[tilespmem:s5+$0xFFFFFF80] =	vst v20  }
0x2fa: {  	s28 =	simm.s32 $0x17;
	v15 =	vor.u32 s29, v8;
	v10 =	vld.idx.msk [tilespmem:v21+s17+$0x0], $0xffff;
	s12 =	simm.s32 $0x10;
	s26 =	simm.s32 $0x18;
	[tilespmem:s5+$0x0] =	vst v22  }
.LBB2_31:
0x2fb: {  	p2 =	slt.u32 s26, $0x38;
	s29 =	sadd.s32 $0x1, s12;
	v20 =	vor.u32 s28, v8;
	v21 =	vld.idx.msk [tilespmem:v18+s17+$0x0], $0xffff;
	[tilespmem:s5+$0x80] =	vst v13  }
0x2fc: {  	s28 =	sadd.s32 $0x2, s12;
	v22 =	vor.u32 s29, v8;
	v23 =	vld.idx.msk [tilespmem:v19+s17+$0x0], $0xffff;
	[tilespmem:s5+$0x100] =	vst v12  }
0x2fd: {  	v24 =	vor.u32 s28, v8;
	s28 =	sadd.s32 $0x3, s12;
	v13 =	vld.idx.msk [tilespmem:v16+s17+$0x0], $0xffff;
	[tilespmem:s5+$0xFFFFFE00] =	vst v11;
	s5 =	sadd.s32 $0x400, s5  }
.Ltmp18:
0x2fe: {  	v18 =	vor.u32 s28, v8;
	s28 =	sadd.s32 $0x4, s12;
	v12 =	vld.idx.msk [tilespmem:v17+s17+$0x0], $0xffff;
	[tilespmem:s5+$0x180] =	vst v9;
	(pc) =	sbr.rel @p2 .LBB2_31-.Ltmp18, $4  }
0x2ff: {  	v19 =	vor.u32 s28, v8;
	s28 =	sadd.s32 $0x5, s12;
	v11 =	vld.idx.msk [tilespmem:v15+s17+$0x0], $0xffff;
	[tilespmem:s5+$0xFFFFFE80] =	vst v10  }
0x300: {  	v16 =	vor.u32 s28, v8;
	s28 =	sadd.s32 $0x6, s12;
	v9 =	vld.idx.msk [tilespmem:v20+s17+$0x0], $0xffff;
	[tilespmem:s5+$0xFFFFFF00] =	vst v14  }
0x301: {  	v17 =	vor.u32 s28, v8;
	v10 =	vld.idx.msk [tilespmem:v22+s17+$0x0], $0xffff;
	[tilespmem:s5+$0xFFFFFF80] =	vst v21  }
0x302: {  	v15 =	vor.u32 s12, v8;
	s12 =	smov.u32 s26;
	s28 =	sadd.s32 $0x7, s26;
	s26 =	sadd.s32 $0x8, s26;
	v14 =	vld.idx.msk [tilespmem:v24+s17+$0x0], $0xffff;
	[tilespmem:s5+$0x0] =	vst v23  }
0x303: {  	_ =	sdelay $0x2  }
0x304: {  	[tilespmem:s5+$0x80] =	vst v13  }
0x305: {  	s26 =	sadd.s32 $0x1, s12;
	v13 =	vor.u32 s28, v8;
	v18 =	vld.idx.msk [tilespmem:v18+s17+$0x0], $0xffff;
	[tilespmem:s5+$0x100] =	vst v12  }
0x306: {  	s29 =	sadd.s32 $0x2, s12;
	v19 =	vld.idx.msk [tilespmem:v19+s17+$0x0], $0xffff;
	v12 =	vor.u32 s26, v8;
	[tilespmem:s5+$0xFFFFFE00] =	vst v11;
	s5 =	sadd.s32 $0x400, s5  }
0x307: {  	v16 =	vld.idx.msk [tilespmem:v16+s17+$0x0], $0xffff;
	v11 =	vor.u32 s29, v8;
	s29 =	sadd.s32 $0x3, s12;
	[tilespmem:s5+$0x180] =	vst v9  }
0x308: {  	v17 =	vld.idx.msk [tilespmem:v17+s17+$0x0], $0xffff;
	v9 =	vor.u32 s29, v8;
	s29 =	sadd.s32 $0x4, s12;
	[tilespmem:s5+$0xFFFFFE80] =	vst v10  }
0x309: {  	v15 =	vld.idx.msk [tilespmem:v15+s17+$0x0], $0xffff;
	v10 =	vor.u32 s29, v8;
	s29 =	sadd.s32 $0x5, s12;
	[tilespmem:s5+$0xFFFFFF00] =	vst v14  }
0x30a: {  	v14 =	vor.u32 s29, v8;
	s29 =	sadd.s32 $0x6, s12;
	v13 =	vld.idx.msk [tilespmem:v13+s17+$0x0], $0xffff;
	[tilespmem:s5+$0xFFFFFF80] =	vst v18  }
0x30b: {  	v18 =	vor.u32 s29, v8;
	[tilespmem:s5+$0x0] =	vst v19;
	v12 =	vld.idx.msk [tilespmem:v12+s17+$0x0], $0xffff  }
0x30c: {  	v8 =	vor.u32 s12, v8;
	[tilespmem:s5+$0x80] =	vst v16;
	v11 =	vld.idx.msk [tilespmem:v11+s17+$0x0], $0xffff  }
0x30d: {  	[tilespmem:s5+$0x100] =	vst v17;
	v9 =	vld.idx.msk [tilespmem:v9+s17+$0x0], $0xffff  }
0x30e: {  	[tilespmem:s5+$0xFFFFFE00] =	vst v15;
	s5 =	sadd.s32 $0x400, s5;
	v10 =	vld.idx.msk [tilespmem:v10+s17+$0x0], $0xffff  }
0x30f: {  	v14 =	vld.idx.msk [tilespmem:v14+s17+$0x0], $0xffff;
	[tilespmem:s5+$0x180] =	vst v13  }
0x310: {  	v13 =	vld.idx.msk [tilespmem:v18+s17+$0x0], $0xffff;
	[tilespmem:s5+$0xFFFFFE80] =	vst v12  }
0x311: {  	v8 =	vld.idx.msk [tilespmem:v8+s17+$0x0], $0xffff;
	[tilespmem:s5+$0xFFFFFF00] =	vst v11  }
0x312: {  	[tilespmem:s5+$0xFFFFFF80] =	vst v9  }
0x313: {  	[tilespmem:s5+$0x0] =	vst v10  }
0x314: {  	[tilespmem:s5+$0x80] =	vst v14  }
0x315: {  	[tilespmem:s5+$0x100] =	vst v13  }
0x316: {  	[tilespmem:s5+$0xFFFFFE00] =	vst v8  }
0x317: {  	v8 =	vld [tilespmem:s8+$0x60];
	_ =	sdelay $0x4  }
0x318: {  	v8 =	vshrl.u32 v8, $0x8  }
0x319: {  	v8 =	vand.u32 $0x40, v8  }
0x31a: {  	s26 =	simm.s32 $0x7;
	v8 =	vor.u32 v6, v8  }
0x31b: {  	s29 =	simm.s32 $0x1;
	v9 =	vor.u32 s26, v8  }
0x31c: {  	s12 =	simm.s32 $0x2;
	v10 =	vor.u32 s29, v8  }
0x31d: {  	v11 =	vor.u32 s12, v8;
	s26 =	simm.s32 $0x3  }
0x31e: {  	s29 =	simm.s32 $0x4;
	v12 =	vor.u32 s26, v8  }
0x31f: {  	s12 =	simm.s32 $0x5;
	v13 =	vor.u32 s29, v8  }
0x320: {  	v14 =	vor.u32 s12, v8;
	s26 =	simm.s32 $0x6;
	v9 =	vld.idx.msk [tilespmem:v9+s17+$0x0], $0xffff  }
0x321: {  	v15 =	vor.u32 s26, v8;
	s26 =	simm.s32 $0xF;
	v10 =	vld.idx.msk [tilespmem:v10+s17+$0x0], $0xffff  }
0x322: {  	s29 =	simm.s32 $0x0;
	v19 =	vor.u32 s26, v8;
	v17 =	vld.idx.msk [tilespmem:v11+s17+$0x0], $0xffff  }
0x323: {  	v16 =	vor.u32 s29, v8;
	s26 =	simm.s32 $0xA;
	v20 =	vld.idx.msk [tilespmem:v12+s17+$0x0], $0xffff  }
0x324: {  	s29 =	simm.s32 $0x9;
	v23 =	vor.u32 s26, v8;
	v22 =	vld.idx.msk [tilespmem:v13+s17+$0x0], $0xffff  }
0x325: {  	s5 =	simm.s32 $0x15A60;
	v21 =	vor.u32 s29, v8;
	s29 =	simm.s32 $0xB;
	v13 =	vld.idx.msk [tilespmem:v14+s17+$0x0], $0xffff  }
0x326: {  	s12 =	simm.s32 $0xC;
	v18 =	vor.u32 s29, v8;
	v12 =	vld.idx.msk [tilespmem:v15+s17+$0x0], $0xffff;
	[tilespmem:s5+$0x180] =	vst v9  }
0x327: {  	s26 =	simm.s32 $0xD;
	[tilespmem:s5+$0xFFFFFE80] =	vst v10;
	v9 =	vld.idx.msk [tilespmem:v19+s17+$0x0], $0xffff;
	v19 =	vor.u32 s12, v8  }
0x328: {  	v11 =	vld.idx.msk [tilespmem:v16+s17+$0x0], $0xffff;
	v16 =	vor.u32 s26, v8;
	s26 =	simm.s32 $0xE;
	[tilespmem:s5+$0xFFFFFF00] =	vst v17  }
0x329: {  	s29 =	simm.s32 $0x8;
	v14 =	vld.idx.msk [tilespmem:v23+s17+$0x0], $0xffff;
	v17 =	vor.u32 s26, v8;
	[tilespmem:s5+$0xFFFFFF80] =	vst v20  }
0x32a: {  	s28 =	simm.s32 $0x17;
	v15 =	vor.u32 s29, v8;
	v10 =	vld.idx.msk [tilespmem:v21+s17+$0x0], $0xffff;
	s12 =	simm.s32 $0x10;
	s26 =	simm.s32 $0x18;
	[tilespmem:s5+$0x0] =	vst v22  }
.LBB2_33:
0x32b: {  	p2 =	slt.u32 s26, $0x38;
	s29 =	sadd.s32 $0x1, s12;
	v20 =	vor.u32 s28, v8;
	v21 =	vld.idx.msk [tilespmem:v18+s17+$0x0], $0xffff;
	[tilespmem:s5+$0x80] =	vst v13  }
0x32c: {  	s28 =	sadd.s32 $0x2, s12;
	v22 =	vor.u32 s29, v8;
	v23 =	vld.idx.msk [tilespmem:v19+s17+$0x0], $0xffff;
	[tilespmem:s5+$0x100] =	vst v12  }
0x32d: {  	v24 =	vor.u32 s28, v8;
	s28 =	sadd.s32 $0x3, s12;
	v13 =	vld.idx.msk [tilespmem:v16+s17+$0x0], $0xffff;
	[tilespmem:s5+$0xFFFFFE00] =	vst v11;
	s5 =	sadd.s32 $0x400, s5  }
.Ltmp19:
0x32e: {  	v18 =	vor.u32 s28, v8;
	s28 =	sadd.s32 $0x4, s12;
	v12 =	vld.idx.msk [tilespmem:v17+s17+$0x0], $0xffff;
	[tilespmem:s5+$0x180] =	vst v9;
	(pc) =	sbr.rel @p2 .LBB2_33-.Ltmp19, $4  }
0x32f: {  	v19 =	vor.u32 s28, v8;
	s28 =	sadd.s32 $0x5, s12;
	v11 =	vld.idx.msk [tilespmem:v15+s17+$0x0], $0xffff;
	[tilespmem:s5+$0xFFFFFE80] =	vst v10  }
0x330: {  	v16 =	vor.u32 s28, v8;
	s28 =	sadd.s32 $0x6, s12;
	v9 =	vld.idx.msk [tilespmem:v20+s17+$0x0], $0xffff;
	[tilespmem:s5+$0xFFFFFF00] =	vst v14  }
0x331: {  	v17 =	vor.u32 s28, v8;
	v10 =	vld.idx.msk [tilespmem:v22+s17+$0x0], $0xffff;
	[tilespmem:s5+$0xFFFFFF80] =	vst v21  }
0x332: {  	v15 =	vor.u32 s12, v8;
	s12 =	smov.u32 s26;
	s28 =	sadd.s32 $0x7, s26;
	s26 =	sadd.s32 $0x8, s26;
	v14 =	vld.idx.msk [tilespmem:v24+s17+$0x0], $0xffff;
	[tilespmem:s5+$0x0] =	vst v23  }
0x333: {  	_ =	sdelay $0x2  }
0x334: {  	[tilespmem:s5+$0x80] =	vst v13  }
0x335: {  	s26 =	sadd.s32 $0x1, s12;
	v13 =	vor.u32 s28, v8;
	v18 =	vld.idx.msk [tilespmem:v18+s17+$0x0], $0xffff;
	[tilespmem:s5+$0x100] =	vst v12  }
0x336: {  	s29 =	sadd.s32 $0x2, s12;
	v19 =	vld.idx.msk [tilespmem:v19+s17+$0x0], $0xffff;
	v12 =	vor.u32 s26, v8;
	[tilespmem:s5+$0xFFFFFE00] =	vst v11;
	s5 =	sadd.s32 $0x400, s5  }
0x337: {  	s28 =	sadd.s32 $0x3, s12;
	v16 =	vld.idx.msk [tilespmem:v16+s17+$0x0], $0xffff;
	v11 =	vor.u32 s29, v8;
	[tilespmem:s5+$0x180] =	vst v9  }
0x338: {  	v17 =	vld.idx.msk [tilespmem:v17+s17+$0x0], $0xffff;
	s29 =	sadd.s32 $0x4, s12;
	v9 =	vor.u32 s28, v8;
	[tilespmem:s5+$0xFFFFFE80] =	vst v10  }
0x339: {  	v15 =	vld.idx.msk [tilespmem:v15+s17+$0x0], $0xffff;
	s28 =	sadd.s32 $0x5, s12;
	v10 =	vor.u32 s29, v8;
	[tilespmem:s5+$0xFFFFFF00] =	vst v14  }
0x33a: {  	s29 =	sadd.s32 $0x6, s12;
	v14 =	vor.u32 s28, v8;
	v13 =	vld.idx.msk [tilespmem:v13+s17+$0x0], $0xffff;
	[tilespmem:s5+$0xFFFFFF80] =	vst v18  }
0x33b: {  	v18 =	vor.u32 s29, v8;
	[tilespmem:s5+$0x0] =	vst v19;
	v12 =	vld.idx.msk [tilespmem:v12+s17+$0x0], $0xffff  }
0x33c: {  	v8 =	vor.u32 s12, v8;
	[tilespmem:s5+$0x80] =	vst v16;
	v11 =	vld.idx.msk [tilespmem:v11+s17+$0x0], $0xffff  }
0x33d: {  	[tilespmem:s5+$0x100] =	vst v17;
	v9 =	vld.idx.msk [tilespmem:v9+s17+$0x0], $0xffff  }
0x33e: {  	[tilespmem:s5+$0xFFFFFE00] =	vst v15;
	s5 =	sadd.s32 $0x400, s5;
	v10 =	vld.idx.msk [tilespmem:v10+s17+$0x0], $0xffff  }
0x33f: {  	v14 =	vld.idx.msk [tilespmem:v14+s17+$0x0], $0xffff;
	[tilespmem:s5+$0x180] =	vst v13  }
0x340: {  	v13 =	vld.idx.msk [tilespmem:v18+s17+$0x0], $0xffff;
	[tilespmem:s5+$0xFFFFFE80] =	vst v12  }
0x341: {  	v8 =	vld.idx.msk [tilespmem:v8+s17+$0x0], $0xffff;
	[tilespmem:s5+$0xFFFFFF00] =	vst v11  }
0x342: {  	[tilespmem:s5+$0xFFFFFF80] =	vst v9  }
0x343: {  	[tilespmem:s5+$0x0] =	vst v10  }
0x344: {  	[tilespmem:s5+$0x80] =	vst v14  }
0x345: {  	[tilespmem:s5+$0x100] =	vst v13  }
0x346: {  	[tilespmem:s5+$0xFFFFFE00] =	vst v8  }
0x347: {  	v8 =	vld [tilespmem:s8+$0x70];
	_ =	sdelay $0x4  }
0x348: {  	v8 =	vshrl.u32 v8, $0x8  }
0x349: {  	v8 =	vand.u32 $0x40, v8  }
0x34a: {  	s26 =	simm.s32 $0x7;
	v8 =	vor.u32 v7, v8  }
0x34b: {  	s28 =	simm.s32 $0x1;
	v9 =	vor.u32 s26, v8  }
0x34c: {  	s29 =	simm.s32 $0x2;
	v10 =	vor.u32 s28, v8  }
0x34d: {  	s8 =	simm.s32 $0x3;
	v11 =	vor.u32 s29, v8  }
0x34e: {  	s12 =	simm.s32 $0x4;
	v12 =	vor.u32 s8, v8  }
0x34f: {  	v13 =	vor.u32 s12, v8;
	s26 =	simm.s32 $0x5  }
0x350: {  	s28 =	simm.s32 $0x6;
	v14 =	vor.u32 s26, v8;
	v9 =	vld.idx.msk [tilespmem:v9+s17+$0x0], $0xffff  }
0x351: {  	s12 =	simm.s32 $0xF;
	v15 =	vor.u32 s28, v8;
	v10 =	vld.idx.msk [tilespmem:v10+s17+$0x0], $0xffff  }
0x352: {  	s29 =	simm.s32 $0x0;
	v19 =	vor.u32 s12, v8;
	v17 =	vld.idx.msk [tilespmem:v11+s17+$0x0], $0xffff  }
0x353: {  	v16 =	vor.u32 s29, v8;
	s28 =	simm.s32 $0xA;
	v20 =	vld.idx.msk [tilespmem:v12+s17+$0x0], $0xffff  }
0x354: {  	s26 =	simm.s32 $0x9;
	v23 =	vor.u32 s28, v8;
	v22 =	vld.idx.msk [tilespmem:v13+s17+$0x0], $0xffff  }
0x355: {  	s5 =	simm.s32 $0x15A70;
	s29 =	simm.s32 $0xB;
	v21 =	vor.u32 s26, v8;
	v13 =	vld.idx.msk [tilespmem:v14+s17+$0x0], $0xffff  }
0x356: {  	s12 =	simm.s32 $0xC;
	v18 =	vor.u32 s29, v8;
	v12 =	vld.idx.msk [tilespmem:v15+s17+$0x0], $0xffff;
	[tilespmem:s5+$0x180] =	vst v9  }
0x357: {  	s26 =	simm.s32 $0xD;
	[tilespmem:s5+$0xFFFFFE80] =	vst v10;
	v9 =	vld.idx.msk [tilespmem:v19+s17+$0x0], $0xffff;
	v19 =	vor.u32 s12, v8  }
0x358: {  	s29 =	simm.s32 $0xE;
	v11 =	vld.idx.msk [tilespmem:v16+s17+$0x0], $0xffff;
	v16 =	vor.u32 s26, v8;
	[tilespmem:s5+$0xFFFFFF00] =	vst v17  }
0x359: {  	s28 =	simm.s32 $0x8;
	v14 =	vld.idx.msk [tilespmem:v23+s17+$0x0], $0xffff;
	[tilespmem:s5+$0xFFFFFF80] =	vst v20;
	v17 =	vor.u32 s29, v8  }
0x35a: {  	s8 =	simm.s32 $0x10;
	s26 =	simm.s32 $0x17;
	v15 =	vor.u32 s28, v8;
	v10 =	vld.idx.msk [tilespmem:v21+s17+$0x0], $0xffff;
	s12 =	simm.s32 $0x18;
	[tilespmem:s5+$0x0] =	vst v22  }
.LBB2_35:
0x35b: {  	p2 =	slt.u32 s12, $0x38;
	s28 =	sadd.s32 $0x1, s8;
	v20 =	vor.u32 s26, v8;
	v21 =	vld.idx.msk [tilespmem:v18+s17+$0x0], $0xffff;
	[tilespmem:s5+$0x80] =	vst v13  }
0x35c: {  	s26 =	sadd.s32 $0x2, s8;
	v22 =	vor.u32 s28, v8;
	v23 =	vld.idx.msk [tilespmem:v19+s17+$0x0], $0xffff;
	[tilespmem:s5+$0x100] =	vst v12  }
0x35d: {  	v24 =	vor.u32 s26, v8;
	s26 =	sadd.s32 $0x3, s8;
	v13 =	vld.idx.msk [tilespmem:v16+s17+$0x0], $0xffff;
	[tilespmem:s5+$0xFFFFFE00] =	vst v11;
	s5 =	sadd.s32 $0x400, s5  }
.Ltmp20:
0x35e: {  	v18 =	vor.u32 s26, v8;
	s26 =	sadd.s32 $0x4, s8;
	v12 =	vld.idx.msk [tilespmem:v17+s17+$0x0], $0xffff;
	[tilespmem:s5+$0x180] =	vst v9;
	(pc) =	sbr.rel @p2 .LBB2_35-.Ltmp20, $4  }
0x35f: {  	v19 =	vor.u32 s26, v8;
	s26 =	sadd.s32 $0x5, s8;
	v11 =	vld.idx.msk [tilespmem:v15+s17+$0x0], $0xffff;
	[tilespmem:s5+$0xFFFFFE80] =	vst v10  }
0x360: {  	v16 =	vor.u32 s26, v8;
	s26 =	sadd.s32 $0x6, s8;
	v9 =	vld.idx.msk [tilespmem:v20+s17+$0x0], $0xffff;
	[tilespmem:s5+$0xFFFFFF00] =	vst v14  }
0x361: {  	v17 =	vor.u32 s26, v8;
	v10 =	vld.idx.msk [tilespmem:v22+s17+$0x0], $0xffff;
	[tilespmem:s5+$0xFFFFFF80] =	vst v21  }
0x362: {  	v15 =	vor.u32 s8, v8;
	s8 =	smov.u32 s12;
	s26 =	sadd.s32 $0x7, s12;
	s12 =	sadd.s32 $0x8, s12;
	v14 =	vld.idx.msk [tilespmem:v24+s17+$0x0], $0xffff;
	[tilespmem:s5+$0x0] =	vst v23  }
0x363: {  	_ =	sdelay $0x2  }
0x364: {  	[tilespmem:s5+$0x80] =	vst v13  }
0x365: {  	s12 =	sadd.s32 $0x1, s8;
	v56 =	vor.u32 s26, v8;
	v18 =	vld.idx.msk [tilespmem:v18+s17+$0x0], $0xffff;
	[tilespmem:s5+$0x100] =	vst v12  }
0x366: {  	s26 =	sadd.s32 $0x2, s8;
	v19 =	vld.idx.msk [tilespmem:v19+s17+$0x0], $0xffff;
	v57 =	vor.u32 s12, v8;
	[tilespmem:s5+$0xFFFFFE00] =	vst v11;
	s5 =	sadd.s32 $0x400, s5  }
0x367: {  	s28 =	sadd.s32 $0x3, s8;
	v16 =	vld.idx.msk [tilespmem:v16+s17+$0x0], $0xffff;
	v58 =	vor.u32 s26, v8;
	[tilespmem:s5+$0x180] =	vst v9  }
0x368: {  	s29 =	sadd.s32 $0x4, s8;
	v17 =	vld.idx.msk [tilespmem:v17+s17+$0x0], $0xffff;
	v59 =	vor.u32 s28, v8;
	[tilespmem:s5+$0xFFFFFE80] =	vst v10  }
0x369: {  	v15 =	vld.idx.msk [tilespmem:v15+s17+$0x0], $0xffff;
	v60 =	vor.u32 s29, v8;
	s26 =	sadd.s32 $0x5, s8;
	[tilespmem:s5+$0xFFFFFF00] =	vst v14  }
0x36a: {  	s28 =	sadd.s32 $0x6, s8;
	v61 =	vor.u32 s26, v8;
	v13 =	vld.idx.msk [tilespmem:v56+s17+$0x0], $0xffff;
	[tilespmem:s5+$0xFFFFFF80] =	vst v18  }
0x36b: {  	v62 =	vor.u32 s28, v8;
	[tilespmem:s5+$0x0] =	vst v19;
	v12 =	vld.idx.msk [tilespmem:v57+s17+$0x0], $0xffff  }
0x36c: {  	v8 =	vor.u32 s8, v8;
	[tilespmem:s5+$0x80] =	vst v16;
	v11 =	vld.idx.msk [tilespmem:v58+s17+$0x0], $0xffff  }
0x36d: {  	[tilespmem:s5+$0x100] =	vst v17;
	v9 =	vld.idx.msk [tilespmem:v59+s17+$0x0], $0xffff  }
0x36e: {  	[tilespmem:s5+$0xFFFFFE00] =	vst v15;
	s5 =	sadd.s32 $0x400, s5;
	v10 =	vld.idx.msk [tilespmem:v60+s17+$0x0], $0xffff  }
0x36f: {  	v14 =	vld.idx.msk [tilespmem:v61+s17+$0x0], $0xffff;
	[tilespmem:s5+$0x180] =	vst v13  }
0x370: {  	v63 =	vld.idx.msk [tilespmem:v62+s17+$0x0], $0xffff;
	[tilespmem:s5+$0xFFFFFE80] =	vst v12  }
0x371: {  	v8 =	vld.idx.msk [tilespmem:v8+s17+$0x0], $0xffff;
	[tilespmem:s5+$0xFFFFFF00] =	vst v11  }
0x372: {  	[tilespmem:s5+$0xFFFFFF80] =	vst v9  }
.Ltmp21:
0x373: {  	s7 =	sshll.u32 s7, $0x12;
	[tilespmem:s5+$0x0] =	vst v10;
	(pc) =	sbr.rel @p1 .LBB2_74-.Ltmp21, $4  }
0x374: {  	s7 =	sor.u32 s4, s7;
	[tilespmem:s5+$0x80] =	vst v14  }
0x375: {  	s7 =	sshrl.u32 s7, $0x3;
	[tilespmem:s5+$0x100] =	vst v63  }
0x376: {  	s29 =	sadd.s32 s2, s7;
	[tilespmem:s5+$0xFFFFFE00] =	vst v8  }
0x377: {  	[hbm4b:s29+s9] =	stream.strided.scatter [tilespmem:s25], [sflag:$0x6], $0x2000, s10, s9, $0x38;
	[tilespmem:$0x1B800] =	vst v63  }
0x378: {  	s7 =	sor.u32 $0x2, s3  }
0x379: {  	p1 =	sgt.u32 s7, $0x31  }
.Ltmp22:
0x37a: {  	_ = 	snop;
	(pc) =	sbr.rel @p1 .LBB2_55-.Ltmp22, $3  }
0x37b: {  	_ =	sdelay $0x1  }
0x37c: {  	s5 =	sadd.s32 $0x1E80, s20  }
0x37d: {  	[tilespmem:s17], [sflag:$0x2] =	stream.indirect.gather [hbm4b:s6+s13], $0x80, s5, s13, $0xb8;
	[tilespmem:$0x1B800] =	vst v63  }
0x37e: {  	_ =	swait.ge [sflag:s31], $0x4000  }
0x37f: {  	[sflag:s31] =	ssyncset.done $0x0  }
0x380: {  	s5 =	simm.s32 @!p0 $0x7;
	[sflag:s31] =	ssyncadd.s32 $0xFFFFC000  }
0x381: {  	_ =	swait.ge @!p0 [sflag:s5], $0x2000  }
0x382: {  	s8 =	sshll.u32 s7, $0x7;
	[sflag:s5] =	ssyncset.done @!p0 $0x0  }
0x383: {  	s8 =	sand.u32 $0x3FFFFF80, s8;
	[sflag:s5] =	ssyncadd.s32 @!p0 $0xFFFFE000  }
0x384: {  	v8 =	vld [tilespmem:s8+$0x0];
	_ =	sdelay $0x4  }
0x385: {  	v8 =	vshrl.u32 v8, $0x8  }
0x386: {  	v8 =	vand.u32 $0x40, v8  }
0x387: {  	s29 =	simm.s32 $0x7;
	v8 =	vor.u32 v0, v8  }
0x388: {  	s12 =	simm.s32 $0x1;
	v9 =	vor.u32 s29, v8  }
0x389: {  	s26 =	simm.s32 $0x3;
	v10 =	vor.u32 s12, v8  }
0x38a: {  	s12 =	simm.s32 $0x2;
	v12 =	vor.u32 s26, v8  }
0x38b: {  	s29 =	simm.s32 $0x4;
	v11 =	vor.u32 s12, v8  }
0x38c: {  	s26 =	simm.s32 $0x6;
	v13 =	vor.u32 s29, v8  }
0x38d: {  	s12 =	simm.s32 $0x5;
	v15 =	vor.u32 s26, v8;
	v9 =	vld.idx.msk [tilespmem:v9+s19+$0x0], $0xffff  }
0x38e: {  	s26 =	simm.s32 $0xF;
	v14 =	vor.u32 s12, v8;
	v10 =	vld.idx.msk [tilespmem:v10+s19+$0x0], $0xffff  }
0x38f: {  	s29 =	simm.s32 $0x0;
	v19 =	vor.u32 s26, v8;
	v20 =	vld.idx.msk [tilespmem:v12+s19+$0x0], $0xffff  }
0x390: {  	v16 =	vor.u32 s29, v8;
	s26 =	simm.s32 $0xA;
	v17 =	vld.idx.msk [tilespmem:v11+s19+$0x0], $0xffff  }
0x391: {  	s29 =	simm.s32 $0x9;
	v23 =	vor.u32 s26, v8;
	v22 =	vld.idx.msk [tilespmem:v13+s19+$0x0], $0xffff  }
0x392: {  	s5 =	simm.s32 $0x17A00;
	v21 =	vor.u32 s29, v8;
	s29 =	simm.s32 $0xB;
	v12 =	vld.idx.msk [tilespmem:v15+s19+$0x0], $0xffff  }
0x393: {  	s12 =	simm.s32 $0xC;
	v18 =	vor.u32 s29, v8;
	v13 =	vld.idx.msk [tilespmem:v14+s19+$0x0], $0xffff;
	[tilespmem:s5+$0x180] =	vst v9  }
0x394: {  	s26 =	simm.s32 $0xD;
	[tilespmem:s5+$0xFFFFFE80] =	vst v10;
	v9 =	vld.idx.msk [tilespmem:v19+s19+$0x0], $0xffff;
	v19 =	vor.u32 s12, v8  }
0x395: {  	v11 =	vld.idx.msk [tilespmem:v16+s19+$0x0], $0xffff;
	v16 =	vor.u32 s26, v8;
	s26 =	simm.s32 $0xE;
	[tilespmem:s5+$0xFFFFFF80] =	vst v20  }
0x396: {  	s29 =	simm.s32 $0x8;
	v14 =	vld.idx.msk [tilespmem:v23+s19+$0x0], $0xffff;
	[tilespmem:s5+$0xFFFFFF00] =	vst v17;
	v17 =	vor.u32 s26, v8  }
0x397: {  	s28 =	simm.s32 $0x17;
	v15 =	vor.u32 s29, v8;
	v10 =	vld.idx.msk [tilespmem:v21+s19+$0x0], $0xffff;
	s12 =	simm.s32 $0x10;
	s26 =	simm.s32 $0x18;
	[tilespmem:s5+$0x0] =	vst v22  }
.LBB2_39:
0x398: {  	p1 =	slt.u32 s26, $0x38;
	s29 =	sadd.s32 $0x1, s12;
	v20 =	vor.u32 s28, v8;
	v21 =	vld.idx.msk [tilespmem:v18+s19+$0x0], $0xffff;
	[tilespmem:s5+$0x80] =	vst v13  }
0x399: {  	s28 =	sadd.s32 $0x2, s12;
	v22 =	vor.u32 s29, v8;
	v23 =	vld.idx.msk [tilespmem:v19+s19+$0x0], $0xffff;
	[tilespmem:s5+$0x100] =	vst v12  }
0x39a: {  	v24 =	vor.u32 s28, v8;
	s28 =	sadd.s32 $0x3, s12;
	v13 =	vld.idx.msk [tilespmem:v16+s19+$0x0], $0xffff;
	[tilespmem:s5+$0xFFFFFE00] =	vst v11;
	s5 =	sadd.s32 $0x400, s5  }
.Ltmp23:
0x39b: {  	v18 =	vor.u32 s28, v8;
	s28 =	sadd.s32 $0x4, s12;
	v12 =	vld.idx.msk [tilespmem:v17+s19+$0x0], $0xffff;
	[tilespmem:s5+$0x180] =	vst v9;
	(pc) =	sbr.rel @p1 .LBB2_39-.Ltmp23, $4  }
0x39c: {  	v19 =	vor.u32 s28, v8;
	s28 =	sadd.s32 $0x5, s12;
	v11 =	vld.idx.msk [tilespmem:v15+s19+$0x0], $0xffff;
	[tilespmem:s5+$0xFFFFFE80] =	vst v10  }
0x39d: {  	v16 =	vor.u32 s28, v8;
	s28 =	sadd.s32 $0x6, s12;
	v9 =	vld.idx.msk [tilespmem:v20+s19+$0x0], $0xffff;
	[tilespmem:s5+$0xFFFFFF00] =	vst v14  }
0x39e: {  	v17 =	vor.u32 s28, v8;
	v10 =	vld.idx.msk [tilespmem:v22+s19+$0x0], $0xffff;
	[tilespmem:s5+$0xFFFFFF80] =	vst v21  }
0x39f: {  	v15 =	vor.u32 s12, v8;
	s12 =	smov.u32 s26;
	s28 =	sadd.s32 $0x7, s26;
	s26 =	sadd.s32 $0x8, s26;
	v14 =	vld.idx.msk [tilespmem:v24+s19+$0x0], $0xffff;
	[tilespmem:s5+$0x0] =	vst v23  }
0x3a0: {  	_ =	sdelay $0x2  }
0x3a1: {  	[tilespmem:s5+$0x80] =	vst v13  }
0x3a2: {  	s26 =	sadd.s32 $0x1, s12;
	v13 =	vor.u32 s28, v8;
	v18 =	vld.idx.msk [tilespmem:v18+s19+$0x0], $0xffff;
	[tilespmem:s5+$0x100] =	vst v12  }
0x3a3: {  	s29 =	sadd.s32 $0x2, s12;
	v19 =	vld.idx.msk [tilespmem:v19+s19+$0x0], $0xffff;
	v12 =	vor.u32 s26, v8;
	[tilespmem:s5+$0xFFFFFE00] =	vst v11;
	s5 =	sadd.s32 $0x400, s5  }
0x3a4: {  	v16 =	vld.idx.msk [tilespmem:v16+s19+$0x0], $0xffff;
	v11 =	vor.u32 s29, v8;
	s29 =	sadd.s32 $0x3, s12;
	[tilespmem:s5+$0x180] =	vst v9  }
0x3a5: {  	v17 =	vld.idx.msk [tilespmem:v17+s19+$0x0], $0xffff;
	v9 =	vor.u32 s29, v8;
	s29 =	sadd.s32 $0x4, s12;
	[tilespmem:s5+$0xFFFFFE80] =	vst v10  }
0x3a6: {  	v15 =	vld.idx.msk [tilespmem:v15+s19+$0x0], $0xffff;
	v10 =	vor.u32 s29, v8;
	s29 =	sadd.s32 $0x5, s12;
	[tilespmem:s5+$0xFFFFFF00] =	vst v14  }
0x3a7: {  	v14 =	vor.u32 s29, v8;
	s29 =	sadd.s32 $0x6, s12;
	v13 =	vld.idx.msk [tilespmem:v13+s19+$0x0], $0xffff;
	[tilespmem:s5+$0xFFFFFF80] =	vst v18  }
0x3a8: {  	v18 =	vor.u32 s29, v8;
	[tilespmem:s5+$0x0] =	vst v19;
	v12 =	vld.idx.msk [tilespmem:v12+s19+$0x0], $0xffff  }
0x3a9: {  	v8 =	vor.u32 s12, v8;
	[tilespmem:s5+$0x80] =	vst v16;
	v11 =	vld.idx.msk [tilespmem:v11+s19+$0x0], $0xffff  }
0x3aa: {  	[tilespmem:s5+$0x100] =	vst v17;
	v9 =	vld.idx.msk [tilespmem:v9+s19+$0x0], $0xffff  }
0x3ab: {  	[tilespmem:s5+$0xFFFFFE00] =	vst v15;
	s5 =	sadd.s32 $0x400, s5;
	v10 =	vld.idx.msk [tilespmem:v10+s19+$0x0], $0xffff  }
0x3ac: {  	v14 =	vld.idx.msk [tilespmem:v14+s19+$0x0], $0xffff;
	[tilespmem:s5+$0x180] =	vst v13  }
0x3ad: {  	v13 =	vld.idx.msk [tilespmem:v18+s19+$0x0], $0xffff;
	[tilespmem:s5+$0xFFFFFE80] =	vst v12  }
0x3ae: {  	v8 =	vld.idx.msk [tilespmem:v8+s19+$0x0], $0xffff;
	[tilespmem:s5+$0xFFFFFF00] =	vst v11  }
0x3af: {  	[tilespmem:s5+$0xFFFFFF80] =	vst v9  }
0x3b0: {  	[tilespmem:s5+$0x0] =	vst v10  }
0x3b1: {  	[tilespmem:s5+$0x80] =	vst v14  }
0x3b2: {  	[tilespmem:s5+$0x100] =	vst v13  }
0x3b3: {  	[tilespmem:s5+$0xFFFFFE00] =	vst v8  }
0x3b4: {  	v8 =	vld [tilespmem:s8+$0x10];
	_ =	sdelay $0x4  }
0x3b5: {  	v8 =	vshrl.u32 v8, $0x8  }
0x3b6: {  	v8 =	vand.u32 $0x40, v8  }
0x3b7: {  	s26 =	simm.s32 $0x7;
	v8 =	vor.u32 v1, v8  }
0x3b8: {  	s29 =	simm.s32 $0x1;
	v9 =	vor.u32 s26, v8  }
0x3b9: {  	s12 =	simm.s32 $0x2;
	v10 =	vor.u32 s29, v8  }
0x3ba: {  	v11 =	vor.u32 s12, v8;
	s26 =	simm.s32 $0x3  }
0x3bb: {  	s29 =	simm.s32 $0x4;
	v12 =	vor.u32 s26, v8  }
0x3bc: {  	s12 =	simm.s32 $0x5;
	v13 =	vor.u32 s29, v8  }
0x3bd: {  	v14 =	vor.u32 s12, v8;
	s26 =	simm.s32 $0x6;
	v9 =	vld.idx.msk [tilespmem:v9+s19+$0x0], $0xffff  }
0x3be: {  	v15 =	vor.u32 s26, v8;
	s26 =	simm.s32 $0xF;
	v10 =	vld.idx.msk [tilespmem:v10+s19+$0x0], $0xffff  }
0x3bf: {  	s29 =	simm.s32 $0x0;
	v19 =	vor.u32 s26, v8;
	v17 =	vld.idx.msk [tilespmem:v11+s19+$0x0], $0xffff  }
0x3c0: {  	v16 =	vor.u32 s29, v8;
	s26 =	simm.s32 $0xA;
	v20 =	vld.idx.msk [tilespmem:v12+s19+$0x0], $0xffff  }
0x3c1: {  	s29 =	simm.s32 $0x9;
	v23 =	vor.u32 s26, v8;
	v22 =	vld.idx.msk [tilespmem:v13+s19+$0x0], $0xffff  }
0x3c2: {  	s5 =	simm.s32 $0x17A10;
	v21 =	vor.u32 s29, v8;
	s29 =	simm.s32 $0xB;
	v13 =	vld.idx.msk [tilespmem:v14+s19+$0x0], $0xffff  }
0x3c3: {  	s12 =	simm.s32 $0xC;
	v18 =	vor.u32 s29, v8;
	v12 =	vld.idx.msk [tilespmem:v15+s19+$0x0], $0xffff;
	[tilespmem:s5+$0x180] =	vst v9  }
0x3c4: {  	s26 =	simm.s32 $0xD;
	[tilespmem:s5+$0xFFFFFE80] =	vst v10;
	v9 =	vld.idx.msk [tilespmem:v19+s19+$0x0], $0xffff;
	v19 =	vor.u32 s12, v8  }
0x3c5: {  	v11 =	vld.idx.msk [tilespmem:v16+s19+$0x0], $0xffff;
	v16 =	vor.u32 s26, v8;
	s26 =	simm.s32 $0xE;
	[tilespmem:s5+$0xFFFFFF00] =	vst v17  }
0x3c6: {  	s29 =	simm.s32 $0x8;
	v14 =	vld.idx.msk [tilespmem:v23+s19+$0x0], $0xffff;
	v17 =	vor.u32 s26, v8;
	[tilespmem:s5+$0xFFFFFF80] =	vst v20  }
0x3c7: {  	s28 =	simm.s32 $0x17;
	v15 =	vor.u32 s29, v8;
	v10 =	vld.idx.msk [tilespmem:v21+s19+$0x0], $0xffff;
	s12 =	simm.s32 $0x10;
	s26 =	simm.s32 $0x18;
	[tilespmem:s5+$0x0] =	vst v22  }
.LBB2_41:
0x3c8: {  	p1 =	slt.u32 s26, $0x38;
	s29 =	sadd.s32 $0x1, s12;
	v20 =	vor.u32 s28, v8;
	v21 =	vld.idx.msk [tilespmem:v18+s19+$0x0], $0xffff;
	[tilespmem:s5+$0x80] =	vst v13  }
0x3c9: {  	s28 =	sadd.s32 $0x2, s12;
	v22 =	vor.u32 s29, v8;
	v23 =	vld.idx.msk [tilespmem:v19+s19+$0x0], $0xffff;
	[tilespmem:s5+$0x100] =	vst v12  }
0x3ca: {  	v24 =	vor.u32 s28, v8;
	s28 =	sadd.s32 $0x3, s12;
	v13 =	vld.idx.msk [tilespmem:v16+s19+$0x0], $0xffff;
	[tilespmem:s5+$0xFFFFFE00] =	vst v11;
	s5 =	sadd.s32 $0x400, s5  }
.Ltmp24:
0x3cb: {  	v18 =	vor.u32 s28, v8;
	s28 =	sadd.s32 $0x4, s12;
	v12 =	vld.idx.msk [tilespmem:v17+s19+$0x0], $0xffff;
	[tilespmem:s5+$0x180] =	vst v9;
	(pc) =	sbr.rel @p1 .LBB2_41-.Ltmp24, $4  }
0x3cc: {  	v19 =	vor.u32 s28, v8;
	s28 =	sadd.s32 $0x5, s12;
	v11 =	vld.idx.msk [tilespmem:v15+s19+$0x0], $0xffff;
	[tilespmem:s5+$0xFFFFFE80] =	vst v10  }
0x3cd: {  	v16 =	vor.u32 s28, v8;
	s28 =	sadd.s32 $0x6, s12;
	v9 =	vld.idx.msk [tilespmem:v20+s19+$0x0], $0xffff;
	[tilespmem:s5+$0xFFFFFF00] =	vst v14  }
0x3ce: {  	v17 =	vor.u32 s28, v8;
	v10 =	vld.idx.msk [tilespmem:v22+s19+$0x0], $0xffff;
	[tilespmem:s5+$0xFFFFFF80] =	vst v21  }
0x3cf: {  	v15 =	vor.u32 s12, v8;
	s12 =	smov.u32 s26;
	s28 =	sadd.s32 $0x7, s26;
	s26 =	sadd.s32 $0x8, s26;
	v14 =	vld.idx.msk [tilespmem:v24+s19+$0x0], $0xffff;
	[tilespmem:s5+$0x0] =	vst v23  }
0x3d0: {  	_ =	sdelay $0x2  }
0x3d1: {  	[tilespmem:s5+$0x80] =	vst v13  }
0x3d2: {  	s26 =	sadd.s32 $0x1, s12;
	v13 =	vor.u32 s28, v8;
	v18 =	vld.idx.msk [tilespmem:v18+s19+$0x0], $0xffff;
	[tilespmem:s5+$0x100] =	vst v12  }
0x3d3: {  	s29 =	sadd.s32 $0x2, s12;
	v19 =	vld.idx.msk [tilespmem:v19+s19+$0x0], $0xffff;
	v12 =	vor.u32 s26, v8;
	[tilespmem:s5+$0xFFFFFE00] =	vst v11;
	s5 =	sadd.s32 $0x400, s5  }
0x3d4: {  	v16 =	vld.idx.msk [tilespmem:v16+s19+$0x0], $0xffff;
	v11 =	vor.u32 s29, v8;
	s29 =	sadd.s32 $0x3, s12;
	[tilespmem:s5+$0x180] =	vst v9  }
0x3d5: {  	v17 =	vld.idx.msk [tilespmem:v17+s19+$0x0], $0xffff;
	v9 =	vor.u32 s29, v8;
	s29 =	sadd.s32 $0x4, s12;
	[tilespmem:s5+$0xFFFFFE80] =	vst v10  }
0x3d6: {  	v15 =	vld.idx.msk [tilespmem:v15+s19+$0x0], $0xffff;
	v10 =	vor.u32 s29, v8;
	s29 =	sadd.s32 $0x5, s12;
	[tilespmem:s5+$0xFFFFFF00] =	vst v14  }
0x3d7: {  	v14 =	vor.u32 s29, v8;
	s29 =	sadd.s32 $0x6, s12;
	v13 =	vld.idx.msk [tilespmem:v13+s19+$0x0], $0xffff;
	[tilespmem:s5+$0xFFFFFF80] =	vst v18  }
0x3d8: {  	v18 =	vor.u32 s29, v8;
	[tilespmem:s5+$0x0] =	vst v19;
	v12 =	vld.idx.msk [tilespmem:v12+s19+$0x0], $0xffff  }
0x3d9: {  	v8 =	vor.u32 s12, v8;
	[tilespmem:s5+$0x80] =	vst v16;
	v11 =	vld.idx.msk [tilespmem:v11+s19+$0x0], $0xffff  }
0x3da: {  	[tilespmem:s5+$0x100] =	vst v17;
	v9 =	vld.idx.msk [tilespmem:v9+s19+$0x0], $0xffff  }
0x3db: {  	[tilespmem:s5+$0xFFFFFE00] =	vst v15;
	s5 =	sadd.s32 $0x400, s5;
	v10 =	vld.idx.msk [tilespmem:v10+s19+$0x0], $0xffff  }
0x3dc: {  	v14 =	vld.idx.msk [tilespmem:v14+s19+$0x0], $0xffff;
	[tilespmem:s5+$0x180] =	vst v13  }
0x3dd: {  	v13 =	vld.idx.msk [tilespmem:v18+s19+$0x0], $0xffff;
	[tilespmem:s5+$0xFFFFFE80] =	vst v12  }
0x3de: {  	v8 =	vld.idx.msk [tilespmem:v8+s19+$0x0], $0xffff;
	[tilespmem:s5+$0xFFFFFF00] =	vst v11  }
0x3df: {  	[tilespmem:s5+$0xFFFFFF80] =	vst v9  }
0x3e0: {  	[tilespmem:s5+$0x0] =	vst v10  }
0x3e1: {  	[tilespmem:s5+$0x80] =	vst v14  }
0x3e2: {  	[tilespmem:s5+$0x100] =	vst v13  }
0x3e3: {  	[tilespmem:s5+$0xFFFFFE00] =	vst v8  }
0x3e4: {  	v8 =	vld [tilespmem:s8+$0x20];
	_ =	sdelay $0x4  }
0x3e5: {  	v8 =	vshrl.u32 v8, $0x8  }
0x3e6: {  	v8 =	vand.u32 $0x40, v8  }
0x3e7: {  	s26 =	simm.s32 $0x7;
	v8 =	vor.u32 v2, v8  }
0x3e8: {  	s29 =	simm.s32 $0x1;
	v9 =	vor.u32 s26, v8  }
0x3e9: {  	s12 =	simm.s32 $0x2;
	v10 =	vor.u32 s29, v8  }
0x3ea: {  	v11 =	vor.u32 s12, v8;
	s26 =	simm.s32 $0x3  }
0x3eb: {  	s29 =	simm.s32 $0x4;
	v12 =	vor.u32 s26, v8  }
0x3ec: {  	s12 =	simm.s32 $0x5;
	v13 =	vor.u32 s29, v8  }
0x3ed: {  	v14 =	vor.u32 s12, v8;
	s26 =	simm.s32 $0x6;
	v9 =	vld.idx.msk [tilespmem:v9+s19+$0x0], $0xffff  }
0x3ee: {  	v15 =	vor.u32 s26, v8;
	s26 =	simm.s32 $0xF;
	v10 =	vld.idx.msk [tilespmem:v10+s19+$0x0], $0xffff  }
0x3ef: {  	s29 =	simm.s32 $0x0;
	v19 =	vor.u32 s26, v8;
	v17 =	vld.idx.msk [tilespmem:v11+s19+$0x0], $0xffff  }
0x3f0: {  	v16 =	vor.u32 s29, v8;
	s26 =	simm.s32 $0xA;
	v20 =	vld.idx.msk [tilespmem:v12+s19+$0x0], $0xffff  }
0x3f1: {  	s29 =	simm.s32 $0x9;
	v23 =	vor.u32 s26, v8;
	v22 =	vld.idx.msk [tilespmem:v13+s19+$0x0], $0xffff  }
0x3f2: {  	s5 =	simm.s32 $0x17A20;
	v21 =	vor.u32 s29, v8;
	s29 =	simm.s32 $0xB;
	v13 =	vld.idx.msk [tilespmem:v14+s19+$0x0], $0xffff  }
0x3f3: {  	s12 =	simm.s32 $0xC;
	v18 =	vor.u32 s29, v8;
	v12 =	vld.idx.msk [tilespmem:v15+s19+$0x0], $0xffff;
	[tilespmem:s5+$0x180] =	vst v9  }
0x3f4: {  	s26 =	simm.s32 $0xD;
	[tilespmem:s5+$0xFFFFFE80] =	vst v10;
	v9 =	vld.idx.msk [tilespmem:v19+s19+$0x0], $0xffff;
	v19 =	vor.u32 s12, v8  }
0x3f5: {  	v11 =	vld.idx.msk [tilespmem:v16+s19+$0x0], $0xffff;
	v16 =	vor.u32 s26, v8;
	s26 =	simm.s32 $0xE;
	[tilespmem:s5+$0xFFFFFF00] =	vst v17  }
0x3f6: {  	s29 =	simm.s32 $0x8;
	v14 =	vld.idx.msk [tilespmem:v23+s19+$0x0], $0xffff;
	v17 =	vor.u32 s26, v8;
	[tilespmem:s5+$0xFFFFFF80] =	vst v20  }
0x3f7: {  	s28 =	simm.s32 $0x17;
	v15 =	vor.u32 s29, v8;
	v10 =	vld.idx.msk [tilespmem:v21+s19+$0x0], $0xffff;
	s12 =	simm.s32 $0x10;
	s26 =	simm.s32 $0x18;
	[tilespmem:s5+$0x0] =	vst v22  }
.LBB2_43:
0x3f8: {  	p1 =	slt.u32 s26, $0x38;
	s29 =	sadd.s32 $0x1, s12;
	v20 =	vor.u32 s28, v8;
	v21 =	vld.idx.msk [tilespmem:v18+s19+$0x0], $0xffff;
	[tilespmem:s5+$0x80] =	vst v13  }
0x3f9: {  	s28 =	sadd.s32 $0x2, s12;
	v22 =	vor.u32 s29, v8;
	v23 =	vld.idx.msk [tilespmem:v19+s19+$0x0], $0xffff;
	[tilespmem:s5+$0x100] =	vst v12  }
0x3fa: {  	v24 =	vor.u32 s28, v8;
	s28 =	sadd.s32 $0x3, s12;
	v13 =	vld.idx.msk [tilespmem:v16+s19+$0x0], $0xffff;
	[tilespmem:s5+$0xFFFFFE00] =	vst v11;
	s5 =	sadd.s32 $0x400, s5  }
.Ltmp25:
0x3fb: {  	v18 =	vor.u32 s28, v8;
	s28 =	sadd.s32 $0x4, s12;
	v12 =	vld.idx.msk [tilespmem:v17+s19+$0x0], $0xffff;
	[tilespmem:s5+$0x180] =	vst v9;
	(pc) =	sbr.rel @p1 .LBB2_43-.Ltmp25, $4  }
0x3fc: {  	v19 =	vor.u32 s28, v8;
	s28 =	sadd.s32 $0x5, s12;
	v11 =	vld.idx.msk [tilespmem:v15+s19+$0x0], $0xffff;
	[tilespmem:s5+$0xFFFFFE80] =	vst v10  }
0x3fd: {  	v16 =	vor.u32 s28, v8;
	s28 =	sadd.s32 $0x6, s12;
	v9 =	vld.idx.msk [tilespmem:v20+s19+$0x0], $0xffff;
	[tilespmem:s5+$0xFFFFFF00] =	vst v14  }
0x3fe: {  	v17 =	vor.u32 s28, v8;
	v10 =	vld.idx.msk [tilespmem:v22+s19+$0x0], $0xffff;
	[tilespmem:s5+$0xFFFFFF80] =	vst v21  }
0x3ff: {  	v15 =	vor.u32 s12, v8;
	s12 =	smov.u32 s26;
	s28 =	sadd.s32 $0x7, s26;
	s26 =	sadd.s32 $0x8, s26;
	v14 =	vld.idx.msk [tilespmem:v24+s19+$0x0], $0xffff;
	[tilespmem:s5+$0x0] =	vst v23  }
0x400: {  	_ =	sdelay $0x2  }
0x401: {  	[tilespmem:s5+$0x80] =	vst v13  }
0x402: {  	s26 =	sadd.s32 $0x1, s12;
	v13 =	vor.u32 s28, v8;
	v18 =	vld.idx.msk [tilespmem:v18+s19+$0x0], $0xffff;
	[tilespmem:s5+$0x100] =	vst v12  }
0x403: {  	s29 =	sadd.s32 $0x2, s12;
	v19 =	vld.idx.msk [tilespmem:v19+s19+$0x0], $0xffff;
	v12 =	vor.u32 s26, v8;
	[tilespmem:s5+$0xFFFFFE00] =	vst v11;
	s5 =	sadd.s32 $0x400, s5  }
0x404: {  	v16 =	vld.idx.msk [tilespmem:v16+s19+$0x0], $0xffff;
	v11 =	vor.u32 s29, v8;
	s29 =	sadd.s32 $0x3, s12;
	[tilespmem:s5+$0x180] =	vst v9  }
0x405: {  	v17 =	vld.idx.msk [tilespmem:v17+s19+$0x0], $0xffff;
	v9 =	vor.u32 s29, v8;
	s29 =	sadd.s32 $0x4, s12;
	[tilespmem:s5+$0xFFFFFE80] =	vst v10  }
0x406: {  	v15 =	vld.idx.msk [tilespmem:v15+s19+$0x0], $0xffff;
	v10 =	vor.u32 s29, v8;
	s29 =	sadd.s32 $0x5, s12;
	[tilespmem:s5+$0xFFFFFF00] =	vst v14  }
0x407: {  	v14 =	vor.u32 s29, v8;
	s29 =	sadd.s32 $0x6, s12;
	v13 =	vld.idx.msk [tilespmem:v13+s19+$0x0], $0xffff;
	[tilespmem:s5+$0xFFFFFF80] =	vst v18  }
0x408: {  	v18 =	vor.u32 s29, v8;
	[tilespmem:s5+$0x0] =	vst v19;
	v12 =	vld.idx.msk [tilespmem:v12+s19+$0x0], $0xffff  }
0x409: {  	v8 =	vor.u32 s12, v8;
	[tilespmem:s5+$0x80] =	vst v16;
	v11 =	vld.idx.msk [tilespmem:v11+s19+$0x0], $0xffff  }
0x40a: {  	[tilespmem:s5+$0x100] =	vst v17;
	v9 =	vld.idx.msk [tilespmem:v9+s19+$0x0], $0xffff  }
0x40b: {  	[tilespmem:s5+$0xFFFFFE00] =	vst v15;
	s5 =	sadd.s32 $0x400, s5;
	v10 =	vld.idx.msk [tilespmem:v10+s19+$0x0], $0xffff  }
0x40c: {  	v14 =	vld.idx.msk [tilespmem:v14+s19+$0x0], $0xffff;
	[tilespmem:s5+$0x180] =	vst v13  }
0x40d: {  	v13 =	vld.idx.msk [tilespmem:v18+s19+$0x0], $0xffff;
	[tilespmem:s5+$0xFFFFFE80] =	vst v12  }
0x40e: {  	v8 =	vld.idx.msk [tilespmem:v8+s19+$0x0], $0xffff;
	[tilespmem:s5+$0xFFFFFF00] =	vst v11  }
0x40f: {  	[tilespmem:s5+$0xFFFFFF80] =	vst v9  }
0x410: {  	[tilespmem:s5+$0x0] =	vst v10  }
0x411: {  	[tilespmem:s5+$0x80] =	vst v14  }
0x412: {  	[tilespmem:s5+$0x100] =	vst v13  }
0x413: {  	[tilespmem:s5+$0xFFFFFE00] =	vst v8  }
0x414: {  	v8 =	vld [tilespmem:s8+$0x30];
	_ =	sdelay $0x4  }
0x415: {  	v8 =	vshrl.u32 v8, $0x8  }
0x416: {  	v8 =	vand.u32 $0x40, v8  }
0x417: {  	s26 =	simm.s32 $0x7;
	v8 =	vor.u32 v3, v8  }
0x418: {  	s29 =	simm.s32 $0x1;
	v9 =	vor.u32 s26, v8  }
0x419: {  	s12 =	simm.s32 $0x2;
	v10 =	vor.u32 s29, v8  }
0x41a: {  	v11 =	vor.u32 s12, v8;
	s26 =	simm.s32 $0x3  }
0x41b: {  	s29 =	simm.s32 $0x4;
	v12 =	vor.u32 s26, v8  }
0x41c: {  	s12 =	simm.s32 $0x5;
	v13 =	vor.u32 s29, v8  }
0x41d: {  	v14 =	vor.u32 s12, v8;
	s26 =	simm.s32 $0x6;
	v9 =	vld.idx.msk [tilespmem:v9+s19+$0x0], $0xffff  }
0x41e: {  	v15 =	vor.u32 s26, v8;
	s26 =	simm.s32 $0xF;
	v10 =	vld.idx.msk [tilespmem:v10+s19+$0x0], $0xffff  }
0x41f: {  	s29 =	simm.s32 $0x0;
	v19 =	vor.u32 s26, v8;
	v17 =	vld.idx.msk [tilespmem:v11+s19+$0x0], $0xffff  }
0x420: {  	v16 =	vor.u32 s29, v8;
	s26 =	simm.s32 $0xA;
	v20 =	vld.idx.msk [tilespmem:v12+s19+$0x0], $0xffff  }
0x421: {  	s29 =	simm.s32 $0x9;
	v23 =	vor.u32 s26, v8;
	v22 =	vld.idx.msk [tilespmem:v13+s19+$0x0], $0xffff  }
0x422: {  	s5 =	simm.s32 $0x17A30;
	v21 =	vor.u32 s29, v8;
	s29 =	simm.s32 $0xB;
	v13 =	vld.idx.msk [tilespmem:v14+s19+$0x0], $0xffff  }
0x423: {  	s12 =	simm.s32 $0xC;
	v18 =	vor.u32 s29, v8;
	v12 =	vld.idx.msk [tilespmem:v15+s19+$0x0], $0xffff;
	[tilespmem:s5+$0x180] =	vst v9  }
0x424: {  	s26 =	simm.s32 $0xD;
	[tilespmem:s5+$0xFFFFFE80] =	vst v10;
	v9 =	vld.idx.msk [tilespmem:v19+s19+$0x0], $0xffff;
	v19 =	vor.u32 s12, v8  }
0x425: {  	v11 =	vld.idx.msk [tilespmem:v16+s19+$0x0], $0xffff;
	v16 =	vor.u32 s26, v8;
	s26 =	simm.s32 $0xE;
	[tilespmem:s5+$0xFFFFFF00] =	vst v17  }
0x426: {  	s29 =	simm.s32 $0x8;
	v14 =	vld.idx.msk [tilespmem:v23+s19+$0x0], $0xffff;
	v17 =	vor.u32 s26, v8;
	[tilespmem:s5+$0xFFFFFF80] =	vst v20  }
0x427: {  	s28 =	simm.s32 $0x17;
	v15 =	vor.u32 s29, v8;
	v10 =	vld.idx.msk [tilespmem:v21+s19+$0x0], $0xffff;
	s12 =	simm.s32 $0x10;
	s26 =	simm.s32 $0x18;
	[tilespmem:s5+$0x0] =	vst v22  }
.LBB2_45:
0x428: {  	p1 =	slt.u32 s26, $0x38;
	s29 =	sadd.s32 $0x1, s12;
	v20 =	vor.u32 s28, v8;
	v21 =	vld.idx.msk [tilespmem:v18+s19+$0x0], $0xffff;
	[tilespmem:s5+$0x80] =	vst v13  }
0x429: {  	s28 =	sadd.s32 $0x2, s12;
	v22 =	vor.u32 s29, v8;
	v23 =	vld.idx.msk [tilespmem:v19+s19+$0x0], $0xffff;
	[tilespmem:s5+$0x100] =	vst v12  }
0x42a: {  	v24 =	vor.u32 s28, v8;
	s28 =	sadd.s32 $0x3, s12;
	v13 =	vld.idx.msk [tilespmem:v16+s19+$0x0], $0xffff;
	[tilespmem:s5+$0xFFFFFE00] =	vst v11;
	s5 =	sadd.s32 $0x400, s5  }
.Ltmp26:
0x42b: {  	v18 =	vor.u32 s28, v8;
	s28 =	sadd.s32 $0x4, s12;
	v12 =	vld.idx.msk [tilespmem:v17+s19+$0x0], $0xffff;
	[tilespmem:s5+$0x180] =	vst v9;
	(pc) =	sbr.rel @p1 .LBB2_45-.Ltmp26, $4  }
0x42c: {  	v19 =	vor.u32 s28, v8;
	s28 =	sadd.s32 $0x5, s12;
	v11 =	vld.idx.msk [tilespmem:v15+s19+$0x0], $0xffff;
	[tilespmem:s5+$0xFFFFFE80] =	vst v10  }
0x42d: {  	v16 =	vor.u32 s28, v8;
	s28 =	sadd.s32 $0x6, s12;
	v9 =	vld.idx.msk [tilespmem:v20+s19+$0x0], $0xffff;
	[tilespmem:s5+$0xFFFFFF00] =	vst v14  }
0x42e: {  	v17 =	vor.u32 s28, v8;
	v10 =	vld.idx.msk [tilespmem:v22+s19+$0x0], $0xffff;
	[tilespmem:s5+$0xFFFFFF80] =	vst v21  }
0x42f: {  	v15 =	vor.u32 s12, v8;
	s12 =	smov.u32 s26;
	s28 =	sadd.s32 $0x7, s26;
	s26 =	sadd.s32 $0x8, s26;
	v14 =	vld.idx.msk [tilespmem:v24+s19+$0x0], $0xffff;
	[tilespmem:s5+$0x0] =	vst v23  }
0x430: {  	_ =	sdelay $0x2  }
0x431: {  	[tilespmem:s5+$0x80] =	vst v13  }
0x432: {  	s26 =	sadd.s32 $0x1, s12;
	v13 =	vor.u32 s28, v8;
	v18 =	vld.idx.msk [tilespmem:v18+s19+$0x0], $0xffff;
	[tilespmem:s5+$0x100] =	vst v12  }
0x433: {  	s29 =	sadd.s32 $0x2, s12;
	v19 =	vld.idx.msk [tilespmem:v19+s19+$0x0], $0xffff;
	v12 =	vor.u32 s26, v8;
	[tilespmem:s5+$0xFFFFFE00] =	vst v11;
	s5 =	sadd.s32 $0x400, s5  }
0x434: {  	v16 =	vld.idx.msk [tilespmem:v16+s19+$0x0], $0xffff;
	v11 =	vor.u32 s29, v8;
	s29 =	sadd.s32 $0x3, s12;
	[tilespmem:s5+$0x180] =	vst v9  }
0x435: {  	v17 =	vld.idx.msk [tilespmem:v17+s19+$0x0], $0xffff;
	v9 =	vor.u32 s29, v8;
	s29 =	sadd.s32 $0x4, s12;
	[tilespmem:s5+$0xFFFFFE80] =	vst v10  }
0x436: {  	v15 =	vld.idx.msk [tilespmem:v15+s19+$0x0], $0xffff;
	v10 =	vor.u32 s29, v8;
	s29 =	sadd.s32 $0x5, s12;
	[tilespmem:s5+$0xFFFFFF00] =	vst v14  }
0x437: {  	v14 =	vor.u32 s29, v8;
	s29 =	sadd.s32 $0x6, s12;
	v13 =	vld.idx.msk [tilespmem:v13+s19+$0x0], $0xffff;
	[tilespmem:s5+$0xFFFFFF80] =	vst v18  }
0x438: {  	v18 =	vor.u32 s29, v8;
	[tilespmem:s5+$0x0] =	vst v19;
	v12 =	vld.idx.msk [tilespmem:v12+s19+$0x0], $0xffff  }
0x439: {  	v8 =	vor.u32 s12, v8;
	[tilespmem:s5+$0x80] =	vst v16;
	v11 =	vld.idx.msk [tilespmem:v11+s19+$0x0], $0xffff  }
0x43a: {  	[tilespmem:s5+$0x100] =	vst v17;
	v9 =	vld.idx.msk [tilespmem:v9+s19+$0x0], $0xffff  }
0x43b: {  	[tilespmem:s5+$0xFFFFFE00] =	vst v15;
	s5 =	sadd.s32 $0x400, s5;
	v10 =	vld.idx.msk [tilespmem:v10+s19+$0x0], $0xffff  }
0x43c: {  	v14 =	vld.idx.msk [tilespmem:v14+s19+$0x0], $0xffff;
	[tilespmem:s5+$0x180] =	vst v13  }
0x43d: {  	v13 =	vld.idx.msk [tilespmem:v18+s19+$0x0], $0xffff;
	[tilespmem:s5+$0xFFFFFE80] =	vst v12  }
0x43e: {  	v8 =	vld.idx.msk [tilespmem:v8+s19+$0x0], $0xffff;
	[tilespmem:s5+$0xFFFFFF00] =	vst v11  }
0x43f: {  	[tilespmem:s5+$0xFFFFFF80] =	vst v9  }
0x440: {  	[tilespmem:s5+$0x0] =	vst v10  }
0x441: {  	[tilespmem:s5+$0x80] =	vst v14  }
0x442: {  	[tilespmem:s5+$0x100] =	vst v13  }
0x443: {  	[tilespmem:s5+$0xFFFFFE00] =	vst v8  }
0x444: {  	v8 =	vld [tilespmem:s8+$0x40];
	_ =	sdelay $0x4  }
0x445: {  	v8 =	vshrl.u32 v8, $0x8  }
0x446: {  	v8 =	vand.u32 $0x40, v8  }
0x447: {  	s26 =	simm.s32 $0x7;
	v8 =	vor.u32 v4, v8  }
0x448: {  	s29 =	simm.s32 $0x1;
	v9 =	vor.u32 s26, v8  }
0x449: {  	s12 =	simm.s32 $0x2;
	v10 =	vor.u32 s29, v8  }
0x44a: {  	v11 =	vor.u32 s12, v8;
	s26 =	simm.s32 $0x3  }
0x44b: {  	s29 =	simm.s32 $0x4;
	v12 =	vor.u32 s26, v8  }
0x44c: {  	s12 =	simm.s32 $0x5;
	v13 =	vor.u32 s29, v8  }
0x44d: {  	v14 =	vor.u32 s12, v8;
	s26 =	simm.s32 $0x6;
	v9 =	vld.idx.msk [tilespmem:v9+s19+$0x0], $0xffff  }
0x44e: {  	v15 =	vor.u32 s26, v8;
	s26 =	simm.s32 $0xF;
	v10 =	vld.idx.msk [tilespmem:v10+s19+$0x0], $0xffff  }
0x44f: {  	s29 =	simm.s32 $0x0;
	v19 =	vor.u32 s26, v8;
	v17 =	vld.idx.msk [tilespmem:v11+s19+$0x0], $0xffff  }
0x450: {  	v16 =	vor.u32 s29, v8;
	s26 =	simm.s32 $0xA;
	v20 =	vld.idx.msk [tilespmem:v12+s19+$0x0], $0xffff  }
0x451: {  	s29 =	simm.s32 $0x9;
	v23 =	vor.u32 s26, v8;
	v22 =	vld.idx.msk [tilespmem:v13+s19+$0x0], $0xffff  }
0x452: {  	s5 =	simm.s32 $0x17A40;
	v21 =	vor.u32 s29, v8;
	s29 =	simm.s32 $0xB;
	v13 =	vld.idx.msk [tilespmem:v14+s19+$0x0], $0xffff  }
0x453: {  	s12 =	simm.s32 $0xC;
	v18 =	vor.u32 s29, v8;
	v12 =	vld.idx.msk [tilespmem:v15+s19+$0x0], $0xffff;
	[tilespmem:s5+$0x180] =	vst v9  }
0x454: {  	s26 =	simm.s32 $0xD;
	[tilespmem:s5+$0xFFFFFE80] =	vst v10;
	v9 =	vld.idx.msk [tilespmem:v19+s19+$0x0], $0xffff;
	v19 =	vor.u32 s12, v8  }
0x455: {  	v11 =	vld.idx.msk [tilespmem:v16+s19+$0x0], $0xffff;
	v16 =	vor.u32 s26, v8;
	s26 =	simm.s32 $0xE;
	[tilespmem:s5+$0xFFFFFF00] =	vst v17  }
0x456: {  	s29 =	simm.s32 $0x8;
	v14 =	vld.idx.msk [tilespmem:v23+s19+$0x0], $0xffff;
	v17 =	vor.u32 s26, v8;
	[tilespmem:s5+$0xFFFFFF80] =	vst v20  }
0x457: {  	s28 =	simm.s32 $0x17;
	v15 =	vor.u32 s29, v8;
	v10 =	vld.idx.msk [tilespmem:v21+s19+$0x0], $0xffff;
	s12 =	simm.s32 $0x10;
	s26 =	simm.s32 $0x18;
	[tilespmem:s5+$0x0] =	vst v22  }
.LBB2_47:
0x458: {  	p1 =	slt.u32 s26, $0x38;
	s29 =	sadd.s32 $0x1, s12;
	v20 =	vor.u32 s28, v8;
	v21 =	vld.idx.msk [tilespmem:v18+s19+$0x0], $0xffff;
	[tilespmem:s5+$0x80] =	vst v13  }
0x459: {  	s28 =	sadd.s32 $0x2, s12;
	v22 =	vor.u32 s29, v8;
	v23 =	vld.idx.msk [tilespmem:v19+s19+$0x0], $0xffff;
	[tilespmem:s5+$0x100] =	vst v12  }
0x45a: {  	v24 =	vor.u32 s28, v8;
	s28 =	sadd.s32 $0x3, s12;
	v13 =	vld.idx.msk [tilespmem:v16+s19+$0x0], $0xffff;
	[tilespmem:s5+$0xFFFFFE00] =	vst v11;
	s5 =	sadd.s32 $0x400, s5  }
.Ltmp27:
0x45b: {  	v18 =	vor.u32 s28, v8;
	s28 =	sadd.s32 $0x4, s12;
	v12 =	vld.idx.msk [tilespmem:v17+s19+$0x0], $0xffff;
	[tilespmem:s5+$0x180] =	vst v9;
	(pc) =	sbr.rel @p1 .LBB2_47-.Ltmp27, $4  }
0x45c: {  	v19 =	vor.u32 s28, v8;
	s28 =	sadd.s32 $0x5, s12;
	v11 =	vld.idx.msk [tilespmem:v15+s19+$0x0], $0xffff;
	[tilespmem:s5+$0xFFFFFE80] =	vst v10  }
0x45d: {  	v16 =	vor.u32 s28, v8;
	s28 =	sadd.s32 $0x6, s12;
	v9 =	vld.idx.msk [tilespmem:v20+s19+$0x0], $0xffff;
	[tilespmem:s5+$0xFFFFFF00] =	vst v14  }
0x45e: {  	v17 =	vor.u32 s28, v8;
	v10 =	vld.idx.msk [tilespmem:v22+s19+$0x0], $0xffff;
	[tilespmem:s5+$0xFFFFFF80] =	vst v21  }
0x45f: {  	v15 =	vor.u32 s12, v8;
	s12 =	smov.u32 s26;
	s28 =	sadd.s32 $0x7, s26;
	s26 =	sadd.s32 $0x8, s26;
	v14 =	vld.idx.msk [tilespmem:v24+s19+$0x0], $0xffff;
	[tilespmem:s5+$0x0] =	vst v23  }
0x460: {  	_ =	sdelay $0x2  }
0x461: {  	[tilespmem:s5+$0x80] =	vst v13  }
0x462: {  	s26 =	sadd.s32 $0x1, s12;
	v13 =	vor.u32 s28, v8;
	v18 =	vld.idx.msk [tilespmem:v18+s19+$0x0], $0xffff;
	[tilespmem:s5+$0x100] =	vst v12  }
0x463: {  	s29 =	sadd.s32 $0x2, s12;
	v19 =	vld.idx.msk [tilespmem:v19+s19+$0x0], $0xffff;
	v12 =	vor.u32 s26, v8;
	[tilespmem:s5+$0xFFFFFE00] =	vst v11;
	s5 =	sadd.s32 $0x400, s5  }
0x464: {  	v16 =	vld.idx.msk [tilespmem:v16+s19+$0x0], $0xffff;
	v11 =	vor.u32 s29, v8;
	s29 =	sadd.s32 $0x3, s12;
	[tilespmem:s5+$0x180] =	vst v9  }
0x465: {  	v17 =	vld.idx.msk [tilespmem:v17+s19+$0x0], $0xffff;
	v9 =	vor.u32 s29, v8;
	s29 =	sadd.s32 $0x4, s12;
	[tilespmem:s5+$0xFFFFFE80] =	vst v10  }
0x466: {  	v15 =	vld.idx.msk [tilespmem:v15+s19+$0x0], $0xffff;
	v10 =	vor.u32 s29, v8;
	s29 =	sadd.s32 $0x5, s12;
	[tilespmem:s5+$0xFFFFFF00] =	vst v14  }
0x467: {  	v14 =	vor.u32 s29, v8;
	s29 =	sadd.s32 $0x6, s12;
	v13 =	vld.idx.msk [tilespmem:v13+s19+$0x0], $0xffff;
	[tilespmem:s5+$0xFFFFFF80] =	vst v18  }
0x468: {  	v18 =	vor.u32 s29, v8;
	[tilespmem:s5+$0x0] =	vst v19;
	v12 =	vld.idx.msk [tilespmem:v12+s19+$0x0], $0xffff  }
0x469: {  	v8 =	vor.u32 s12, v8;
	[tilespmem:s5+$0x80] =	vst v16;
	v11 =	vld.idx.msk [tilespmem:v11+s19+$0x0], $0xffff  }
0x46a: {  	[tilespmem:s5+$0x100] =	vst v17;
	v9 =	vld.idx.msk [tilespmem:v9+s19+$0x0], $0xffff  }
0x46b: {  	[tilespmem:s5+$0xFFFFFE00] =	vst v15;
	s5 =	sadd.s32 $0x400, s5;
	v10 =	vld.idx.msk [tilespmem:v10+s19+$0x0], $0xffff  }
0x46c: {  	v14 =	vld.idx.msk [tilespmem:v14+s19+$0x0], $0xffff;
	[tilespmem:s5+$0x180] =	vst v13  }
0x46d: {  	v13 =	vld.idx.msk [tilespmem:v18+s19+$0x0], $0xffff;
	[tilespmem:s5+$0xFFFFFE80] =	vst v12  }
0x46e: {  	v8 =	vld.idx.msk [tilespmem:v8+s19+$0x0], $0xffff;
	[tilespmem:s5+$0xFFFFFF00] =	vst v11  }
0x46f: {  	[tilespmem:s5+$0xFFFFFF80] =	vst v9  }
0x470: {  	[tilespmem:s5+$0x0] =	vst v10  }
0x471: {  	[tilespmem:s5+$0x80] =	vst v14  }
0x472: {  	[tilespmem:s5+$0x100] =	vst v13  }
0x473: {  	[tilespmem:s5+$0xFFFFFE00] =	vst v8  }
0x474: {  	v8 =	vld [tilespmem:s8+$0x50];
	_ =	sdelay $0x4  }
0x475: {  	v8 =	vshrl.u32 v8, $0x8  }
0x476: {  	v8 =	vand.u32 $0x40, v8  }
0x477: {  	s26 =	simm.s32 $0x7;
	v8 =	vor.u32 v5, v8  }
0x478: {  	s29 =	simm.s32 $0x1;
	v9 =	vor.u32 s26, v8  }
0x479: {  	s12 =	simm.s32 $0x2;
	v10 =	vor.u32 s29, v8  }
0x47a: {  	v11 =	vor.u32 s12, v8;
	s26 =	simm.s32 $0x3  }
0x47b: {  	s29 =	simm.s32 $0x4;
	v12 =	vor.u32 s26, v8  }
0x47c: {  	s12 =	simm.s32 $0x5;
	v13 =	vor.u32 s29, v8  }
0x47d: {  	v14 =	vor.u32 s12, v8;
	s26 =	simm.s32 $0x6;
	v9 =	vld.idx.msk [tilespmem:v9+s19+$0x0], $0xffff  }
0x47e: {  	v15 =	vor.u32 s26, v8;
	s26 =	simm.s32 $0xF;
	v10 =	vld.idx.msk [tilespmem:v10+s19+$0x0], $0xffff  }
0x47f: {  	s29 =	simm.s32 $0x0;
	v19 =	vor.u32 s26, v8;
	v17 =	vld.idx.msk [tilespmem:v11+s19+$0x0], $0xffff  }
0x480: {  	v16 =	vor.u32 s29, v8;
	s26 =	simm.s32 $0xA;
	v20 =	vld.idx.msk [tilespmem:v12+s19+$0x0], $0xffff  }
0x481: {  	s29 =	simm.s32 $0x9;
	v23 =	vor.u32 s26, v8;
	v22 =	vld.idx.msk [tilespmem:v13+s19+$0x0], $0xffff  }
0x482: {  	s5 =	simm.s32 $0x17A50;
	v21 =	vor.u32 s29, v8;
	s29 =	simm.s32 $0xB;
	v13 =	vld.idx.msk [tilespmem:v14+s19+$0x0], $0xffff  }
0x483: {  	s12 =	simm.s32 $0xC;
	v18 =	vor.u32 s29, v8;
	v12 =	vld.idx.msk [tilespmem:v15+s19+$0x0], $0xffff;
	[tilespmem:s5+$0x180] =	vst v9  }
0x484: {  	s26 =	simm.s32 $0xD;
	[tilespmem:s5+$0xFFFFFE80] =	vst v10;
	v9 =	vld.idx.msk [tilespmem:v19+s19+$0x0], $0xffff;
	v19 =	vor.u32 s12, v8  }
0x485: {  	v11 =	vld.idx.msk [tilespmem:v16+s19+$0x0], $0xffff;
	v16 =	vor.u32 s26, v8;
	s26 =	simm.s32 $0xE;
	[tilespmem:s5+$0xFFFFFF00] =	vst v17  }
0x486: {  	s29 =	simm.s32 $0x8;
	v14 =	vld.idx.msk [tilespmem:v23+s19+$0x0], $0xffff;
	v17 =	vor.u32 s26, v8;
	[tilespmem:s5+$0xFFFFFF80] =	vst v20  }
0x487: {  	s28 =	simm.s32 $0x17;
	v15 =	vor.u32 s29, v8;
	v10 =	vld.idx.msk [tilespmem:v21+s19+$0x0], $0xffff;
	s12 =	simm.s32 $0x10;
	s26 =	simm.s32 $0x18;
	[tilespmem:s5+$0x0] =	vst v22  }
.LBB2_49:
0x488: {  	p1 =	slt.u32 s26, $0x38;
	s29 =	sadd.s32 $0x1, s12;
	v20 =	vor.u32 s28, v8;
	v21 =	vld.idx.msk [tilespmem:v18+s19+$0x0], $0xffff;
	[tilespmem:s5+$0x80] =	vst v13  }
0x489: {  	s28 =	sadd.s32 $0x2, s12;
	v22 =	vor.u32 s29, v8;
	v23 =	vld.idx.msk [tilespmem:v19+s19+$0x0], $0xffff;
	[tilespmem:s5+$0x100] =	vst v12  }
0x48a: {  	v24 =	vor.u32 s28, v8;
	s28 =	sadd.s32 $0x3, s12;
	v13 =	vld.idx.msk [tilespmem:v16+s19+$0x0], $0xffff;
	[tilespmem:s5+$0xFFFFFE00] =	vst v11;
	s5 =	sadd.s32 $0x400, s5  }
.Ltmp28:
0x48b: {  	v18 =	vor.u32 s28, v8;
	s28 =	sadd.s32 $0x4, s12;
	v12 =	vld.idx.msk [tilespmem:v17+s19+$0x0], $0xffff;
	[tilespmem:s5+$0x180] =	vst v9;
	(pc) =	sbr.rel @p1 .LBB2_49-.Ltmp28, $4  }
0x48c: {  	v19 =	vor.u32 s28, v8;
	s28 =	sadd.s32 $0x5, s12;
	v11 =	vld.idx.msk [tilespmem:v15+s19+$0x0], $0xffff;
	[tilespmem:s5+$0xFFFFFE80] =	vst v10  }
0x48d: {  	v16 =	vor.u32 s28, v8;
	s28 =	sadd.s32 $0x6, s12;
	v9 =	vld.idx.msk [tilespmem:v20+s19+$0x0], $0xffff;
	[tilespmem:s5+$0xFFFFFF00] =	vst v14  }
0x48e: {  	v17 =	vor.u32 s28, v8;
	v10 =	vld.idx.msk [tilespmem:v22+s19+$0x0], $0xffff;
	[tilespmem:s5+$0xFFFFFF80] =	vst v21  }
0x48f: {  	v15 =	vor.u32 s12, v8;
	s12 =	smov.u32 s26;
	s28 =	sadd.s32 $0x7, s26;
	s26 =	sadd.s32 $0x8, s26;
	v14 =	vld.idx.msk [tilespmem:v24+s19+$0x0], $0xffff;
	[tilespmem:s5+$0x0] =	vst v23  }
0x490: {  	_ =	sdelay $0x2  }
0x491: {  	[tilespmem:s5+$0x80] =	vst v13  }
0x492: {  	s26 =	sadd.s32 $0x1, s12;
	v13 =	vor.u32 s28, v8;
	v18 =	vld.idx.msk [tilespmem:v18+s19+$0x0], $0xffff;
	[tilespmem:s5+$0x100] =	vst v12  }
0x493: {  	s29 =	sadd.s32 $0x2, s12;
	v19 =	vld.idx.msk [tilespmem:v19+s19+$0x0], $0xffff;
	v12 =	vor.u32 s26, v8;
	[tilespmem:s5+$0xFFFFFE00] =	vst v11;
	s5 =	sadd.s32 $0x400, s5  }
0x494: {  	v16 =	vld.idx.msk [tilespmem:v16+s19+$0x0], $0xffff;
	v11 =	vor.u32 s29, v8;
	s29 =	sadd.s32 $0x3, s12;
	[tilespmem:s5+$0x180] =	vst v9  }
0x495: {  	v17 =	vld.idx.msk [tilespmem:v17+s19+$0x0], $0xffff;
	v9 =	vor.u32 s29, v8;
	s29 =	sadd.s32 $0x4, s12;
	[tilespmem:s5+$0xFFFFFE80] =	vst v10  }
0x496: {  	v15 =	vld.idx.msk [tilespmem:v15+s19+$0x0], $0xffff;
	v10 =	vor.u32 s29, v8;
	s29 =	sadd.s32 $0x5, s12;
	[tilespmem:s5+$0xFFFFFF00] =	vst v14  }
0x497: {  	v14 =	vor.u32 s29, v8;
	s29 =	sadd.s32 $0x6, s12;
	v13 =	vld.idx.msk [tilespmem:v13+s19+$0x0], $0xffff;
	[tilespmem:s5+$0xFFFFFF80] =	vst v18  }
0x498: {  	v18 =	vor.u32 s29, v8;
	[tilespmem:s5+$0x0] =	vst v19;
	v12 =	vld.idx.msk [tilespmem:v12+s19+$0x0], $0xffff  }
0x499: {  	v8 =	vor.u32 s12, v8;
	[tilespmem:s5+$0x80] =	vst v16;
	v11 =	vld.idx.msk [tilespmem:v11+s19+$0x0], $0xffff  }
0x49a: {  	[tilespmem:s5+$0x100] =	vst v17;
	v9 =	vld.idx.msk [tilespmem:v9+s19+$0x0], $0xffff  }
0x49b: {  	[tilespmem:s5+$0xFFFFFE00] =	vst v15;
	s5 =	sadd.s32 $0x400, s5;
	v10 =	vld.idx.msk [tilespmem:v10+s19+$0x0], $0xffff  }
0x49c: {  	v14 =	vld.idx.msk [tilespmem:v14+s19+$0x0], $0xffff;
	[tilespmem:s5+$0x180] =	vst v13  }
0x49d: {  	v13 =	vld.idx.msk [tilespmem:v18+s19+$0x0], $0xffff;
	[tilespmem:s5+$0xFFFFFE80] =	vst v12  }
0x49e: {  	v8 =	vld.idx.msk [tilespmem:v8+s19+$0x0], $0xffff;
	[tilespmem:s5+$0xFFFFFF00] =	vst v11  }
0x49f: {  	[tilespmem:s5+$0xFFFFFF80] =	vst v9  }
0x4a0: {  	[tilespmem:s5+$0x0] =	vst v10  }
0x4a1: {  	[tilespmem:s5+$0x80] =	vst v14  }
0x4a2: {  	[tilespmem:s5+$0x100] =	vst v13  }
0x4a3: {  	[tilespmem:s5+$0xFFFFFE00] =	vst v8  }
0x4a4: {  	v8 =	vld [tilespmem:s8+$0x60];
	_ =	sdelay $0x4  }
0x4a5: {  	v8 =	vshrl.u32 v8, $0x8  }
0x4a6: {  	v8 =	vand.u32 $0x40, v8  }
0x4a7: {  	s26 =	simm.s32 $0x7;
	v8 =	vor.u32 v6, v8  }
0x4a8: {  	s29 =	simm.s32 $0x1;
	v9 =	vor.u32 s26, v8  }
0x4a9: {  	s12 =	simm.s32 $0x2;
	v10 =	vor.u32 s29, v8  }
0x4aa: {  	v11 =	vor.u32 s12, v8;
	s26 =	simm.s32 $0x3  }
0x4ab: {  	s29 =	simm.s32 $0x4;
	v12 =	vor.u32 s26, v8  }
0x4ac: {  	s12 =	simm.s32 $0x5;
	v13 =	vor.u32 s29, v8  }
0x4ad: {  	v14 =	vor.u32 s12, v8;
	s26 =	simm.s32 $0x6;
	v9 =	vld.idx.msk [tilespmem:v9+s19+$0x0], $0xffff  }
0x4ae: {  	v15 =	vor.u32 s26, v8;
	s26 =	simm.s32 $0xF;
	v10 =	vld.idx.msk [tilespmem:v10+s19+$0x0], $0xffff  }
0x4af: {  	s29 =	simm.s32 $0x0;
	v19 =	vor.u32 s26, v8;
	v17 =	vld.idx.msk [tilespmem:v11+s19+$0x0], $0xffff  }
0x4b0: {  	v16 =	vor.u32 s29, v8;
	s26 =	simm.s32 $0xA;
	v20 =	vld.idx.msk [tilespmem:v12+s19+$0x0], $0xffff  }
0x4b1: {  	s29 =	simm.s32 $0x9;
	v23 =	vor.u32 s26, v8;
	v22 =	vld.idx.msk [tilespmem:v13+s19+$0x0], $0xffff  }
0x4b2: {  	s5 =	simm.s32 $0x17A60;
	v21 =	vor.u32 s29, v8;
	s29 =	simm.s32 $0xB;
	v13 =	vld.idx.msk [tilespmem:v14+s19+$0x0], $0xffff  }
0x4b3: {  	s12 =	simm.s32 $0xC;
	v18 =	vor.u32 s29, v8;
	v12 =	vld.idx.msk [tilespmem:v15+s19+$0x0], $0xffff;
	[tilespmem:s5+$0x180] =	vst v9  }
0x4b4: {  	s26 =	simm.s32 $0xD;
	[tilespmem:s5+$0xFFFFFE80] =	vst v10;
	v9 =	vld.idx.msk [tilespmem:v19+s19+$0x0], $0xffff;
	v19 =	vor.u32 s12, v8  }
0x4b5: {  	v11 =	vld.idx.msk [tilespmem:v16+s19+$0x0], $0xffff;
	v16 =	vor.u32 s26, v8;
	s26 =	simm.s32 $0xE;
	[tilespmem:s5+$0xFFFFFF00] =	vst v17  }
0x4b6: {  	s29 =	simm.s32 $0x8;
	v14 =	vld.idx.msk [tilespmem:v23+s19+$0x0], $0xffff;
	v17 =	vor.u32 s26, v8;
	[tilespmem:s5+$0xFFFFFF80] =	vst v20  }
0x4b7: {  	s28 =	simm.s32 $0x17;
	v15 =	vor.u32 s29, v8;
	v10 =	vld.idx.msk [tilespmem:v21+s19+$0x0], $0xffff;
	s12 =	simm.s32 $0x10;
	s26 =	simm.s32 $0x18;
	[tilespmem:s5+$0x0] =	vst v22  }
.LBB2_51:
0x4b8: {  	p1 =	slt.u32 s26, $0x38;
	s29 =	sadd.s32 $0x1, s12;
	v20 =	vor.u32 s28, v8;
	v21 =	vld.idx.msk [tilespmem:v18+s19+$0x0], $0xffff;
	[tilespmem:s5+$0x80] =	vst v13  }
0x4b9: {  	s28 =	sadd.s32 $0x2, s12;
	v22 =	vor.u32 s29, v8;
	v23 =	vld.idx.msk [tilespmem:v19+s19+$0x0], $0xffff;
	[tilespmem:s5+$0x100] =	vst v12  }
0x4ba: {  	v24 =	vor.u32 s28, v8;
	s28 =	sadd.s32 $0x3, s12;
	v13 =	vld.idx.msk [tilespmem:v16+s19+$0x0], $0xffff;
	[tilespmem:s5+$0xFFFFFE00] =	vst v11;
	s5 =	sadd.s32 $0x400, s5  }
.Ltmp29:
0x4bb: {  	v18 =	vor.u32 s28, v8;
	s28 =	sadd.s32 $0x4, s12;
	v12 =	vld.idx.msk [tilespmem:v17+s19+$0x0], $0xffff;
	[tilespmem:s5+$0x180] =	vst v9;
	(pc) =	sbr.rel @p1 .LBB2_51-.Ltmp29, $4  }
0x4bc: {  	v19 =	vor.u32 s28, v8;
	s28 =	sadd.s32 $0x5, s12;
	v11 =	vld.idx.msk [tilespmem:v15+s19+$0x0], $0xffff;
	[tilespmem:s5+$0xFFFFFE80] =	vst v10  }
0x4bd: {  	v16 =	vor.u32 s28, v8;
	s28 =	sadd.s32 $0x6, s12;
	v9 =	vld.idx.msk [tilespmem:v20+s19+$0x0], $0xffff;
	[tilespmem:s5+$0xFFFFFF00] =	vst v14  }
0x4be: {  	v17 =	vor.u32 s28, v8;
	v10 =	vld.idx.msk [tilespmem:v22+s19+$0x0], $0xffff;
	[tilespmem:s5+$0xFFFFFF80] =	vst v21  }
0x4bf: {  	v15 =	vor.u32 s12, v8;
	s12 =	smov.u32 s26;
	s28 =	sadd.s32 $0x7, s26;
	s26 =	sadd.s32 $0x8, s26;
	v14 =	vld.idx.msk [tilespmem:v24+s19+$0x0], $0xffff;
	[tilespmem:s5+$0x0] =	vst v23  }
0x4c0: {  	_ =	sdelay $0x2  }
0x4c1: {  	[tilespmem:s5+$0x80] =	vst v13  }
0x4c2: {  	s26 =	sadd.s32 $0x1, s12;
	v13 =	vor.u32 s28, v8;
	v18 =	vld.idx.msk [tilespmem:v18+s19+$0x0], $0xffff;
	[tilespmem:s5+$0x100] =	vst v12  }
0x4c3: {  	s29 =	sadd.s32 $0x2, s12;
	v19 =	vld.idx.msk [tilespmem:v19+s19+$0x0], $0xffff;
	v12 =	vor.u32 s26, v8;
	[tilespmem:s5+$0xFFFFFE00] =	vst v11;
	s5 =	sadd.s32 $0x400, s5  }
0x4c4: {  	s28 =	sadd.s32 $0x3, s12;
	v16 =	vld.idx.msk [tilespmem:v16+s19+$0x0], $0xffff;
	v11 =	vor.u32 s29, v8;
	[tilespmem:s5+$0x180] =	vst v9  }
0x4c5: {  	v17 =	vld.idx.msk [tilespmem:v17+s19+$0x0], $0xffff;
	s29 =	sadd.s32 $0x4, s12;
	v9 =	vor.u32 s28, v8;
	[tilespmem:s5+$0xFFFFFE80] =	vst v10  }
0x4c6: {  	v15 =	vld.idx.msk [tilespmem:v15+s19+$0x0], $0xffff;
	s28 =	sadd.s32 $0x5, s12;
	v10 =	vor.u32 s29, v8;
	[tilespmem:s5+$0xFFFFFF00] =	vst v14  }
0x4c7: {  	s29 =	sadd.s32 $0x6, s12;
	v14 =	vor.u32 s28, v8;
	v13 =	vld.idx.msk [tilespmem:v13+s19+$0x0], $0xffff;
	[tilespmem:s5+$0xFFFFFF80] =	vst v18  }
0x4c8: {  	v18 =	vor.u32 s29, v8;
	[tilespmem:s5+$0x0] =	vst v19;
	v12 =	vld.idx.msk [tilespmem:v12+s19+$0x0], $0xffff  }
0x4c9: {  	v8 =	vor.u32 s12, v8;
	[tilespmem:s5+$0x80] =	vst v16;
	v11 =	vld.idx.msk [tilespmem:v11+s19+$0x0], $0xffff  }
0x4ca: {  	[tilespmem:s5+$0x100] =	vst v17;
	v9 =	vld.idx.msk [tilespmem:v9+s19+$0x0], $0xffff  }
0x4cb: {  	[tilespmem:s5+$0xFFFFFE00] =	vst v15;
	s5 =	sadd.s32 $0x400, s5;
	v10 =	vld.idx.msk [tilespmem:v10+s19+$0x0], $0xffff  }
0x4cc: {  	v14 =	vld.idx.msk [tilespmem:v14+s19+$0x0], $0xffff;
	[tilespmem:s5+$0x180] =	vst v13  }
0x4cd: {  	v13 =	vld.idx.msk [tilespmem:v18+s19+$0x0], $0xffff;
	[tilespmem:s5+$0xFFFFFE80] =	vst v12  }
0x4ce: {  	v8 =	vld.idx.msk [tilespmem:v8+s19+$0x0], $0xffff;
	[tilespmem:s5+$0xFFFFFF00] =	vst v11  }
0x4cf: {  	[tilespmem:s5+$0xFFFFFF80] =	vst v9  }
0x4d0: {  	[tilespmem:s5+$0x0] =	vst v10  }
0x4d1: {  	[tilespmem:s5+$0x80] =	vst v14  }
0x4d2: {  	[tilespmem:s5+$0x100] =	vst v13  }
0x4d3: {  	[tilespmem:s5+$0xFFFFFE00] =	vst v8  }
0x4d4: {  	v8 =	vld [tilespmem:s8+$0x70];
	_ =	sdelay $0x4  }
0x4d5: {  	v8 =	vshrl.u32 v8, $0x8  }
0x4d6: {  	v8 =	vand.u32 $0x40, v8  }
0x4d7: {  	s26 =	simm.s32 $0x7;
	v8 =	vor.u32 v7, v8  }
0x4d8: {  	s28 =	simm.s32 $0x1;
	v9 =	vor.u32 s26, v8  }
0x4d9: {  	s29 =	simm.s32 $0x2;
	v10 =	vor.u32 s28, v8  }
0x4da: {  	s8 =	simm.s32 $0x3;
	v11 =	vor.u32 s29, v8  }
0x4db: {  	s12 =	simm.s32 $0x4;
	v12 =	vor.u32 s8, v8  }
0x4dc: {  	v13 =	vor.u32 s12, v8;
	s26 =	simm.s32 $0x5  }
0x4dd: {  	s28 =	simm.s32 $0x6;
	v14 =	vor.u32 s26, v8;
	v9 =	vld.idx.msk [tilespmem:v9+s19+$0x0], $0xffff  }
0x4de: {  	s12 =	simm.s32 $0xF;
	v15 =	vor.u32 s28, v8;
	v10 =	vld.idx.msk [tilespmem:v10+s19+$0x0], $0xffff  }
0x4df: {  	s29 =	simm.s32 $0x0;
	v19 =	vor.u32 s12, v8;
	v17 =	vld.idx.msk [tilespmem:v11+s19+$0x0], $0xffff  }
0x4e0: {  	v16 =	vor.u32 s29, v8;
	s28 =	simm.s32 $0xA;
	v20 =	vld.idx.msk [tilespmem:v12+s19+$0x0], $0xffff  }
0x4e1: {  	s26 =	simm.s32 $0x9;
	v23 =	vor.u32 s28, v8;
	v22 =	vld.idx.msk [tilespmem:v13+s19+$0x0], $0xffff  }
0x4e2: {  	s5 =	simm.s32 $0x17A70;
	s29 =	simm.s32 $0xB;
	v21 =	vor.u32 s26, v8;
	v13 =	vld.idx.msk [tilespmem:v14+s19+$0x0], $0xffff  }
0x4e3: {  	s12 =	simm.s32 $0xC;
	v18 =	vor.u32 s29, v8;
	v12 =	vld.idx.msk [tilespmem:v15+s19+$0x0], $0xffff;
	[tilespmem:s5+$0x180] =	vst v9  }
0x4e4: {  	s26 =	simm.s32 $0xD;
	[tilespmem:s5+$0xFFFFFE80] =	vst v10;
	v9 =	vld.idx.msk [tilespmem:v19+s19+$0x0], $0xffff;
	v19 =	vor.u32 s12, v8  }
0x4e5: {  	s29 =	simm.s32 $0xE;
	v11 =	vld.idx.msk [tilespmem:v16+s19+$0x0], $0xffff;
	v16 =	vor.u32 s26, v8;
	[tilespmem:s5+$0xFFFFFF00] =	vst v17  }
0x4e6: {  	s28 =	simm.s32 $0x8;
	v14 =	vld.idx.msk [tilespmem:v23+s19+$0x0], $0xffff;
	[tilespmem:s5+$0xFFFFFF80] =	vst v20;
	v17 =	vor.u32 s29, v8  }
0x4e7: {  	s8 =	simm.s32 $0x10;
	s26 =	simm.s32 $0x17;
	v15 =	vor.u32 s28, v8;
	v10 =	vld.idx.msk [tilespmem:v21+s19+$0x0], $0xffff;
	s12 =	simm.s32 $0x18;
	[tilespmem:s5+$0x0] =	vst v22  }
.LBB2_53:
0x4e8: {  	p1 =	slt.u32 s12, $0x38;
	s28 =	sadd.s32 $0x1, s8;
	v20 =	vor.u32 s26, v8;
	v21 =	vld.idx.msk [tilespmem:v18+s19+$0x0], $0xffff;
	[tilespmem:s5+$0x80] =	vst v13  }
0x4e9: {  	s26 =	sadd.s32 $0x2, s8;
	v22 =	vor.u32 s28, v8;
	v23 =	vld.idx.msk [tilespmem:v19+s19+$0x0], $0xffff;
	[tilespmem:s5+$0x100] =	vst v12  }
0x4ea: {  	v24 =	vor.u32 s26, v8;
	s26 =	sadd.s32 $0x3, s8;
	v13 =	vld.idx.msk [tilespmem:v16+s19+$0x0], $0xffff;
	[tilespmem:s5+$0xFFFFFE00] =	vst v11;
	s5 =	sadd.s32 $0x400, s5  }
.Ltmp30:
0x4eb: {  	v18 =	vor.u32 s26, v8;
	s26 =	sadd.s32 $0x4, s8;
	v12 =	vld.idx.msk [tilespmem:v17+s19+$0x0], $0xffff;
	[tilespmem:s5+$0x180] =	vst v9;
	(pc) =	sbr.rel @p1 .LBB2_53-.Ltmp30, $4  }
0x4ec: {  	v19 =	vor.u32 s26, v8;
	s26 =	sadd.s32 $0x5, s8;
	v11 =	vld.idx.msk [tilespmem:v15+s19+$0x0], $0xffff;
	[tilespmem:s5+$0xFFFFFE80] =	vst v10  }
0x4ed: {  	v16 =	vor.u32 s26, v8;
	s26 =	sadd.s32 $0x6, s8;
	v9 =	vld.idx.msk [tilespmem:v20+s19+$0x0], $0xffff;
	[tilespmem:s5+$0xFFFFFF00] =	vst v14  }
0x4ee: {  	v17 =	vor.u32 s26, v8;
	v10 =	vld.idx.msk [tilespmem:v22+s19+$0x0], $0xffff;
	[tilespmem:s5+$0xFFFFFF80] =	vst v21  }
0x4ef: {  	v15 =	vor.u32 s8, v8;
	s8 =	smov.u32 s12;
	s26 =	sadd.s32 $0x7, s12;
	s12 =	sadd.s32 $0x8, s12;
	v14 =	vld.idx.msk [tilespmem:v24+s19+$0x0], $0xffff;
	[tilespmem:s5+$0x0] =	vst v23  }
0x4f0: {  	_ =	sdelay $0x2  }
0x4f1: {  	[tilespmem:s5+$0x80] =	vst v13  }
0x4f2: {  	s12 =	sadd.s32 $0x1, s8;
	v56 =	vor.u32 s26, v8;
	v18 =	vld.idx.msk [tilespmem:v18+s19+$0x0], $0xffff;
	[tilespmem:s5+$0x100] =	vst v12  }
0x4f3: {  	s26 =	sadd.s32 $0x2, s8;
	v19 =	vld.idx.msk [tilespmem:v19+s19+$0x0], $0xffff;
	v57 =	vor.u32 s12, v8;
	[tilespmem:s5+$0xFFFFFE00] =	vst v11;
	s5 =	sadd.s32 $0x400, s5  }
0x4f4: {  	s28 =	sadd.s32 $0x3, s8;
	v16 =	vld.idx.msk [tilespmem:v16+s19+$0x0], $0xffff;
	v58 =	vor.u32 s26, v8;
	[tilespmem:s5+$0x180] =	vst v9  }
0x4f5: {  	s29 =	sadd.s32 $0x4, s8;
	v17 =	vld.idx.msk [tilespmem:v17+s19+$0x0], $0xffff;
	v59 =	vor.u32 s28, v8;
	[tilespmem:s5+$0xFFFFFE80] =	vst v10  }
0x4f6: {  	v15 =	vld.idx.msk [tilespmem:v15+s19+$0x0], $0xffff;
	v60 =	vor.u32 s29, v8;
	s26 =	sadd.s32 $0x5, s8;
	[tilespmem:s5+$0xFFFFFF00] =	vst v14  }
0x4f7: {  	s28 =	sadd.s32 $0x6, s8;
	v61 =	vor.u32 s26, v8;
	v13 =	vld.idx.msk [tilespmem:v56+s19+$0x0], $0xffff;
	[tilespmem:s5+$0xFFFFFF80] =	vst v18  }
0x4f8: {  	v62 =	vor.u32 s28, v8;
	[tilespmem:s5+$0x0] =	vst v19;
	v12 =	vld.idx.msk [tilespmem:v57+s19+$0x0], $0xffff  }
0x4f9: {  	v8 =	vor.u32 s8, v8;
	[tilespmem:s5+$0x80] =	vst v16;
	v11 =	vld.idx.msk [tilespmem:v58+s19+$0x0], $0xffff  }
0x4fa: {  	[tilespmem:s5+$0x100] =	vst v17;
	v9 =	vld.idx.msk [tilespmem:v59+s19+$0x0], $0xffff  }
0x4fb: {  	[tilespmem:s5+$0xFFFFFE00] =	vst v15;
	s5 =	sadd.s32 $0x400, s5;
	v10 =	vld.idx.msk [tilespmem:v60+s19+$0x0], $0xffff  }
0x4fc: {  	v14 =	vld.idx.msk [tilespmem:v61+s19+$0x0], $0xffff;
	[tilespmem:s5+$0x180] =	vst v13  }
0x4fd: {  	v63 =	vld.idx.msk [tilespmem:v62+s19+$0x0], $0xffff;
	[tilespmem:s5+$0xFFFFFE80] =	vst v12  }
0x4fe: {  	v8 =	vld.idx.msk [tilespmem:v8+s19+$0x0], $0xffff;
	[tilespmem:s5+$0xFFFFFF00] =	vst v11  }
0x4ff: {  	[tilespmem:s5+$0xFFFFFF80] =	vst v9  }
0x500: {  	s7 =	sshll.u32 s7, $0x12;
	[tilespmem:s5+$0x0] =	vst v10  }
0x501: {  	s7 =	sor.u32 s4, s7;
	[tilespmem:s5+$0x80] =	vst v14  }
0x502: {  	s7 =	sshrl.u32 s7, $0x3;
	[tilespmem:s5+$0x100] =	vst v63  }
0x503: {  	p1 =	sgt.u32 s18, $0xA;
	s29 =	sadd.s32 s2, s7;
	[tilespmem:s5+$0xFFFFFE00] =	vst v8  }
0x504: {  	[hbm4b:s29+s9] =	stream.strided.scatter [tilespmem:s1], [sflag:$0x7], $0x2000, s10, s9, $0x38;
	[tilespmem:$0x1B800] =	vst v63  }
0x505: {  	s8 =	simm.s32 @!p1 $0xB800;
	s7 =	simm.s32 @!p1 $0x80;
	s5 =	sadd.s32 @!p1 $0x1F00, s20  }
0x506: {  	[tilespmem:s8], [sflag:$0x3] =	stream.indirect.gather @!p1 [hbm4b:s6+s7], $0x80, s5, s7, $0xb8;
	[tilespmem:$0x1B800] =	vst v63  }
.LBB2_55:
0x507: {  	s3 =	sor.u32 $0x3, s3  }
0x508: {  	p1 =	sgt.u32 s3, $0x31  }
.Ltmp31:
0x509: {  	_ = 	snop;
	(pc) =	sbr.rel @p1 .LBB2_73-.Ltmp31, $1  }
0x50a: {  	_ =	sdelay $0x3  }
0x50b: {  	_ =	swait.ge [sflag:s0], $0x4000  }
0x50c: {  	[sflag:s0] =	ssyncset.done $0x0  }
0x50d: {  	s5 =	simm.s32 @!p0 $0x8;
	[sflag:s0] =	ssyncadd.s32 $0xFFFFC000  }
0x50e: {  	_ =	swait.ge @!p0 [sflag:s5], $0x2000  }
0x50f: {  	s7 =	sshll.u32 s3, $0x7;
	[sflag:s5] =	ssyncset.done @!p0 $0x0  }
0x510: {  	s7 =	sand.u32 $0x3FFFFF80, s7;
	[sflag:s5] =	ssyncadd.s32 @!p0 $0xFFFFE000  }
0x511: {  	v8 =	vld [tilespmem:s7+$0x0];
	_ =	sdelay $0x4  }
0x512: {  	v8 =	vshrl.u32 v8, $0x8  }
0x513: {  	v8 =	vand.u32 $0x40, v8  }
0x514: {  	s29 =	simm.s32 $0x7;
	v8 =	vor.u32 v0, v8  }
0x515: {  	s8 =	simm.s32 $0x1;
	v9 =	vor.u32 s29, v8  }
0x516: {  	s12 =	simm.s32 $0x2;
	v10 =	vor.u32 s8, v8  }
0x517: {  	s26 =	simm.s32 $0x3;
	v11 =	vor.u32 s12, v8  }
0x518: {  	s28 =	simm.s32 $0x4;
	v12 =	vor.u32 s26, v8  }
0x519: {  	v13 =	vor.u32 s28, v8;
	s29 =	simm.s32 $0x5  }
0x51a: {  	s8 =	simm.s32 $0x6;
	v14 =	vor.u32 s29, v8;
	v9 =	vld.idx.msk [tilespmem:v9+s21+$0x0], $0xffff  }
0x51b: {  	s26 =	simm.s32 $0xF;
	v15 =	vor.u32 s8, v8;
	v10 =	vld.idx.msk [tilespmem:v10+s21+$0x0], $0xffff  }
0x51c: {  	s12 =	simm.s32 $0x0;
	v19 =	vor.u32 s26, v8;
	v17 =	vld.idx.msk [tilespmem:v11+s21+$0x0], $0xffff  }
0x51d: {  	v16 =	vor.u32 s12, v8;
	s29 =	simm.s32 $0xA;
	v20 =	vld.idx.msk [tilespmem:v12+s21+$0x0], $0xffff  }
0x51e: {  	s28 =	simm.s32 $0x9;
	v23 =	vor.u32 s29, v8;
	v22 =	vld.idx.msk [tilespmem:v13+s21+$0x0], $0xffff  }
0x51f: {  	s5 =	simm.s32 $0x19A00;
	v21 =	vor.u32 s28, v8;
	s12 =	simm.s32 $0xB;
	v13 =	vld.idx.msk [tilespmem:v14+s21+$0x0], $0xffff  }
0x520: {  	s26 =	simm.s32 $0xC;
	v18 =	vor.u32 s12, v8;
	v12 =	vld.idx.msk [tilespmem:v15+s21+$0x0], $0xffff;
	[tilespmem:s5+$0x180] =	vst v9  }
0x521: {  	s12 =	simm.s32 $0xD;
	[tilespmem:s5+$0xFFFFFE80] =	vst v10;
	v9 =	vld.idx.msk [tilespmem:v19+s21+$0x0], $0xffff;
	v19 =	vor.u32 s26, v8  }
0x522: {  	s29 =	simm.s32 $0xE;
	v11 =	vld.idx.msk [tilespmem:v16+s21+$0x0], $0xffff;
	v16 =	vor.u32 s12, v8;
	[tilespmem:s5+$0xFFFFFF00] =	vst v17  }
0x523: {  	s28 =	simm.s32 $0x8;
	v14 =	vld.idx.msk [tilespmem:v23+s21+$0x0], $0xffff;
	[tilespmem:s5+$0xFFFFFF80] =	vst v20;
	v17 =	vor.u32 s29, v8  }
0x524: {  	s8 =	simm.s32 $0x10;
	s12 =	simm.s32 $0x18;
	v15 =	vor.u32 s28, v8;
	v10 =	vld.idx.msk [tilespmem:v21+s21+$0x0], $0xffff;
	s26 =	simm.s32 $0x17;
	[tilespmem:s5+$0x0] =	vst v22  }
.LBB2_57:
0x525: {  	p0 =	slt.u32 s12, $0x38;
	s28 =	sadd.s32 $0x1, s8;
	v20 =	vor.u32 s26, v8;
	v21 =	vld.idx.msk [tilespmem:v18+s21+$0x0], $0xffff;
	[tilespmem:s5+$0x80] =	vst v13  }
0x526: {  	s26 =	sadd.s32 $0x2, s8;
	v22 =	vor.u32 s28, v8;
	v23 =	vld.idx.msk [tilespmem:v19+s21+$0x0], $0xffff;
	[tilespmem:s5+$0x100] =	vst v12  }
0x527: {  	v24 =	vor.u32 s26, v8;
	s26 =	sadd.s32 $0x3, s8;
	v13 =	vld.idx.msk [tilespmem:v16+s21+$0x0], $0xffff;
	[tilespmem:s5+$0xFFFFFE00] =	vst v11;
	s5 =	sadd.s32 $0x400, s5  }
.Ltmp32:
0x528: {  	v18 =	vor.u32 s26, v8;
	s26 =	sadd.s32 $0x4, s8;
	v12 =	vld.idx.msk [tilespmem:v17+s21+$0x0], $0xffff;
	[tilespmem:s5+$0x180] =	vst v9;
	(pc) =	sbr.rel @p0 .LBB2_57-.Ltmp32, $4  }
0x529: {  	v19 =	vor.u32 s26, v8;
	s26 =	sadd.s32 $0x5, s8;
	v11 =	vld.idx.msk [tilespmem:v15+s21+$0x0], $0xffff;
	[tilespmem:s5+$0xFFFFFE80] =	vst v10  }
0x52a: {  	v16 =	vor.u32 s26, v8;
	s26 =	sadd.s32 $0x6, s8;
	v9 =	vld.idx.msk [tilespmem:v20+s21+$0x0], $0xffff;
	[tilespmem:s5+$0xFFFFFF00] =	vst v14  }
0x52b: {  	v17 =	vor.u32 s26, v8;
	v10 =	vld.idx.msk [tilespmem:v22+s21+$0x0], $0xffff;
	[tilespmem:s5+$0xFFFFFF80] =	vst v21  }
0x52c: {  	v15 =	vor.u32 s8, v8;
	s8 =	smov.u32 s12;
	s26 =	sadd.s32 $0x7, s12;
	s12 =	sadd.s32 $0x8, s12;
	v14 =	vld.idx.msk [tilespmem:v24+s21+$0x0], $0xffff;
	[tilespmem:s5+$0x0] =	vst v23  }
0x52d: {  	_ =	sdelay $0x2  }
0x52e: {  	[tilespmem:s5+$0x80] =	vst v13  }
0x52f: {  	s12 =	sadd.s32 $0x1, s8;
	v13 =	vor.u32 s26, v8;
	v18 =	vld.idx.msk [tilespmem:v18+s21+$0x0], $0xffff;
	[tilespmem:s5+$0x100] =	vst v12  }
0x530: {  	s28 =	sadd.s32 $0x2, s8;
	v19 =	vld.idx.msk [tilespmem:v19+s21+$0x0], $0xffff;
	v12 =	vor.u32 s12, v8;
	[tilespmem:s5+$0xFFFFFE00] =	vst v11;
	s5 =	sadd.s32 $0x400, s5  }
0x531: {  	s29 =	sadd.s32 $0x3, s8;
	v16 =	vld.idx.msk [tilespmem:v16+s21+$0x0], $0xffff;
	v11 =	vor.u32 s28, v8;
	[tilespmem:s5+$0x180] =	vst v9  }
0x532: {  	s26 =	sadd.s32 $0x4, s8;
	v17 =	vld.idx.msk [tilespmem:v17+s21+$0x0], $0xffff;
	v9 =	vor.u32 s29, v8;
	[tilespmem:s5+$0xFFFFFE80] =	vst v10  }
0x533: {  	v15 =	vld.idx.msk [tilespmem:v15+s21+$0x0], $0xffff;
	s28 =	sadd.s32 $0x5, s8;
	v10 =	vor.u32 s26, v8;
	[tilespmem:s5+$0xFFFFFF00] =	vst v14  }
0x534: {  	s29 =	sadd.s32 $0x6, s8;
	v14 =	vor.u32 s28, v8;
	v13 =	vld.idx.msk [tilespmem:v13+s21+$0x0], $0xffff;
	[tilespmem:s5+$0xFFFFFF80] =	vst v18  }
0x535: {  	v18 =	vor.u32 s29, v8;
	[tilespmem:s5+$0x0] =	vst v19;
	v12 =	vld.idx.msk [tilespmem:v12+s21+$0x0], $0xffff  }
0x536: {  	v8 =	vor.u32 s8, v8;
	[tilespmem:s5+$0x80] =	vst v16;
	v11 =	vld.idx.msk [tilespmem:v11+s21+$0x0], $0xffff  }
0x537: {  	[tilespmem:s5+$0x100] =	vst v17;
	v9 =	vld.idx.msk [tilespmem:v9+s21+$0x0], $0xffff  }
0x538: {  	[tilespmem:s5+$0xFFFFFE00] =	vst v15;
	s5 =	sadd.s32 $0x400, s5;
	v10 =	vld.idx.msk [tilespmem:v10+s21+$0x0], $0xffff  }
0x539: {  	v14 =	vld.idx.msk [tilespmem:v14+s21+$0x0], $0xffff;
	[tilespmem:s5+$0x180] =	vst v13  }
0x53a: {  	v13 =	vld.idx.msk [tilespmem:v18+s21+$0x0], $0xffff;
	[tilespmem:s5+$0xFFFFFE80] =	vst v12  }
0x53b: {  	v8 =	vld.idx.msk [tilespmem:v8+s21+$0x0], $0xffff;
	[tilespmem:s5+$0xFFFFFF00] =	vst v11  }
0x53c: {  	[tilespmem:s5+$0xFFFFFF80] =	vst v9  }
0x53d: {  	[tilespmem:s5+$0x0] =	vst v10  }
0x53e: {  	[tilespmem:s5+$0x80] =	vst v14  }
0x53f: {  	[tilespmem:s5+$0x100] =	vst v13  }
0x540: {  	[tilespmem:s5+$0xFFFFFE00] =	vst v8  }
0x541: {  	v8 =	vld [tilespmem:s7+$0x10];
	_ =	sdelay $0x4  }
0x542: {  	v8 =	vshrl.u32 v8, $0x8  }
0x543: {  	v8 =	vand.u32 $0x40, v8  }
0x544: {  	s26 =	simm.s32 $0x7;
	v8 =	vor.u32 v1, v8  }
0x545: {  	s28 =	simm.s32 $0x1;
	v9 =	vor.u32 s26, v8  }
0x546: {  	s29 =	simm.s32 $0x2;
	v10 =	vor.u32 s28, v8  }
0x547: {  	s8 =	simm.s32 $0x3;
	v11 =	vor.u32 s29, v8  }
0x548: {  	s12 =	simm.s32 $0x4;
	v12 =	vor.u32 s8, v8  }
0x549: {  	v13 =	vor.u32 s12, v8;
	s26 =	simm.s32 $0x5  }
0x54a: {  	s28 =	simm.s32 $0x6;
	v14 =	vor.u32 s26, v8;
	v9 =	vld.idx.msk [tilespmem:v9+s21+$0x0], $0xffff  }
0x54b: {  	s12 =	simm.s32 $0xF;
	v15 =	vor.u32 s28, v8;
	v10 =	vld.idx.msk [tilespmem:v10+s21+$0x0], $0xffff  }
0x54c: {  	s29 =	simm.s32 $0x0;
	v19 =	vor.u32 s12, v8;
	v17 =	vld.idx.msk [tilespmem:v11+s21+$0x0], $0xffff  }
0x54d: {  	v16 =	vor.u32 s29, v8;
	s28 =	simm.s32 $0xA;
	v20 =	vld.idx.msk [tilespmem:v12+s21+$0x0], $0xffff  }
0x54e: {  	s26 =	simm.s32 $0x9;
	v23 =	vor.u32 s28, v8;
	v22 =	vld.idx.msk [tilespmem:v13+s21+$0x0], $0xffff  }
0x54f: {  	s5 =	simm.s32 $0x19A10;
	s29 =	simm.s32 $0xB;
	v21 =	vor.u32 s26, v8;
	v13 =	vld.idx.msk [tilespmem:v14+s21+$0x0], $0xffff  }
0x550: {  	s12 =	simm.s32 $0xC;
	v18 =	vor.u32 s29, v8;
	v12 =	vld.idx.msk [tilespmem:v15+s21+$0x0], $0xffff;
	[tilespmem:s5+$0x180] =	vst v9  }
0x551: {  	s26 =	simm.s32 $0xD;
	[tilespmem:s5+$0xFFFFFE80] =	vst v10;
	v9 =	vld.idx.msk [tilespmem:v19+s21+$0x0], $0xffff;
	v19 =	vor.u32 s12, v8  }
0x552: {  	s29 =	simm.s32 $0xE;
	v11 =	vld.idx.msk [tilespmem:v16+s21+$0x0], $0xffff;
	v16 =	vor.u32 s26, v8;
	[tilespmem:s5+$0xFFFFFF00] =	vst v17  }
0x553: {  	s28 =	simm.s32 $0x8;
	v14 =	vld.idx.msk [tilespmem:v23+s21+$0x0], $0xffff;
	[tilespmem:s5+$0xFFFFFF80] =	vst v20;
	v17 =	vor.u32 s29, v8  }
0x554: {  	s8 =	simm.s32 $0x10;
	s26 =	simm.s32 $0x17;
	v15 =	vor.u32 s28, v8;
	v10 =	vld.idx.msk [tilespmem:v21+s21+$0x0], $0xffff;
	s12 =	simm.s32 $0x18;
	[tilespmem:s5+$0x0] =	vst v22  }
.LBB2_59:
0x555: {  	p0 =	slt.u32 s12, $0x38;
	s28 =	sadd.s32 $0x1, s8;
	v20 =	vor.u32 s26, v8;
	v21 =	vld.idx.msk [tilespmem:v18+s21+$0x0], $0xffff;
	[tilespmem:s5+$0x80] =	vst v13  }
0x556: {  	s26 =	sadd.s32 $0x2, s8;
	v22 =	vor.u32 s28, v8;
	v23 =	vld.idx.msk [tilespmem:v19+s21+$0x0], $0xffff;
	[tilespmem:s5+$0x100] =	vst v12  }
0x557: {  	v24 =	vor.u32 s26, v8;
	s26 =	sadd.s32 $0x3, s8;
	v13 =	vld.idx.msk [tilespmem:v16+s21+$0x0], $0xffff;
	[tilespmem:s5+$0xFFFFFE00] =	vst v11;
	s5 =	sadd.s32 $0x400, s5  }
.Ltmp33:
0x558: {  	v18 =	vor.u32 s26, v8;
	s26 =	sadd.s32 $0x4, s8;
	v12 =	vld.idx.msk [tilespmem:v17+s21+$0x0], $0xffff;
	[tilespmem:s5+$0x180] =	vst v9;
	(pc) =	sbr.rel @p0 .LBB2_59-.Ltmp33, $4  }
0x559: {  	v19 =	vor.u32 s26, v8;
	s26 =	sadd.s32 $0x5, s8;
	v11 =	vld.idx.msk [tilespmem:v15+s21+$0x0], $0xffff;
	[tilespmem:s5+$0xFFFFFE80] =	vst v10  }
0x55a: {  	v16 =	vor.u32 s26, v8;
	s26 =	sadd.s32 $0x6, s8;
	v9 =	vld.idx.msk [tilespmem:v20+s21+$0x0], $0xffff;
	[tilespmem:s5+$0xFFFFFF00] =	vst v14  }
0x55b: {  	v17 =	vor.u32 s26, v8;
	v10 =	vld.idx.msk [tilespmem:v22+s21+$0x0], $0xffff;
	[tilespmem:s5+$0xFFFFFF80] =	vst v21  }
0x55c: {  	v15 =	vor.u32 s8, v8;
	s8 =	smov.u32 s12;
	s26 =	sadd.s32 $0x7, s12;
	s12 =	sadd.s32 $0x8, s12;
	v14 =	vld.idx.msk [tilespmem:v24+s21+$0x0], $0xffff;
	[tilespmem:s5+$0x0] =	vst v23  }
0x55d: {  	_ =	sdelay $0x2  }
0x55e: {  	[tilespmem:s5+$0x80] =	vst v13  }
0x55f: {  	s12 =	sadd.s32 $0x1, s8;
	v13 =	vor.u32 s26, v8;
	v18 =	vld.idx.msk [tilespmem:v18+s21+$0x0], $0xffff;
	[tilespmem:s5+$0x100] =	vst v12  }
0x560: {  	s28 =	sadd.s32 $0x2, s8;
	v19 =	vld.idx.msk [tilespmem:v19+s21+$0x0], $0xffff;
	v12 =	vor.u32 s12, v8;
	[tilespmem:s5+$0xFFFFFE00] =	vst v11;
	s5 =	sadd.s32 $0x400, s5  }
0x561: {  	s29 =	sadd.s32 $0x3, s8;
	v16 =	vld.idx.msk [tilespmem:v16+s21+$0x0], $0xffff;
	v11 =	vor.u32 s28, v8;
	[tilespmem:s5+$0x180] =	vst v9  }
0x562: {  	s26 =	sadd.s32 $0x4, s8;
	v17 =	vld.idx.msk [tilespmem:v17+s21+$0x0], $0xffff;
	v9 =	vor.u32 s29, v8;
	[tilespmem:s5+$0xFFFFFE80] =	vst v10  }
0x563: {  	v15 =	vld.idx.msk [tilespmem:v15+s21+$0x0], $0xffff;
	s28 =	sadd.s32 $0x5, s8;
	v10 =	vor.u32 s26, v8;
	[tilespmem:s5+$0xFFFFFF00] =	vst v14  }
0x564: {  	s29 =	sadd.s32 $0x6, s8;
	v14 =	vor.u32 s28, v8;
	v13 =	vld.idx.msk [tilespmem:v13+s21+$0x0], $0xffff;
	[tilespmem:s5+$0xFFFFFF80] =	vst v18  }
0x565: {  	v18 =	vor.u32 s29, v8;
	[tilespmem:s5+$0x0] =	vst v19;
	v12 =	vld.idx.msk [tilespmem:v12+s21+$0x0], $0xffff  }
0x566: {  	v8 =	vor.u32 s8, v8;
	[tilespmem:s5+$0x80] =	vst v16;
	v11 =	vld.idx.msk [tilespmem:v11+s21+$0x0], $0xffff  }
0x567: {  	[tilespmem:s5+$0x100] =	vst v17;
	v9 =	vld.idx.msk [tilespmem:v9+s21+$0x0], $0xffff  }
0x568: {  	[tilespmem:s5+$0xFFFFFE00] =	vst v15;
	s5 =	sadd.s32 $0x400, s5;
	v10 =	vld.idx.msk [tilespmem:v10+s21+$0x0], $0xffff  }
0x569: {  	v14 =	vld.idx.msk [tilespmem:v14+s21+$0x0], $0xffff;
	[tilespmem:s5+$0x180] =	vst v13  }
0x56a: {  	v13 =	vld.idx.msk [tilespmem:v18+s21+$0x0], $0xffff;
	[tilespmem:s5+$0xFFFFFE80] =	vst v12  }
0x56b: {  	v8 =	vld.idx.msk [tilespmem:v8+s21+$0x0], $0xffff;
	[tilespmem:s5+$0xFFFFFF00] =	vst v11  }
0x56c: {  	[tilespmem:s5+$0xFFFFFF80] =	vst v9  }
0x56d: {  	[tilespmem:s5+$0x0] =	vst v10  }
0x56e: {  	[tilespmem:s5+$0x80] =	vst v14  }
0x56f: {  	[tilespmem:s5+$0x100] =	vst v13  }
0x570: {  	[tilespmem:s5+$0xFFFFFE00] =	vst v8  }
0x571: {  	v8 =	vld [tilespmem:s7+$0x20];
	_ =	sdelay $0x4  }
0x572: {  	v8 =	vshrl.u32 v8, $0x8  }
0x573: {  	v8 =	vand.u32 $0x40, v8  }
0x574: {  	s26 =	simm.s32 $0x7;
	v8 =	vor.u32 v2, v8  }
0x575: {  	s28 =	simm.s32 $0x1;
	v9 =	vor.u32 s26, v8  }
0x576: {  	s29 =	simm.s32 $0x2;
	v10 =	vor.u32 s28, v8  }
0x577: {  	s8 =	simm.s32 $0x3;
	v11 =	vor.u32 s29, v8  }
0x578: {  	s12 =	simm.s32 $0x4;
	v12 =	vor.u32 s8, v8  }
0x579: {  	v13 =	vor.u32 s12, v8;
	s26 =	simm.s32 $0x5  }
0x57a: {  	s28 =	simm.s32 $0x6;
	v14 =	vor.u32 s26, v8;
	v9 =	vld.idx.msk [tilespmem:v9+s21+$0x0], $0xffff  }
0x57b: {  	s12 =	simm.s32 $0xF;
	v15 =	vor.u32 s28, v8;
	v10 =	vld.idx.msk [tilespmem:v10+s21+$0x0], $0xffff  }
0x57c: {  	s29 =	simm.s32 $0x0;
	v19 =	vor.u32 s12, v8;
	v17 =	vld.idx.msk [tilespmem:v11+s21+$0x0], $0xffff  }
0x57d: {  	v16 =	vor.u32 s29, v8;
	s28 =	simm.s32 $0xA;
	v20 =	vld.idx.msk [tilespmem:v12+s21+$0x0], $0xffff  }
0x57e: {  	s26 =	simm.s32 $0x9;
	v23 =	vor.u32 s28, v8;
	v22 =	vld.idx.msk [tilespmem:v13+s21+$0x0], $0xffff  }
0x57f: {  	s5 =	simm.s32 $0x19A20;
	s29 =	simm.s32 $0xB;
	v21 =	vor.u32 s26, v8;
	v13 =	vld.idx.msk [tilespmem:v14+s21+$0x0], $0xffff  }
0x580: {  	s12 =	simm.s32 $0xC;
	v18 =	vor.u32 s29, v8;
	v12 =	vld.idx.msk [tilespmem:v15+s21+$0x0], $0xffff;
	[tilespmem:s5+$0x180] =	vst v9  }
0x581: {  	s26 =	simm.s32 $0xD;
	[tilespmem:s5+$0xFFFFFE80] =	vst v10;
	v9 =	vld.idx.msk [tilespmem:v19+s21+$0x0], $0xffff;
	v19 =	vor.u32 s12, v8  }
0x582: {  	s29 =	simm.s32 $0xE;
	v11 =	vld.idx.msk [tilespmem:v16+s21+$0x0], $0xffff;
	v16 =	vor.u32 s26, v8;
	[tilespmem:s5+$0xFFFFFF00] =	vst v17  }
0x583: {  	s28 =	simm.s32 $0x8;
	v14 =	vld.idx.msk [tilespmem:v23+s21+$0x0], $0xffff;
	[tilespmem:s5+$0xFFFFFF80] =	vst v20;
	v17 =	vor.u32 s29, v8  }
0x584: {  	s8 =	simm.s32 $0x10;
	s26 =	simm.s32 $0x17;
	v15 =	vor.u32 s28, v8;
	v10 =	vld.idx.msk [tilespmem:v21+s21+$0x0], $0xffff;
	s12 =	simm.s32 $0x18;
	[tilespmem:s5+$0x0] =	vst v22  }
.LBB2_61:
0x585: {  	p0 =	slt.u32 s12, $0x38;
	s28 =	sadd.s32 $0x1, s8;
	v20 =	vor.u32 s26, v8;
	v21 =	vld.idx.msk [tilespmem:v18+s21+$0x0], $0xffff;
	[tilespmem:s5+$0x80] =	vst v13  }
0x586: {  	s26 =	sadd.s32 $0x2, s8;
	v22 =	vor.u32 s28, v8;
	v23 =	vld.idx.msk [tilespmem:v19+s21+$0x0], $0xffff;
	[tilespmem:s5+$0x100] =	vst v12  }
0x587: {  	v24 =	vor.u32 s26, v8;
	s26 =	sadd.s32 $0x3, s8;
	v13 =	vld.idx.msk [tilespmem:v16+s21+$0x0], $0xffff;
	[tilespmem:s5+$0xFFFFFE00] =	vst v11;
	s5 =	sadd.s32 $0x400, s5  }
.Ltmp34:
0x588: {  	v18 =	vor.u32 s26, v8;
	s26 =	sadd.s32 $0x4, s8;
	v12 =	vld.idx.msk [tilespmem:v17+s21+$0x0], $0xffff;
	[tilespmem:s5+$0x180] =	vst v9;
	(pc) =	sbr.rel @p0 .LBB2_61-.Ltmp34, $4  }
0x589: {  	v19 =	vor.u32 s26, v8;
	s26 =	sadd.s32 $0x5, s8;
	v11 =	vld.idx.msk [tilespmem:v15+s21+$0x0], $0xffff;
	[tilespmem:s5+$0xFFFFFE80] =	vst v10  }
0x58a: {  	v16 =	vor.u32 s26, v8;
	s26 =	sadd.s32 $0x6, s8;
	v9 =	vld.idx.msk [tilespmem:v20+s21+$0x0], $0xffff;
	[tilespmem:s5+$0xFFFFFF00] =	vst v14  }
0x58b: {  	v17 =	vor.u32 s26, v8;
	v10 =	vld.idx.msk [tilespmem:v22+s21+$0x0], $0xffff;
	[tilespmem:s5+$0xFFFFFF80] =	vst v21  }
0x58c: {  	v15 =	vor.u32 s8, v8;
	s8 =	smov.u32 s12;
	s26 =	sadd.s32 $0x7, s12;
	s12 =	sadd.s32 $0x8, s12;
	v14 =	vld.idx.msk [tilespmem:v24+s21+$0x0], $0xffff;
	[tilespmem:s5+$0x0] =	vst v23  }
0x58d: {  	_ =	sdelay $0x2  }
0x58e: {  	[tilespmem:s5+$0x80] =	vst v13  }
0x58f: {  	s12 =	sadd.s32 $0x1, s8;
	v13 =	vor.u32 s26, v8;
	v18 =	vld.idx.msk [tilespmem:v18+s21+$0x0], $0xffff;
	[tilespmem:s5+$0x100] =	vst v12  }
0x590: {  	s28 =	sadd.s32 $0x2, s8;
	v19 =	vld.idx.msk [tilespmem:v19+s21+$0x0], $0xffff;
	v12 =	vor.u32 s12, v8;
	[tilespmem:s5+$0xFFFFFE00] =	vst v11;
	s5 =	sadd.s32 $0x400, s5  }
0x591: {  	s29 =	sadd.s32 $0x3, s8;
	v16 =	vld.idx.msk [tilespmem:v16+s21+$0x0], $0xffff;
	v11 =	vor.u32 s28, v8;
	[tilespmem:s5+$0x180] =	vst v9  }
0x592: {  	s26 =	sadd.s32 $0x4, s8;
	v17 =	vld.idx.msk [tilespmem:v17+s21+$0x0], $0xffff;
	v9 =	vor.u32 s29, v8;
	[tilespmem:s5+$0xFFFFFE80] =	vst v10  }
0x593: {  	v15 =	vld.idx.msk [tilespmem:v15+s21+$0x0], $0xffff;
	s28 =	sadd.s32 $0x5, s8;
	v10 =	vor.u32 s26, v8;
	[tilespmem:s5+$0xFFFFFF00] =	vst v14  }
0x594: {  	s29 =	sadd.s32 $0x6, s8;
	v14 =	vor.u32 s28, v8;
	v13 =	vld.idx.msk [tilespmem:v13+s21+$0x0], $0xffff;
	[tilespmem:s5+$0xFFFFFF80] =	vst v18  }
0x595: {  	v18 =	vor.u32 s29, v8;
	[tilespmem:s5+$0x0] =	vst v19;
	v12 =	vld.idx.msk [tilespmem:v12+s21+$0x0], $0xffff  }
0x596: {  	v8 =	vor.u32 s8, v8;
	[tilespmem:s5+$0x80] =	vst v16;
	v11 =	vld.idx.msk [tilespmem:v11+s21+$0x0], $0xffff  }
0x597: {  	[tilespmem:s5+$0x100] =	vst v17;
	v9 =	vld.idx.msk [tilespmem:v9+s21+$0x0], $0xffff  }
0x598: {  	[tilespmem:s5+$0xFFFFFE00] =	vst v15;
	s5 =	sadd.s32 $0x400, s5;
	v10 =	vld.idx.msk [tilespmem:v10+s21+$0x0], $0xffff  }
0x599: {  	v14 =	vld.idx.msk [tilespmem:v14+s21+$0x0], $0xffff;
	[tilespmem:s5+$0x180] =	vst v13  }
0x59a: {  	v13 =	vld.idx.msk [tilespmem:v18+s21+$0x0], $0xffff;
	[tilespmem:s5+$0xFFFFFE80] =	vst v12  }
0x59b: {  	v8 =	vld.idx.msk [tilespmem:v8+s21+$0x0], $0xffff;
	[tilespmem:s5+$0xFFFFFF00] =	vst v11  }
0x59c: {  	[tilespmem:s5+$0xFFFFFF80] =	vst v9  }
0x59d: {  	[tilespmem:s5+$0x0] =	vst v10  }
0x59e: {  	[tilespmem:s5+$0x80] =	vst v14  }
0x59f: {  	[tilespmem:s5+$0x100] =	vst v13  }
0x5a0: {  	[tilespmem:s5+$0xFFFFFE00] =	vst v8  }
0x5a1: {  	v8 =	vld [tilespmem:s7+$0x30];
	_ =	sdelay $0x4  }
0x5a2: {  	v8 =	vshrl.u32 v8, $0x8  }
0x5a3: {  	v8 =	vand.u32 $0x40, v8  }
0x5a4: {  	s26 =	simm.s32 $0x7;
	v8 =	vor.u32 v3, v8  }
0x5a5: {  	s28 =	simm.s32 $0x1;
	v9 =	vor.u32 s26, v8  }
0x5a6: {  	s29 =	simm.s32 $0x2;
	v10 =	vor.u32 s28, v8  }
0x5a7: {  	s8 =	simm.s32 $0x3;
	v11 =	vor.u32 s29, v8  }
0x5a8: {  	s12 =	simm.s32 $0x4;
	v12 =	vor.u32 s8, v8  }
0x5a9: {  	v13 =	vor.u32 s12, v8;
	s26 =	simm.s32 $0x5  }
0x5aa: {  	s28 =	simm.s32 $0x6;
	v14 =	vor.u32 s26, v8;
	v9 =	vld.idx.msk [tilespmem:v9+s21+$0x0], $0xffff  }
0x5ab: {  	s12 =	simm.s32 $0xF;
	v15 =	vor.u32 s28, v8;
	v10 =	vld.idx.msk [tilespmem:v10+s21+$0x0], $0xffff  }
0x5ac: {  	s29 =	simm.s32 $0x0;
	v19 =	vor.u32 s12, v8;
	v17 =	vld.idx.msk [tilespmem:v11+s21+$0x0], $0xffff  }
0x5ad: {  	v16 =	vor.u32 s29, v8;
	s28 =	simm.s32 $0xA;
	v20 =	vld.idx.msk [tilespmem:v12+s21+$0x0], $0xffff  }
0x5ae: {  	s26 =	simm.s32 $0x9;
	v23 =	vor.u32 s28, v8;
	v22 =	vld.idx.msk [tilespmem:v13+s21+$0x0], $0xffff  }
0x5af: {  	s5 =	simm.s32 $0x19A30;
	s29 =	simm.s32 $0xB;
	v21 =	vor.u32 s26, v8;
	v13 =	vld.idx.msk [tilespmem:v14+s21+$0x0], $0xffff  }
0x5b0: {  	s12 =	simm.s32 $0xC;
	v18 =	vor.u32 s29, v8;
	v12 =	vld.idx.msk [tilespmem:v15+s21+$0x0], $0xffff;
	[tilespmem:s5+$0x180] =	vst v9  }
0x5b1: {  	s26 =	simm.s32 $0xD;
	[tilespmem:s5+$0xFFFFFE80] =	vst v10;
	v9 =	vld.idx.msk [tilespmem:v19+s21+$0x0], $0xffff;
	v19 =	vor.u32 s12, v8  }
0x5b2: {  	s29 =	simm.s32 $0xE;
	v11 =	vld.idx.msk [tilespmem:v16+s21+$0x0], $0xffff;
	v16 =	vor.u32 s26, v8;
	[tilespmem:s5+$0xFFFFFF00] =	vst v17  }
0x5b3: {  	s28 =	simm.s32 $0x8;
	v14 =	vld.idx.msk [tilespmem:v23+s21+$0x0], $0xffff;
	[tilespmem:s5+$0xFFFFFF80] =	vst v20;
	v17 =	vor.u32 s29, v8  }
0x5b4: {  	s8 =	simm.s32 $0x10;
	s26 =	simm.s32 $0x17;
	v15 =	vor.u32 s28, v8;
	v10 =	vld.idx.msk [tilespmem:v21+s21+$0x0], $0xffff;
	s12 =	simm.s32 $0x18;
	[tilespmem:s5+$0x0] =	vst v22  }
.LBB2_63:
0x5b5: {  	p0 =	slt.u32 s12, $0x38;
	s28 =	sadd.s32 $0x1, s8;
	v20 =	vor.u32 s26, v8;
	v21 =	vld.idx.msk [tilespmem:v18+s21+$0x0], $0xffff;
	[tilespmem:s5+$0x80] =	vst v13  }
0x5b6: {  	s26 =	sadd.s32 $0x2, s8;
	v22 =	vor.u32 s28, v8;
	v23 =	vld.idx.msk [tilespmem:v19+s21+$0x0], $0xffff;
	[tilespmem:s5+$0x100] =	vst v12  }
0x5b7: {  	v24 =	vor.u32 s26, v8;
	s26 =	sadd.s32 $0x3, s8;
	v13 =	vld.idx.msk [tilespmem:v16+s21+$0x0], $0xffff;
	[tilespmem:s5+$0xFFFFFE00] =	vst v11;
	s5 =	sadd.s32 $0x400, s5  }
.Ltmp35:
0x5b8: {  	v18 =	vor.u32 s26, v8;
	s26 =	sadd.s32 $0x4, s8;
	v12 =	vld.idx.msk [tilespmem:v17+s21+$0x0], $0xffff;
	[tilespmem:s5+$0x180] =	vst v9;
	(pc) =	sbr.rel @p0 .LBB2_63-.Ltmp35, $4  }
0x5b9: {  	v19 =	vor.u32 s26, v8;
	s26 =	sadd.s32 $0x5, s8;
	v11 =	vld.idx.msk [tilespmem:v15+s21+$0x0], $0xffff;
	[tilespmem:s5+$0xFFFFFE80] =	vst v10  }
0x5ba: {  	v16 =	vor.u32 s26, v8;
	s26 =	sadd.s32 $0x6, s8;
	v9 =	vld.idx.msk [tilespmem:v20+s21+$0x0], $0xffff;
	[tilespmem:s5+$0xFFFFFF00] =	vst v14  }
0x5bb: {  	v17 =	vor.u32 s26, v8;
	v10 =	vld.idx.msk [tilespmem:v22+s21+$0x0], $0xffff;
	[tilespmem:s5+$0xFFFFFF80] =	vst v21  }
0x5bc: {  	v15 =	vor.u32 s8, v8;
	s8 =	smov.u32 s12;
	s26 =	sadd.s32 $0x7, s12;
	s12 =	sadd.s32 $0x8, s12;
	v14 =	vld.idx.msk [tilespmem:v24+s21+$0x0], $0xffff;
	[tilespmem:s5+$0x0] =	vst v23  }
0x5bd: {  	_ =	sdelay $0x2  }
0x5be: {  	[tilespmem:s5+$0x80] =	vst v13  }
0x5bf: {  	s12 =	sadd.s32 $0x1, s8;
	v13 =	vor.u32 s26, v8;
	v18 =	vld.idx.msk [tilespmem:v18+s21+$0x0], $0xffff;
	[tilespmem:s5+$0x100] =	vst v12  }
0x5c0: {  	s28 =	sadd.s32 $0x2, s8;
	v19 =	vld.idx.msk [tilespmem:v19+s21+$0x0], $0xffff;
	v12 =	vor.u32 s12, v8;
	[tilespmem:s5+$0xFFFFFE00] =	vst v11;
	s5 =	sadd.s32 $0x400, s5  }
0x5c1: {  	s29 =	sadd.s32 $0x3, s8;
	v16 =	vld.idx.msk [tilespmem:v16+s21+$0x0], $0xffff;
	v11 =	vor.u32 s28, v8;
	[tilespmem:s5+$0x180] =	vst v9  }
0x5c2: {  	s26 =	sadd.s32 $0x4, s8;
	v17 =	vld.idx.msk [tilespmem:v17+s21+$0x0], $0xffff;
	v9 =	vor.u32 s29, v8;
	[tilespmem:s5+$0xFFFFFE80] =	vst v10  }
0x5c3: {  	v15 =	vld.idx.msk [tilespmem:v15+s21+$0x0], $0xffff;
	s28 =	sadd.s32 $0x5, s8;
	v10 =	vor.u32 s26, v8;
	[tilespmem:s5+$0xFFFFFF00] =	vst v14  }
0x5c4: {  	s29 =	sadd.s32 $0x6, s8;
	v14 =	vor.u32 s28, v8;
	v13 =	vld.idx.msk [tilespmem:v13+s21+$0x0], $0xffff;
	[tilespmem:s5+$0xFFFFFF80] =	vst v18  }
0x5c5: {  	v18 =	vor.u32 s29, v8;
	[tilespmem:s5+$0x0] =	vst v19;
	v12 =	vld.idx.msk [tilespmem:v12+s21+$0x0], $0xffff  }
0x5c6: {  	v8 =	vor.u32 s8, v8;
	[tilespmem:s5+$0x80] =	vst v16;
	v11 =	vld.idx.msk [tilespmem:v11+s21+$0x0], $0xffff  }
0x5c7: {  	[tilespmem:s5+$0x100] =	vst v17;
	v9 =	vld.idx.msk [tilespmem:v9+s21+$0x0], $0xffff  }
0x5c8: {  	[tilespmem:s5+$0xFFFFFE00] =	vst v15;
	s5 =	sadd.s32 $0x400, s5;
	v10 =	vld.idx.msk [tilespmem:v10+s21+$0x0], $0xffff  }
0x5c9: {  	v14 =	vld.idx.msk [tilespmem:v14+s21+$0x0], $0xffff;
	[tilespmem:s5+$0x180] =	vst v13  }
0x5ca: {  	v13 =	vld.idx.msk [tilespmem:v18+s21+$0x0], $0xffff;
	[tilespmem:s5+$0xFFFFFE80] =	vst v12  }
0x5cb: {  	v8 =	vld.idx.msk [tilespmem:v8+s21+$0x0], $0xffff;
	[tilespmem:s5+$0xFFFFFF00] =	vst v11  }
0x5cc: {  	[tilespmem:s5+$0xFFFFFF80] =	vst v9  }
0x5cd: {  	[tilespmem:s5+$0x0] =	vst v10  }
0x5ce: {  	[tilespmem:s5+$0x80] =	vst v14  }
0x5cf: {  	[tilespmem:s5+$0x100] =	vst v13  }
0x5d0: {  	[tilespmem:s5+$0xFFFFFE00] =	vst v8  }
0x5d1: {  	v8 =	vld [tilespmem:s7+$0x40];
	_ =	sdelay $0x4  }
0x5d2: {  	v8 =	vshrl.u32 v8, $0x8  }
0x5d3: {  	v8 =	vand.u32 $0x40, v8  }
0x5d4: {  	s26 =	simm.s32 $0x7;
	v8 =	vor.u32 v4, v8  }
0x5d5: {  	s28 =	simm.s32 $0x1;
	v9 =	vor.u32 s26, v8  }
0x5d6: {  	s29 =	simm.s32 $0x2;
	v10 =	vor.u32 s28, v8  }
0x5d7: {  	s8 =	simm.s32 $0x3;
	v11 =	vor.u32 s29, v8  }
0x5d8: {  	s12 =	simm.s32 $0x4;
	v12 =	vor.u32 s8, v8  }
0x5d9: {  	v13 =	vor.u32 s12, v8;
	s26 =	simm.s32 $0x5  }
0x5da: {  	s28 =	simm.s32 $0x6;
	v14 =	vor.u32 s26, v8;
	v9 =	vld.idx.msk [tilespmem:v9+s21+$0x0], $0xffff  }
0x5db: {  	s12 =	simm.s32 $0xF;
	v15 =	vor.u32 s28, v8;
	v10 =	vld.idx.msk [tilespmem:v10+s21+$0x0], $0xffff  }
0x5dc: {  	s29 =	simm.s32 $0x0;
	v19 =	vor.u32 s12, v8;
	v17 =	vld.idx.msk [tilespmem:v11+s21+$0x0], $0xffff  }
0x5dd: {  	v16 =	vor.u32 s29, v8;
	s28 =	simm.s32 $0xA;
	v20 =	vld.idx.msk [tilespmem:v12+s21+$0x0], $0xffff  }
0x5de: {  	s26 =	simm.s32 $0x9;
	v23 =	vor.u32 s28, v8;
	v22 =	vld.idx.msk [tilespmem:v13+s21+$0x0], $0xffff  }
0x5df: {  	s5 =	simm.s32 $0x19A40;
	s29 =	simm.s32 $0xB;
	v21 =	vor.u32 s26, v8;
	v13 =	vld.idx.msk [tilespmem:v14+s21+$0x0], $0xffff  }
0x5e0: {  	s12 =	simm.s32 $0xC;
	v18 =	vor.u32 s29, v8;
	v12 =	vld.idx.msk [tilespmem:v15+s21+$0x0], $0xffff;
	[tilespmem:s5+$0x180] =	vst v9  }
0x5e1: {  	s26 =	simm.s32 $0xD;
	[tilespmem:s5+$0xFFFFFE80] =	vst v10;
	v9 =	vld.idx.msk [tilespmem:v19+s21+$0x0], $0xffff;
	v19 =	vor.u32 s12, v8  }
0x5e2: {  	s29 =	simm.s32 $0xE;
	v11 =	vld.idx.msk [tilespmem:v16+s21+$0x0], $0xffff;
	v16 =	vor.u32 s26, v8;
	[tilespmem:s5+$0xFFFFFF00] =	vst v17  }
0x5e3: {  	s28 =	simm.s32 $0x8;
	v14 =	vld.idx.msk [tilespmem:v23+s21+$0x0], $0xffff;
	[tilespmem:s5+$0xFFFFFF80] =	vst v20;
	v17 =	vor.u32 s29, v8  }
0x5e4: {  	s8 =	simm.s32 $0x10;
	s26 =	simm.s32 $0x17;
	v15 =	vor.u32 s28, v8;
	v10 =	vld.idx.msk [tilespmem:v21+s21+$0x0], $0xffff;
	s12 =	simm.s32 $0x18;
	[tilespmem:s5+$0x0] =	vst v22  }
.LBB2_65:
0x5e5: {  	p0 =	slt.u32 s12, $0x38;
	s28 =	sadd.s32 $0x1, s8;
	v20 =	vor.u32 s26, v8;
	v21 =	vld.idx.msk [tilespmem:v18+s21+$0x0], $0xffff;
	[tilespmem:s5+$0x80] =	vst v13  }
0x5e6: {  	s26 =	sadd.s32 $0x2, s8;
	v22 =	vor.u32 s28, v8;
	v23 =	vld.idx.msk [tilespmem:v19+s21+$0x0], $0xffff;
	[tilespmem:s5+$0x100] =	vst v12  }
0x5e7: {  	v24 =	vor.u32 s26, v8;
	s26 =	sadd.s32 $0x3, s8;
	v13 =	vld.idx.msk [tilespmem:v16+s21+$0x0], $0xffff;
	[tilespmem:s5+$0xFFFFFE00] =	vst v11;
	s5 =	sadd.s32 $0x400, s5  }
.Ltmp36:
0x5e8: {  	v18 =	vor.u32 s26, v8;
	s26 =	sadd.s32 $0x4, s8;
	v12 =	vld.idx.msk [tilespmem:v17+s21+$0x0], $0xffff;
	[tilespmem:s5+$0x180] =	vst v9;
	(pc) =	sbr.rel @p0 .LBB2_65-.Ltmp36, $4  }
0x5e9: {  	v19 =	vor.u32 s26, v8;
	s26 =	sadd.s32 $0x5, s8;
	v11 =	vld.idx.msk [tilespmem:v15+s21+$0x0], $0xffff;
	[tilespmem:s5+$0xFFFFFE80] =	vst v10  }
0x5ea: {  	v16 =	vor.u32 s26, v8;
	s26 =	sadd.s32 $0x6, s8;
	v9 =	vld.idx.msk [tilespmem:v20+s21+$0x0], $0xffff;
	[tilespmem:s5+$0xFFFFFF00] =	vst v14  }
0x5eb: {  	v17 =	vor.u32 s26, v8;
	v10 =	vld.idx.msk [tilespmem:v22+s21+$0x0], $0xffff;
	[tilespmem:s5+$0xFFFFFF80] =	vst v21  }
0x5ec: {  	v15 =	vor.u32 s8, v8;
	s8 =	smov.u32 s12;
	s26 =	sadd.s32 $0x7, s12;
	s12 =	sadd.s32 $0x8, s12;
	v14 =	vld.idx.msk [tilespmem:v24+s21+$0x0], $0xffff;
	[tilespmem:s5+$0x0] =	vst v23  }
0x5ed: {  	_ =	sdelay $0x2  }
0x5ee: {  	[tilespmem:s5+$0x80] =	vst v13  }
0x5ef: {  	s12 =	sadd.s32 $0x1, s8;
	v13 =	vor.u32 s26, v8;
	v18 =	vld.idx.msk [tilespmem:v18+s21+$0x0], $0xffff;
	[tilespmem:s5+$0x100] =	vst v12  }
0x5f0: {  	s28 =	sadd.s32 $0x2, s8;
	v19 =	vld.idx.msk [tilespmem:v19+s21+$0x0], $0xffff;
	v12 =	vor.u32 s12, v8;
	[tilespmem:s5+$0xFFFFFE00] =	vst v11;
	s5 =	sadd.s32 $0x400, s5  }
0x5f1: {  	s29 =	sadd.s32 $0x3, s8;
	v16 =	vld.idx.msk [tilespmem:v16+s21+$0x0], $0xffff;
	v11 =	vor.u32 s28, v8;
	[tilespmem:s5+$0x180] =	vst v9  }
0x5f2: {  	s26 =	sadd.s32 $0x4, s8;
	v17 =	vld.idx.msk [tilespmem:v17+s21+$0x0], $0xffff;
	v9 =	vor.u32 s29, v8;
	[tilespmem:s5+$0xFFFFFE80] =	vst v10  }
0x5f3: {  	v15 =	vld.idx.msk [tilespmem:v15+s21+$0x0], $0xffff;
	s28 =	sadd.s32 $0x5, s8;
	v10 =	vor.u32 s26, v8;
	[tilespmem:s5+$0xFFFFFF00] =	vst v14  }
0x5f4: {  	s29 =	sadd.s32 $0x6, s8;
	v14 =	vor.u32 s28, v8;
	v13 =	vld.idx.msk [tilespmem:v13+s21+$0x0], $0xffff;
	[tilespmem:s5+$0xFFFFFF80] =	vst v18  }
0x5f5: {  	v18 =	vor.u32 s29, v8;
	[tilespmem:s5+$0x0] =	vst v19;
	v12 =	vld.idx.msk [tilespmem:v12+s21+$0x0], $0xffff  }
0x5f6: {  	v8 =	vor.u32 s8, v8;
	[tilespmem:s5+$0x80] =	vst v16;
	v11 =	vld.idx.msk [tilespmem:v11+s21+$0x0], $0xffff  }
0x5f7: {  	[tilespmem:s5+$0x100] =	vst v17;
	v9 =	vld.idx.msk [tilespmem:v9+s21+$0x0], $0xffff  }
0x5f8: {  	[tilespmem:s5+$0xFFFFFE00] =	vst v15;
	s5 =	sadd.s32 $0x400, s5;
	v10 =	vld.idx.msk [tilespmem:v10+s21+$0x0], $0xffff  }
0x5f9: {  	v14 =	vld.idx.msk [tilespmem:v14+s21+$0x0], $0xffff;
	[tilespmem:s5+$0x180] =	vst v13  }
0x5fa: {  	v13 =	vld.idx.msk [tilespmem:v18+s21+$0x0], $0xffff;
	[tilespmem:s5+$0xFFFFFE80] =	vst v12  }
0x5fb: {  	v8 =	vld.idx.msk [tilespmem:v8+s21+$0x0], $0xffff;
	[tilespmem:s5+$0xFFFFFF00] =	vst v11  }
0x5fc: {  	[tilespmem:s5+$0xFFFFFF80] =	vst v9  }
0x5fd: {  	[tilespmem:s5+$0x0] =	vst v10  }
0x5fe: {  	[tilespmem:s5+$0x80] =	vst v14  }
0x5ff: {  	[tilespmem:s5+$0x100] =	vst v13  }
0x600: {  	[tilespmem:s5+$0xFFFFFE00] =	vst v8  }
0x601: {  	v8 =	vld [tilespmem:s7+$0x50];
	_ =	sdelay $0x4  }
0x602: {  	v8 =	vshrl.u32 v8, $0x8  }
0x603: {  	v8 =	vand.u32 $0x40, v8  }
0x604: {  	s26 =	simm.s32 $0x7;
	v8 =	vor.u32 v5, v8  }
0x605: {  	s28 =	simm.s32 $0x1;
	v9 =	vor.u32 s26, v8  }
0x606: {  	s29 =	simm.s32 $0x2;
	v10 =	vor.u32 s28, v8  }
0x607: {  	s8 =	simm.s32 $0x3;
	v11 =	vor.u32 s29, v8  }
0x608: {  	s12 =	simm.s32 $0x4;
	v12 =	vor.u32 s8, v8  }
0x609: {  	v13 =	vor.u32 s12, v8;
	s26 =	simm.s32 $0x5  }
0x60a: {  	s28 =	simm.s32 $0x6;
	v14 =	vor.u32 s26, v8;
	v9 =	vld.idx.msk [tilespmem:v9+s21+$0x0], $0xffff  }
0x60b: {  	s12 =	simm.s32 $0xF;
	v15 =	vor.u32 s28, v8;
	v10 =	vld.idx.msk [tilespmem:v10+s21+$0x0], $0xffff  }
0x60c: {  	s29 =	simm.s32 $0x0;
	v19 =	vor.u32 s12, v8;
	v17 =	vld.idx.msk [tilespmem:v11+s21+$0x0], $0xffff  }
0x60d: {  	v16 =	vor.u32 s29, v8;
	s28 =	simm.s32 $0xA;
	v20 =	vld.idx.msk [tilespmem:v12+s21+$0x0], $0xffff  }
0x60e: {  	s26 =	simm.s32 $0x9;
	v23 =	vor.u32 s28, v8;
	v22 =	vld.idx.msk [tilespmem:v13+s21+$0x0], $0xffff  }
0x60f: {  	s5 =	simm.s32 $0x19A50;
	s29 =	simm.s32 $0xB;
	v21 =	vor.u32 s26, v8;
	v13 =	vld.idx.msk [tilespmem:v14+s21+$0x0], $0xffff  }
0x610: {  	s12 =	simm.s32 $0xC;
	v18 =	vor.u32 s29, v8;
	v12 =	vld.idx.msk [tilespmem:v15+s21+$0x0], $0xffff;
	[tilespmem:s5+$0x180] =	vst v9  }
0x611: {  	s26 =	simm.s32 $0xD;
	[tilespmem:s5+$0xFFFFFE80] =	vst v10;
	v9 =	vld.idx.msk [tilespmem:v19+s21+$0x0], $0xffff;
	v19 =	vor.u32 s12, v8  }
0x612: {  	s29 =	simm.s32 $0xE;
	v11 =	vld.idx.msk [tilespmem:v16+s21+$0x0], $0xffff;
	v16 =	vor.u32 s26, v8;
	[tilespmem:s5+$0xFFFFFF00] =	vst v17  }
0x613: {  	s28 =	simm.s32 $0x8;
	v14 =	vld.idx.msk [tilespmem:v23+s21+$0x0], $0xffff;
	[tilespmem:s5+$0xFFFFFF80] =	vst v20;
	v17 =	vor.u32 s29, v8  }
0x614: {  	s8 =	simm.s32 $0x10;
	s26 =	simm.s32 $0x17;
	v15 =	vor.u32 s28, v8;
	v10 =	vld.idx.msk [tilespmem:v21+s21+$0x0], $0xffff;
	s12 =	simm.s32 $0x18;
	[tilespmem:s5+$0x0] =	vst v22  }
.LBB2_67:
0x615: {  	p0 =	slt.u32 s12, $0x38;
	s28 =	sadd.s32 $0x1, s8;
	v20 =	vor.u32 s26, v8;
	v21 =	vld.idx.msk [tilespmem:v18+s21+$0x0], $0xffff;
	[tilespmem:s5+$0x80] =	vst v13  }
0x616: {  	s26 =	sadd.s32 $0x2, s8;
	v22 =	vor.u32 s28, v8;
	v23 =	vld.idx.msk [tilespmem:v19+s21+$0x0], $0xffff;
	[tilespmem:s5+$0x100] =	vst v12  }
0x617: {  	v24 =	vor.u32 s26, v8;
	s26 =	sadd.s32 $0x3, s8;
	v13 =	vld.idx.msk [tilespmem:v16+s21+$0x0], $0xffff;
	[tilespmem:s5+$0xFFFFFE00] =	vst v11;
	s5 =	sadd.s32 $0x400, s5  }
.Ltmp37:
0x618: {  	v18 =	vor.u32 s26, v8;
	s26 =	sadd.s32 $0x4, s8;
	v12 =	vld.idx.msk [tilespmem:v17+s21+$0x0], $0xffff;
	[tilespmem:s5+$0x180] =	vst v9;
	(pc) =	sbr.rel @p0 .LBB2_67-.Ltmp37, $4  }
0x619: {  	v19 =	vor.u32 s26, v8;
	s26 =	sadd.s32 $0x5, s8;
	v11 =	vld.idx.msk [tilespmem:v15+s21+$0x0], $0xffff;
	[tilespmem:s5+$0xFFFFFE80] =	vst v10  }
0x61a: {  	v16 =	vor.u32 s26, v8;
	s26 =	sadd.s32 $0x6, s8;
	v9 =	vld.idx.msk [tilespmem:v20+s21+$0x0], $0xffff;
	[tilespmem:s5+$0xFFFFFF00] =	vst v14  }
0x61b: {  	v17 =	vor.u32 s26, v8;
	v10 =	vld.idx.msk [tilespmem:v22+s21+$0x0], $0xffff;
	[tilespmem:s5+$0xFFFFFF80] =	vst v21  }
0x61c: {  	v15 =	vor.u32 s8, v8;
	s8 =	smov.u32 s12;
	s26 =	sadd.s32 $0x7, s12;
	s12 =	sadd.s32 $0x8, s12;
	v14 =	vld.idx.msk [tilespmem:v24+s21+$0x0], $0xffff;
	[tilespmem:s5+$0x0] =	vst v23  }
0x61d: {  	_ =	sdelay $0x2  }
0x61e: {  	[tilespmem:s5+$0x80] =	vst v13  }
0x61f: {  	s12 =	sadd.s32 $0x1, s8;
	v13 =	vor.u32 s26, v8;
	v18 =	vld.idx.msk [tilespmem:v18+s21+$0x0], $0xffff;
	[tilespmem:s5+$0x100] =	vst v12  }
0x620: {  	s28 =	sadd.s32 $0x2, s8;
	v19 =	vld.idx.msk [tilespmem:v19+s21+$0x0], $0xffff;
	v12 =	vor.u32 s12, v8;
	[tilespmem:s5+$0xFFFFFE00] =	vst v11;
	s5 =	sadd.s32 $0x400, s5  }
0x621: {  	s29 =	sadd.s32 $0x3, s8;
	v16 =	vld.idx.msk [tilespmem:v16+s21+$0x0], $0xffff;
	v11 =	vor.u32 s28, v8;
	[tilespmem:s5+$0x180] =	vst v9  }
0x622: {  	s26 =	sadd.s32 $0x4, s8;
	v17 =	vld.idx.msk [tilespmem:v17+s21+$0x0], $0xffff;
	v9 =	vor.u32 s29, v8;
	[tilespmem:s5+$0xFFFFFE80] =	vst v10  }
0x623: {  	v15 =	vld.idx.msk [tilespmem:v15+s21+$0x0], $0xffff;
	s28 =	sadd.s32 $0x5, s8;
	v10 =	vor.u32 s26, v8;
	[tilespmem:s5+$0xFFFFFF00] =	vst v14  }
0x624: {  	s29 =	sadd.s32 $0x6, s8;
	v14 =	vor.u32 s28, v8;
	v13 =	vld.idx.msk [tilespmem:v13+s21+$0x0], $0xffff;
	[tilespmem:s5+$0xFFFFFF80] =	vst v18  }
0x625: {  	v18 =	vor.u32 s29, v8;
	[tilespmem:s5+$0x0] =	vst v19;
	v12 =	vld.idx.msk [tilespmem:v12+s21+$0x0], $0xffff  }
0x626: {  	v8 =	vor.u32 s8, v8;
	[tilespmem:s5+$0x80] =	vst v16;
	v11 =	vld.idx.msk [tilespmem:v11+s21+$0x0], $0xffff  }
0x627: {  	[tilespmem:s5+$0x100] =	vst v17;
	v9 =	vld.idx.msk [tilespmem:v9+s21+$0x0], $0xffff  }
0x628: {  	[tilespmem:s5+$0xFFFFFE00] =	vst v15;
	s5 =	sadd.s32 $0x400, s5;
	v10 =	vld.idx.msk [tilespmem:v10+s21+$0x0], $0xffff  }
0x629: {  	v14 =	vld.idx.msk [tilespmem:v14+s21+$0x0], $0xffff;
	[tilespmem:s5+$0x180] =	vst v13  }
0x62a: {  	v13 =	vld.idx.msk [tilespmem:v18+s21+$0x0], $0xffff;
	[tilespmem:s5+$0xFFFFFE80] =	vst v12  }
0x62b: {  	v8 =	vld.idx.msk [tilespmem:v8+s21+$0x0], $0xffff;
	[tilespmem:s5+$0xFFFFFF00] =	vst v11  }
0x62c: {  	[tilespmem:s5+$0xFFFFFF80] =	vst v9  }
0x62d: {  	[tilespmem:s5+$0x0] =	vst v10  }
0x62e: {  	[tilespmem:s5+$0x80] =	vst v14  }
0x62f: {  	[tilespmem:s5+$0x100] =	vst v13  }
0x630: {  	[tilespmem:s5+$0xFFFFFE00] =	vst v8  }
0x631: {  	v8 =	vld [tilespmem:s7+$0x60];
	_ =	sdelay $0x4  }
0x632: {  	v8 =	vshrl.u32 v8, $0x8  }
0x633: {  	v8 =	vand.u32 $0x40, v8  }
0x634: {  	s26 =	simm.s32 $0x7;
	v8 =	vor.u32 v6, v8  }
0x635: {  	s28 =	simm.s32 $0x1;
	v9 =	vor.u32 s26, v8  }
0x636: {  	s29 =	simm.s32 $0x2;
	v10 =	vor.u32 s28, v8  }
0x637: {  	s8 =	simm.s32 $0x3;
	v11 =	vor.u32 s29, v8  }
0x638: {  	s12 =	simm.s32 $0x4;
	v12 =	vor.u32 s8, v8  }
0x639: {  	v13 =	vor.u32 s12, v8;
	s26 =	simm.s32 $0x5  }
0x63a: {  	s28 =	simm.s32 $0x6;
	v14 =	vor.u32 s26, v8;
	v9 =	vld.idx.msk [tilespmem:v9+s21+$0x0], $0xffff  }
0x63b: {  	s12 =	simm.s32 $0xF;
	v15 =	vor.u32 s28, v8;
	v10 =	vld.idx.msk [tilespmem:v10+s21+$0x0], $0xffff  }
0x63c: {  	s29 =	simm.s32 $0x0;
	v19 =	vor.u32 s12, v8;
	v17 =	vld.idx.msk [tilespmem:v11+s21+$0x0], $0xffff  }
0x63d: {  	v16 =	vor.u32 s29, v8;
	s28 =	simm.s32 $0xA;
	v20 =	vld.idx.msk [tilespmem:v12+s21+$0x0], $0xffff  }
0x63e: {  	s26 =	simm.s32 $0x9;
	v23 =	vor.u32 s28, v8;
	v22 =	vld.idx.msk [tilespmem:v13+s21+$0x0], $0xffff  }
0x63f: {  	s5 =	simm.s32 $0x19A60;
	s29 =	simm.s32 $0xB;
	v21 =	vor.u32 s26, v8;
	v13 =	vld.idx.msk [tilespmem:v14+s21+$0x0], $0xffff  }
0x640: {  	s12 =	simm.s32 $0xC;
	v18 =	vor.u32 s29, v8;
	v12 =	vld.idx.msk [tilespmem:v15+s21+$0x0], $0xffff;
	[tilespmem:s5+$0x180] =	vst v9  }
0x641: {  	s26 =	simm.s32 $0xD;
	[tilespmem:s5+$0xFFFFFE80] =	vst v10;
	v9 =	vld.idx.msk [tilespmem:v19+s21+$0x0], $0xffff;
	v19 =	vor.u32 s12, v8  }
0x642: {  	s29 =	simm.s32 $0xE;
	v11 =	vld.idx.msk [tilespmem:v16+s21+$0x0], $0xffff;
	v16 =	vor.u32 s26, v8;
	[tilespmem:s5+$0xFFFFFF00] =	vst v17  }
0x643: {  	s28 =	simm.s32 $0x8;
	v14 =	vld.idx.msk [tilespmem:v23+s21+$0x0], $0xffff;
	[tilespmem:s5+$0xFFFFFF80] =	vst v20;
	v17 =	vor.u32 s29, v8  }
0x644: {  	s8 =	simm.s32 $0x10;
	s26 =	simm.s32 $0x17;
	v15 =	vor.u32 s28, v8;
	v10 =	vld.idx.msk [tilespmem:v21+s21+$0x0], $0xffff;
	s12 =	simm.s32 $0x18;
	[tilespmem:s5+$0x0] =	vst v22  }
.LBB2_69:
0x645: {  	p0 =	slt.u32 s12, $0x38;
	s28 =	sadd.s32 $0x1, s8;
	v20 =	vor.u32 s26, v8;
	v21 =	vld.idx.msk [tilespmem:v18+s21+$0x0], $0xffff;
	[tilespmem:s5+$0x80] =	vst v13  }
0x646: {  	s26 =	sadd.s32 $0x2, s8;
	v22 =	vor.u32 s28, v8;
	v23 =	vld.idx.msk [tilespmem:v19+s21+$0x0], $0xffff;
	[tilespmem:s5+$0x100] =	vst v12  }
0x647: {  	v24 =	vor.u32 s26, v8;
	s26 =	sadd.s32 $0x3, s8;
	v13 =	vld.idx.msk [tilespmem:v16+s21+$0x0], $0xffff;
	[tilespmem:s5+$0xFFFFFE00] =	vst v11;
	s5 =	sadd.s32 $0x400, s5  }
.Ltmp38:
0x648: {  	v18 =	vor.u32 s26, v8;
	s26 =	sadd.s32 $0x4, s8;
	v12 =	vld.idx.msk [tilespmem:v17+s21+$0x0], $0xffff;
	[tilespmem:s5+$0x180] =	vst v9;
	(pc) =	sbr.rel @p0 .LBB2_69-.Ltmp38, $4  }
0x649: {  	v19 =	vor.u32 s26, v8;
	s26 =	sadd.s32 $0x5, s8;
	v11 =	vld.idx.msk [tilespmem:v15+s21+$0x0], $0xffff;
	[tilespmem:s5+$0xFFFFFE80] =	vst v10  }
0x64a: {  	v16 =	vor.u32 s26, v8;
	s26 =	sadd.s32 $0x6, s8;
	v9 =	vld.idx.msk [tilespmem:v20+s21+$0x0], $0xffff;
	[tilespmem:s5+$0xFFFFFF00] =	vst v14  }
0x64b: {  	v17 =	vor.u32 s26, v8;
	v10 =	vld.idx.msk [tilespmem:v22+s21+$0x0], $0xffff;
	[tilespmem:s5+$0xFFFFFF80] =	vst v21  }
0x64c: {  	v15 =	vor.u32 s8, v8;
	s8 =	smov.u32 s12;
	s26 =	sadd.s32 $0x7, s12;
	s12 =	sadd.s32 $0x8, s12;
	v14 =	vld.idx.msk [tilespmem:v24+s21+$0x0], $0xffff;
	[tilespmem:s5+$0x0] =	vst v23  }
0x64d: {  	_ =	sdelay $0x2  }
0x64e: {  	[tilespmem:s5+$0x80] =	vst v13  }
0x64f: {  	s12 =	sadd.s32 $0x1, s8;
	v13 =	vor.u32 s26, v8;
	v18 =	vld.idx.msk [tilespmem:v18+s21+$0x0], $0xffff;
	[tilespmem:s5+$0x100] =	vst v12  }
0x650: {  	s28 =	sadd.s32 $0x2, s8;
	v19 =	vld.idx.msk [tilespmem:v19+s21+$0x0], $0xffff;
	v12 =	vor.u32 s12, v8;
	[tilespmem:s5+$0xFFFFFE00] =	vst v11;
	s5 =	sadd.s32 $0x400, s5  }
0x651: {  	s29 =	sadd.s32 $0x3, s8;
	v16 =	vld.idx.msk [tilespmem:v16+s21+$0x0], $0xffff;
	v11 =	vor.u32 s28, v8;
	[tilespmem:s5+$0x180] =	vst v9  }
0x652: {  	s26 =	sadd.s32 $0x4, s8;
	v17 =	vld.idx.msk [tilespmem:v17+s21+$0x0], $0xffff;
	v9 =	vor.u32 s29, v8;
	[tilespmem:s5+$0xFFFFFE80] =	vst v10  }
0x653: {  	v15 =	vld.idx.msk [tilespmem:v15+s21+$0x0], $0xffff;
	s28 =	sadd.s32 $0x5, s8;
	v10 =	vor.u32 s26, v8;
	[tilespmem:s5+$0xFFFFFF00] =	vst v14  }
0x654: {  	s29 =	sadd.s32 $0x6, s8;
	v14 =	vor.u32 s28, v8;
	v13 =	vld.idx.msk [tilespmem:v13+s21+$0x0], $0xffff;
	[tilespmem:s5+$0xFFFFFF80] =	vst v18  }
0x655: {  	v18 =	vor.u32 s29, v8;
	[tilespmem:s5+$0x0] =	vst v19;
	v12 =	vld.idx.msk [tilespmem:v12+s21+$0x0], $0xffff  }
0x656: {  	v8 =	vor.u32 s8, v8;
	[tilespmem:s5+$0x80] =	vst v16;
	v11 =	vld.idx.msk [tilespmem:v11+s21+$0x0], $0xffff  }
0x657: {  	[tilespmem:s5+$0x100] =	vst v17;
	v9 =	vld.idx.msk [tilespmem:v9+s21+$0x0], $0xffff  }
0x658: {  	[tilespmem:s5+$0xFFFFFE00] =	vst v15;
	s5 =	sadd.s32 $0x400, s5;
	v10 =	vld.idx.msk [tilespmem:v10+s21+$0x0], $0xffff  }
0x659: {  	v14 =	vld.idx.msk [tilespmem:v14+s21+$0x0], $0xffff;
	[tilespmem:s5+$0x180] =	vst v13  }
0x65a: {  	v13 =	vld.idx.msk [tilespmem:v18+s21+$0x0], $0xffff;
	[tilespmem:s5+$0xFFFFFE80] =	vst v12  }
0x65b: {  	v8 =	vld.idx.msk [tilespmem:v8+s21+$0x0], $0xffff;
	[tilespmem:s5+$0xFFFFFF00] =	vst v11  }
0x65c: {  	[tilespmem:s5+$0xFFFFFF80] =	vst v9  }
0x65d: {  	[tilespmem:s5+$0x0] =	vst v10  }
0x65e: {  	[tilespmem:s5+$0x80] =	vst v14  }
0x65f: {  	[tilespmem:s5+$0x100] =	vst v13  }
0x660: {  	[tilespmem:s5+$0xFFFFFE00] =	vst v8  }
0x661: {  	v8 =	vld [tilespmem:s7+$0x70];
	_ =	sdelay $0x4  }
0x662: {  	v8 =	vshrl.u32 v8, $0x8  }
0x663: {  	v8 =	vand.u32 $0x40, v8  }
0x664: {  	s8 =	simm.s32 $0x7;
	v8 =	vor.u32 v7, v8  }
0x665: {  	s12 =	simm.s32 $0x1;
	v9 =	vor.u32 s8, v8  }
0x666: {  	s26 =	simm.s32 $0x2;
	v10 =	vor.u32 s12, v8  }
0x667: {  	s28 =	simm.s32 $0x3;
	v11 =	vor.u32 s26, v8  }
0x668: {  	s29 =	simm.s32 $0x4;
	v12 =	vor.u32 s28, v8  }
0x669: {  	s7 =	simm.s32 $0x5;
	v13 =	vor.u32 s29, v8  }
0x66a: {  	v14 =	vor.u32 s7, v8;
	s8 =	simm.s32 $0x6;
	v9 =	vld.idx.msk [tilespmem:v9+s21+$0x0], $0xffff  }
0x66b: {  	s26 =	simm.s32 $0xF;
	v15 =	vor.u32 s8, v8;
	v10 =	vld.idx.msk [tilespmem:v10+s21+$0x0], $0xffff  }
0x66c: {  	s12 =	simm.s32 $0x0;
	v19 =	vor.u32 s26, v8;
	v17 =	vld.idx.msk [tilespmem:v11+s21+$0x0], $0xffff  }
0x66d: {  	s29 =	simm.s32 $0xA;
	v16 =	vor.u32 s12, v8;
	v20 =	vld.idx.msk [tilespmem:v12+s21+$0x0], $0xffff  }
0x66e: {  	s28 =	simm.s32 $0x9;
	v23 =	vor.u32 s29, v8;
	v22 =	vld.idx.msk [tilespmem:v13+s21+$0x0], $0xffff  }
0x66f: {  	s5 =	simm.s32 $0x19A70;
	v21 =	vor.u32 s28, v8;
	s8 =	simm.s32 $0xB;
	v13 =	vld.idx.msk [tilespmem:v14+s21+$0x0], $0xffff  }
0x670: {  	s12 =	simm.s32 $0xC;
	v18 =	vor.u32 s8, v8;
	v12 =	vld.idx.msk [tilespmem:v15+s21+$0x0], $0xffff;
	[tilespmem:s5+$0x180] =	vst v9  }
0x671: {  	s26 =	simm.s32 $0xD;
	[tilespmem:s5+$0xFFFFFE80] =	vst v10;
	v9 =	vld.idx.msk [tilespmem:v19+s21+$0x0], $0xffff;
	v19 =	vor.u32 s12, v8  }
0x672: {  	s29 =	simm.s32 $0xE;
	v11 =	vld.idx.msk [tilespmem:v16+s21+$0x0], $0xffff;
	v16 =	vor.u32 s26, v8;
	[tilespmem:s5+$0xFFFFFF00] =	vst v17  }
0x673: {  	s28 =	simm.s32 $0x8;
	v14 =	vld.idx.msk [tilespmem:v23+s21+$0x0], $0xffff;
	[tilespmem:s5+$0xFFFFFF80] =	vst v20;
	v17 =	vor.u32 s29, v8  }
0x674: {  	s7 =	simm.s32 $0x10;
	s8 =	simm.s32 $0x18;
	v15 =	vor.u32 s28, v8;
	v10 =	vld.idx.msk [tilespmem:v21+s21+$0x0], $0xffff;
	s12 =	simm.s32 $0x17;
	[tilespmem:s5+$0x0] =	vst v22  }
.LBB2_71:
0x675: {  	p0 =	slt.u32 s8, $0x38;
	s26 =	sadd.s32 $0x1, s7;
	v20 =	vor.u32 s12, v8;
	v21 =	vld.idx.msk [tilespmem:v18+s21+$0x0], $0xffff;
	[tilespmem:s5+$0x80] =	vst v13  }
0x676: {  	s12 =	sadd.s32 $0x2, s7;
	v22 =	vor.u32 s26, v8;
	v23 =	vld.idx.msk [tilespmem:v19+s21+$0x0], $0xffff;
	[tilespmem:s5+$0x100] =	vst v12  }
0x677: {  	v24 =	vor.u32 s12, v8;
	s12 =	sadd.s32 $0x3, s7;
	v13 =	vld.idx.msk [tilespmem:v16+s21+$0x0], $0xffff;
	[tilespmem:s5+$0xFFFFFE00] =	vst v11;
	s5 =	sadd.s32 $0x400, s5  }
.Ltmp39:
0x678: {  	v18 =	vor.u32 s12, v8;
	s12 =	sadd.s32 $0x4, s7;
	v12 =	vld.idx.msk [tilespmem:v17+s21+$0x0], $0xffff;
	[tilespmem:s5+$0x180] =	vst v9;
	(pc) =	sbr.rel @p0 .LBB2_71-.Ltmp39, $4  }
0x679: {  	v19 =	vor.u32 s12, v8;
	s12 =	sadd.s32 $0x5, s7;
	v11 =	vld.idx.msk [tilespmem:v15+s21+$0x0], $0xffff;
	[tilespmem:s5+$0xFFFFFE80] =	vst v10  }
0x67a: {  	v16 =	vor.u32 s12, v8;
	s12 =	sadd.s32 $0x6, s7;
	v9 =	vld.idx.msk [tilespmem:v20+s21+$0x0], $0xffff;
	[tilespmem:s5+$0xFFFFFF00] =	vst v14  }
0x67b: {  	v17 =	vor.u32 s12, v8;
	v10 =	vld.idx.msk [tilespmem:v22+s21+$0x0], $0xffff;
	[tilespmem:s5+$0xFFFFFF80] =	vst v21  }
0x67c: {  	v15 =	vor.u32 s7, v8;
	s7 =	smov.u32 s8;
	s12 =	sadd.s32 $0x7, s8;
	s8 =	sadd.s32 $0x8, s8;
	v14 =	vld.idx.msk [tilespmem:v24+s21+$0x0], $0xffff;
	[tilespmem:s5+$0x0] =	vst v23  }
0x67d: {  	_ =	sdelay $0x2  }
0x67e: {  	[tilespmem:s5+$0x80] =	vst v13  }
0x67f: {  	s8 =	sadd.s32 $0x1, s7;
	v56 =	vor.u32 s12, v8;
	v18 =	vld.idx.msk [tilespmem:v18+s21+$0x0], $0xffff;
	[tilespmem:s5+$0x100] =	vst v12  }
0x680: {  	s29 =	sadd.s32 $0x2, s7;
	v19 =	vld.idx.msk [tilespmem:v19+s21+$0x0], $0xffff;
	v57 =	vor.u32 s8, v8;
	[tilespmem:s5+$0xFFFFFE00] =	vst v11;
	s5 =	sadd.s32 $0x400, s5  }
0x681: {  	s12 =	sadd.s32 $0x3, s7;
	v16 =	vld.idx.msk [tilespmem:v16+s21+$0x0], $0xffff;
	v58 =	vor.u32 s29, v8;
	[tilespmem:s5+$0x180] =	vst v9  }
0x682: {  	s26 =	sadd.s32 $0x4, s7;
	v17 =	vld.idx.msk [tilespmem:v17+s21+$0x0], $0xffff;
	v59 =	vor.u32 s12, v8;
	[tilespmem:s5+$0xFFFFFE80] =	vst v10  }
0x683: {  	s28 =	sadd.s32 $0x5, s7;
	v15 =	vld.idx.msk [tilespmem:v15+s21+$0x0], $0xffff;
	v60 =	vor.u32 s26, v8;
	[tilespmem:s5+$0xFFFFFF00] =	vst v14  }
0x684: {  	v61 =	vor.u32 s28, v8;
	s29 =	sadd.s32 $0x6, s7;
	v13 =	vld.idx.msk [tilespmem:v56+s21+$0x0], $0xffff;
	[tilespmem:s5+$0xFFFFFF80] =	vst v18  }
0x685: {  	v62 =	vor.u32 s29, v8;
	[tilespmem:s5+$0x0] =	vst v19;
	v12 =	vld.idx.msk [tilespmem:v57+s21+$0x0], $0xffff  }
0x686: {  	v8 =	vor.u32 s7, v8;
	[tilespmem:s5+$0x80] =	vst v16;
	v11 =	vld.idx.msk [tilespmem:v58+s21+$0x0], $0xffff  }
0x687: {  	[tilespmem:s5+$0x100] =	vst v17;
	v9 =	vld.idx.msk [tilespmem:v59+s21+$0x0], $0xffff  }
0x688: {  	[tilespmem:s5+$0xFFFFFE00] =	vst v15;
	s5 =	sadd.s32 $0x400, s5;
	v10 =	vld.idx.msk [tilespmem:v60+s21+$0x0], $0xffff  }
0x689: {  	v14 =	vld.idx.msk [tilespmem:v61+s21+$0x0], $0xffff;
	[tilespmem:s5+$0x180] =	vst v13  }
0x68a: {  	v63 =	vld.idx.msk [tilespmem:v62+s21+$0x0], $0xffff;
	[tilespmem:s5+$0xFFFFFE80] =	vst v12  }
0x68b: {  	v8 =	vld.idx.msk [tilespmem:v8+s21+$0x0], $0xffff;
	[tilespmem:s5+$0xFFFFFF00] =	vst v11  }
0x68c: {  	[tilespmem:s5+$0xFFFFFF80] =	vst v9  }
0x68d: {  	s3 =	sshll.u32 s3, $0x12;
	[tilespmem:s5+$0x0] =	vst v10  }
0x68e: {  	s3 =	sor.u32 s4, s3;
	[tilespmem:s5+$0x80] =	vst v14  }
.Ltmp40:
0x68f: {  	s3 =	sshrl.u32 s3, $0x3;
	[tilespmem:s5+$0x100] =	vst v63;
	(pc) =	sbr.rel .LBB2_73-.Ltmp40, $4  }
0x690: {  	p0 =	sgt.u32 s18, $0xA;
	s3 =	sadd.s32 s2, s3;
	[tilespmem:s5+$0xFFFFFE00] =	vst v8  }
0x691: {  	[hbm4b:s3+s9] =	stream.strided.scatter [tilespmem:s11], [sflag:$0x8], $0x2000, s10, s9, $0x38;
	[tilespmem:$0x1B800] =	vst v63  }
0x692: {  	s7 =	simm.s32 @!p0 $0xF800;
	s5 =	simm.s32 @!p0 $0x80;
	s3 =	sadd.s32 @!p0 $0x1F80, s20  }
0x693: {  	[tilespmem:s7], [sflag:$0x4] =	stream.indirect.gather @!p0 [hbm4b:s6+s5], $0x80, s3, s5, $0xb8;
	[tilespmem:$0x1B800] =	vst v63  }
.LBB2_75:
0x694: {  	_ =	sfence.sel $0x180000  }
0x695: {  	[bflag:$0x0] =	sbarrier.arrive $0xFFFF  }
0x696: {  	_ =	strace $0x90000047  }
0x697: {  	s0 =	stileid.u32;
	[bflag:$0x2] =	sbarrier.arrive $0xFFFF  }
0x698: {  	p0 =	sne.s32 s0, $0x0;
	s0 =	rddreg [dreg:$0x3]  }
0x699: {  	s0 =	sadd.s32 @!p0 $0x100000, s0  }
0x69a: {  	[sflag:s0] =	ssyncadd.tile.s32 @!p0 $0x1;
	_ =	shalt  }
.Lfunc_end2:
_tile_overlayer_lowered:
.L_overlay_start_2:
0x69b: {  	(tag) =	ssettag $0x2  }
0x69c: {  	s0 =	rddreg [dreg:$0x0];
	s2 =	stileid.u32  }
0x69d: {  	s1 =	rddreg [dreg:$0x1];
	p0 =	sne.s32 s2, $0x0  }
0x69e: {  	s3 =	rddreg [dreg:$0x2];
	[bflag:$0x3] =	sbarrier.arrive $0xFFFF;
	s2 =	simm.s32 @!p0 $0x1C09  }
0x69f: {  	[timem:s3], [sflag:s2] =	dma.local @!p0 [hbm:s0], s1  }
0x6a0: {  	s0 =	simm.s32 @!p0 $0x9  }
0x6a1: {  	_ =	swait.ge @!p0 [sflag:s0], s1  }
0x6a2: {  	s1 =	ssub.s32 @!p0 $0x0, s1;
	[sflag:s0] =	ssyncset.done @!p0 $0x0  }
0x6a3: {  	[sflag:s0] =	ssyncadd.s32 @!p0 s1  }
0x6a4: {  	[bflag:$0x3] =	sbarrier.arrive $0xFFFF  }
0x6a5: {  	_ =	shalt  }

</sc_bundles>
